<compile_context>
chip_gen: v7x
topology: tpu7x:2x2x1
jax: 0.10.2.dev20260603
libtpu: 0.0.44.dev20260713+nightly
codegen_flags: <defaults>
</compile_context>

<pallas_src>
import functools

import jax
import jax.numpy as jnp
from jax import lax
from jax.experimental import pallas as pl
from jax.experimental.pallas import tpu as pltpu
from jax.experimental.pallas import tpu_sc as plsc

D_MODEL = 64
NUM_CORES = 2
NUM_SUBCORES = 16
NUM_WORKERS = NUM_CORES * NUM_SUBCORES


def _embed_call(n_rows, chunk, nbuf):
    assert n_rows % NUM_WORKERS == 0
    b_per_w = n_rows // NUM_WORKERS
    assert b_per_w % chunk == 0
    n_chunks = b_per_w // chunk
    assert n_chunks >= nbuf
    width = 2 * D_MODEL

    mesh = plsc.VectorSubcoreMesh(core_axis_name="c", subcore_axis_name="s")

    @functools.partial(
        pl.kernel,
        mesh=mesh,
        out_type=jax.ShapeDtypeStruct((n_rows, width), jnp.float32),
        scratch_types=[
            pltpu.VMEM((b_per_w,), jnp.int32),
            pltpu.VMEM((nbuf, chunk, width), jnp.float32),
            pltpu.SemaphoreType.DMA((nbuf,)),
            pltpu.SemaphoreType.DMA((nbuf,)),
        ],
    )
    def k(idx_hbm, table_hbm, out_hbm, idx_v, rows_v, gsem, ssem):
        wid = lax.axis_index("s") * NUM_CORES + lax.axis_index("c")
        base = wid * b_per_w
        pltpu.sync_copy(idx_hbm.at[pl.ds(base, b_per_w)], idx_v)

        def gather(c):
            b = c % nbuf
            return pltpu.make_async_copy(
                table_hbm.at[idx_v.at[pl.ds(c * chunk, chunk)]],
                rows_v.at[b],
                gsem.at[b],
            )

        def store(c):
            b = c % nbuf
            return pltpu.make_async_copy(
                rows_v.at[b],
                out_hbm.at[pl.ds(base + c * chunk, chunk)],
                ssem.at[b],
            )

        for c in range(nbuf - 1):
            gather(c).start()
        for c in range(n_chunks):
            nxt = c + nbuf - 1
            if nxt < n_chunks:
                if nxt >= nbuf:
                    store(nxt - nbuf).wait()
                gather(nxt).start()
            gather(c).wait()
            store(c).start()
        for c in range(n_chunks - nbuf, n_chunks):
            store(c).wait()

    return k


def _transpose_pad(table_t):
    d, v = table_t.shape
    blk = 1024
    grid = (v + blk - 1) // blk
    eye = jnp.eye(d, dtype=jnp.float32)

    def body(t_ref, eye_ref, w_ref):
        w_ref[:, 0:d] = jax.lax.dot_general(
            t_ref[...], eye_ref[...],
            dimension_numbers=(((0,), (0,)), ((), ())),
            preferred_element_type=jnp.float32,
        )

    return pl.pallas_call(
        body,
        grid=(grid,),
        in_specs=[
            pl.BlockSpec((d, blk), lambda j: (0, j)),
            pl.BlockSpec((d, d), lambda j: (0, 0)),
        ],
        out_specs=pl.BlockSpec((blk, 2 * d), lambda j: (j, 0)),
        out_shape=jax.ShapeDtypeStruct((v, 2 * d), jnp.float32),
    )(table_t, eye)


def kernel(x, table):
    b, s = x.shape
    idx = x.T.reshape(-1).astype(jnp.int32)
    table2 = _transpose_pad(table.T)
    wide = _embed_call(idx.shape[0], 200, 4)(idx, table2)
    out = wide[:, :D_MODEL]
    return out.reshape(s, b, D_MODEL).transpose(1, 0, 2)

# --- scband reference (transcript-rebuilt; emitter-appended) ---
"""Pipeline reference for scband-token-embedding-670014898267 (READ-ONLY COPY).

The authoritative reference and input builder live on the scoring server;
editing this copy changes nothing except your own understanding.
"""

import jax, jax.numpy as jnp
import numpy as np

VOCAB_SIZE = 1000000
D_MODEL = 64

def setup_inputs(seed: int = 0) -> dict:
    key = jax.random.key(seed)
    k1, k2 = jax.random.split(key)
    x = jax.random.randint(k1, (4096, 50), 0, VOCAB_SIZE, dtype=jnp.int64 if jax.config.jax_enable_x64 else jnp.int32)
    table = jax.random.normal(k2, (VOCAB_SIZE, D_MODEL), dtype=jnp.float32)
    return {"x": x, "table": table}

def reference(x, table):
    # nn.Embedding forward: gather rows of the embedding table by index
    return jnp.take(table, x, axis=0)

if __name__ == "__main__":
    import jax
    _d = setup_inputs()
    print(jax.jit(kernel)(*tuple(_d.values())))

</pallas_src>

<mosaic_0001>
#map = affine_map<(d0, d1) -> (0)>
#map1 = affine_map<(d0, d1) -> (0, 0)>
module attributes {stable_mosaic.version = 14 : i64} {
  func.func @k(%arg0: i32, %arg1: i32, %arg2: memref<204800xi32, #tpu.memory_space<hbm>>, %arg3: memref<1000000x128xf32, #tpu.memory_space<hbm>>, %arg4: memref<204800x128xf32, #tpu.memory_space<hbm>>, %arg5: memref<6400xi32, #tpu.memory_space<vmem>>, %arg6: memref<4x200x128xf32, #tpu.memory_space<vmem>>, %arg7: memref<4x!tpu.dma_semaphore, #tpu.memory_space<semaphore_mem>>, %arg8: memref<4x!tpu.dma_semaphore, #tpu.memory_space<semaphore_mem>>) attributes {dimension_semantics = [#tpu.dimension_semantics<core_parallel>, #tpu.dimension_semantics<subcore_parallel>], iteration_bounds = array<i64: 2, 16>, scalar_prefetch = 0 : i64, scratch_operands = 4 : i64, tpu.core_type = #tpu.core_type<sc_vector_subcore>, window_params = [{transform_indices = #map}, {transform_indices = #map1}, {transform_indices = #map1}]} {
    %mul3A = arith.constant 2 : i32
    %mul3A_0 = arith.muli %arg1, %mul3A : i32
    %add3A = arith.addi %mul3A_0, %arg0 : i32
    %mul3A_1 = arith.constant 6400 : i32
    %mul3A_2 = arith.muli %add3A, %mul3A_1 : i32
    "tpu.region"() ({
      %run_scoped3A = tpu.sem_alloc : memref<!tpu.dma_semaphore, #tpu.memory_space<semaphore_mem>>
      %dma_start3A_1985 = tpu.memref_slice %arg2[%mul3A_2] : memref<204800xi32, #tpu.memory_space<hbm>> -> memref<6400xi32, #tpu.memory_space<hbm>>
      %dma_start3A_1986 = tpu.memref_slice %arg2[%mul3A_2] : memref<204800xi32, #tpu.memory_space<hbm>> -> memref<6400xi32, #tpu.memory_space<hbm>>
      tpu.enqueue_dma source(%dma_start3A_1986 : memref<6400xi32, #tpu.memory_space<hbm>>) target(%arg5 : memref<6400xi32, #tpu.memory_space<vmem>>) target_semaphore(%run_scoped3A : memref<!tpu.dma_semaphore, #tpu.memory_space<semaphore_mem>>)
      %dma_wait3A_1987 = tpu.memref_slice %arg2[%mul3A_2] : memref<204800xi32, #tpu.memory_space<hbm>> -> memref<6400xi32, #tpu.memory_space<hbm>>
      %dma_wait3A_1988 = tpu.memref_slice %arg2[%mul3A_2] : memref<204800xi32, #tpu.memory_space<hbm>> -> memref<6400xi32, #tpu.memory_space<hbm>>
      tpu.wait_dma2 semaphore(%run_scoped3A : memref<!tpu.dma_semaphore, #tpu.memory_space<semaphore_mem>>) src(%dma_wait3A_1988 : memref<6400xi32, #tpu.memory_space<hbm>>) dst(%arg5 : memref<6400xi32, #tpu.memory_space<vmem>>)
      tpu.yield
    }) : () -> ()
    %dma_start3A = arith.constant 0 : i32
    %dma_start3A_3 = arith.constant 0 : i32
    %dma_start3A_4 = arith.constant 0 : i32
    %dma_start3A_5 = arith.constant 0 : i32
    %dma_start3A_6 = tpu.memref_slice %arg6[%dma_start3A, %dma_start3A_4, %dma_start3A_5] : memref<4x200x128xf32, #tpu.memory_space<vmem>> -> memref<1x200x128xf32, #tpu.memory_space<vmem>>
    %dma_start3A_7 = tpu.memref_squeeze %dma_start3A_6 : memref<1x200x128xf32, #tpu.memory_space<vmem>> -> memref<200x128xf32, #tpu.memory_space<vmem>>
    %dma_start3A_8 = arith.constant 0 : i32
    %dma_start3A_9 = tpu.memref_slice %arg5[%dma_start3A_8] : memref<6400xi32, #tpu.memory_space<vmem>> -> memref<200xi32, #tpu.memory_space<vmem>>
    %dma_start3A_10 = arith.constant 0 : i32
    %dma_start3A_11 = arith.constant 0 : i32
    %dma_start3A_12 = tpu.memref_slice %arg3[%dma_start3A_10, %dma_start3A_11] : memref<1000000x128xf32, #tpu.memory_space<hbm>> -> memref<1000000x128xf32, #tpu.memory_space<hbm>>
    %dma_start3A_13 = tpu.memref_slice %arg7[%dma_start3A_3] : memref<4x!tpu.dma_semaphore, #tpu.memory_space<semaphore_mem>> -> memref<1x!tpu.dma_semaphore, #tpu.memory_space<semaphore_mem>>
    %dma_start3A_14 = tpu.memref_squeeze %dma_start3A_13 : memref<1x!tpu.dma_semaphore, #tpu.memory_space<semaphore_mem>> -> memref<!tpu.dma_semaphore, #tpu.memory_space<semaphore_mem>>
    tpu.enqueue_indirect_dma source(%dma_start3A_12 : memref<1000000x128xf32, #tpu.memory_space<hbm>>) target(%dma_start3A_7 : memref<200x128xf32, #tpu.memory_space<vmem>>) offsets(%dma_start3A_9 : memref<200xi32, #tpu.memory_space<vmem>>) semaphore(%dma_start3A_14 : memref<!tpu.dma_semaphore, #tpu.memory_space<semaphore_mem>>)
    %dma_start3A_15 = arith.constant 1 : i32
    %dma_start3A_16 = arith.constant 1 : i32
    %dma_start3A_17 = arith.constant 0 : i32
    %dma_start3A_18 = arith.constant 0 : i32
    %dma_start3A_19 = tpu.memref_slice %arg6[%dma_start3A_15, %dma_start3A_17, %dma_start3A_18] : memref<4x200x128xf32, #tpu.memory_space<vmem>> -> memref<1x200x128xf32, #tpu.memory_space<vmem>>
    %dma_start3A_20 = tpu.memref_squeeze %dma_start3A_19 : memref<1x200x128xf32, #tpu.memory_space<vmem>> -> memref<200x128xf32, #tpu.memory_space<vmem>>
    %dma_start3A_21 = arith.constant 200 : i32
    %dma_start3A_22 = tpu.memref_slice %arg5[%dma_start3A_21] : memref<6400xi32, #tpu.memory_space<vmem>> -> memref<200xi32, #tpu.memory_space<vmem>>
    %dma_start3A_23 = arith.constant 0 : i32
    %dma_start3A_24 = arith.constant 0 : i32
    %dma_start3A_25 = tpu.memref_slice %arg3[%dma_start3A_23, %dma_start3A_24] : memref<1000000x128xf32, #tpu.memory_space<hbm>> -> memref<1000000x128xf32, #tpu.memory_space<hbm>>
    %dma_start3A_26 = tpu.memref_slice %arg7[%dma_start3A_16] : memref<4x!tpu.dma_semaphore, #tpu.memory_space<semaphore_mem>> -> memref<1x!tpu.dma_semaphore, #tpu.memory_space<semaphore_mem>>
    %dma_start3A_27 = tpu.memref_squeeze %dma_start3A_26 : memref<1x!tpu.dma_semaphore, #tpu.memory_space<semaphore_mem>> -> memref<!tpu.dma_semaphore, #tpu.memory_space<semaphore_mem>>
    tpu.enqueue_indirect_dma source(%dma_start3A_25 : memref<1000000x128xf32, #tpu.memory_space<hbm>>) target(%dma_start3A_20 : memref<200x128xf32, #tpu.memory_space<vmem>>) offsets(%dma_start3A_22 : memref<200xi32, #tpu.memory_space<vmem>>) semaphore(%dma_start3A_27 : memref<!tpu.dma_semaphore, #tpu.memory_space<semaphore_mem>>)
    %dma_start3A_28 = arith.constant 2 : i32
    %dma_start3A_29 = arith.constant 2 : i32
    %dma_start3A_30 = arith.constant 0 : i32
    %dma_start3A_31 = arith.constant 0 : i32
    %dma_start3A_32 = tpu.memref_slice %arg6[%dma_start3A_28, %dma_start3A_30, %dma_start3A_31] : memref<4x200x128xf32, #tpu.memory_space<vmem>> -> memref<1x200x128xf32, #tpu.memory_space<vmem>>
    %dma_start3A_33 = tpu.memref_squeeze %dma_start3A_32 : memref<1x200x128xf32, #tpu.memory_space<vmem>> -> memref<200x128xf32, #tpu.memory_space<vmem>>
    %dma_start3A_34 = arith.constant 400 : i32
    %dma_start3A_35 = tpu.memref_slice %arg5[%dma_start3A_34] : memref<6400xi32, #tpu.memory_space<vmem>> -> memref<200xi32, #tpu.memory_space<vmem>>
    %dma_start3A_36 = arith.constant 0 : i32
    %dma_start3A_37 = arith.constant 0 : i32
    %dma_start3A_38 = tpu.memref_slice %arg3[%dma_start3A_36, %dma_start3A_37] : memref<1000000x128xf32, #tpu.memory_space<hbm>> -> memref<1000000x128xf32, #tpu.memory_space<hbm>>
    %dma_start3A_39 = tpu.memref_slice %arg7[%dma_start3A_29] : memref<4x!tpu.dma_semaphore, #tpu.memory_space<semaphore_mem>> -> memref<1x!tpu.dma_semaphore, #tpu.memory_space<semaphore_mem>>
    %dma_start3A_40 = tpu.memref_squeeze %dma_start3A_39 : memref<1x!tpu.dma_semaphore, #tpu.memory_space<semaphore_mem>> -> memref<!tpu.dma_semaphore, #tpu.memory_space<semaphore_mem>>
    tpu.enqueue_indirect_dma source(%dma_start3A_38 : memref<1000000x128xf32, #tpu.memory_space<hbm>>) target(%dma_start3A_33 : memref<200x128xf32, #tpu.memory_space<vmem>>) offsets(%dma_start3A_35 : memref<200xi32, #tpu.memory_space<vmem>>) semaphore(%dma_start3A_40 : memref<!tpu.dma_semaphore, #tpu.memory_space<semaphore_mem>>)
    %dma_start3A_41 = arith.constant 3 : i32
    %dma_start3A_42 = arith.constant 3 : i32
    %dma_start3A_43 = arith.constant 0 : i32
    %dma_start3A_44 = arith.constant 0 : i32
    %dma_start3A_45 = tpu.memref_slice %arg6[%dma_start3A_41, %dma_start3A_43, %dma_start3A_44] : memref<4x200x128xf32, #tpu.memory_space<vmem>> -> memref<1x200x128xf32, #tpu.memory_space<vmem>>
    %dma_start3A_46 = tpu.memref_squeeze %dma_start3A_45 : memref<1x200x128xf32, #tpu.memory_space<vmem>> -> memref<200x128xf32, #tpu.memory_space<vmem>>
    %dma_start3A_47 = arith.constant 600 : i32
    %dma_start3A_48 = tpu.memref_slice %arg5[%dma_start3A_47] : memref<6400xi32, #tpu.memory_space<vmem>> -> memref<200xi32, #tpu.memory_space<vmem>>
    %dma_start3A_49 = arith.constant 0 : i32
    %dma_start3A_50 = arith.constant 0 : i32
    %dma_start3A_51 = tpu.memref_slice %arg3[%dma_start3A_49, %dma_start3A_50] : memref<1000000x128xf32, #tpu.memory_space<hbm>> -> memref<1000000x128xf32, #tpu.memory_space<hbm>>
    %dma_start3A_52 = tpu.memref_slice %arg7[%dma_start3A_42] : memref<4x!tpu.dma_semaphore, #tpu.memory_space<semaphore_mem>> -> memref<1x!tpu.dma_semaphore, #tpu.memory_space<semaphore_mem>>
    %dma_start3A_53 = tpu.memref_squeeze %dma_start3A_52 : memref<1x!tpu.dma_semaphore, #tpu.memory_space<semaphore_mem>> -> memref<!tpu.dma_semaphore, #tpu.memory_space<semaphore_mem>>
    tpu.enqueue_indirect_dma source(%dma_start3A_51 : memref<1000000x128xf32, #tpu.memory_space<hbm>>) target(%dma_start3A_46 : memref<200x128xf32, #tpu.memory_space<vmem>>) offsets(%dma_start3A_48 : memref<200xi32, #tpu.memory_space<vmem>>) semaphore(%dma_start3A_53 : memref<!tpu.dma_semaphore, #tpu.memory_space<semaphore_mem>>)
    %dma_wait3A = arith.constant 0 : i32
    %dma_wait3A_54 = arith.constant 0 : i32
    %dma_wait3A_55 = arith.constant 0 : i32
    %dma_wait3A_56 = arith.constant 0 : i32
    %dma_wait3A_57 = tpu.memref_slice %arg6[%dma_wait3A, %dma_wait3A_55, %dma_wait3A_56] : memref<4x200x128xf32, #tpu.memory_space<vmem>> -> memref<1x200x128xf32, #tpu.memory_space<vmem>>
    %dma_wait3A_58 = tpu.memref_squeeze %dma_wait3A_57 : memref<1x200x128xf32, #tpu.memory_space<vmem>> -> memref<200x128xf32, #tpu.memory_space<vmem>>
    %dma_wait3A_59 = arith.constant 0 : i32
    %dma_wait3A_60 = tpu.memref_slice %arg5[%dma_wait3A_59] : memref<6400xi32, #tpu.memory_space<vmem>> -> memref<200xi32, #tpu.memory_space<vmem>>
    %dma_wait3A_61 = arith.constant 0 : i32
    %dma_wait3A_62 = arith.constant 0 : i32
    %dma_wait3A_63 = tpu.memref_slice %arg3[%dma_wait3A_61, %dma_wait3A_62] : memref<1000000x128xf32, #tpu.memory_space<hbm>> -> memref<1000000x128xf32, #tpu.memory_space<hbm>>
    %dma_wait3A_64 = tpu.memref_slice %arg7[%dma_wait3A_54] : memref<4x!tpu.dma_semaphore, #tpu.memory_space<semaphore_mem>> -> memref<1x!tpu.dma_semaphore, #tpu.memory_space<semaphore_mem>>
    %dma_wait3A_65 = tpu.memref_squeeze %dma_wait3A_64 : memref<1x!tpu.dma_semaphore, #tpu.memory_space<semaphore_mem>> -> memref<!tpu.dma_semaphore, #tpu.memory_space<semaphore_mem>>
    tpu.wait_indirect_dma semaphore(%dma_wait3A_65 : memref<!tpu.dma_semaphore, #tpu.memory_space<semaphore_mem>>) src(%dma_wait3A_63 : memref<1000000x128xf32, #tpu.memory_space<hbm>>) dst(%dma_wait3A_58 : memref<200x128xf32, #tpu.memory_space<vmem>>)
    %add3A_66 = arith.constant 0 : i32
    %add3A_67 = arith.addi %mul3A_2, %add3A_66 : i32
    %dma_start3A_68 = arith.constant 0 : i32
    %dma_start3A_69 = arith.constant 0 : i32
    %dma_start3A_70 = arith.constant 0 : i32
    %dma_start3A_71 = arith.constant 0 : i32
    %dma_start3A_72 = tpu.memref_slice %arg6[%dma_start3A_68, %dma_start3A_70, %dma_start3A_71] : memref<4x200x128xf32, #tpu.memory_space<vmem>> -> memref<1x200x128xf32, #tpu.memory_space<vmem>>
    %dma_start3A_73 = tpu.memref_squeeze %dma_start3A_72 : memref<1x200x128xf32, #tpu.memory_space<vmem>> -> memref<200x128xf32, #tpu.memory_space<vmem>>
    %dma_start3A_74 = arith.constant 0 : i32
    %dma_start3A_75 = tpu.memref_slice %arg4[%add3A_67, %dma_start3A_74] : memref<204800x128xf32, #tpu.memory_space<hbm>> -> memref<200x128xf32, #tpu.memory_space<hbm>>
    %dma_start3A_76 = tpu.memref_slice %arg8[%dma_start3A_69] : memref<4x!tpu.dma_semaphore, #tpu.memory_space<semaphore_mem>> -> memref<1x!tpu.dma_semaphore, #tpu.memory_space<semaphore_mem>>
    %dma_start3A_77 = tpu.memref_squeeze %dma_start3A_76 : memref<1x!tpu.dma_semaphore, #tpu.memory_space<semaphore_mem>> -> memref<!tpu.dma_semaphore, #tpu.memory_space<semaphore_mem>>
    %dma_start3A_78 = arith.constant 0 : i32
    %dma_start3A_79 = tpu.memref_slice %arg4[%add3A_67, %dma_start3A_78] : memref<204800x128xf32, #tpu.memory_space<hbm>> -> memref<200x128xf32, #tpu.memory_space<hbm>>
    %dma_start3A_80 = arith.constant 0 : i32
    %dma_start3A_81 = arith.constant 0 : i32
    %dma_start3A_82 = tpu.memref_slice %arg6[%dma_start3A_68, %dma_start3A_80, %dma_start3A_81] : memref<4x200x128xf32, #tpu.memory_space<vmem>> -> memref<1x200x128xf32, #tpu.memory_space<vmem>>
    %dma_start3A_83 = tpu.memref_squeeze %dma_start3A_82 : memref<1x200x128xf32, #tpu.memory_space<vmem>> -> memref<200x128xf32, #tpu.memory_space<vmem>>
    tpu.enqueue_dma source(%dma_start3A_83 : memref<200x128xf32, #tpu.memory_space<vmem>>) target(%dma_start3A_79 : memref<200x128xf32, #tpu.memory_space<hbm>>) target_semaphore(%dma_start3A_77 : memref<!tpu.dma_semaphore, #tpu.memory_space<semaphore_mem>>)
    %add3A_84 = arith.constant 0 : i32
    %add3A_85 = arith.addi %mul3A_2, %add3A_84 : i32
    %dma_wait3A_86 = arith.constant 0 : i32
    %dma_wait3A_87 = arith.constant 0 : i32
    %dma_wait3A_88 = arith.constant 0 : i32
    %dma_wait3A_89 = arith.constant 0 : i32
    %dma_wait3A_90 = tpu.memref_slice %arg6[%dma_wait3A_86, %dma_wait3A_88, %dma_wait3A_89] : memref<4x200x128xf32, #tpu.memory_space<vmem>> -> memref<1x200x128xf32, #tpu.memory_space<vmem>>
    %dma_wait3A_91 = tpu.memref_squeeze %dma_wait3A_90 : memref<1x200x128xf32, #tpu.memory_space<vmem>> -> memref<200x128xf32, #tpu.memory_space<vmem>>
    %dma_wait3A_92 = arith.constant 0 : i32
    %dma_wait3A_93 = tpu.memref_slice %arg4[%add3A_85, %dma_wait3A_92] : memref<204800x128xf32, #tpu.memory_space<hbm>> -> memref<200x128xf32, #tpu.memory_space<hbm>>
    %dma_wait3A_94 = tpu.memref_slice %arg8[%dma_wait3A_87] : memref<4x!tpu.dma_semaphore, #tpu.memory_space<semaphore_mem>> -> memref<1x!tpu.dma_semaphore, #tpu.memory_space<semaphore_mem>>
    %dma_wait3A_95 = tpu.memref_squeeze %dma_wait3A_94 : memref<1x!tpu.dma_semaphore, #tpu.memory_space<semaphore_mem>> -> memref<!tpu.dma_semaphore, #tpu.memory_space<semaphore_mem>>
    %dma_wait3A_96 = arith.constant 0 : i32
    %dma_wait3A_97 = tpu.memref_slice %arg4[%add3A_85, %dma_wait3A_96] : memref<204800x128xf32, #tpu.memory_space<hbm>> -> memref<200x128xf32, #tpu.memory_space<hbm>>
    %dma_wait3A_98 = arith.constant 0 : i32
    %dma_wait3A_99 = arith.constant 0 : i32
    %dma_wait3A_100 = tpu.memref_slice %arg6[%dma_wait3A_86, %dma_wait3A_98, %dma_wait3A_99] : memref<4x200x128xf32, #tpu.memory_space<vmem>> -> memref<1x200x128xf32, #tpu.memory_space<vmem>>
    %dma_wait3A_101 = tpu.memref_squeeze %dma_wait3A_100 : memref<1x200x128xf32, #tpu.memory_space<vmem>> -> memref<200x128xf32, #tpu.memory_space<vmem>>
    tpu.wait_dma2 semaphore(%dma_wait3A_95 : memref<!tpu.dma_semaphore, #tpu.memory_space<semaphore_mem>>) src(%dma_wait3A_101 : memref<200x128xf32, #tpu.memory_space<vmem>>) dst(%dma_wait3A_97 : memref<200x128xf32, #tpu.memory_space<hbm>>)
    %dma_start3A_102 = arith.constant 0 : i32
    %dma_start3A_103 = arith.constant 0 : i32
    %dma_start3A_104 = arith.constant 0 : i32
    %dma_start3A_105 = arith.constant 0 : i32
    %dma_start3A_106 = tpu.memref_slice %arg6[%dma_start3A_102, %dma_start3A_104, %dma_start3A_105] : memref<4x200x128xf32, #tpu.memory_space<vmem>> -> memref<1x200x128xf32, #tpu.memory_space<vmem>>
    %dma_start3A_107 = tpu.memref_squeeze %dma_start3A_106 : memref<1x200x128xf32, #tpu.memory_space<vmem>> -> memref<200x128xf32, #tpu.memory_space<vmem>>
    %dma_start3A_108 = arith.constant 800 : i32
    %dma_start3A_109 = tpu.memref_slice %arg5[%dma_start3A_108] : memref<6400xi32, #tpu.memory_space<vmem>> -> memref<200xi32, #tpu.memory_space<vmem>>
    %dma_start3A_110 = arith.constant 0 : i32
    %dma_start3A_111 = arith.constant 0 : i32
    %dma_start3A_112 = tpu.memref_slice %arg3[%dma_start3A_110, %dma_start3A_111] : memref<1000000x128xf32, #tpu.memory_space<hbm>> -> memref<1000000x128xf32, #tpu.memory_space<hbm>>
    %dma_start3A_113 = tpu.memref_slice %arg7[%dma_start3A_103] : memref<4x!tpu.dma_semaphore, #tpu.memory_space<semaphore_mem>> -> memref<1x!tpu.dma_semaphore, #tpu.memory_space<semaphore_mem>>
    %dma_start3A_114 = tpu.memref_squeeze %dma_start3A_113 : memref<1x!tpu.dma_semaphore, #tpu.memory_space<semaphore_mem>> -> memref<!tpu.dma_semaphore, #tpu.memory_space<semaphore_mem>>
    tpu.enqueue_indirect_dma source(%dma_start3A_112 : memref<1000000x128xf32, #tpu.memory_space<hbm>>) target(%dma_start3A_107 : memref<200x128xf32, #tpu.memory_space<vmem>>) offsets(%dma_start3A_109 : memref<200xi32, #tpu.memory_space<vmem>>) semaphore(%dma_start3A_114 : memref<!tpu.dma_semaphore, #tpu.memory_space<semaphore_mem>>)
    %dma_wait3A_115 = arith.constant 1 : i32
    %dma_wait3A_116 = arith.constant 1 : i32
    %dma_wait3A_117 = arith.constant 0 : i32
    %dma_wait3A_118 = arith.constant 0 : i32
    %dma_wait3A_119 = tpu.memref_slice %arg6[%dma_wait3A_115, %dma_wait3A_117, %dma_wait3A_118] : memref<4x200x128xf32, #tpu.memory_space<vmem>> -> memref<1x200x128xf32, #tpu.memory_space<vmem>>
    %dma_wait3A_120 = tpu.memref_squeeze %dma_wait3A_119 : memref<1x200x128xf32, #tpu.memory_space<vmem>> -> memref<200x128xf32, #tpu.memory_space<vmem>>
    %dma_wait3A_121 = arith.constant 200 : i32
    %dma_wait3A_122 = tpu.memref_slice %arg5[%dma_wait3A_121] : memref<6400xi32, #tpu.memory_space<vmem>> -> memref<200xi32, #tpu.memory_space<vmem>>
    %dma_wait3A_123 = arith.constant 0 : i32
    %dma_wait3A_124 = arith.constant 0 : i32
    %dma_wait3A_125 = tpu.memref_slice %arg3[%dma_wait3A_123, %dma_wait3A_124] : memref<1000000x128xf32, #tpu.memory_space<hbm>> -> memref<1000000x128xf32, #tpu.memory_space<hbm>>
    %dma_wait3A_126 = tpu.memref_slice %arg7[%dma_wait3A_116] : memref<4x!tpu.dma_semaphore, #tpu.memory_space<semaphore_mem>> -> memref<1x!tpu.dma_semaphore, #tpu.memory_space<semaphore_mem>>
    %dma_wait3A_127 = tpu.memref_squeeze %dma_wait3A_126 : memref<1x!tpu.dma_semaphore, #tpu.memory_space<semaphore_mem>> -> memref<!tpu.dma_semaphore, #tpu.memory_space<semaphore_mem>>
    tpu.wait_indirect_dma semaphore(%dma_wait3A_127 : memref<!tpu.dma_semaphore, #tpu.memory_space<semaphore_mem>>) src(%dma_wait3A_125 : memref<1000000x128xf32, #tpu.memory_space<hbm>>) dst(%dma_wait3A_120 : memref<200x128xf32, #tpu.memory_space<vmem>>)
    %add3A_128 = arith.constant 200 : i32
    %add3A_129 = arith.addi %mul3A_2, %add3A_128 : i32
    %dma_start3A_130 = arith.constant 1 : i32
    %dma_start3A_131 = arith.constant 1 : i32
    %dma_start3A_132 = arith.constant 0 : i32
    %dma_start3A_133 = arith.constant 0 : i32
    %dma_start3A_134 = tpu.memref_slice %arg6[%dma_start3A_130, %dma_start3A_132, %dma_start3A_133] : memref<4x200x128xf32, #tpu.memory_space<vmem>> -> memref<1x200x128xf32, #tpu.memory_space<vmem>>
    %dma_start3A_135 = tpu.memref_squeeze %dma_start3A_134 : memref<1x200x128xf32, #tpu.memory_space<vmem>> -> memref<200x128xf32, #tpu.memory_space<vmem>>
    %dma_start3A_136 = arith.constant 0 : i32
    %dma_start3A_137 = tpu.memref_slice %arg4[%add3A_129, %dma_start3A_136] : memref<204800x128xf32, #tpu.memory_space<hbm>> -> memref<200x128xf32, #tpu.memory_space<hbm>>
    %dma_start3A_138 = tpu.memref_slice %arg8[%dma_start3A_131] : memref<4x!tpu.dma_semaphore, #tpu.memory_space<semaphore_mem>> -> memref<1x!tpu.dma_semaphore, #tpu.memory_space<semaphore_mem>>
    %dma_start3A_139 = tpu.memref_squeeze %dma_start3A_138 : memref<1x!tpu.dma_semaphore, #tpu.memory_space<semaphore_mem>> -> memref<!tpu.dma_semaphore, #tpu.memory_space<semaphore_mem>>
    %dma_start3A_140 = arith.constant 0 : i32
    %dma_start3A_141 = tpu.memref_slice %arg4[%add3A_129, %dma_start3A_140] : memref<204800x128xf32, #tpu.memory_space<hbm>> -> memref<200x128xf32, #tpu.memory_space<hbm>>
    %dma_start3A_142 = arith.constant 0 : i32
    %dma_start3A_143 = arith.constant 0 : i32
    %dma_start3A_144 = tpu.memref_slice %arg6[%dma_start3A_130, %dma_start3A_142, %dma_start3A_143] : memref<4x200x128xf32, #tpu.memory_space<vmem>> -> memref<1x200x128xf32, #tpu.memory_space<vmem>>
    %dma_start3A_145 = tpu.memref_squeeze %dma_start3A_144 : memref<1x200x128xf32, #tpu.memory_space<vmem>> -> memref<200x128xf32, #tpu.memory_space<vmem>>
    tpu.enqueue_dma source(%dma_start3A_145 : memref<200x128xf32, #tpu.memory_space<vmem>>) target(%dma_start3A_141 : memref<200x128xf32, #tpu.memory_space<hbm>>) target_semaphore(%dma_start3A_139 : memref<!tpu.dma_semaphore, #tpu.memory_space<semaphore_mem>>)
    %add3A_146 = arith.constant 200 : i32
    %add3A_147 = arith.addi %mul3A_2, %add3A_146 : i32
    %dma_wait3A_148 = arith.constant 1 : i32
    %dma_wait3A_149 = arith.constant 1 : i32
    %dma_wait3A_150 = arith.constant 0 : i32
    %dma_wait3A_151 = arith.constant 0 : i32
    %dma_wait3A_152 = tpu.memref_slice %arg6[%dma_wait3A_148, %dma_wait3A_150, %dma_wait3A_151] : memref<4x200x128xf32, #tpu.memory_space<vmem>> -> memref<1x200x128xf32, #tpu.memory_space<vmem>>
    %dma_wait3A_153 = tpu.memref_squeeze %dma_wait3A_152 : memref<1x200x128xf32, #tpu.memory_space<vmem>> -> memref<200x128xf32, #tpu.memory_space<vmem>>
    %dma_wait3A_154 = arith.constant 0 : i32
    %dma_wait3A_155 = tpu.memref_slice %arg4[%add3A_147, %dma_wait3A_154] : memref<204800x128xf32, #tpu.memory_space<hbm>> -> memref<200x128xf32, #tpu.memory_space<hbm>>
    %dma_wait3A_156 = tpu.memref_slice %arg8[%dma_wait3A_149] : memref<4x!tpu.dma_semaphore, #tpu.memory_space<semaphore_mem>> -> memref<1x!tpu.dma_semaphore, #tpu.memory_space<semaphore_mem>>
    %dma_wait3A_157 = tpu.memref_squeeze %dma_wait3A_156 : memref<1x!tpu.dma_semaphore, #tpu.memory_space<semaphore_mem>> -> memref<!tpu.dma_semaphore, #tpu.memory_space<semaphore_mem>>
    %dma_wait3A_158 = arith.constant 0 : i32
    %dma_wait3A_159 = tpu.memref_slice %arg4[%add3A_147, %dma_wait3A_158] : memref<204800x128xf32, #tpu.memory_space<hbm>> -> memref<200x128xf32, #tpu.memory_space<hbm>>
    %dma_wait3A_160 = arith.constant 0 : i32
    %dma_wait3A_161 = arith.constant 0 : i32
    %dma_wait3A_162 = tpu.memref_slice %arg6[%dma_wait3A_148, %dma_wait3A_160, %dma_wait3A_161] : memref<4x200x128xf32, #tpu.memory_space<vmem>> -> memref<1x200x128xf32, #tpu.memory_space<vmem>>
    %dma_wait3A_163 = tpu.memref_squeeze %dma_wait3A_162 : memref<1x200x128xf32, #tpu.memory_space<vmem>> -> memref<200x128xf32, #tpu.memory_space<vmem>>
    tpu.wait_dma2 semaphore(%dma_wait3A_157 : memref<!tpu.dma_semaphore, #tpu.memory_space<semaphore_mem>>) src(%dma_wait3A_163 : memref<200x128xf32, #tpu.memory_space<vmem>>) dst(%dma_wait3A_159 : memref<200x128xf32, #tpu.memory_space<hbm>>)
    %dma_start3A_164 = arith.constant 1 : i32
    %dma_start3A_165 = arith.constant 1 : i32
    %dma_start3A_166 = arith.constant 0 : i32
    %dma_start3A_167 = arith.constant 0 : i32
    %dma_start3A_168 = tpu.memref_slice %arg6[%dma_start3A_164, %dma_start3A_166, %dma_start3A_167] : memref<4x200x128xf32, #tpu.memory_space<vmem>> -> memref<1x200x128xf32, #tpu.memory_space<vmem>>
    %dma_start3A_169 = tpu.memref_squeeze %dma_start3A_168 : memref<1x200x128xf32, #tpu.memory_space<vmem>> -> memref<200x128xf32, #tpu.memory_space<vmem>>
    %dma_start3A_170 = arith.constant 1000 : i32
    %dma_start3A_171 = tpu.memref_slice %arg5[%dma_start3A_170] : memref<6400xi32, #tpu.memory_space<vmem>> -> memref<200xi32, #tpu.memory_space<vmem>>
    %dma_start3A_172 = arith.constant 0 : i32
    %dma_start3A_173 = arith.constant 0 : i32
    %dma_start3A_174 = tpu.memref_slice %arg3[%dma_start3A_172, %dma_start3A_173] : memref<1000000x128xf32, #tpu.memory_space<hbm>> -> memref<1000000x128xf32, #tpu.memory_space<hbm>>
    %dma_start3A_175 = tpu.memref_slice %arg7[%dma_start3A_165] : memref<4x!tpu.dma_semaphore, #tpu.memory_space<semaphore_mem>> -> memref<1x!tpu.dma_semaphore, #tpu.memory_space<semaphore_mem>>
    %dma_start3A_176 = tpu.memref_squeeze %dma_start3A_175 : memref<1x!tpu.dma_semaphore, #tpu.memory_space<semaphore_mem>> -> memref<!tpu.dma_semaphore, #tpu.memory_space<semaphore_mem>>
    tpu.enqueue_indirect_dma source(%dma_start3A_174 : memref<1000000x128xf32, #tpu.memory_space<hbm>>) target(%dma_start3A_169 : memref<200x128xf32, #tpu.memory_space<vmem>>) offsets(%dma_start3A_171 : memref<200xi32, #tpu.memory_space<vmem>>) semaphore(%dma_start3A_176 : memref<!tpu.dma_semaphore, #tpu.memory_space<semaphore_mem>>)
    %dma_wait3A_177 = arith.constant 2 : i32
    %dma_wait3A_178 = arith.constant 2 : i32
    %dma_wait3A_179 = arith.constant 0 : i32
    %dma_wait3A_180 = arith.constant 0 : i32
    %dma_wait3A_181 = tpu.memref_slice %arg6[%dma_wait3A_177, %dma_wait3A_179, %dma_wait3A_180] : memref<4x200x128xf32, #tpu.memory_space<vmem>> -> memref<1x200x128xf32, #tpu.memory_space<vmem>>
    %dma_wait3A_182 = tpu.memref_squeeze %dma_wait3A_181 : memref<1x200x128xf32, #tpu.memory_space<vmem>> -> memref<200x128xf32, #tpu.memory_space<vmem>>
    %dma_wait3A_183 = arith.constant 400 : i32
    %dma_wait3A_184 = tpu.memref_slice %arg5[%dma_wait3A_183] : memref<6400xi32, #tpu.memory_space<vmem>> -> memref<200xi32, #tpu.memory_space<vmem>>
    %dma_wait3A_185 = arith.constant 0 : i32
    %dma_wait3A_186 = arith.constant 0 : i32
    %dma_wait3A_187 = tpu.memref_slice %arg3[%dma_wait3A_185, %dma_wait3A_186] : memref<1000000x128xf32, #tpu.memory_space<hbm>> -> memref<1000000x128xf32, #tpu.memory_space<hbm>>
    %dma_wait3A_188 = tpu.memref_slice %arg7[%dma_wait3A_178] : memref<4x!tpu.dma_semaphore, #tpu.memory_space<semaphore_mem>> -> memref<1x!tpu.dma_semaphore, #tpu.memory_space<semaphore_mem>>
    %dma_wait3A_189 = tpu.memref_squeeze %dma_wait3A_188 : memref<1x!tpu.dma_semaphore, #tpu.memory_space<semaphore_mem>> -> memref<!tpu.dma_semaphore, #tpu.memory_space<semaphore_mem>>
    tpu.wait_indirect_dma semaphore(%dma_wait3A_189 : memref<!tpu.dma_semaphore, #tpu.memory_space<semaphore_mem>>) src(%dma_wait3A_187 : memref<1000000x128xf32, #tpu.memory_space<hbm>>) dst(%dma_wait3A_182 : memref<200x128xf32, #tpu.memory_space<vmem>>)
    %add3A_190 = arith.constant 400 : i32
    %add3A_191 = arith.addi %mul3A_2, %add3A_190 : i32
    %dma_start3A_192 = arith.constant 2 : i32
    %dma_start3A_193 = arith.constant 2 : i32
    %dma_start3A_194 = arith.constant 0 : i32
    %dma_start3A_195 = arith.constant 0 : i32
    %dma_start3A_196 = tpu.memref_slice %arg6[%dma_start3A_192, %dma_start3A_194, %dma_start3A_195] : memref<4x200x128xf32, #tpu.memory_space<vmem>> -> memref<1x200x128xf32, #tpu.memory_space<vmem>>
    %dma_start3A_197 = tpu.memref_squeeze %dma_start3A_196 : memref<1x200x128xf32, #tpu.memory_space<vmem>> -> memref<200x128xf32, #tpu.memory_space<vmem>>
    %dma_start3A_198 = arith.constant 0 : i32
    %dma_start3A_199 = tpu.memref_slice %arg4[%add3A_191, %dma_start3A_198] : memref<204800x128xf32, #tpu.memory_space<hbm>> -> memref<200x128xf32, #tpu.memory_space<hbm>>
    %dma_start3A_200 = tpu.memref_slice %arg8[%dma_start3A_193] : memref<4x!tpu.dma_semaphore, #tpu.memory_space<semaphore_mem>> -> memref<1x!tpu.dma_semaphore, #tpu.memory_space<semaphore_mem>>
    %dma_start3A_201 = tpu.memref_squeeze %dma_start3A_200 : memref<1x!tpu.dma_semaphore, #tpu.memory_space<semaphore_mem>> -> memref<!tpu.dma_semaphore, #tpu.memory_space<semaphore_mem>>
    %dma_start3A_202 = arith.constant 0 : i32
    %dma_start3A_203 = tpu.memref_slice %arg4[%add3A_191, %dma_start3A_202] : memref<204800x128xf32, #tpu.memory_space<hbm>> -> memref<200x128xf32, #tpu.memory_space<hbm>>
    %dma_start3A_204 = arith.constant 0 : i32
    %dma_start3A_205 = arith.constant 0 : i32
    %dma_start3A_206 = tpu.memref_slice %arg6[%dma_start3A_192, %dma_start3A_204, %dma_start3A_205] : memref<4x200x128xf32, #tpu.memory_space<vmem>> -> memref<1x200x128xf32, #tpu.memory_space<vmem>>
    %dma_start3A_207 = tpu.memref_squeeze %dma_start3A_206 : memref<1x200x128xf32, #tpu.memory_space<vmem>> -> memref<200x128xf32, #tpu.memory_space<vmem>>
    tpu.enqueue_dma source(%dma_start3A_207 : memref<200x128xf32, #tpu.memory_space<vmem>>) target(%dma_start3A_203 : memref<200x128xf32, #tpu.memory_space<hbm>>) target_semaphore(%dma_start3A_201 : memref<!tpu.dma_semaphore, #tpu.memory_space<semaphore_mem>>)
    %add3A_208 = arith.constant 400 : i32
    %add3A_209 = arith.addi %mul3A_2, %add3A_208 : i32
    %dma_wait3A_210 = arith.constant 2 : i32
    %dma_wait3A_211 = arith.constant 2 : i32
    %dma_wait3A_212 = arith.constant 0 : i32
    %dma_wait3A_213 = arith.constant 0 : i32
    %dma_wait3A_214 = tpu.memref_slice %arg6[%dma_wait3A_210, %dma_wait3A_212, %dma_wait3A_213] : memref<4x200x128xf32, #tpu.memory_space<vmem>> -> memref<1x200x128xf32, #tpu.memory_space<vmem>>
    %dma_wait3A_215 = tpu.memref_squeeze %dma_wait3A_214 : memref<1x200x128xf32, #tpu.memory_space<vmem>> -> memref<200x128xf32, #tpu.memory_space<vmem>>
    %dma_wait3A_216 = arith.constant 0 : i32
    %dma_wait3A_217 = tpu.memref_slice %arg4[%add3A_209, %dma_wait3A_216] : memref<204800x128xf32, #tpu.memory_space<hbm>> -> memref<200x128xf32, #tpu.memory_space<hbm>>
    %dma_wait3A_218 = tpu.memref_slice %arg8[%dma_wait3A_211] : memref<4x!tpu.dma_semaphore, #tpu.memory_space<semaphore_mem>> -> memref<1x!tpu.dma_semaphore, #tpu.memory_space<semaphore_mem>>
    %dma_wait3A_219 = tpu.memref_squeeze %dma_wait3A_218 : memref<1x!tpu.dma_semaphore, #tpu.memory_space<semaphore_mem>> -> memref<!tpu.dma_semaphore, #tpu.memory_space<semaphore_mem>>
    %dma_wait3A_220 = arith.constant 0 : i32
    %dma_wait3A_221 = tpu.memref_slice %arg4[%add3A_209, %dma_wait3A_220] : memref<204800x128xf32, #tpu.memory_space<hbm>> -> memref<200x128xf32, #tpu.memory_space<hbm>>
    %dma_wait3A_222 = arith.constant 0 : i32
    %dma_wait3A_223 = arith.constant 0 : i32
    %dma_wait3A_224 = tpu.memref_slice %arg6[%dma_wait3A_210, %dma_wait3A_222, %dma_wait3A_223] : memref<4x200x128xf32, #tpu.memory_space<vmem>> -> memref<1x200x128xf32, #tpu.memory_space<vmem>>
    %dma_wait3A_225 = tpu.memref_squeeze %dma_wait3A_224 : memref<1x200x128xf32, #tpu.memory_space<vmem>> -> memref<200x128xf32, #tpu.memory_space<vmem>>
    tpu.wait_dma2 semaphore(%dma_wait3A_219 : memref<!tpu.dma_semaphore, #tpu.memory_space<semaphore_mem>>) src(%dma_wait3A_225 : memref<200x128xf32, #tpu.memory_space<vmem>>) dst(%dma_wait3A_221 : memref<200x128xf32, #tpu.memory_space<hbm>>)
    %dma_start3A_226 = arith.constant 2 : i32
    %dma_start3A_227 = arith.constant 2 : i32
    %dma_start3A_228 = arith.constant 0 : i32
    %dma_start3A_229 = arith.constant 0 : i32
    %dma_start3A_230 = tpu.memref_slice %arg6[%dma_start3A_226, %dma_start3A_228, %dma_start3A_229] : memref<4x200x128xf32, #tpu.memory_space<vmem>> -> memref<1x200x128xf32, #tpu.memory_space<vmem>>
    %dma_start3A_231 = tpu.memref_squeeze %dma_start3A_230 : memref<1x200x128xf32, #tpu.memory_space<vmem>> -> memref<200x128xf32, #tpu.memory_space<vmem>>
    %dma_start3A_232 = arith.constant 1200 : i32
    %dma_start3A_233 = tpu.memref_slice %arg5[%dma_start3A_232] : memref<6400xi32, #tpu.memory_space<vmem>> -> memref<200xi32, #tpu.memory_space<vmem>>
    %dma_start3A_234 = arith.constant 0 : i32
    %dma_start3A_235 = arith.constant 0 : i32
    %dma_start3A_236 = tpu.memref_slice %arg3[%dma_start3A_234, %dma_start3A_235] : memref<1000000x128xf32, #tpu.memory_space<hbm>> -> memref<1000000x128xf32, #tpu.memory_space<hbm>>
    %dma_start3A_237 = tpu.memref_slice %arg7[%dma_start3A_227] : memref<4x!tpu.dma_semaphore, #tpu.memory_space<semaphore_mem>> -> memref<1x!tpu.dma_semaphore, #tpu.memory_space<semaphore_mem>>
    %dma_start3A_238 = tpu.memref_squeeze %dma_start3A_237 : memref<1x!tpu.dma_semaphore, #tpu.memory_space<semaphore_mem>> -> memref<!tpu.dma_semaphore, #tpu.memory_space<semaphore_mem>>
    tpu.enqueue_indirect_dma source(%dma_start3A_236 : memref<1000000x128xf32, #tpu.memory_space<hbm>>) target(%dma_start3A_231 : memref<200x128xf32, #tpu.memory_space<vmem>>) offsets(%dma_start3A_233 : memref<200xi32, #tpu.memory_space<vmem>>) semaphore(%dma_start3A_238 : memref<!tpu.dma_semaphore, #tpu.memory_space<semaphore_mem>>)
    %dma_wait3A_239 = arith.constant 3 : i32
    %dma_wait3A_240 = arith.constant 3 : i32
    %dma_wait3A_241 = arith.constant 0 : i32
    %dma_wait3A_242 = arith.constant 0 : i32
    %dma_wait3A_243 = tpu.memref_slice %arg6[%dma_wait3A_239, %dma_wait3A_241, %dma_wait3A_242] : memref<4x200x128xf32, #tpu.memory_space<vmem>> -> memref<1x200x128xf32, #tpu.memory_space<vmem>>
    %dma_wait3A_244 = tpu.memref_squeeze %dma_wait3A_243 : memref<1x200x128xf32, #tpu.memory_space<vmem>> -> memref<200x128xf32, #tpu.memory_space<vmem>>
    %dma_wait3A_245 = arith.constant 600 : i32
    %dma_wait3A_246 = tpu.memref_slice %arg5[%dma_wait3A_245] : memref<6400xi32, #tpu.memory_space<vmem>> -> memref<200xi32, #tpu.memory_space<vmem>>
    %dma_wait3A_247 = arith.constant 0 : i32
    %dma_wait3A_248 = arith.constant 0 : i32
    %dma_wait3A_249 = tpu.memref_slice %arg3[%dma_wait3A_247, %dma_wait3A_248] : memref<1000000x128xf32, #tpu.memory_space<hbm>> -> memref<1000000x128xf32, #tpu.memory_space<hbm>>
    %dma_wait3A_250 = tpu.memref_slice %arg7[%dma_wait3A_240] : memref<4x!tpu.dma_semaphore, #tpu.memory_space<semaphore_mem>> -> memref<1x!tpu.dma_semaphore, #tpu.memory_space<semaphore_mem>>
    %dma_wait3A_251 = tpu.memref_squeeze %dma_wait3A_250 : memref<1x!tpu.dma_semaphore, #tpu.memory_space<semaphore_mem>> -> memref<!tpu.dma_semaphore, #tpu.memory_space<semaphore_mem>>
    tpu.wait_indirect_dma semaphore(%dma_wait3A_251 : memref<!tpu.dma_semaphore, #tpu.memory_space<semaphore_mem>>) src(%dma_wait3A_249 : memref<1000000x128xf32, #tpu.memory_space<hbm>>) dst(%dma_wait3A_244 : memref<200x128xf32, #tpu.memory_space<vmem>>)
    %add3A_252 = arith.constant 600 : i32
    %add3A_253 = arith.addi %mul3A_2, %add3A_252 : i32
    %dma_start3A_254 = arith.constant 3 : i32
    %dma_start3A_255 = arith.constant 3 : i32
    %dma_start3A_256 = arith.constant 0 : i32
    %dma_start3A_257 = arith.constant 0 : i32
    %dma_start3A_258 = tpu.memref_slice %arg6[%dma_start3A_254, %dma_start3A_256, %dma_start3A_257] : memref<4x200x128xf32, #tpu.memory_space<vmem>> -> memref<1x200x128xf32, #tpu.memory_space<vmem>>
    %dma_start3A_259 = tpu.memref_squeeze %dma_start3A_258 : memref<1x200x128xf32, #tpu.memory_space<vmem>> -> memref<200x128xf32, #tpu.memory_space<vmem>>
    %dma_start3A_260 = arith.constant 0 : i32
    %dma_start3A_261 = tpu.memref_slice %arg4[%add3A_253, %dma_start3A_260] : memref<204800x128xf32, #tpu.memory_space<hbm>> -> memref<200x128xf32, #tpu.memory_space<hbm>>
    %dma_start3A_262 = tpu.memref_slice %arg8[%dma_start3A_255] : memref<4x!tpu.dma_semaphore, #tpu.memory_space<semaphore_mem>> -> memref<1x!tpu.dma_semaphore, #tpu.memory_space<semaphore_mem>>
    %dma_start3A_263 = tpu.memref_squeeze %dma_start3A_262 : memref<1x!tpu.dma_semaphore, #tpu.memory_space<semaphore_mem>> -> memref<!tpu.dma_semaphore, #tpu.memory_space<semaphore_mem>>
    %dma_start3A_264 = arith.constant 0 : i32
    %dma_start3A_265 = tpu.memref_slice %arg4[%add3A_253, %dma_start3A_264] : memref<204800x128xf32, #tpu.memory_space<hbm>> -> memref<200x128xf32, #tpu.memory_space<hbm>>
    %dma_start3A_266 = arith.constant 0 : i32
    %dma_start3A_267 = arith.constant 0 : i32
    %dma_start3A_268 = tpu.memref_slice %arg6[%dma_start3A_254, %dma_start3A_266, %dma_start3A_267] : memref<4x200x128xf32, #tpu.memory_space<vmem>> -> memref<1x200x128xf32, #tpu.memory_space<vmem>>
    %dma_start3A_269 = tpu.memref_squeeze %dma_start3A_268 : memref<1x200x128xf32, #tpu.memory_space<vmem>> -> memref<200x128xf32, #tpu.memory_space<vmem>>
    tpu.enqueue_dma source(%dma_start3A_269 : memref<200x128xf32, #tpu.memory_space<vmem>>) target(%dma_start3A_265 : memref<200x128xf32, #tpu.memory_space<hbm>>) target_semaphore(%dma_start3A_263 : memref<!tpu.dma_semaphore, #tpu.memory_space<semaphore_mem>>)
    %add3A_270 = arith.constant 600 : i32
    %add3A_271 = arith.addi %mul3A_2, %add3A_270 : i32
    %dma_wait3A_272 = arith.constant 3 : i32
    %dma_wait3A_273 = arith.constant 3 : i32
    %dma_wait3A_274 = arith.constant 0 : i32
    %dma_wait3A_275 = arith.constant 0 : i32
    %dma_wait3A_276 = tpu.memref_slice %arg6[%dma_wait3A_272, %dma_wait3A_274, %dma_wait3A_275] : memref<4x200x128xf32, #tpu.memory_space<vmem>> -> memref<1x200x128xf32, #tpu.memory_space<vmem>>
    %dma_wait3A_277 = tpu.memref_squeeze %dma_wait3A_276 : memref<1x200x128xf32, #tpu.memory_space<vmem>> -> memref<200x128xf32, #tpu.memory_space<vmem>>
    %dma_wait3A_278 = arith.constant 0 : i32
    %dma_wait3A_279 = tpu.memref_slice %arg4[%add3A_271, %dma_wait3A_278] : memref<204800x128xf32, #tpu.memory_space<hbm>> -> memref<200x128xf32, #tpu.memory_space<hbm>>
    %dma_wait3A_280 = tpu.memref_slice %arg8[%dma_wait3A_273] : memref<4x!tpu.dma_semaphore, #tpu.memory_space<semaphore_mem>> -> memref<1x!tpu.dma_semaphore, #tpu.memory_space<semaphore_mem>>
    %dma_wait3A_281 = tpu.memref_squeeze %dma_wait3A_280 : memref<1x!tpu.dma_semaphore, #tpu.memory_space<semaphore_mem>> -> memref<!tpu.dma_semaphore, #tpu.memory_space<semaphore_mem>>
    %dma_wait3A_282 = arith.constant 0 : i32
    %dma_wait3A_283 = tpu.memref_slice %arg4[%add3A_271, %dma_wait3A_282] : memref<204800x128xf32, #tpu.memory_space<hbm>> -> memref<200x128xf32, #tpu.memory_space<hbm>>
    %dma_wait3A_284 = arith.constant 0 : i32
    %dma_wait3A_285 = arith.constant 0 : i32
    %dma_wait3A_286 = tpu.memref_slice %arg6[%dma_wait3A_272, %dma_wait3A_284, %dma_wait3A_285] : memref<4x200x128xf32, #tpu.memory_space<vmem>> -> memref<1x200x128xf32, #tpu.memory_space<vmem>>
    %dma_wait3A_287 = tpu.memref_squeeze %dma_wait3A_286 : memref<1x200x128xf32, #tpu.memory_space<vmem>> -> memref<200x128xf32, #tpu.memory_space<vmem>>
    tpu.wait_dma2 semaphore(%dma_wait3A_281 : memref<!tpu.dma_semaphore, #tpu.memory_space<semaphore_mem>>) src(%dma_wait3A_287 : memref<200x128xf32, #tpu.memory_space<vmem>>) dst(%dma_wait3A_283 : memref<200x128xf32, #tpu.memory_space<hbm>>)
    %dma_start3A_288 = arith.constant 3 : i32
    %dma_start3A_289 = arith.constant 3 : i32
    %dma_start3A_290 = arith.constant 0 : i32
    %dma_start3A_291 = arith.constant 0 : i32
    %dma_start3A_292 = tpu.memref_slice %arg6[%dma_start3A_288, %dma_start3A_290, %dma_start3A_291] : memref<4x200x128xf32, #tpu.memory_space<vmem>> -> memref<1x200x128xf32, #tpu.memory_space<vmem>>
    %dma_start3A_293 = tpu.memref_squeeze %dma_start3A_292 : memref<1x200x128xf32, #tpu.memory_space<vmem>> -> memref<200x128xf32, #tpu.memory_space<vmem>>
    %dma_start3A_294 = arith.constant 1400 : i32
    %dma_start3A_295 = tpu.memref_slice %arg5[%dma_start3A_294] : memref<6400xi32, #tpu.memory_space<vmem>> -> memref<200xi32, #tpu.memory_space<vmem>>
    %dma_start3A_296 = arith.constant 0 : i32
    %dma_start3A_297 = arith.constant 0 : i32
    %dma_start3A_298 = tpu.memref_slice %arg3[%dma_start3A_296, %dma_start3A_297] : memref<1000000x128xf32, #tpu.memory_space<hbm>> -> memref<1000000x128xf32, #tpu.memory_space<hbm>>
    %dma_start3A_299 = tpu.memref_slice %arg7[%dma_start3A_289] : memref<4x!tpu.dma_semaphore, #tpu.memory_space<semaphore_mem>> -> memref<1x!tpu.dma_semaphore, #tpu.memory_space<semaphore_mem>>
    %dma_start3A_300 = tpu.memref_squeeze %dma_start3A_299 : memref<1x!tpu.dma_semaphore, #tpu.memory_space<semaphore_mem>> -> memref<!tpu.dma_semaphore, #tpu.memory_space<semaphore_mem>>
    tpu.enqueue_indirect_dma source(%dma_start3A_298 : memref<1000000x128xf32, #tpu.memory_space<hbm>>) target(%dma_start3A_293 : memref<200x128xf32, #tpu.memory_space<vmem>>) offsets(%dma_start3A_295 : memref<200xi32, #tpu.memory_space<vmem>>) semaphore(%dma_start3A_300 : memref<!tpu.dma_semaphore, #tpu.memory_space<semaphore_mem>>)
    %dma_wait3A_301 = arith.constant 0 : i32
    %dma_wait3A_302 = arith.constant 0 : i32
    %dma_wait3A_303 = arith.constant 0 : i32
    %dma_wait3A_304 = arith.constant 0 : i32
    %dma_wait3A_305 = tpu.memref_slice %arg6[%dma_wait3A_301, %dma_wait3A_303, %dma_wait3A_304] : memref<4x200x128xf32, #tpu.memory_space<vmem>> -> memref<1x200x128xf32, #tpu.memory_space<vmem>>
    %dma_wait3A_306 = tpu.memref_squeeze %dma_wait3A_305 : memref<1x200x128xf32, #tpu.memory_space<vmem>> -> memref<200x128xf32, #tpu.memory_space<vmem>>
    %dma_wait3A_307 = arith.constant 800 : i32
    %dma_wait3A_308 = tpu.memref_slice %arg5[%dma_wait3A_307] : memref<6400xi32, #tpu.memory_space<vmem>> -> memref<200xi32, #tpu.memory_space<vmem>>
    %dma_wait3A_309 = arith.constant 0 : i32
    %dma_wait3A_310 = arith.constant 0 : i32
    %dma_wait3A_311 = tpu.memref_slice %arg3[%dma_wait3A_309, %dma_wait3A_310] : memref<1000000x128xf32, #tpu.memory_space<hbm>> -> memref<1000000x128xf32, #tpu.memory_space<hbm>>
    %dma_wait3A_312 = tpu.memref_slice %arg7[%dma_wait3A_302] : memref<4x!tpu.dma_semaphore, #tpu.memory_space<semaphore_mem>> -> memref<1x!tpu.dma_semaphore, #tpu.memory_space<semaphore_mem>>
    %dma_wait3A_313 = tpu.memref_squeeze %dma_wait3A_312 : memref<1x!tpu.dma_semaphore, #tpu.memory_space<semaphore_mem>> -> memref<!tpu.dma_semaphore, #tpu.memory_space<semaphore_mem>>
    tpu.wait_indirect_dma semaphore(%dma_wait3A_313 : memref<!tpu.dma_semaphore, #tpu.memory_space<semaphore_mem>>) src(%dma_wait3A_311 : memref<1000000x128xf32, #tpu.memory_space<hbm>>) dst(%dma_wait3A_306 : memref<200x128xf32, #tpu.memory_space<vmem>>)
    %add3A_314 = arith.constant 800 : i32
    %add3A_315 = arith.addi %mul3A_2, %add3A_314 : i32
    %dma_start3A_316 = arith.constant 0 : i32
    %dma_start3A_317 = arith.constant 0 : i32
    %dma_start3A_318 = arith.constant 0 : i32
    %dma_start3A_319 = arith.constant 0 : i32
    %dma_start3A_320 = tpu.memref_slice %arg6[%dma_start3A_316, %dma_start3A_318, %dma_start3A_319] : memref<4x200x128xf32, #tpu.memory_space<vmem>> -> memref<1x200x128xf32, #tpu.memory_space<vmem>>
    %dma_start3A_321 = tpu.memref_squeeze %dma_start3A_320 : memref<1x200x128xf32, #tpu.memory_space<vmem>> -> memref<200x128xf32, #tpu.memory_space<vmem>>
    %dma_start3A_322 = arith.constant 0 : i32
    %dma_start3A_323 = tpu.memref_slice %arg4[%add3A_315, %dma_start3A_322] : memref<204800x128xf32, #tpu.memory_space<hbm>> -> memref<200x128xf32, #tpu.memory_space<hbm>>
    %dma_start3A_324 = tpu.memref_slice %arg8[%dma_start3A_317] : memref<4x!tpu.dma_semaphore, #tpu.memory_space<semaphore_mem>> -> memref<1x!tpu.dma_semaphore, #tpu.memory_space<semaphore_mem>>
    %dma_start3A_325 = tpu.memref_squeeze %dma_start3A_324 : memref<1x!tpu.dma_semaphore, #tpu.memory_space<semaphore_mem>> -> memref<!tpu.dma_semaphore, #tpu.memory_space<semaphore_mem>>
    %dma_start3A_326 = arith.constant 0 : i32
    %dma_start3A_327 = tpu.memref_slice %arg4[%add3A_315, %dma_start3A_326] : memref<204800x128xf32, #tpu.memory_space<hbm>> -> memref<200x128xf32, #tpu.memory_space<hbm>>
    %dma_start3A_328 = arith.constant 0 : i32
    %dma_start3A_329 = arith.constant 0 : i32
    %dma_start3A_330 = tpu.memref_slice %arg6[%dma_start3A_316, %dma_start3A_328, %dma_start3A_329] : memref<4x200x128xf32, #tpu.memory_space<vmem>> -> memref<1x200x128xf32, #tpu.memory_space<vmem>>
    %dma_start3A_331 = tpu.memref_squeeze %dma_start3A_330 : memref<1x200x128xf32, #tpu.memory_space<vmem>> -> memref<200x128xf32, #tpu.memory_space<vmem>>
    tpu.enqueue_dma source(%dma_start3A_331 : memref<200x128xf32, #tpu.memory_space<vmem>>) target(%dma_start3A_327 : memref<200x128xf32, #tpu.memory_space<hbm>>) target_semaphore(%dma_start3A_325 : memref<!tpu.dma_semaphore, #tpu.memory_space<semaphore_mem>>)
    %add3A_332 = arith.constant 800 : i32
    %add3A_333 = arith.addi %mul3A_2, %add3A_332 : i32
    %dma_wait3A_334 = arith.constant 0 : i32
    %dma_wait3A_335 = arith.constant 0 : i32
    %dma_wait3A_336 = arith.constant 0 : i32
    %dma_wait3A_337 = arith.constant 0 : i32
    %dma_wait3A_338 = tpu.memref_slice %arg6[%dma_wait3A_334, %dma_wait3A_336, %dma_wait3A_337] : memref<4x200x128xf32, #tpu.memory_space<vmem>> -> memref<1x200x128xf32, #tpu.memory_space<vmem>>
    %dma_wait3A_339 = tpu.memref_squeeze %dma_wait3A_338 : memref<1x200x128xf32, #tpu.memory_space<vmem>> -> memref<200x128xf32, #tpu.memory_space<vmem>>
    %dma_wait3A_340 = arith.constant 0 : i32
    %dma_wait3A_341 = tpu.memref_slice %arg4[%add3A_333, %dma_wait3A_340] : memref<204800x128xf32, #tpu.memory_space<hbm>> -> memref<200x128xf32, #tpu.memory_space<hbm>>
    %dma_wait3A_342 = tpu.memref_slice %arg8[%dma_wait3A_335] : memref<4x!tpu.dma_semaphore, #tpu.memory_space<semaphore_mem>> -> memref<1x!tpu.dma_semaphore, #tpu.memory_space<semaphore_mem>>
    %dma_wait3A_343 = tpu.memref_squeeze %dma_wait3A_342 : memref<1x!tpu.dma_semaphore, #tpu.memory_space<semaphore_mem>> -> memref<!tpu.dma_semaphore, #tpu.memory_space<semaphore_mem>>
    %dma_wait3A_344 = arith.constant 0 : i32
    %dma_wait3A_345 = tpu.memref_slice %arg4[%add3A_333, %dma_wait3A_344] : memref<204800x128xf32, #tpu.memory_space<hbm>> -> memref<200x128xf32, #tpu.memory_space<hbm>>
    %dma_wait3A_346 = arith.constant 0 : i32
    %dma_wait3A_347 = arith.constant 0 : i32
    %dma_wait3A_348 = tpu.memref_slice %arg6[%dma_wait3A_334, %dma_wait3A_346, %dma_wait3A_347] : memref<4x200x128xf32, #tpu.memory_space<vmem>> -> memref<1x200x128xf32, #tpu.memory_space<vmem>>
    %dma_wait3A_349 = tpu.memref_squeeze %dma_wait3A_348 : memref<1x200x128xf32, #tpu.memory_space<vmem>> -> memref<200x128xf32, #tpu.memory_space<vmem>>
    tpu.wait_dma2 semaphore(%dma_wait3A_343 : memref<!tpu.dma_semaphore, #tpu.memory_space<semaphore_mem>>) src(%dma_wait3A_349 : memref<200x128xf32, #tpu.memory_space<vmem>>) dst(%dma_wait3A_345 : memref<200x128xf32, #tpu.memory_space<hbm>>)
    %dma_start3A_350 = arith.constant 0 : i32
    %dma_start3A_351 = arith.constant 0 : i32
    %dma_start3A_352 = arith.constant 0 : i32
    %dma_start3A_353 = arith.constant 0 : i32
    %dma_start3A_354 = tpu.memref_slice %arg6[%dma_start3A_350, %dma_start3A_352, %dma_start3A_353] : memref<4x200x128xf32, #tpu.memory_space<vmem>> -> memref<1x200x128xf32, #tpu.memory_space<vmem>>
    %dma_start3A_355 = tpu.memref_squeeze %dma_start3A_354 : memref<1x200x128xf32, #tpu.memory_space<vmem>> -> memref<200x128xf32, #tpu.memory_space<vmem>>
    %dma_start3A_356 = arith.constant 1600 : i32
    %dma_start3A_357 = tpu.memref_slice %arg5[%dma_start3A_356] : memref<6400xi32, #tpu.memory_space<vmem>> -> memref<200xi32, #tpu.memory_space<vmem>>
    %dma_start3A_358 = arith.constant 0 : i32
    %dma_start3A_359 = arith.constant 0 : i32
    %dma_start3A_360 = tpu.memref_slice %arg3[%dma_start3A_358, %dma_start3A_359] : memref<1000000x128xf32, #tpu.memory_space<hbm>> -> memref<1000000x128xf32, #tpu.memory_space<hbm>>
    %dma_start3A_361 = tpu.memref_slice %arg7[%dma_start3A_351] : memref<4x!tpu.dma_semaphore, #tpu.memory_space<semaphore_mem>> -> memref<1x!tpu.dma_semaphore, #tpu.memory_space<semaphore_mem>>
    %dma_start3A_362 = tpu.memref_squeeze %dma_start3A_361 : memref<1x!tpu.dma_semaphore, #tpu.memory_space<semaphore_mem>> -> memref<!tpu.dma_semaphore, #tpu.memory_space<semaphore_mem>>
    tpu.enqueue_indirect_dma source(%dma_start3A_360 : memref<1000000x128xf32, #tpu.memory_space<hbm>>) target(%dma_start3A_355 : memref<200x128xf32, #tpu.memory_space<vmem>>) offsets(%dma_start3A_357 : memref<200xi32, #tpu.memory_space<vmem>>) semaphore(%dma_start3A_362 : memref<!tpu.dma_semaphore, #tpu.memory_space<semaphore_mem>>)
    %dma_wait3A_363 = arith.constant 1 : i32
    %dma_wait3A_364 = arith.constant 1 : i32
    %dma_wait3A_365 = arith.constant 0 : i32
    %dma_wait3A_366 = arith.constant 0 : i32
    %dma_wait3A_367 = tpu.memref_slice %arg6[%dma_wait3A_363, %dma_wait3A_365, %dma_wait3A_366] : memref<4x200x128xf32, #tpu.memory_space<vmem>> -> memref<1x200x128xf32, #tpu.memory_space<vmem>>
    %dma_wait3A_368 = tpu.memref_squeeze %dma_wait3A_367 : memref<1x200x128xf32, #tpu.memory_space<vmem>> -> memref<200x128xf32, #tpu.memory_space<vmem>>
    %dma_wait3A_369 = arith.constant 1000 : i32
    %dma_wait3A_370 = tpu.memref_slice %arg5[%dma_wait3A_369] : memref<6400xi32, #tpu.memory_space<vmem>> -> memref<200xi32, #tpu.memory_space<vmem>>
    %dma_wait3A_371 = arith.constant 0 : i32
    %dma_wait3A_372 = arith.constant 0 : i32
    %dma_wait3A_373 = tpu.memref_slice %arg3[%dma_wait3A_371, %dma_wait3A_372] : memref<1000000x128xf32, #tpu.memory_space<hbm>> -> memref<1000000x128xf32, #tpu.memory_space<hbm>>
    %dma_wait3A_374 = tpu.memref_slice %arg7[%dma_wait3A_364] : memref<4x!tpu.dma_semaphore, #tpu.memory_space<semaphore_mem>> -> memref<1x!tpu.dma_semaphore, #tpu.memory_space<semaphore_mem>>
    %dma_wait3A_375 = tpu.memref_squeeze %dma_wait3A_374 : memref<1x!tpu.dma_semaphore, #tpu.memory_space<semaphore_mem>> -> memref<!tpu.dma_semaphore, #tpu.memory_space<semaphore_mem>>
    tpu.wait_indirect_dma semaphore(%dma_wait3A_375 : memref<!tpu.dma_semaphore, #tpu.memory_space<semaphore_mem>>) src(%dma_wait3A_373 : memref<1000000x128xf32, #tpu.memory_space<hbm>>) dst(%dma_wait3A_368 : memref<200x128xf32, #tpu.memory_space<vmem>>)
    %add3A_376 = arith.constant 1000 : i32
    %add3A_377 = arith.addi %mul3A_2, %add3A_376 : i32
    %dma_start3A_378 = arith.constant 1 : i32
    %dma_start3A_379 = arith.constant 1 : i32
    %dma_start3A_380 = arith.constant 0 : i32
    %dma_start3A_381 = arith.constant 0 : i32
    %dma_start3A_382 = tpu.memref_slice %arg6[%dma_start3A_378, %dma_start3A_380, %dma_start3A_381] : memref<4x200x128xf32, #tpu.memory_space<vmem>> -> memref<1x200x128xf32, #tpu.memory_space<vmem>>
    %dma_start3A_383 = tpu.memref_squeeze %dma_start3A_382 : memref<1x200x128xf32, #tpu.memory_space<vmem>> -> memref<200x128xf32, #tpu.memory_space<vmem>>
    %dma_start3A_384 = arith.constant 0 : i32
    %dma_start3A_385 = tpu.memref_slice %arg4[%add3A_377, %dma_start3A_384] : memref<204800x128xf32, #tpu.memory_space<hbm>> -> memref<200x128xf32, #tpu.memory_space<hbm>>
    %dma_start3A_386 = tpu.memref_slice %arg8[%dma_start3A_379] : memref<4x!tpu.dma_semaphore, #tpu.memory_space<semaphore_mem>> -> memref<1x!tpu.dma_semaphore, #tpu.memory_space<semaphore_mem>>
    %dma_start3A_387 = tpu.memref_squeeze %dma_start3A_386 : memref<1x!tpu.dma_semaphore, #tpu.memory_space<semaphore_mem>> -> memref<!tpu.dma_semaphore, #tpu.memory_space<semaphore_mem>>
    %dma_start3A_388 = arith.constant 0 : i32
    %dma_start3A_389 = tpu.memref_slice %arg4[%add3A_377, %dma_start3A_388] : memref<204800x128xf32, #tpu.memory_space<hbm>> -> memref<200x128xf32, #tpu.memory_space<hbm>>
    %dma_start3A_390 = arith.constant 0 : i32
    %dma_start3A_391 = arith.constant 0 : i32
    %dma_start3A_392 = tpu.memref_slice %arg6[%dma_start3A_378, %dma_start3A_390, %dma_start3A_391] : memref<4x200x128xf32, #tpu.memory_space<vmem>> -> memref<1x200x128xf32, #tpu.memory_space<vmem>>
    %dma_start3A_393 = tpu.memref_squeeze %dma_start3A_392 : memref<1x200x128xf32, #tpu.memory_space<vmem>> -> memref<200x128xf32, #tpu.memory_space<vmem>>
    tpu.enqueue_dma source(%dma_start3A_393 : memref<200x128xf32, #tpu.memory_space<vmem>>) target(%dma_start3A_389 : memref<200x128xf32, #tpu.memory_space<hbm>>) target_semaphore(%dma_start3A_387 : memref<!tpu.dma_semaphore, #tpu.memory_space<semaphore_mem>>)
    %add3A_394 = arith.constant 1000 : i32
    %add3A_395 = arith.addi %mul3A_2, %add3A_394 : i32
    %dma_wait3A_396 = arith.constant 1 : i32
    %dma_wait3A_397 = arith.constant 1 : i32
    %dma_wait3A_398 = arith.constant 0 : i32
    %dma_wait3A_399 = arith.constant 0 : i32
    %dma_wait3A_400 = tpu.memref_slice %arg6[%dma_wait3A_396, %dma_wait3A_398, %dma_wait3A_399] : memref<4x200x128xf32, #tpu.memory_space<vmem>> -> memref<1x200x128xf32, #tpu.memory_space<vmem>>
    %dma_wait3A_401 = tpu.memref_squeeze %dma_wait3A_400 : memref<1x200x128xf32, #tpu.memory_space<vmem>> -> memref<200x128xf32, #tpu.memory_space<vmem>>
    %dma_wait3A_402 = arith.constant 0 : i32
    %dma_wait3A_403 = tpu.memref_slice %arg4[%add3A_395, %dma_wait3A_402] : memref<204800x128xf32, #tpu.memory_space<hbm>> -> memref<200x128xf32, #tpu.memory_space<hbm>>
    %dma_wait3A_404 = tpu.memref_slice %arg8[%dma_wait3A_397] : memref<4x!tpu.dma_semaphore, #tpu.memory_space<semaphore_mem>> -> memref<1x!tpu.dma_semaphore, #tpu.memory_space<semaphore_mem>>
    %dma_wait3A_405 = tpu.memref_squeeze %dma_wait3A_404 : memref<1x!tpu.dma_semaphore, #tpu.memory_space<semaphore_mem>> -> memref<!tpu.dma_semaphore, #tpu.memory_space<semaphore_mem>>
    %dma_wait3A_406 = arith.constant 0 : i32
    %dma_wait3A_407 = tpu.memref_slice %arg4[%add3A_395, %dma_wait3A_406] : memref<204800x128xf32, #tpu.memory_space<hbm>> -> memref<200x128xf32, #tpu.memory_space<hbm>>
    %dma_wait3A_408 = arith.constant 0 : i32
    %dma_wait3A_409 = arith.constant 0 : i32
    %dma_wait3A_410 = tpu.memref_slice %arg6[%dma_wait3A_396, %dma_wait3A_408, %dma_wait3A_409] : memref<4x200x128xf32, #tpu.memory_space<vmem>> -> memref<1x200x128xf32, #tpu.memory_space<vmem>>
    %dma_wait3A_411 = tpu.memref_squeeze %dma_wait3A_410 : memref<1x200x128xf32, #tpu.memory_space<vmem>> -> memref<200x128xf32, #tpu.memory_space<vmem>>
    tpu.wait_dma2 semaphore(%dma_wait3A_405 : memref<!tpu.dma_semaphore, #tpu.memory_space<semaphore_mem>>) src(%dma_wait3A_411 : memref<200x128xf32, #tpu.memory_space<vmem>>) dst(%dma_wait3A_407 : memref<200x128xf32, #tpu.memory_space<hbm>>)
    %dma_start3A_412 = arith.constant 1 : i32
    %dma_start3A_413 = arith.constant 1 : i32
    %dma_start3A_414 = arith.constant 0 : i32
    %dma_start3A_415 = arith.constant 0 : i32
    %dma_start3A_416 = tpu.memref_slice %arg6[%dma_start3A_412, %dma_start3A_414, %dma_start3A_415] : memref<4x200x128xf32, #tpu.memory_space<vmem>> -> memref<1x200x128xf32, #tpu.memory_space<vmem>>
    %dma_start3A_417 = tpu.memref_squeeze %dma_start3A_416 : memref<1x200x128xf32, #tpu.memory_space<vmem>> -> memref<200x128xf32, #tpu.memory_space<vmem>>
    %dma_start3A_418 = arith.constant 1800 : i32
    %dma_start3A_419 = tpu.memref_slice %arg5[%dma_start3A_418] : memref<6400xi32, #tpu.memory_space<vmem>> -> memref<200xi32, #tpu.memory_space<vmem>>
    %dma_start3A_420 = arith.constant 0 : i32
    %dma_start3A_421 = arith.constant 0 : i32
    %dma_start3A_422 = tpu.memref_slice %arg3[%dma_start3A_420, %dma_start3A_421] : memref<1000000x128xf32, #tpu.memory_space<hbm>> -> memref<1000000x128xf32, #tpu.memory_space<hbm>>
    %dma_start3A_423 = tpu.memref_slice %arg7[%dma_start3A_413] : memref<4x!tpu.dma_semaphore, #tpu.memory_space<semaphore_mem>> -> memref<1x!tpu.dma_semaphore, #tpu.memory_space<semaphore_mem>>
    %dma_start3A_424 = tpu.memref_squeeze %dma_start3A_423 : memref<1x!tpu.dma_semaphore, #tpu.memory_space<semaphore_mem>> -> memref<!tpu.dma_semaphore, #tpu.memory_space<semaphore_mem>>
    tpu.enqueue_indirect_dma source(%dma_start3A_422 : memref<1000000x128xf32, #tpu.memory_space<hbm>>) target(%dma_start3A_417 : memref<200x128xf32, #tpu.memory_space<vmem>>) offsets(%dma_start3A_419 : memref<200xi32, #tpu.memory_space<vmem>>) semaphore(%dma_start3A_424 : memref<!tpu.dma_semaphore, #tpu.memory_space<semaphore_mem>>)
    %dma_wait3A_425 = arith.constant 2 : i32
    %dma_wait3A_426 = arith.constant 2 : i32
    %dma_wait3A_427 = arith.constant 0 : i32
    %dma_wait3A_428 = arith.constant 0 : i32
    %dma_wait3A_429 = tpu.memref_slice %arg6[%dma_wait3A_425, %dma_wait3A_427, %dma_wait3A_428] : memref<4x200x128xf32, #tpu.memory_space<vmem>> -> memref<1x200x128xf32, #tpu.memory_space<vmem>>
    %dma_wait3A_430 = tpu.memref_squeeze %dma_wait3A_429 : memref<1x200x128xf32, #tpu.memory_space<vmem>> -> memref<200x128xf32, #tpu.memory_space<vmem>>
    %dma_wait3A_431 = arith.constant 1200 : i32
    %dma_wait3A_432 = tpu.memref_slice %arg5[%dma_wait3A_431] : memref<6400xi32, #tpu.memory_space<vmem>> -> memref<200xi32, #tpu.memory_space<vmem>>
    %dma_wait3A_433 = arith.constant 0 : i32
    %dma_wait3A_434 = arith.constant 0 : i32
    %dma_wait3A_435 = tpu.memref_slice %arg3[%dma_wait3A_433, %dma_wait3A_434] : memref<1000000x128xf32, #tpu.memory_space<hbm>> -> memref<1000000x128xf32, #tpu.memory_space<hbm>>
    %dma_wait3A_436 = tpu.memref_slice %arg7[%dma_wait3A_426] : memref<4x!tpu.dma_semaphore, #tpu.memory_space<semaphore_mem>> -> memref<1x!tpu.dma_semaphore, #tpu.memory_space<semaphore_mem>>
    %dma_wait3A_437 = tpu.memref_squeeze %dma_wait3A_436 : memref<1x!tpu.dma_semaphore, #tpu.memory_space<semaphore_mem>> -> memref<!tpu.dma_semaphore, #tpu.memory_space<semaphore_mem>>
    tpu.wait_indirect_dma semaphore(%dma_wait3A_437 : memref<!tpu.dma_semaphore, #tpu.memory_space<semaphore_mem>>) src(%dma_wait3A_435 : memref<1000000x128xf32, #tpu.memory_space<hbm>>) dst(%dma_wait3A_430 : memref<200x128xf32, #tpu.memory_space<vmem>>)
    %add3A_438 = arith.constant 1200 : i32
    %add3A_439 = arith.addi %mul3A_2, %add3A_438 : i32
    %dma_start3A_440 = arith.constant 2 : i32
    %dma_start3A_441 = arith.constant 2 : i32
    %dma_start3A_442 = arith.constant 0 : i32
    %dma_start3A_443 = arith.constant 0 : i32
    %dma_start3A_444 = tpu.memref_slice %arg6[%dma_start3A_440, %dma_start3A_442, %dma_start3A_443] : memref<4x200x128xf32, #tpu.memory_space<vmem>> -> memref<1x200x128xf32, #tpu.memory_space<vmem>>
    %dma_start3A_445 = tpu.memref_squeeze %dma_start3A_444 : memref<1x200x128xf32, #tpu.memory_space<vmem>> -> memref<200x128xf32, #tpu.memory_space<vmem>>
    %dma_start3A_446 = arith.constant 0 : i32
    %dma_start3A_447 = tpu.memref_slice %arg4[%add3A_439, %dma_start3A_446] : memref<204800x128xf32, #tpu.memory_space<hbm>> -> memref<200x128xf32, #tpu.memory_space<hbm>>
    %dma_start3A_448 = tpu.memref_slice %arg8[%dma_start3A_441] : memref<4x!tpu.dma_semaphore, #tpu.memory_space<semaphore_mem>> -> memref<1x!tpu.dma_semaphore, #tpu.memory_space<semaphore_mem>>
    %dma_start3A_449 = tpu.memref_squeeze %dma_start3A_448 : memref<1x!tpu.dma_semaphore, #tpu.memory_space<semaphore_mem>> -> memref<!tpu.dma_semaphore, #tpu.memory_space<semaphore_mem>>
    %dma_start3A_450 = arith.constant 0 : i32
    %dma_start3A_451 = tpu.memref_slice %arg4[%add3A_439, %dma_start3A_450] : memref<204800x128xf32, #tpu.memory_space<hbm>> -> memref<200x128xf32, #tpu.memory_space<hbm>>
    %dma_start3A_452 = arith.constant 0 : i32
    %dma_start3A_453 = arith.constant 0 : i32
    %dma_start3A_454 = tpu.memref_slice %arg6[%dma_start3A_440, %dma_start3A_452, %dma_start3A_453] : memref<4x200x128xf32, #tpu.memory_space<vmem>> -> memref<1x200x128xf32, #tpu.memory_space<vmem>>
    %dma_start3A_455 = tpu.memref_squeeze %dma_start3A_454 : memref<1x200x128xf32, #tpu.memory_space<vmem>> -> memref<200x128xf32, #tpu.memory_space<vmem>>
    tpu.enqueue_dma source(%dma_start3A_455 : memref<200x128xf32, #tpu.memory_space<vmem>>) target(%dma_start3A_451 : memref<200x128xf32, #tpu.memory_space<hbm>>) target_semaphore(%dma_start3A_449 : memref<!tpu.dma_semaphore, #tpu.memory_space<semaphore_mem>>)
    %add3A_456 = arith.constant 1200 : i32
    %add3A_457 = arith.addi %mul3A_2, %add3A_456 : i32
    %dma_wait3A_458 = arith.constant 2 : i32
    %dma_wait3A_459 = arith.constant 2 : i32
    %dma_wait3A_460 = arith.constant 0 : i32
    %dma_wait3A_461 = arith.constant 0 : i32
    %dma_wait3A_462 = tpu.memref_slice %arg6[%dma_wait3A_458, %dma_wait3A_460, %dma_wait3A_461] : memref<4x200x128xf32, #tpu.memory_space<vmem>> -> memref<1x200x128xf32, #tpu.memory_space<vmem>>
    %dma_wait3A_463 = tpu.memref_squeeze %dma_wait3A_462 : memref<1x200x128xf32, #tpu.memory_space<vmem>> -> memref<200x128xf32, #tpu.memory_space<vmem>>
    %dma_wait3A_464 = arith.constant 0 : i32
    %dma_wait3A_465 = tpu.memref_slice %arg4[%add3A_457, %dma_wait3A_464] : memref<204800x128xf32, #tpu.memory_space<hbm>> -> memref<200x128xf32, #tpu.memory_space<hbm>>
    %dma_wait3A_466 = tpu.memref_slice %arg8[%dma_wait3A_459] : memref<4x!tpu.dma_semaphore, #tpu.memory_space<semaphore_mem>> -> memref<1x!tpu.dma_semaphore, #tpu.memory_space<semaphore_mem>>
    %dma_wait3A_467 = tpu.memref_squeeze %dma_wait3A_466 : memref<1x!tpu.dma_semaphore, #tpu.memory_space<semaphore_mem>> -> memref<!tpu.dma_semaphore, #tpu.memory_space<semaphore_mem>>
    %dma_wait3A_468 = arith.constant 0 : i32
    %dma_wait3A_469 = tpu.memref_slice %arg4[%add3A_457, %dma_wait3A_468] : memref<204800x128xf32, #tpu.memory_space<hbm>> -> memref<200x128xf32, #tpu.memory_space<hbm>>
    %dma_wait3A_470 = arith.constant 0 : i32
    %dma_wait3A_471 = arith.constant 0 : i32
    %dma_wait3A_472 = tpu.memref_slice %arg6[%dma_wait3A_458, %dma_wait3A_470, %dma_wait3A_471] : memref<4x200x128xf32, #tpu.memory_space<vmem>> -> memref<1x200x128xf32, #tpu.memory_space<vmem>>
    %dma_wait3A_473 = tpu.memref_squeeze %dma_wait3A_472 : memref<1x200x128xf32, #tpu.memory_space<vmem>> -> memref<200x128xf32, #tpu.memory_space<vmem>>
    tpu.wait_dma2 semaphore(%dma_wait3A_467 : memref<!tpu.dma_semaphore, #tpu.memory_space<semaphore_mem>>) src(%dma_wait3A_473 : memref<200x128xf32, #tpu.memory_space<vmem>>) dst(%dma_wait3A_469 : memref<200x128xf32, #tpu.memory_space<hbm>>)
    %dma_start3A_474 = arith.constant 2 : i32
    %dma_start3A_475 = arith.constant 2 : i32
    %dma_start3A_476 = arith.constant 0 : i32
    %dma_start3A_477 = arith.constant 0 : i32
    %dma_start3A_478 = tpu.memref_slice %arg6[%dma_start3A_474, %dma_start3A_476, %dma_start3A_477] : memref<4x200x128xf32, #tpu.memory_space<vmem>> -> memref<1x200x128xf32, #tpu.memory_space<vmem>>
    %dma_start3A_479 = tpu.memref_squeeze %dma_start3A_478 : memref<1x200x128xf32, #tpu.memory_space<vmem>> -> memref<200x128xf32, #tpu.memory_space<vmem>>
    %dma_start3A_480 = arith.constant 2000 : i32
    %dma_start3A_481 = tpu.memref_slice %arg5[%dma_start3A_480] : memref<6400xi32, #tpu.memory_space<vmem>> -> memref<200xi32, #tpu.memory_space<vmem>>
    %dma_start3A_482 = arith.constant 0 : i32
    %dma_start3A_483 = arith.constant 0 : i32
    %dma_start3A_484 = tpu.memref_slice %arg3[%dma_start3A_482, %dma_start3A_483] : memref<1000000x128xf32, #tpu.memory_space<hbm>> -> memref<1000000x128xf32, #tpu.memory_space<hbm>>
    %dma_start3A_485 = tpu.memref_slice %arg7[%dma_start3A_475] : memref<4x!tpu.dma_semaphore, #tpu.memory_space<semaphore_mem>> -> memref<1x!tpu.dma_semaphore, #tpu.memory_space<semaphore_mem>>
    %dma_start3A_486 = tpu.memref_squeeze %dma_start3A_485 : memref<1x!tpu.dma_semaphore, #tpu.memory_space<semaphore_mem>> -> memref<!tpu.dma_semaphore, #tpu.memory_space<semaphore_mem>>
    tpu.enqueue_indirect_dma source(%dma_start3A_484 : memref<1000000x128xf32, #tpu.memory_space<hbm>>) target(%dma_start3A_479 : memref<200x128xf32, #tpu.memory_space<vmem>>) offsets(%dma_start3A_481 : memref<200xi32, #tpu.memory_space<vmem>>) semaphore(%dma_start3A_486 : memref<!tpu.dma_semaphore, #tpu.memory_space<semaphore_mem>>)
    %dma_wait3A_487 = arith.constant 3 : i32
    %dma_wait3A_488 = arith.constant 3 : i32
    %dma_wait3A_489 = arith.constant 0 : i32
    %dma_wait3A_490 = arith.constant 0 : i32
    %dma_wait3A_491 = tpu.memref_slice %arg6[%dma_wait3A_487, %dma_wait3A_489, %dma_wait3A_490] : memref<4x200x128xf32, #tpu.memory_space<vmem>> -> memref<1x200x128xf32, #tpu.memory_space<vmem>>
    %dma_wait3A_492 = tpu.memref_squeeze %dma_wait3A_491 : memref<1x200x128xf32, #tpu.memory_space<vmem>> -> memref<200x128xf32, #tpu.memory_space<vmem>>
    %dma_wait3A_493 = arith.constant 1400 : i32
    %dma_wait3A_494 = tpu.memref_slice %arg5[%dma_wait3A_493] : memref<6400xi32, #tpu.memory_space<vmem>> -> memref<200xi32, #tpu.memory_space<vmem>>
    %dma_wait3A_495 = arith.constant 0 : i32
    %dma_wait3A_496 = arith.constant 0 : i32
    %dma_wait3A_497 = tpu.memref_slice %arg3[%dma_wait3A_495, %dma_wait3A_496] : memref<1000000x128xf32, #tpu.memory_space<hbm>> -> memref<1000000x128xf32, #tpu.memory_space<hbm>>
    %dma_wait3A_498 = tpu.memref_slice %arg7[%dma_wait3A_488] : memref<4x!tpu.dma_semaphore, #tpu.memory_space<semaphore_mem>> -> memref<1x!tpu.dma_semaphore, #tpu.memory_space<semaphore_mem>>
    %dma_wait3A_499 = tpu.memref_squeeze %dma_wait3A_498 : memref<1x!tpu.dma_semaphore, #tpu.memory_space<semaphore_mem>> -> memref<!tpu.dma_semaphore, #tpu.memory_space<semaphore_mem>>
    tpu.wait_indirect_dma semaphore(%dma_wait3A_499 : memref<!tpu.dma_semaphore, #tpu.memory_space<semaphore_mem>>) src(%dma_wait3A_497 : memref<1000000x128xf32, #tpu.memory_space<hbm>>) dst(%dma_wait3A_492 : memref<200x128xf32, #tpu.memory_space<vmem>>)
    %add3A_500 = arith.constant 1400 : i32
    %add3A_501 = arith.addi %mul3A_2, %add3A_500 : i32
    %dma_start3A_502 = arith.constant 3 : i32
    %dma_start3A_503 = arith.constant 3 : i32
    %dma_start3A_504 = arith.constant 0 : i32
    %dma_start3A_505 = arith.constant 0 : i32
    %dma_start3A_506 = tpu.memref_slice %arg6[%dma_start3A_502, %dma_start3A_504, %dma_start3A_505] : memref<4x200x128xf32, #tpu.memory_space<vmem>> -> memref<1x200x128xf32, #tpu.memory_space<vmem>>
    %dma_start3A_507 = tpu.memref_squeeze %dma_start3A_506 : memref<1x200x128xf32, #tpu.memory_space<vmem>> -> memref<200x128xf32, #tpu.memory_space<vmem>>
    %dma_start3A_508 = arith.constant 0 : i32
    %dma_start3A_509 = tpu.memref_slice %arg4[%add3A_501, %dma_start3A_508] : memref<204800x128xf32, #tpu.memory_space<hbm>> -> memref<200x128xf32, #tpu.memory_space<hbm>>
    %dma_start3A_510 = tpu.memref_slice %arg8[%dma_start3A_503] : memref<4x!tpu.dma_semaphore, #tpu.memory_space<semaphore_mem>> -> memref<1x!tpu.dma_semaphore, #tpu.memory_space<semaphore_mem>>
    %dma_start3A_511 = tpu.memref_squeeze %dma_start3A_510 : memref<1x!tpu.dma_semaphore, #tpu.memory_space<semaphore_mem>> -> memref<!tpu.dma_semaphore, #tpu.memory_space<semaphore_mem>>
    %dma_start3A_512 = arith.constant 0 : i32
    %dma_start3A_513 = tpu.memref_slice %arg4[%add3A_501, %dma_start3A_512] : memref<204800x128xf32, #tpu.memory_space<hbm>> -> memref<200x128xf32, #tpu.memory_space<hbm>>
    %dma_start3A_514 = arith.constant 0 : i32
    %dma_start3A_515 = arith.constant 0 : i32
    %dma_start3A_516 = tpu.memref_slice %arg6[%dma_start3A_502, %dma_start3A_514, %dma_start3A_515] : memref<4x200x128xf32, #tpu.memory_space<vmem>> -> memref<1x200x128xf32, #tpu.memory_space<vmem>>
    %dma_start3A_517 = tpu.memref_squeeze %dma_start3A_516 : memref<1x200x128xf32, #tpu.memory_space<vmem>> -> memref<200x128xf32, #tpu.memory_space<vmem>>
    tpu.enqueue_dma source(%dma_start3A_517 : memref<200x128xf32, #tpu.memory_space<vmem>>) target(%dma_start3A_513 : memref<200x128xf32, #tpu.memory_space<hbm>>) target_semaphore(%dma_start3A_511 : memref<!tpu.dma_semaphore, #tpu.memory_space<semaphore_mem>>)
    %add3A_518 = arith.constant 1400 : i32
    %add3A_519 = arith.addi %mul3A_2, %add3A_518 : i32
    %dma_wait3A_520 = arith.constant 3 : i32
    %dma_wait3A_521 = arith.constant 3 : i32
    %dma_wait3A_522 = arith.constant 0 : i32
    %dma_wait3A_523 = arith.constant 0 : i32
    %dma_wait3A_524 = tpu.memref_slice %arg6[%dma_wait3A_520, %dma_wait3A_522, %dma_wait3A_523] : memref<4x200x128xf32, #tpu.memory_space<vmem>> -> memref<1x200x128xf32, #tpu.memory_space<vmem>>
    %dma_wait3A_525 = tpu.memref_squeeze %dma_wait3A_524 : memref<1x200x128xf32, #tpu.memory_space<vmem>> -> memref<200x128xf32, #tpu.memory_space<vmem>>
    %dma_wait3A_526 = arith.constant 0 : i32
    %dma_wait3A_527 = tpu.memref_slice %arg4[%add3A_519, %dma_wait3A_526] : memref<204800x128xf32, #tpu.memory_space<hbm>> -> memref<200x128xf32, #tpu.memory_space<hbm>>
    %dma_wait3A_528 = tpu.memref_slice %arg8[%dma_wait3A_521] : memref<4x!tpu.dma_semaphore, #tpu.memory_space<semaphore_mem>> -> memref<1x!tpu.dma_semaphore, #tpu.memory_space<semaphore_mem>>
    %dma_wait3A_529 = tpu.memref_squeeze %dma_wait3A_528 : memref<1x!tpu.dma_semaphore, #tpu.memory_space<semaphore_mem>> -> memref<!tpu.dma_semaphore, #tpu.memory_space<semaphore_mem>>
    %dma_wait3A_530 = arith.constant 0 : i32
    %dma_wait3A_531 = tpu.memref_slice %arg4[%add3A_519, %dma_wait3A_530] : memref<204800x128xf32, #tpu.memory_space<hbm>> -> memref<200x128xf32, #tpu.memory_space<hbm>>
    %dma_wait3A_532 = arith.constant 0 : i32
    %dma_wait3A_533 = arith.constant 0 : i32
    %dma_wait3A_534 = tpu.memref_slice %arg6[%dma_wait3A_520, %dma_wait3A_532, %dma_wait3A_533] : memref<4x200x128xf32, #tpu.memory_space<vmem>> -> memref<1x200x128xf32, #tpu.memory_space<vmem>>
    %dma_wait3A_535 = tpu.memref_squeeze %dma_wait3A_534 : memref<1x200x128xf32, #tpu.memory_space<vmem>> -> memref<200x128xf32, #tpu.memory_space<vmem>>
    tpu.wait_dma2 semaphore(%dma_wait3A_529 : memref<!tpu.dma_semaphore, #tpu.memory_space<semaphore_mem>>) src(%dma_wait3A_535 : memref<200x128xf32, #tpu.memory_space<vmem>>) dst(%dma_wait3A_531 : memref<200x128xf32, #tpu.memory_space<hbm>>)
    %dma_start3A_536 = arith.constant 3 : i32
    %dma_start3A_537 = arith.constant 3 : i32
    %dma_start3A_538 = arith.constant 0 : i32
    %dma_start3A_539 = arith.constant 0 : i32
    %dma_start3A_540 = tpu.memref_slice %arg6[%dma_start3A_536, %dma_start3A_538, %dma_start3A_539] : memref<4x200x128xf32, #tpu.memory_space<vmem>> -> memref<1x200x128xf32, #tpu.memory_space<vmem>>
    %dma_start3A_541 = tpu.memref_squeeze %dma_start3A_540 : memref<1x200x128xf32, #tpu.memory_space<vmem>> -> memref<200x128xf32, #tpu.memory_space<vmem>>
    %dma_start3A_542 = arith.constant 2200 : i32
    %dma_start3A_543 = tpu.memref_slice %arg5[%dma_start3A_542] : memref<6400xi32, #tpu.memory_space<vmem>> -> memref<200xi32, #tpu.memory_space<vmem>>
    %dma_start3A_544 = arith.constant 0 : i32
    %dma_start3A_545 = arith.constant 0 : i32
    %dma_start3A_546 = tpu.memref_slice %arg3[%dma_start3A_544, %dma_start3A_545] : memref<1000000x128xf32, #tpu.memory_space<hbm>> -> memref<1000000x128xf32, #tpu.memory_space<hbm>>
    %dma_start3A_547 = tpu.memref_slice %arg7[%dma_start3A_537] : memref<4x!tpu.dma_semaphore, #tpu.memory_space<semaphore_mem>> -> memref<1x!tpu.dma_semaphore, #tpu.memory_space<semaphore_mem>>
    %dma_start3A_548 = tpu.memref_squeeze %dma_start3A_547 : memref<1x!tpu.dma_semaphore, #tpu.memory_space<semaphore_mem>> -> memref<!tpu.dma_semaphore, #tpu.memory_space<semaphore_mem>>
    tpu.enqueue_indirect_dma source(%dma_start3A_546 : memref<1000000x128xf32, #tpu.memory_space<hbm>>) target(%dma_start3A_541 : memref<200x128xf32, #tpu.memory_space<vmem>>) offsets(%dma_start3A_543 : memref<200xi32, #tpu.memory_space<vmem>>) semaphore(%dma_start3A_548 : memref<!tpu.dma_semaphore, #tpu.memory_space<semaphore_mem>>)
    %dma_wait3A_549 = arith.constant 0 : i32
    %dma_wait3A_550 = arith.constant 0 : i32
    %dma_wait3A_551 = arith.constant 0 : i32
    %dma_wait3A_552 = arith.constant 0 : i32
    %dma_wait3A_553 = tpu.memref_slice %arg6[%dma_wait3A_549, %dma_wait3A_551, %dma_wait3A_552] : memref<4x200x128xf32, #tpu.memory_space<vmem>> -> memref<1x200x128xf32, #tpu.memory_space<vmem>>
    %dma_wait3A_554 = tpu.memref_squeeze %dma_wait3A_553 : memref<1x200x128xf32, #tpu.memory_space<vmem>> -> memref<200x128xf32, #tpu.memory_space<vmem>>
    %dma_wait3A_555 = arith.constant 1600 : i32
    %dma_wait3A_556 = tpu.memref_slice %arg5[%dma_wait3A_555] : memref<6400xi32, #tpu.memory_space<vmem>> -> memref<200xi32, #tpu.memory_space<vmem>>
    %dma_wait3A_557 = arith.constant 0 : i32
    %dma_wait3A_558 = arith.constant 0 : i32
    %dma_wait3A_559 = tpu.memref_slice %arg3[%dma_wait3A_557, %dma_wait3A_558] : memref<1000000x128xf32, #tpu.memory_space<hbm>> -> memref<1000000x128xf32, #tpu.memory_space<hbm>>
    %dma_wait3A_560 = tpu.memref_slice %arg7[%dma_wait3A_550] : memref<4x!tpu.dma_semaphore, #tpu.memory_space<semaphore_mem>> -> memref<1x!tpu.dma_semaphore, #tpu.memory_space<semaphore_mem>>
    %dma_wait3A_561 = tpu.memref_squeeze %dma_wait3A_560 : memref<1x!tpu.dma_semaphore, #tpu.memory_space<semaphore_mem>> -> memref<!tpu.dma_semaphore, #tpu.memory_space<semaphore_mem>>
    tpu.wait_indirect_dma semaphore(%dma_wait3A_561 : memref<!tpu.dma_semaphore, #tpu.memory_space<semaphore_mem>>) src(%dma_wait3A_559 : memref<1000000x128xf32, #tpu.memory_space<hbm>>) dst(%dma_wait3A_554 : memref<200x128xf32, #tpu.memory_space<vmem>>)
    %add3A_562 = arith.constant 1600 : i32
    %add3A_563 = arith.addi %mul3A_2, %add3A_562 : i32
    %dma_start3A_564 = arith.constant 0 : i32
    %dma_start3A_565 = arith.constant 0 : i32
    %dma_start3A_566 = arith.constant 0 : i32
    %dma_start3A_567 = arith.constant 0 : i32
    %dma_start3A_568 = tpu.memref_slice %arg6[%dma_start3A_564, %dma_start3A_566, %dma_start3A_567] : memref<4x200x128xf32, #tpu.memory_space<vmem>> -> memref<1x200x128xf32, #tpu.memory_space<vmem>>
    %dma_start3A_569 = tpu.memref_squeeze %dma_start3A_568 : memref<1x200x128xf32, #tpu.memory_space<vmem>> -> memref<200x128xf32, #tpu.memory_space<vmem>>
    %dma_start3A_570 = arith.constant 0 : i32
    %dma_start3A_571 = tpu.memref_slice %arg4[%add3A_563, %dma_start3A_570] : memref<204800x128xf32, #tpu.memory_space<hbm>> -> memref<200x128xf32, #tpu.memory_space<hbm>>
    %dma_start3A_572 = tpu.memref_slice %arg8[%dma_start3A_565] : memref<4x!tpu.dma_semaphore, #tpu.memory_space<semaphore_mem>> -> memref<1x!tpu.dma_semaphore, #tpu.memory_space<semaphore_mem>>
    %dma_start3A_573 = tpu.memref_squeeze %dma_start3A_572 : memref<1x!tpu.dma_semaphore, #tpu.memory_space<semaphore_mem>> -> memref<!tpu.dma_semaphore, #tpu.memory_space<semaphore_mem>>
    %dma_start3A_574 = arith.constant 0 : i32
    %dma_start3A_575 = tpu.memref_slice %arg4[%add3A_563, %dma_start3A_574] : memref<204800x128xf32, #tpu.memory_space<hbm>> -> memref<200x128xf32, #tpu.memory_space<hbm>>
    %dma_start3A_576 = arith.constant 0 : i32
    %dma_start3A_577 = arith.constant 0 : i32
    %dma_start3A_578 = tpu.memref_slice %arg6[%dma_start3A_564, %dma_start3A_576, %dma_start3A_577] : memref<4x200x128xf32, #tpu.memory_space<vmem>> -> memref<1x200x128xf32, #tpu.memory_space<vmem>>
    %dma_start3A_579 = tpu.memref_squeeze %dma_start3A_578 : memref<1x200x128xf32, #tpu.memory_space<vmem>> -> memref<200x128xf32, #tpu.memory_space<vmem>>
    tpu.enqueue_dma source(%dma_start3A_579 : memref<200x128xf32, #tpu.memory_space<vmem>>) target(%dma_start3A_575 : memref<200x128xf32, #tpu.memory_space<hbm>>) target_semaphore(%dma_start3A_573 : memref<!tpu.dma_semaphore, #tpu.memory_space<semaphore_mem>>)
    %add3A_580 = arith.constant 1600 : i32
    %add3A_581 = arith.addi %mul3A_2, %add3A_580 : i32
    %dma_wait3A_582 = arith.constant 0 : i32
    %dma_wait3A_583 = arith.constant 0 : i32
    %dma_wait3A_584 = arith.constant 0 : i32
    %dma_wait3A_585 = arith.constant 0 : i32
    %dma_wait3A_586 = tpu.memref_slice %arg6[%dma_wait3A_582, %dma_wait3A_584, %dma_wait3A_585] : memref<4x200x128xf32, #tpu.memory_space<vmem>> -> memref<1x200x128xf32, #tpu.memory_space<vmem>>
    %dma_wait3A_587 = tpu.memref_squeeze %dma_wait3A_586 : memref<1x200x128xf32, #tpu.memory_space<vmem>> -> memref<200x128xf32, #tpu.memory_space<vmem>>
    %dma_wait3A_588 = arith.constant 0 : i32
    %dma_wait3A_589 = tpu.memref_slice %arg4[%add3A_581, %dma_wait3A_588] : memref<204800x128xf32, #tpu.memory_space<hbm>> -> memref<200x128xf32, #tpu.memory_space<hbm>>
    %dma_wait3A_590 = tpu.memref_slice %arg8[%dma_wait3A_583] : memref<4x!tpu.dma_semaphore, #tpu.memory_space<semaphore_mem>> -> memref<1x!tpu.dma_semaphore, #tpu.memory_space<semaphore_mem>>
    %dma_wait3A_591 = tpu.memref_squeeze %dma_wait3A_590 : memref<1x!tpu.dma_semaphore, #tpu.memory_space<semaphore_mem>> -> memref<!tpu.dma_semaphore, #tpu.memory_space<semaphore_mem>>
    %dma_wait3A_592 = arith.constant 0 : i32
    %dma_wait3A_593 = tpu.memref_slice %arg4[%add3A_581, %dma_wait3A_592] : memref<204800x128xf32, #tpu.memory_space<hbm>> -> memref<200x128xf32, #tpu.memory_space<hbm>>
    %dma_wait3A_594 = arith.constant 0 : i32
    %dma_wait3A_595 = arith.constant 0 : i32
    %dma_wait3A_596 = tpu.memref_slice %arg6[%dma_wait3A_582, %dma_wait3A_594, %dma_wait3A_595] : memref<4x200x128xf32, #tpu.memory_space<vmem>> -> memref<1x200x128xf32, #tpu.memory_space<vmem>>
    %dma_wait3A_597 = tpu.memref_squeeze %dma_wait3A_596 : memref<1x200x128xf32, #tpu.memory_space<vmem>> -> memref<200x128xf32, #tpu.memory_space<vmem>>
    tpu.wait_dma2 semaphore(%dma_wait3A_591 : memref<!tpu.dma_semaphore, #tpu.memory_space<semaphore_mem>>) src(%dma_wait3A_597 : memref<200x128xf32, #tpu.memory_space<vmem>>) dst(%dma_wait3A_593 : memref<200x128xf32, #tpu.memory_space<hbm>>)
    %dma_start3A_598 = arith.constant 0 : i32
    %dma_start3A_599 = arith.constant 0 : i32
    %dma_start3A_600 = arith.constant 0 : i32
    %dma_start3A_601 = arith.constant 0 : i32
    %dma_start3A_602 = tpu.memref_slice %arg6[%dma_start3A_598, %dma_start3A_600, %dma_start3A_601] : memref<4x200x128xf32, #tpu.memory_space<vmem>> -> memref<1x200x128xf32, #tpu.memory_space<vmem>>
    %dma_start3A_603 = tpu.memref_squeeze %dma_start3A_602 : memref<1x200x128xf32, #tpu.memory_space<vmem>> -> memref<200x128xf32, #tpu.memory_space<vmem>>
    %dma_start3A_604 = arith.constant 2400 : i32
    %dma_start3A_605 = tpu.memref_slice %arg5[%dma_start3A_604] : memref<6400xi32, #tpu.memory_space<vmem>> -> memref<200xi32, #tpu.memory_space<vmem>>
    %dma_start3A_606 = arith.constant 0 : i32
    %dma_start3A_607 = arith.constant 0 : i32
    %dma_start3A_608 = tpu.memref_slice %arg3[%dma_start3A_606, %dma_start3A_607] : memref<1000000x128xf32, #tpu.memory_space<hbm>> -> memref<1000000x128xf32, #tpu.memory_space<hbm>>
    %dma_start3A_609 = tpu.memref_slice %arg7[%dma_start3A_599] : memref<4x!tpu.dma_semaphore, #tpu.memory_space<semaphore_mem>> -> memref<1x!tpu.dma_semaphore, #tpu.memory_space<semaphore_mem>>
    %dma_start3A_610 = tpu.memref_squeeze %dma_start3A_609 : memref<1x!tpu.dma_semaphore, #tpu.memory_space<semaphore_mem>> -> memref<!tpu.dma_semaphore, #tpu.memory_space<semaphore_mem>>
    tpu.enqueue_indirect_dma source(%dma_start3A_608 : memref<1000000x128xf32, #tpu.memory_space<hbm>>) target(%dma_start3A_603 : memref<200x128xf32, #tpu.memory_space<vmem>>) offsets(%dma_start3A_605 : memref<200xi32, #tpu.memory_space<vmem>>) semaphore(%dma_start3A_610 : memref<!tpu.dma_semaphore, #tpu.memory_space<semaphore_mem>>)
    %dma_wait3A_611 = arith.constant 1 : i32
    %dma_wait3A_612 = arith.constant 1 : i32
    %dma_wait3A_613 = arith.constant 0 : i32
    %dma_wait3A_614 = arith.constant 0 : i32
    %dma_wait3A_615 = tpu.memref_slice %arg6[%dma_wait3A_611, %dma_wait3A_613, %dma_wait3A_614] : memref<4x200x128xf32, #tpu.memory_space<vmem>> -> memref<1x200x128xf32, #tpu.memory_space<vmem>>
    %dma_wait3A_616 = tpu.memref_squeeze %dma_wait3A_615 : memref<1x200x128xf32, #tpu.memory_space<vmem>> -> memref<200x128xf32, #tpu.memory_space<vmem>>
    %dma_wait3A_617 = arith.constant 1800 : i32
    %dma_wait3A_618 = tpu.memref_slice %arg5[%dma_wait3A_617] : memref<6400xi32, #tpu.memory_space<vmem>> -> memref<200xi32, #tpu.memory_space<vmem>>
    %dma_wait3A_619 = arith.constant 0 : i32
    %dma_wait3A_620 = arith.constant 0 : i32
    %dma_wait3A_621 = tpu.memref_slice %arg3[%dma_wait3A_619, %dma_wait3A_620] : memref<1000000x128xf32, #tpu.memory_space<hbm>> -> memref<1000000x128xf32, #tpu.memory_space<hbm>>
    %dma_wait3A_622 = tpu.memref_slice %arg7[%dma_wait3A_612] : memref<4x!tpu.dma_semaphore, #tpu.memory_space<semaphore_mem>> -> memref<1x!tpu.dma_semaphore, #tpu.memory_space<semaphore_mem>>
    %dma_wait3A_623 = tpu.memref_squeeze %dma_wait3A_622 : memref<1x!tpu.dma_semaphore, #tpu.memory_space<semaphore_mem>> -> memref<!tpu.dma_semaphore, #tpu.memory_space<semaphore_mem>>
    tpu.wait_indirect_dma semaphore(%dma_wait3A_623 : memref<!tpu.dma_semaphore, #tpu.memory_space<semaphore_mem>>) src(%dma_wait3A_621 : memref<1000000x128xf32, #tpu.memory_space<hbm>>) dst(%dma_wait3A_616 : memref<200x128xf32, #tpu.memory_space<vmem>>)
    %add3A_624 = arith.constant 1800 : i32
    %add3A_625 = arith.addi %mul3A_2, %add3A_624 : i32
    %dma_start3A_626 = arith.constant 1 : i32
    %dma_start3A_627 = arith.constant 1 : i32
    %dma_start3A_628 = arith.constant 0 : i32
    %dma_start3A_629 = arith.constant 0 : i32
    %dma_start3A_630 = tpu.memref_slice %arg6[%dma_start3A_626, %dma_start3A_628, %dma_start3A_629] : memref<4x200x128xf32, #tpu.memory_space<vmem>> -> memref<1x200x128xf32, #tpu.memory_space<vmem>>
    %dma_start3A_631 = tpu.memref_squeeze %dma_start3A_630 : memref<1x200x128xf32, #tpu.memory_space<vmem>> -> memref<200x128xf32, #tpu.memory_space<vmem>>
    %dma_start3A_632 = arith.constant 0 : i32
    %dma_start3A_633 = tpu.memref_slice %arg4[%add3A_625, %dma_start3A_632] : memref<204800x128xf32, #tpu.memory_space<hbm>> -> memref<200x128xf32, #tpu.memory_space<hbm>>
    %dma_start3A_634 = tpu.memref_slice %arg8[%dma_start3A_627] : memref<4x!tpu.dma_semaphore, #tpu.memory_space<semaphore_mem>> -> memref<1x!tpu.dma_semaphore, #tpu.memory_space<semaphore_mem>>
    %dma_start3A_635 = tpu.memref_squeeze %dma_start3A_634 : memref<1x!tpu.dma_semaphore, #tpu.memory_space<semaphore_mem>> -> memref<!tpu.dma_semaphore, #tpu.memory_space<semaphore_mem>>
    %dma_start3A_636 = arith.constant 0 : i32
    %dma_start3A_637 = tpu.memref_slice %arg4[%add3A_625, %dma_start3A_636] : memref<204800x128xf32, #tpu.memory_space<hbm>> -> memref<200x128xf32, #tpu.memory_space<hbm>>
    %dma_start3A_638 = arith.constant 0 : i32
    %dma_start3A_639 = arith.constant 0 : i32
    %dma_start3A_640 = tpu.memref_slice %arg6[%dma_start3A_626, %dma_start3A_638, %dma_start3A_639] : memref<4x200x128xf32, #tpu.memory_space<vmem>> -> memref<1x200x128xf32, #tpu.memory_space<vmem>>
    %dma_start3A_641 = tpu.memref_squeeze %dma_start3A_640 : memref<1x200x128xf32, #tpu.memory_space<vmem>> -> memref<200x128xf32, #tpu.memory_space<vmem>>
    tpu.enqueue_dma source(%dma_start3A_641 : memref<200x128xf32, #tpu.memory_space<vmem>>) target(%dma_start3A_637 : memref<200x128xf32, #tpu.memory_space<hbm>>) target_semaphore(%dma_start3A_635 : memref<!tpu.dma_semaphore, #tpu.memory_space<semaphore_mem>>)
    %add3A_642 = arith.constant 1800 : i32
    %add3A_643 = arith.addi %mul3A_2, %add3A_642 : i32
    %dma_wait3A_644 = arith.constant 1 : i32
    %dma_wait3A_645 = arith.constant 1 : i32
    %dma_wait3A_646 = arith.constant 0 : i32
    %dma_wait3A_647 = arith.constant 0 : i32
    %dma_wait3A_648 = tpu.memref_slice %arg6[%dma_wait3A_644, %dma_wait3A_646, %dma_wait3A_647] : memref<4x200x128xf32, #tpu.memory_space<vmem>> -> memref<1x200x128xf32, #tpu.memory_space<vmem>>
    %dma_wait3A_649 = tpu.memref_squeeze %dma_wait3A_648 : memref<1x200x128xf32, #tpu.memory_space<vmem>> -> memref<200x128xf32, #tpu.memory_space<vmem>>
    %dma_wait3A_650 = arith.constant 0 : i32
    %dma_wait3A_651 = tpu.memref_slice %arg4[%add3A_643, %dma_wait3A_650] : memref<204800x128xf32, #tpu.memory_space<hbm>> -> memref<200x128xf32, #tpu.memory_space<hbm>>
    %dma_wait3A_652 = tpu.memref_slice %arg8[%dma_wait3A_645] : memref<4x!tpu.dma_semaphore, #tpu.memory_space<semaphore_mem>> -> memref<1x!tpu.dma_semaphore, #tpu.memory_space<semaphore_mem>>
    %dma_wait3A_653 = tpu.memref_squeeze %dma_wait3A_652 : memref<1x!tpu.dma_semaphore, #tpu.memory_space<semaphore_mem>> -> memref<!tpu.dma_semaphore, #tpu.memory_space<semaphore_mem>>
    %dma_wait3A_654 = arith.constant 0 : i32
    %dma_wait3A_655 = tpu.memref_slice %arg4[%add3A_643, %dma_wait3A_654] : memref<204800x128xf32, #tpu.memory_space<hbm>> -> memref<200x128xf32, #tpu.memory_space<hbm>>
    %dma_wait3A_656 = arith.constant 0 : i32
    %dma_wait3A_657 = arith.constant 0 : i32
    %dma_wait3A_658 = tpu.memref_slice %arg6[%dma_wait3A_644, %dma_wait3A_656, %dma_wait3A_657] : memref<4x200x128xf32, #tpu.memory_space<vmem>> -> memref<1x200x128xf32, #tpu.memory_space<vmem>>
    %dma_wait3A_659 = tpu.memref_squeeze %dma_wait3A_658 : memref<1x200x128xf32, #tpu.memory_space<vmem>> -> memref<200x128xf32, #tpu.memory_space<vmem>>
    tpu.wait_dma2 semaphore(%dma_wait3A_653 : memref<!tpu.dma_semaphore, #tpu.memory_space<semaphore_mem>>) src(%dma_wait3A_659 : memref<200x128xf32, #tpu.memory_space<vmem>>) dst(%dma_wait3A_655 : memref<200x128xf32, #tpu.memory_space<hbm>>)
    %dma_start3A_660 = arith.constant 1 : i32
    %dma_start3A_661 = arith.constant 1 : i32
    %dma_start3A_662 = arith.constant 0 : i32
    %dma_start3A_663 = arith.constant 0 : i32
    %dma_start3A_664 = tpu.memref_slice %arg6[%dma_start3A_660, %dma_start3A_662, %dma_start3A_663] : memref<4x200x128xf32, #tpu.memory_space<vmem>> -> memref<1x200x128xf32, #tpu.memory_space<vmem>>
    %dma_start3A_665 = tpu.memref_squeeze %dma_start3A_664 : memref<1x200x128xf32, #tpu.memory_space<vmem>> -> memref<200x128xf32, #tpu.memory_space<vmem>>
    %dma_start3A_666 = arith.constant 2600 : i32
    %dma_start3A_667 = tpu.memref_slice %arg5[%dma_start3A_666] : memref<6400xi32, #tpu.memory_space<vmem>> -> memref<200xi32, #tpu.memory_space<vmem>>
    %dma_start3A_668 = arith.constant 0 : i32
    %dma_start3A_669 = arith.constant 0 : i32
    %dma_start3A_670 = tpu.memref_slice %arg3[%dma_start3A_668, %dma_start3A_669] : memref<1000000x128xf32, #tpu.memory_space<hbm>> -> memref<1000000x128xf32, #tpu.memory_space<hbm>>
    %dma_start3A_671 = tpu.memref_slice %arg7[%dma_start3A_661] : memref<4x!tpu.dma_semaphore, #tpu.memory_space<semaphore_mem>> -> memref<1x!tpu.dma_semaphore, #tpu.memory_space<semaphore_mem>>
    %dma_start3A_672 = tpu.memref_squeeze %dma_start3A_671 : memref<1x!tpu.dma_semaphore, #tpu.memory_space<semaphore_mem>> -> memref<!tpu.dma_semaphore, #tpu.memory_space<semaphore_mem>>
    tpu.enqueue_indirect_dma source(%dma_start3A_670 : memref<1000000x128xf32, #tpu.memory_space<hbm>>) target(%dma_start3A_665 : memref<200x128xf32, #tpu.memory_space<vmem>>) offsets(%dma_start3A_667 : memref<200xi32, #tpu.memory_space<vmem>>) semaphore(%dma_start3A_672 : memref<!tpu.dma_semaphore, #tpu.memory_space<semaphore_mem>>)
    %dma_wait3A_673 = arith.constant 2 : i32
    %dma_wait3A_674 = arith.constant 2 : i32
    %dma_wait3A_675 = arith.constant 0 : i32
    %dma_wait3A_676 = arith.constant 0 : i32
    %dma_wait3A_677 = tpu.memref_slice %arg6[%dma_wait3A_673, %dma_wait3A_675, %dma_wait3A_676] : memref<4x200x128xf32, #tpu.memory_space<vmem>> -> memref<1x200x128xf32, #tpu.memory_space<vmem>>
    %dma_wait3A_678 = tpu.memref_squeeze %dma_wait3A_677 : memref<1x200x128xf32, #tpu.memory_space<vmem>> -> memref<200x128xf32, #tpu.memory_space<vmem>>
    %dma_wait3A_679 = arith.constant 2000 : i32
    %dma_wait3A_680 = tpu.memref_slice %arg5[%dma_wait3A_679] : memref<6400xi32, #tpu.memory_space<vmem>> -> memref<200xi32, #tpu.memory_space<vmem>>
    %dma_wait3A_681 = arith.constant 0 : i32
    %dma_wait3A_682 = arith.constant 0 : i32
    %dma_wait3A_683 = tpu.memref_slice %arg3[%dma_wait3A_681, %dma_wait3A_682] : memref<1000000x128xf32, #tpu.memory_space<hbm>> -> memref<1000000x128xf32, #tpu.memory_space<hbm>>
    %dma_wait3A_684 = tpu.memref_slice %arg7[%dma_wait3A_674] : memref<4x!tpu.dma_semaphore, #tpu.memory_space<semaphore_mem>> -> memref<1x!tpu.dma_semaphore, #tpu.memory_space<semaphore_mem>>
    %dma_wait3A_685 = tpu.memref_squeeze %dma_wait3A_684 : memref<1x!tpu.dma_semaphore, #tpu.memory_space<semaphore_mem>> -> memref<!tpu.dma_semaphore, #tpu.memory_space<semaphore_mem>>
    tpu.wait_indirect_dma semaphore(%dma_wait3A_685 : memref<!tpu.dma_semaphore, #tpu.memory_space<semaphore_mem>>) src(%dma_wait3A_683 : memref<1000000x128xf32, #tpu.memory_space<hbm>>) dst(%dma_wait3A_678 : memref<200x128xf32, #tpu.memory_space<vmem>>)
    %add3A_686 = arith.constant 2000 : i32
    %add3A_687 = arith.addi %mul3A_2, %add3A_686 : i32
    %dma_start3A_688 = arith.constant 2 : i32
    %dma_start3A_689 = arith.constant 2 : i32
    %dma_start3A_690 = arith.constant 0 : i32
    %dma_start3A_691 = arith.constant 0 : i32
    %dma_start3A_692 = tpu.memref_slice %arg6[%dma_start3A_688, %dma_start3A_690, %dma_start3A_691] : memref<4x200x128xf32, #tpu.memory_space<vmem>> -> memref<1x200x128xf32, #tpu.memory_space<vmem>>
    %dma_start3A_693 = tpu.memref_squeeze %dma_start3A_692 : memref<1x200x128xf32, #tpu.memory_space<vmem>> -> memref<200x128xf32, #tpu.memory_space<vmem>>
    %dma_start3A_694 = arith.constant 0 : i32
    %dma_start3A_695 = tpu.memref_slice %arg4[%add3A_687, %dma_start3A_694] : memref<204800x128xf32, #tpu.memory_space<hbm>> -> memref<200x128xf32, #tpu.memory_space<hbm>>
    %dma_start3A_696 = tpu.memref_slice %arg8[%dma_start3A_689] : memref<4x!tpu.dma_semaphore, #tpu.memory_space<semaphore_mem>> -> memref<1x!tpu.dma_semaphore, #tpu.memory_space<semaphore_mem>>
    %dma_start3A_697 = tpu.memref_squeeze %dma_start3A_696 : memref<1x!tpu.dma_semaphore, #tpu.memory_space<semaphore_mem>> -> memref<!tpu.dma_semaphore, #tpu.memory_space<semaphore_mem>>
    %dma_start3A_698 = arith.constant 0 : i32
    %dma_start3A_699 = tpu.memref_slice %arg4[%add3A_687, %dma_start3A_698] : memref<204800x128xf32, #tpu.memory_space<hbm>> -> memref<200x128xf32, #tpu.memory_space<hbm>>
    %dma_start3A_700 = arith.constant 0 : i32
    %dma_start3A_701 = arith.constant 0 : i32
    %dma_start3A_702 = tpu.memref_slice %arg6[%dma_start3A_688, %dma_start3A_700, %dma_start3A_701] : memref<4x200x128xf32, #tpu.memory_space<vmem>> -> memref<1x200x128xf32, #tpu.memory_space<vmem>>
    %dma_start3A_703 = tpu.memref_squeeze %dma_start3A_702 : memref<1x200x128xf32, #tpu.memory_space<vmem>> -> memref<200x128xf32, #tpu.memory_space<vmem>>
    tpu.enqueue_dma source(%dma_start3A_703 : memref<200x128xf32, #tpu.memory_space<vmem>>) target(%dma_start3A_699 : memref<200x128xf32, #tpu.memory_space<hbm>>) target_semaphore(%dma_start3A_697 : memref<!tpu.dma_semaphore, #tpu.memory_space<semaphore_mem>>)
    %add3A_704 = arith.constant 2000 : i32
    %add3A_705 = arith.addi %mul3A_2, %add3A_704 : i32
    %dma_wait3A_706 = arith.constant 2 : i32
    %dma_wait3A_707 = arith.constant 2 : i32
    %dma_wait3A_708 = arith.constant 0 : i32
    %dma_wait3A_709 = arith.constant 0 : i32
    %dma_wait3A_710 = tpu.memref_slice %arg6[%dma_wait3A_706, %dma_wait3A_708, %dma_wait3A_709] : memref<4x200x128xf32, #tpu.memory_space<vmem>> -> memref<1x200x128xf32, #tpu.memory_space<vmem>>
    %dma_wait3A_711 = tpu.memref_squeeze %dma_wait3A_710 : memref<1x200x128xf32, #tpu.memory_space<vmem>> -> memref<200x128xf32, #tpu.memory_space<vmem>>
    %dma_wait3A_712 = arith.constant 0 : i32
    %dma_wait3A_713 = tpu.memref_slice %arg4[%add3A_705, %dma_wait3A_712] : memref<204800x128xf32, #tpu.memory_space<hbm>> -> memref<200x128xf32, #tpu.memory_space<hbm>>
    %dma_wait3A_714 = tpu.memref_slice %arg8[%dma_wait3A_707] : memref<4x!tpu.dma_semaphore, #tpu.memory_space<semaphore_mem>> -> memref<1x!tpu.dma_semaphore, #tpu.memory_space<semaphore_mem>>
    %dma_wait3A_715 = tpu.memref_squeeze %dma_wait3A_714 : memref<1x!tpu.dma_semaphore, #tpu.memory_space<semaphore_mem>> -> memref<!tpu.dma_semaphore, #tpu.memory_space<semaphore_mem>>
    %dma_wait3A_716 = arith.constant 0 : i32
    %dma_wait3A_717 = tpu.memref_slice %arg4[%add3A_705, %dma_wait3A_716] : memref<204800x128xf32, #tpu.memory_space<hbm>> -> memref<200x128xf32, #tpu.memory_space<hbm>>
    %dma_wait3A_718 = arith.constant 0 : i32
    %dma_wait3A_719 = arith.constant 0 : i32
    %dma_wait3A_720 = tpu.memref_slice %arg6[%dma_wait3A_706, %dma_wait3A_718, %dma_wait3A_719] : memref<4x200x128xf32, #tpu.memory_space<vmem>> -> memref<1x200x128xf32, #tpu.memory_space<vmem>>
    %dma_wait3A_721 = tpu.memref_squeeze %dma_wait3A_720 : memref<1x200x128xf32, #tpu.memory_space<vmem>> -> memref<200x128xf32, #tpu.memory_space<vmem>>
    tpu.wait_dma2 semaphore(%dma_wait3A_715 : memref<!tpu.dma_semaphore, #tpu.memory_space<semaphore_mem>>) src(%dma_wait3A_721 : memref<200x128xf32, #tpu.memory_space<vmem>>) dst(%dma_wait3A_717 : memref<200x128xf32, #tpu.memory_space<hbm>>)
    %dma_start3A_722 = arith.constant 2 : i32
    %dma_start3A_723 = arith.constant 2 : i32
    %dma_start3A_724 = arith.constant 0 : i32
    %dma_start3A_725 = arith.constant 0 : i32
    %dma_start3A_726 = tpu.memref_slice %arg6[%dma_start3A_722, %dma_start3A_724, %dma_start3A_725] : memref<4x200x128xf32, #tpu.memory_space<vmem>> -> memref<1x200x128xf32, #tpu.memory_space<vmem>>
    %dma_start3A_727 = tpu.memref_squeeze %dma_start3A_726 : memref<1x200x128xf32, #tpu.memory_space<vmem>> -> memref<200x128xf32, #tpu.memory_space<vmem>>
    %dma_start3A_728 = arith.constant 2800 : i32
    %dma_start3A_729 = tpu.memref_slice %arg5[%dma_start3A_728] : memref<6400xi32, #tpu.memory_space<vmem>> -> memref<200xi32, #tpu.memory_space<vmem>>
    %dma_start3A_730 = arith.constant 0 : i32
    %dma_start3A_731 = arith.constant 0 : i32
    %dma_start3A_732 = tpu.memref_slice %arg3[%dma_start3A_730, %dma_start3A_731] : memref<1000000x128xf32, #tpu.memory_space<hbm>> -> memref<1000000x128xf32, #tpu.memory_space<hbm>>
    %dma_start3A_733 = tpu.memref_slice %arg7[%dma_start3A_723] : memref<4x!tpu.dma_semaphore, #tpu.memory_space<semaphore_mem>> -> memref<1x!tpu.dma_semaphore, #tpu.memory_space<semaphore_mem>>
    %dma_start3A_734 = tpu.memref_squeeze %dma_start3A_733 : memref<1x!tpu.dma_semaphore, #tpu.memory_space<semaphore_mem>> -> memref<!tpu.dma_semaphore, #tpu.memory_space<semaphore_mem>>
    tpu.enqueue_indirect_dma source(%dma_start3A_732 : memref<1000000x128xf32, #tpu.memory_space<hbm>>) target(%dma_start3A_727 : memref<200x128xf32, #tpu.memory_space<vmem>>) offsets(%dma_start3A_729 : memref<200xi32, #tpu.memory_space<vmem>>) semaphore(%dma_start3A_734 : memref<!tpu.dma_semaphore, #tpu.memory_space<semaphore_mem>>)
    %dma_wait3A_735 = arith.constant 3 : i32
    %dma_wait3A_736 = arith.constant 3 : i32
    %dma_wait3A_737 = arith.constant 0 : i32
    %dma_wait3A_738 = arith.constant 0 : i32
    %dma_wait3A_739 = tpu.memref_slice %arg6[%dma_wait3A_735, %dma_wait3A_737, %dma_wait3A_738] : memref<4x200x128xf32, #tpu.memory_space<vmem>> -> memref<1x200x128xf32, #tpu.memory_space<vmem>>
    %dma_wait3A_740 = tpu.memref_squeeze %dma_wait3A_739 : memref<1x200x128xf32, #tpu.memory_space<vmem>> -> memref<200x128xf32, #tpu.memory_space<vmem>>
    %dma_wait3A_741 = arith.constant 2200 : i32
    %dma_wait3A_742 = tpu.memref_slice %arg5[%dma_wait3A_741] : memref<6400xi32, #tpu.memory_space<vmem>> -> memref<200xi32, #tpu.memory_space<vmem>>
    %dma_wait3A_743 = arith.constant 0 : i32
    %dma_wait3A_744 = arith.constant 0 : i32
    %dma_wait3A_745 = tpu.memref_slice %arg3[%dma_wait3A_743, %dma_wait3A_744] : memref<1000000x128xf32, #tpu.memory_space<hbm>> -> memref<1000000x128xf32, #tpu.memory_space<hbm>>
    %dma_wait3A_746 = tpu.memref_slice %arg7[%dma_wait3A_736] : memref<4x!tpu.dma_semaphore, #tpu.memory_space<semaphore_mem>> -> memref<1x!tpu.dma_semaphore, #tpu.memory_space<semaphore_mem>>
    %dma_wait3A_747 = tpu.memref_squeeze %dma_wait3A_746 : memref<1x!tpu.dma_semaphore, #tpu.memory_space<semaphore_mem>> -> memref<!tpu.dma_semaphore, #tpu.memory_space<semaphore_mem>>
    tpu.wait_indirect_dma semaphore(%dma_wait3A_747 : memref<!tpu.dma_semaphore, #tpu.memory_space<semaphore_mem>>) src(%dma_wait3A_745 : memref<1000000x128xf32, #tpu.memory_space<hbm>>) dst(%dma_wait3A_740 : memref<200x128xf32, #tpu.memory_space<vmem>>)
    %add3A_748 = arith.constant 2200 : i32
    %add3A_749 = arith.addi %mul3A_2, %add3A_748 : i32
    %dma_start3A_750 = arith.constant 3 : i32
    %dma_start3A_751 = arith.constant 3 : i32
    %dma_start3A_752 = arith.constant 0 : i32
    %dma_start3A_753 = arith.constant 0 : i32
    %dma_start3A_754 = tpu.memref_slice %arg6[%dma_start3A_750, %dma_start3A_752, %dma_start3A_753] : memref<4x200x128xf32, #tpu.memory_space<vmem>> -> memref<1x200x128xf32, #tpu.memory_space<vmem>>
    %dma_start3A_755 = tpu.memref_squeeze %dma_start3A_754 : memref<1x200x128xf32, #tpu.memory_space<vmem>> -> memref<200x128xf32, #tpu.memory_space<vmem>>
    %dma_start3A_756 = arith.constant 0 : i32
    %dma_start3A_757 = tpu.memref_slice %arg4[%add3A_749, %dma_start3A_756] : memref<204800x128xf32, #tpu.memory_space<hbm>> -> memref<200x128xf32, #tpu.memory_space<hbm>>
    %dma_start3A_758 = tpu.memref_slice %arg8[%dma_start3A_751] : memref<4x!tpu.dma_semaphore, #tpu.memory_space<semaphore_mem>> -> memref<1x!tpu.dma_semaphore, #tpu.memory_space<semaphore_mem>>
    %dma_start3A_759 = tpu.memref_squeeze %dma_start3A_758 : memref<1x!tpu.dma_semaphore, #tpu.memory_space<semaphore_mem>> -> memref<!tpu.dma_semaphore, #tpu.memory_space<semaphore_mem>>
    %dma_start3A_760 = arith.constant 0 : i32
    %dma_start3A_761 = tpu.memref_slice %arg4[%add3A_749, %dma_start3A_760] : memref<204800x128xf32, #tpu.memory_space<hbm>> -> memref<200x128xf32, #tpu.memory_space<hbm>>
    %dma_start3A_762 = arith.constant 0 : i32
    %dma_start3A_763 = arith.constant 0 : i32
    %dma_start3A_764 = tpu.memref_slice %arg6[%dma_start3A_750, %dma_start3A_762, %dma_start3A_763] : memref<4x200x128xf32, #tpu.memory_space<vmem>> -> memref<1x200x128xf32, #tpu.memory_space<vmem>>
    %dma_start3A_765 = tpu.memref_squeeze %dma_start3A_764 : memref<1x200x128xf32, #tpu.memory_space<vmem>> -> memref<200x128xf32, #tpu.memory_space<vmem>>
    tpu.enqueue_dma source(%dma_start3A_765 : memref<200x128xf32, #tpu.memory_space<vmem>>) target(%dma_start3A_761 : memref<200x128xf32, #tpu.memory_space<hbm>>) target_semaphore(%dma_start3A_759 : memref<!tpu.dma_semaphore, #tpu.memory_space<semaphore_mem>>)
    %add3A_766 = arith.constant 2200 : i32
    %add3A_767 = arith.addi %mul3A_2, %add3A_766 : i32
    %dma_wait3A_768 = arith.constant 3 : i32
    %dma_wait3A_769 = arith.constant 3 : i32
    %dma_wait3A_770 = arith.constant 0 : i32
    %dma_wait3A_771 = arith.constant 0 : i32
    %dma_wait3A_772 = tpu.memref_slice %arg6[%dma_wait3A_768, %dma_wait3A_770, %dma_wait3A_771] : memref<4x200x128xf32, #tpu.memory_space<vmem>> -> memref<1x200x128xf32, #tpu.memory_space<vmem>>
    %dma_wait3A_773 = tpu.memref_squeeze %dma_wait3A_772 : memref<1x200x128xf32, #tpu.memory_space<vmem>> -> memref<200x128xf32, #tpu.memory_space<vmem>>
    %dma_wait3A_774 = arith.constant 0 : i32
    %dma_wait3A_775 = tpu.memref_slice %arg4[%add3A_767, %dma_wait3A_774] : memref<204800x128xf32, #tpu.memory_space<hbm>> -> memref<200x128xf32, #tpu.memory_space<hbm>>
    %dma_wait3A_776 = tpu.memref_slice %arg8[%dma_wait3A_769] : memref<4x!tpu.dma_semaphore, #tpu.memory_space<semaphore_mem>> -> memref<1x!tpu.dma_semaphore, #tpu.memory_space<semaphore_mem>>
    %dma_wait3A_777 = tpu.memref_squeeze %dma_wait3A_776 : memref<1x!tpu.dma_semaphore, #tpu.memory_space<semaphore_mem>> -> memref<!tpu.dma_semaphore, #tpu.memory_space<semaphore_mem>>
    %dma_wait3A_778 = arith.constant 0 : i32
    %dma_wait3A_779 = tpu.memref_slice %arg4[%add3A_767, %dma_wait3A_778] : memref<204800x128xf32, #tpu.memory_space<hbm>> -> memref<200x128xf32, #tpu.memory_space<hbm>>
    %dma_wait3A_780 = arith.constant 0 : i32
    %dma_wait3A_781 = arith.constant 0 : i32
    %dma_wait3A_782 = tpu.memref_slice %arg6[%dma_wait3A_768, %dma_wait3A_780, %dma_wait3A_781] : memref<4x200x128xf32, #tpu.memory_space<vmem>> -> memref<1x200x128xf32, #tpu.memory_space<vmem>>
    %dma_wait3A_783 = tpu.memref_squeeze %dma_wait3A_782 : memref<1x200x128xf32, #tpu.memory_space<vmem>> -> memref<200x128xf32, #tpu.memory_space<vmem>>
    tpu.wait_dma2 semaphore(%dma_wait3A_777 : memref<!tpu.dma_semaphore, #tpu.memory_space<semaphore_mem>>) src(%dma_wait3A_783 : memref<200x128xf32, #tpu.memory_space<vmem>>) dst(%dma_wait3A_779 : memref<200x128xf32, #tpu.memory_space<hbm>>)
    %dma_start3A_784 = arith.constant 3 : i32
    %dma_start3A_785 = arith.constant 3 : i32
    %dma_start3A_786 = arith.constant 0 : i32
    %dma_start3A_787 = arith.constant 0 : i32
    %dma_start3A_788 = tpu.memref_slice %arg6[%dma_start3A_784, %dma_start3A_786, %dma_start3A_787] : memref<4x200x128xf32, #tpu.memory_space<vmem>> -> memref<1x200x128xf32, #tpu.memory_space<vmem>>
    %dma_start3A_789 = tpu.memref_squeeze %dma_start3A_788 : memref<1x200x128xf32, #tpu.memory_space<vmem>> -> memref<200x128xf32, #tpu.memory_space<vmem>>
    %dma_start3A_790 = arith.constant 3000 : i32
    %dma_start3A_791 = tpu.memref_slice %arg5[%dma_start3A_790] : memref<6400xi32, #tpu.memory_space<vmem>> -> memref<200xi32, #tpu.memory_space<vmem>>
    %dma_start3A_792 = arith.constant 0 : i32
    %dma_start3A_793 = arith.constant 0 : i32
    %dma_start3A_794 = tpu.memref_slice %arg3[%dma_start3A_792, %dma_start3A_793] : memref<1000000x128xf32, #tpu.memory_space<hbm>> -> memref<1000000x128xf32, #tpu.memory_space<hbm>>
    %dma_start3A_795 = tpu.memref_slice %arg7[%dma_start3A_785] : memref<4x!tpu.dma_semaphore, #tpu.memory_space<semaphore_mem>> -> memref<1x!tpu.dma_semaphore, #tpu.memory_space<semaphore_mem>>
    %dma_start3A_796 = tpu.memref_squeeze %dma_start3A_795 : memref<1x!tpu.dma_semaphore, #tpu.memory_space<semaphore_mem>> -> memref<!tpu.dma_semaphore, #tpu.memory_space<semaphore_mem>>
    tpu.enqueue_indirect_dma source(%dma_start3A_794 : memref<1000000x128xf32, #tpu.memory_space<hbm>>) target(%dma_start3A_789 : memref<200x128xf32, #tpu.memory_space<vmem>>) offsets(%dma_start3A_791 : memref<200xi32, #tpu.memory_space<vmem>>) semaphore(%dma_start3A_796 : memref<!tpu.dma_semaphore, #tpu.memory_space<semaphore_mem>>)
    %dma_wait3A_797 = arith.constant 0 : i32
    %dma_wait3A_798 = arith.constant 0 : i32
    %dma_wait3A_799 = arith.constant 0 : i32
    %dma_wait3A_800 = arith.constant 0 : i32
    %dma_wait3A_801 = tpu.memref_slice %arg6[%dma_wait3A_797, %dma_wait3A_799, %dma_wait3A_800] : memref<4x200x128xf32, #tpu.memory_space<vmem>> -> memref<1x200x128xf32, #tpu.memory_space<vmem>>
    %dma_wait3A_802 = tpu.memref_squeeze %dma_wait3A_801 : memref<1x200x128xf32, #tpu.memory_space<vmem>> -> memref<200x128xf32, #tpu.memory_space<vmem>>
    %dma_wait3A_803 = arith.constant 2400 : i32
    %dma_wait3A_804 = tpu.memref_slice %arg5[%dma_wait3A_803] : memref<6400xi32, #tpu.memory_space<vmem>> -> memref<200xi32, #tpu.memory_space<vmem>>
    %dma_wait3A_805 = arith.constant 0 : i32
    %dma_wait3A_806 = arith.constant 0 : i32
    %dma_wait3A_807 = tpu.memref_slice %arg3[%dma_wait3A_805, %dma_wait3A_806] : memref<1000000x128xf32, #tpu.memory_space<hbm>> -> memref<1000000x128xf32, #tpu.memory_space<hbm>>
    %dma_wait3A_808 = tpu.memref_slice %arg7[%dma_wait3A_798] : memref<4x!tpu.dma_semaphore, #tpu.memory_space<semaphore_mem>> -> memref<1x!tpu.dma_semaphore, #tpu.memory_space<semaphore_mem>>
    %dma_wait3A_809 = tpu.memref_squeeze %dma_wait3A_808 : memref<1x!tpu.dma_semaphore, #tpu.memory_space<semaphore_mem>> -> memref<!tpu.dma_semaphore, #tpu.memory_space<semaphore_mem>>
    tpu.wait_indirect_dma semaphore(%dma_wait3A_809 : memref<!tpu.dma_semaphore, #tpu.memory_space<semaphore_mem>>) src(%dma_wait3A_807 : memref<1000000x128xf32, #tpu.memory_space<hbm>>) dst(%dma_wait3A_802 : memref<200x128xf32, #tpu.memory_space<vmem>>)
    %add3A_810 = arith.constant 2400 : i32
    %add3A_811 = arith.addi %mul3A_2, %add3A_810 : i32
    %dma_start3A_812 = arith.constant 0 : i32
    %dma_start3A_813 = arith.constant 0 : i32
    %dma_start3A_814 = arith.constant 0 : i32
    %dma_start3A_815 = arith.constant 0 : i32
    %dma_start3A_816 = tpu.memref_slice %arg6[%dma_start3A_812, %dma_start3A_814, %dma_start3A_815] : memref<4x200x128xf32, #tpu.memory_space<vmem>> -> memref<1x200x128xf32, #tpu.memory_space<vmem>>
    %dma_start3A_817 = tpu.memref_squeeze %dma_start3A_816 : memref<1x200x128xf32, #tpu.memory_space<vmem>> -> memref<200x128xf32, #tpu.memory_space<vmem>>
    %dma_start3A_818 = arith.constant 0 : i32
    %dma_start3A_819 = tpu.memref_slice %arg4[%add3A_811, %dma_start3A_818] : memref<204800x128xf32, #tpu.memory_space<hbm>> -> memref<200x128xf32, #tpu.memory_space<hbm>>
    %dma_start3A_820 = tpu.memref_slice %arg8[%dma_start3A_813] : memref<4x!tpu.dma_semaphore, #tpu.memory_space<semaphore_mem>> -> memref<1x!tpu.dma_semaphore, #tpu.memory_space<semaphore_mem>>
    %dma_start3A_821 = tpu.memref_squeeze %dma_start3A_820 : memref<1x!tpu.dma_semaphore, #tpu.memory_space<semaphore_mem>> -> memref<!tpu.dma_semaphore, #tpu.memory_space<semaphore_mem>>
    %dma_start3A_822 = arith.constant 0 : i32
    %dma_start3A_823 = tpu.memref_slice %arg4[%add3A_811, %dma_start3A_822] : memref<204800x128xf32, #tpu.memory_space<hbm>> -> memref<200x128xf32, #tpu.memory_space<hbm>>
    %dma_start3A_824 = arith.constant 0 : i32
    %dma_start3A_825 = arith.constant 0 : i32
    %dma_start3A_826 = tpu.memref_slice %arg6[%dma_start3A_812, %dma_start3A_824, %dma_start3A_825] : memref<4x200x128xf32, #tpu.memory_space<vmem>> -> memref<1x200x128xf32, #tpu.memory_space<vmem>>
    %dma_start3A_827 = tpu.memref_squeeze %dma_start3A_826 : memref<1x200x128xf32, #tpu.memory_space<vmem>> -> memref<200x128xf32, #tpu.memory_space<vmem>>
    tpu.enqueue_dma source(%dma_start3A_827 : memref<200x128xf32, #tpu.memory_space<vmem>>) target(%dma_start3A_823 : memref<200x128xf32, #tpu.memory_space<hbm>>) target_semaphore(%dma_start3A_821 : memref<!tpu.dma_semaphore, #tpu.memory_space<semaphore_mem>>)
    %add3A_828 = arith.constant 2400 : i32
    %add3A_829 = arith.addi %mul3A_2, %add3A_828 : i32
    %dma_wait3A_830 = arith.constant 0 : i32
    %dma_wait3A_831 = arith.constant 0 : i32
    %dma_wait3A_832 = arith.constant 0 : i32
    %dma_wait3A_833 = arith.constant 0 : i32
    %dma_wait3A_834 = tpu.memref_slice %arg6[%dma_wait3A_830, %dma_wait3A_832, %dma_wait3A_833] : memref<4x200x128xf32, #tpu.memory_space<vmem>> -> memref<1x200x128xf32, #tpu.memory_space<vmem>>
    %dma_wait3A_835 = tpu.memref_squeeze %dma_wait3A_834 : memref<1x200x128xf32, #tpu.memory_space<vmem>> -> memref<200x128xf32, #tpu.memory_space<vmem>>
    %dma_wait3A_836 = arith.constant 0 : i32
    %dma_wait3A_837 = tpu.memref_slice %arg4[%add3A_829, %dma_wait3A_836] : memref<204800x128xf32, #tpu.memory_space<hbm>> -> memref<200x128xf32, #tpu.memory_space<hbm>>
    %dma_wait3A_838 = tpu.memref_slice %arg8[%dma_wait3A_831] : memref<4x!tpu.dma_semaphore, #tpu.memory_space<semaphore_mem>> -> memref<1x!tpu.dma_semaphore, #tpu.memory_space<semaphore_mem>>
    %dma_wait3A_839 = tpu.memref_squeeze %dma_wait3A_838 : memref<1x!tpu.dma_semaphore, #tpu.memory_space<semaphore_mem>> -> memref<!tpu.dma_semaphore, #tpu.memory_space<semaphore_mem>>
    %dma_wait3A_840 = arith.constant 0 : i32
    %dma_wait3A_841 = tpu.memref_slice %arg4[%add3A_829, %dma_wait3A_840] : memref<204800x128xf32, #tpu.memory_space<hbm>> -> memref<200x128xf32, #tpu.memory_space<hbm>>
    %dma_wait3A_842 = arith.constant 0 : i32
    %dma_wait3A_843 = arith.constant 0 : i32
    %dma_wait3A_844 = tpu.memref_slice %arg6[%dma_wait3A_830, %dma_wait3A_842, %dma_wait3A_843] : memref<4x200x128xf32, #tpu.memory_space<vmem>> -> memref<1x200x128xf32, #tpu.memory_space<vmem>>
    %dma_wait3A_845 = tpu.memref_squeeze %dma_wait3A_844 : memref<1x200x128xf32, #tpu.memory_space<vmem>> -> memref<200x128xf32, #tpu.memory_space<vmem>>
    tpu.wait_dma2 semaphore(%dma_wait3A_839 : memref<!tpu.dma_semaphore, #tpu.memory_space<semaphore_mem>>) src(%dma_wait3A_845 : memref<200x128xf32, #tpu.memory_space<vmem>>) dst(%dma_wait3A_841 : memref<200x128xf32, #tpu.memory_space<hbm>>)
    %dma_start3A_846 = arith.constant 0 : i32
    %dma_start3A_847 = arith.constant 0 : i32
    %dma_start3A_848 = arith.constant 0 : i32
    %dma_start3A_849 = arith.constant 0 : i32
    %dma_start3A_850 = tpu.memref_slice %arg6[%dma_start3A_846, %dma_start3A_848, %dma_start3A_849] : memref<4x200x128xf32, #tpu.memory_space<vmem>> -> memref<1x200x128xf32, #tpu.memory_space<vmem>>
    %dma_start3A_851 = tpu.memref_squeeze %dma_start3A_850 : memref<1x200x128xf32, #tpu.memory_space<vmem>> -> memref<200x128xf32, #tpu.memory_space<vmem>>
    %dma_start3A_852 = arith.constant 3200 : i32
    %dma_start3A_853 = tpu.memref_slice %arg5[%dma_start3A_852] : memref<6400xi32, #tpu.memory_space<vmem>> -> memref<200xi32, #tpu.memory_space<vmem>>
    %dma_start3A_854 = arith.constant 0 : i32
    %dma_start3A_855 = arith.constant 0 : i32
    %dma_start3A_856 = tpu.memref_slice %arg3[%dma_start3A_854, %dma_start3A_855] : memref<1000000x128xf32, #tpu.memory_space<hbm>> -> memref<1000000x128xf32, #tpu.memory_space<hbm>>
    %dma_start3A_857 = tpu.memref_slice %arg7[%dma_start3A_847] : memref<4x!tpu.dma_semaphore, #tpu.memory_space<semaphore_mem>> -> memref<1x!tpu.dma_semaphore, #tpu.memory_space<semaphore_mem>>
    %dma_start3A_858 = tpu.memref_squeeze %dma_start3A_857 : memref<1x!tpu.dma_semaphore, #tpu.memory_space<semaphore_mem>> -> memref<!tpu.dma_semaphore, #tpu.memory_space<semaphore_mem>>
    tpu.enqueue_indirect_dma source(%dma_start3A_856 : memref<1000000x128xf32, #tpu.memory_space<hbm>>) target(%dma_start3A_851 : memref<200x128xf32, #tpu.memory_space<vmem>>) offsets(%dma_start3A_853 : memref<200xi32, #tpu.memory_space<vmem>>) semaphore(%dma_start3A_858 : memref<!tpu.dma_semaphore, #tpu.memory_space<semaphore_mem>>)
    %dma_wait3A_859 = arith.constant 1 : i32
    %dma_wait3A_860 = arith.constant 1 : i32
    %dma_wait3A_861 = arith.constant 0 : i32
    %dma_wait3A_862 = arith.constant 0 : i32
    %dma_wait3A_863 = tpu.memref_slice %arg6[%dma_wait3A_859, %dma_wait3A_861, %dma_wait3A_862] : memref<4x200x128xf32, #tpu.memory_space<vmem>> -> memref<1x200x128xf32, #tpu.memory_space<vmem>>
    %dma_wait3A_864 = tpu.memref_squeeze %dma_wait3A_863 : memref<1x200x128xf32, #tpu.memory_space<vmem>> -> memref<200x128xf32, #tpu.memory_space<vmem>>
    %dma_wait3A_865 = arith.constant 2600 : i32
    %dma_wait3A_866 = tpu.memref_slice %arg5[%dma_wait3A_865] : memref<6400xi32, #tpu.memory_space<vmem>> -> memref<200xi32, #tpu.memory_space<vmem>>
    %dma_wait3A_867 = arith.constant 0 : i32
    %dma_wait3A_868 = arith.constant 0 : i32
    %dma_wait3A_869 = tpu.memref_slice %arg3[%dma_wait3A_867, %dma_wait3A_868] : memref<1000000x128xf32, #tpu.memory_space<hbm>> -> memref<1000000x128xf32, #tpu.memory_space<hbm>>
    %dma_wait3A_870 = tpu.memref_slice %arg7[%dma_wait3A_860] : memref<4x!tpu.dma_semaphore, #tpu.memory_space<semaphore_mem>> -> memref<1x!tpu.dma_semaphore, #tpu.memory_space<semaphore_mem>>
    %dma_wait3A_871 = tpu.memref_squeeze %dma_wait3A_870 : memref<1x!tpu.dma_semaphore, #tpu.memory_space<semaphore_mem>> -> memref<!tpu.dma_semaphore, #tpu.memory_space<semaphore_mem>>
    tpu.wait_indirect_dma semaphore(%dma_wait3A_871 : memref<!tpu.dma_semaphore, #tpu.memory_space<semaphore_mem>>) src(%dma_wait3A_869 : memref<1000000x128xf32, #tpu.memory_space<hbm>>) dst(%dma_wait3A_864 : memref<200x128xf32, #tpu.memory_space<vmem>>)
    %add3A_872 = arith.constant 2600 : i32
    %add3A_873 = arith.addi %mul3A_2, %add3A_872 : i32
    %dma_start3A_874 = arith.constant 1 : i32
    %dma_start3A_875 = arith.constant 1 : i32
    %dma_start3A_876 = arith.constant 0 : i32
    %dma_start3A_877 = arith.constant 0 : i32
    %dma_start3A_878 = tpu.memref_slice %arg6[%dma_start3A_874, %dma_start3A_876, %dma_start3A_877] : memref<4x200x128xf32, #tpu.memory_space<vmem>> -> memref<1x200x128xf32, #tpu.memory_space<vmem>>
    %dma_start3A_879 = tpu.memref_squeeze %dma_start3A_878 : memref<1x200x128xf32, #tpu.memory_space<vmem>> -> memref<200x128xf32, #tpu.memory_space<vmem>>
    %dma_start3A_880 = arith.constant 0 : i32
    %dma_start3A_881 = tpu.memref_slice %arg4[%add3A_873, %dma_start3A_880] : memref<204800x128xf32, #tpu.memory_space<hbm>> -> memref<200x128xf32, #tpu.memory_space<hbm>>
    %dma_start3A_882 = tpu.memref_slice %arg8[%dma_start3A_875] : memref<4x!tpu.dma_semaphore, #tpu.memory_space<semaphore_mem>> -> memref<1x!tpu.dma_semaphore, #tpu.memory_space<semaphore_mem>>
    %dma_start3A_883 = tpu.memref_squeeze %dma_start3A_882 : memref<1x!tpu.dma_semaphore, #tpu.memory_space<semaphore_mem>> -> memref<!tpu.dma_semaphore, #tpu.memory_space<semaphore_mem>>
    %dma_start3A_884 = arith.constant 0 : i32
    %dma_start3A_885 = tpu.memref_slice %arg4[%add3A_873, %dma_start3A_884] : memref<204800x128xf32, #tpu.memory_space<hbm>> -> memref<200x128xf32, #tpu.memory_space<hbm>>
    %dma_start3A_886 = arith.constant 0 : i32
    %dma_start3A_887 = arith.constant 0 : i32
    %dma_start3A_888 = tpu.memref_slice %arg6[%dma_start3A_874, %dma_start3A_886, %dma_start3A_887] : memref<4x200x128xf32, #tpu.memory_space<vmem>> -> memref<1x200x128xf32, #tpu.memory_space<vmem>>
    %dma_start3A_889 = tpu.memref_squeeze %dma_start3A_888 : memref<1x200x128xf32, #tpu.memory_space<vmem>> -> memref<200x128xf32, #tpu.memory_space<vmem>>
    tpu.enqueue_dma source(%dma_start3A_889 : memref<200x128xf32, #tpu.memory_space<vmem>>) target(%dma_start3A_885 : memref<200x128xf32, #tpu.memory_space<hbm>>) target_semaphore(%dma_start3A_883 : memref<!tpu.dma_semaphore, #tpu.memory_space<semaphore_mem>>)
    %add3A_890 = arith.constant 2600 : i32
    %add3A_891 = arith.addi %mul3A_2, %add3A_890 : i32
    %dma_wait3A_892 = arith.constant 1 : i32
    %dma_wait3A_893 = arith.constant 1 : i32
    %dma_wait3A_894 = arith.constant 0 : i32
    %dma_wait3A_895 = arith.constant 0 : i32
    %dma_wait3A_896 = tpu.memref_slice %arg6[%dma_wait3A_892, %dma_wait3A_894, %dma_wait3A_895] : memref<4x200x128xf32, #tpu.memory_space<vmem>> -> memref<1x200x128xf32, #tpu.memory_space<vmem>>
    %dma_wait3A_897 = tpu.memref_squeeze %dma_wait3A_896 : memref<1x200x128xf32, #tpu.memory_space<vmem>> -> memref<200x128xf32, #tpu.memory_space<vmem>>
    %dma_wait3A_898 = arith.constant 0 : i32
    %dma_wait3A_899 = tpu.memref_slice %arg4[%add3A_891, %dma_wait3A_898] : memref<204800x128xf32, #tpu.memory_space<hbm>> -> memref<200x128xf32, #tpu.memory_space<hbm>>
    %dma_wait3A_900 = tpu.memref_slice %arg8[%dma_wait3A_893] : memref<4x!tpu.dma_semaphore, #tpu.memory_space<semaphore_mem>> -> memref<1x!tpu.dma_semaphore, #tpu.memory_space<semaphore_mem>>
    %dma_wait3A_901 = tpu.memref_squeeze %dma_wait3A_900 : memref<1x!tpu.dma_semaphore, #tpu.memory_space<semaphore_mem>> -> memref<!tpu.dma_semaphore, #tpu.memory_space<semaphore_mem>>
    %dma_wait3A_902 = arith.constant 0 : i32
    %dma_wait3A_903 = tpu.memref_slice %arg4[%add3A_891, %dma_wait3A_902] : memref<204800x128xf32, #tpu.memory_space<hbm>> -> memref<200x128xf32, #tpu.memory_space<hbm>>
    %dma_wait3A_904 = arith.constant 0 : i32
    %dma_wait3A_905 = arith.constant 0 : i32
    %dma_wait3A_906 = tpu.memref_slice %arg6[%dma_wait3A_892, %dma_wait3A_904, %dma_wait3A_905] : memref<4x200x128xf32, #tpu.memory_space<vmem>> -> memref<1x200x128xf32, #tpu.memory_space<vmem>>
    %dma_wait3A_907 = tpu.memref_squeeze %dma_wait3A_906 : memref<1x200x128xf32, #tpu.memory_space<vmem>> -> memref<200x128xf32, #tpu.memory_space<vmem>>
    tpu.wait_dma2 semaphore(%dma_wait3A_901 : memref<!tpu.dma_semaphore, #tpu.memory_space<semaphore_mem>>) src(%dma_wait3A_907 : memref<200x128xf32, #tpu.memory_space<vmem>>) dst(%dma_wait3A_903 : memref<200x128xf32, #tpu.memory_space<hbm>>)
    %dma_start3A_908 = arith.constant 1 : i32
    %dma_start3A_909 = arith.constant 1 : i32
    %dma_start3A_910 = arith.constant 0 : i32
    %dma_start3A_911 = arith.constant 0 : i32
    %dma_start3A_912 = tpu.memref_slice %arg6[%dma_start3A_908, %dma_start3A_910, %dma_start3A_911] : memref<4x200x128xf32, #tpu.memory_space<vmem>> -> memref<1x200x128xf32, #tpu.memory_space<vmem>>
    %dma_start3A_913 = tpu.memref_squeeze %dma_start3A_912 : memref<1x200x128xf32, #tpu.memory_space<vmem>> -> memref<200x128xf32, #tpu.memory_space<vmem>>
    %dma_start3A_914 = arith.constant 3400 : i32
    %dma_start3A_915 = tpu.memref_slice %arg5[%dma_start3A_914] : memref<6400xi32, #tpu.memory_space<vmem>> -> memref<200xi32, #tpu.memory_space<vmem>>
    %dma_start3A_916 = arith.constant 0 : i32
    %dma_start3A_917 = arith.constant 0 : i32
    %dma_start3A_918 = tpu.memref_slice %arg3[%dma_start3A_916, %dma_start3A_917] : memref<1000000x128xf32, #tpu.memory_space<hbm>> -> memref<1000000x128xf32, #tpu.memory_space<hbm>>
    %dma_start3A_919 = tpu.memref_slice %arg7[%dma_start3A_909] : memref<4x!tpu.dma_semaphore, #tpu.memory_space<semaphore_mem>> -> memref<1x!tpu.dma_semaphore, #tpu.memory_space<semaphore_mem>>
    %dma_start3A_920 = tpu.memref_squeeze %dma_start3A_919 : memref<1x!tpu.dma_semaphore, #tpu.memory_space<semaphore_mem>> -> memref<!tpu.dma_semaphore, #tpu.memory_space<semaphore_mem>>
    tpu.enqueue_indirect_dma source(%dma_start3A_918 : memref<1000000x128xf32, #tpu.memory_space<hbm>>) target(%dma_start3A_913 : memref<200x128xf32, #tpu.memory_space<vmem>>) offsets(%dma_start3A_915 : memref<200xi32, #tpu.memory_space<vmem>>) semaphore(%dma_start3A_920 : memref<!tpu.dma_semaphore, #tpu.memory_space<semaphore_mem>>)
    %dma_wait3A_921 = arith.constant 2 : i32
    %dma_wait3A_922 = arith.constant 2 : i32
    %dma_wait3A_923 = arith.constant 0 : i32
    %dma_wait3A_924 = arith.constant 0 : i32
    %dma_wait3A_925 = tpu.memref_slice %arg6[%dma_wait3A_921, %dma_wait3A_923, %dma_wait3A_924] : memref<4x200x128xf32, #tpu.memory_space<vmem>> -> memref<1x200x128xf32, #tpu.memory_space<vmem>>
    %dma_wait3A_926 = tpu.memref_squeeze %dma_wait3A_925 : memref<1x200x128xf32, #tpu.memory_space<vmem>> -> memref<200x128xf32, #tpu.memory_space<vmem>>
    %dma_wait3A_927 = arith.constant 2800 : i32
    %dma_wait3A_928 = tpu.memref_slice %arg5[%dma_wait3A_927] : memref<6400xi32, #tpu.memory_space<vmem>> -> memref<200xi32, #tpu.memory_space<vmem>>
    %dma_wait3A_929 = arith.constant 0 : i32
    %dma_wait3A_930 = arith.constant 0 : i32
    %dma_wait3A_931 = tpu.memref_slice %arg3[%dma_wait3A_929, %dma_wait3A_930] : memref<1000000x128xf32, #tpu.memory_space<hbm>> -> memref<1000000x128xf32, #tpu.memory_space<hbm>>
    %dma_wait3A_932 = tpu.memref_slice %arg7[%dma_wait3A_922] : memref<4x!tpu.dma_semaphore, #tpu.memory_space<semaphore_mem>> -> memref<1x!tpu.dma_semaphore, #tpu.memory_space<semaphore_mem>>
    %dma_wait3A_933 = tpu.memref_squeeze %dma_wait3A_932 : memref<1x!tpu.dma_semaphore, #tpu.memory_space<semaphore_mem>> -> memref<!tpu.dma_semaphore, #tpu.memory_space<semaphore_mem>>
    tpu.wait_indirect_dma semaphore(%dma_wait3A_933 : memref<!tpu.dma_semaphore, #tpu.memory_space<semaphore_mem>>) src(%dma_wait3A_931 : memref<1000000x128xf32, #tpu.memory_space<hbm>>) dst(%dma_wait3A_926 : memref<200x128xf32, #tpu.memory_space<vmem>>)
    %add3A_934 = arith.constant 2800 : i32
    %add3A_935 = arith.addi %mul3A_2, %add3A_934 : i32
    %dma_start3A_936 = arith.constant 2 : i32
    %dma_start3A_937 = arith.constant 2 : i32
    %dma_start3A_938 = arith.constant 0 : i32
    %dma_start3A_939 = arith.constant 0 : i32
    %dma_start3A_940 = tpu.memref_slice %arg6[%dma_start3A_936, %dma_start3A_938, %dma_start3A_939] : memref<4x200x128xf32, #tpu.memory_space<vmem>> -> memref<1x200x128xf32, #tpu.memory_space<vmem>>
    %dma_start3A_941 = tpu.memref_squeeze %dma_start3A_940 : memref<1x200x128xf32, #tpu.memory_space<vmem>> -> memref<200x128xf32, #tpu.memory_space<vmem>>
    %dma_start3A_942 = arith.constant 0 : i32
    %dma_start3A_943 = tpu.memref_slice %arg4[%add3A_935, %dma_start3A_942] : memref<204800x128xf32, #tpu.memory_space<hbm>> -> memref<200x128xf32, #tpu.memory_space<hbm>>
    %dma_start3A_944 = tpu.memref_slice %arg8[%dma_start3A_937] : memref<4x!tpu.dma_semaphore, #tpu.memory_space<semaphore_mem>> -> memref<1x!tpu.dma_semaphore, #tpu.memory_space<semaphore_mem>>
    %dma_start3A_945 = tpu.memref_squeeze %dma_start3A_944 : memref<1x!tpu.dma_semaphore, #tpu.memory_space<semaphore_mem>> -> memref<!tpu.dma_semaphore, #tpu.memory_space<semaphore_mem>>
    %dma_start3A_946 = arith.constant 0 : i32
    %dma_start3A_947 = tpu.memref_slice %arg4[%add3A_935, %dma_start3A_946] : memref<204800x128xf32, #tpu.memory_space<hbm>> -> memref<200x128xf32, #tpu.memory_space<hbm>>
    %dma_start3A_948 = arith.constant 0 : i32
    %dma_start3A_949 = arith.constant 0 : i32
    %dma_start3A_950 = tpu.memref_slice %arg6[%dma_start3A_936, %dma_start3A_948, %dma_start3A_949] : memref<4x200x128xf32, #tpu.memory_space<vmem>> -> memref<1x200x128xf32, #tpu.memory_space<vmem>>
    %dma_start3A_951 = tpu.memref_squeeze %dma_start3A_950 : memref<1x200x128xf32, #tpu.memory_space<vmem>> -> memref<200x128xf32, #tpu.memory_space<vmem>>
    tpu.enqueue_dma source(%dma_start3A_951 : memref<200x128xf32, #tpu.memory_space<vmem>>) target(%dma_start3A_947 : memref<200x128xf32, #tpu.memory_space<hbm>>) target_semaphore(%dma_start3A_945 : memref<!tpu.dma_semaphore, #tpu.memory_space<semaphore_mem>>)
    %add3A_952 = arith.constant 2800 : i32
    %add3A_953 = arith.addi %mul3A_2, %add3A_952 : i32
    %dma_wait3A_954 = arith.constant 2 : i32
    %dma_wait3A_955 = arith.constant 2 : i32
    %dma_wait3A_956 = arith.constant 0 : i32
    %dma_wait3A_957 = arith.constant 0 : i32
    %dma_wait3A_958 = tpu.memref_slice %arg6[%dma_wait3A_954, %dma_wait3A_956, %dma_wait3A_957] : memref<4x200x128xf32, #tpu.memory_space<vmem>> -> memref<1x200x128xf32, #tpu.memory_space<vmem>>
    %dma_wait3A_959 = tpu.memref_squeeze %dma_wait3A_958 : memref<1x200x128xf32, #tpu.memory_space<vmem>> -> memref<200x128xf32, #tpu.memory_space<vmem>>
    %dma_wait3A_960 = arith.constant 0 : i32
    %dma_wait3A_961 = tpu.memref_slice %arg4[%add3A_953, %dma_wait3A_960] : memref<204800x128xf32, #tpu.memory_space<hbm>> -> memref<200x128xf32, #tpu.memory_space<hbm>>
    %dma_wait3A_962 = tpu.memref_slice %arg8[%dma_wait3A_955] : memref<4x!tpu.dma_semaphore, #tpu.memory_space<semaphore_mem>> -> memref<1x!tpu.dma_semaphore, #tpu.memory_space<semaphore_mem>>
    %dma_wait3A_963 = tpu.memref_squeeze %dma_wait3A_962 : memref<1x!tpu.dma_semaphore, #tpu.memory_space<semaphore_mem>> -> memref<!tpu.dma_semaphore, #tpu.memory_space<semaphore_mem>>
    %dma_wait3A_964 = arith.constant 0 : i32
    %dma_wait3A_965 = tpu.memref_slice %arg4[%add3A_953, %dma_wait3A_964] : memref<204800x128xf32, #tpu.memory_space<hbm>> -> memref<200x128xf32, #tpu.memory_space<hbm>>
    %dma_wait3A_966 = arith.constant 0 : i32
    %dma_wait3A_967 = arith.constant 0 : i32
    %dma_wait3A_968 = tpu.memref_slice %arg6[%dma_wait3A_954, %dma_wait3A_966, %dma_wait3A_967] : memref<4x200x128xf32, #tpu.memory_space<vmem>> -> memref<1x200x128xf32, #tpu.memory_space<vmem>>
    %dma_wait3A_969 = tpu.memref_squeeze %dma_wait3A_968 : memref<1x200x128xf32, #tpu.memory_space<vmem>> -> memref<200x128xf32, #tpu.memory_space<vmem>>
    tpu.wait_dma2 semaphore(%dma_wait3A_963 : memref<!tpu.dma_semaphore, #tpu.memory_space<semaphore_mem>>) src(%dma_wait3A_969 : memref<200x128xf32, #tpu.memory_space<vmem>>) dst(%dma_wait3A_965 : memref<200x128xf32, #tpu.memory_space<hbm>>)
    %dma_start3A_970 = arith.constant 2 : i32
    %dma_start3A_971 = arith.constant 2 : i32
    %dma_start3A_972 = arith.constant 0 : i32
    %dma_start3A_973 = arith.constant 0 : i32
    %dma_start3A_974 = tpu.memref_slice %arg6[%dma_start3A_970, %dma_start3A_972, %dma_start3A_973] : memref<4x200x128xf32, #tpu.memory_space<vmem>> -> memref<1x200x128xf32, #tpu.memory_space<vmem>>
    %dma_start3A_975 = tpu.memref_squeeze %dma_start3A_974 : memref<1x200x128xf32, #tpu.memory_space<vmem>> -> memref<200x128xf32, #tpu.memory_space<vmem>>
    %dma_start3A_976 = arith.constant 3600 : i32
    %dma_start3A_977 = tpu.memref_slice %arg5[%dma_start3A_976] : memref<6400xi32, #tpu.memory_space<vmem>> -> memref<200xi32, #tpu.memory_space<vmem>>
    %dma_start3A_978 = arith.constant 0 : i32
    %dma_start3A_979 = arith.constant 0 : i32
    %dma_start3A_980 = tpu.memref_slice %arg3[%dma_start3A_978, %dma_start3A_979] : memref<1000000x128xf32, #tpu.memory_space<hbm>> -> memref<1000000x128xf32, #tpu.memory_space<hbm>>
    %dma_start3A_981 = tpu.memref_slice %arg7[%dma_start3A_971] : memref<4x!tpu.dma_semaphore, #tpu.memory_space<semaphore_mem>> -> memref<1x!tpu.dma_semaphore, #tpu.memory_space<semaphore_mem>>
    %dma_start3A_982 = tpu.memref_squeeze %dma_start3A_981 : memref<1x!tpu.dma_semaphore, #tpu.memory_space<semaphore_mem>> -> memref<!tpu.dma_semaphore, #tpu.memory_space<semaphore_mem>>
    tpu.enqueue_indirect_dma source(%dma_start3A_980 : memref<1000000x128xf32, #tpu.memory_space<hbm>>) target(%dma_start3A_975 : memref<200x128xf32, #tpu.memory_space<vmem>>) offsets(%dma_start3A_977 : memref<200xi32, #tpu.memory_space<vmem>>) semaphore(%dma_start3A_982 : memref<!tpu.dma_semaphore, #tpu.memory_space<semaphore_mem>>)
    %dma_wait3A_983 = arith.constant 3 : i32
    %dma_wait3A_984 = arith.constant 3 : i32
    %dma_wait3A_985 = arith.constant 0 : i32
    %dma_wait3A_986 = arith.constant 0 : i32
    %dma_wait3A_987 = tpu.memref_slice %arg6[%dma_wait3A_983, %dma_wait3A_985, %dma_wait3A_986] : memref<4x200x128xf32, #tpu.memory_space<vmem>> -> memref<1x200x128xf32, #tpu.memory_space<vmem>>
    %dma_wait3A_988 = tpu.memref_squeeze %dma_wait3A_987 : memref<1x200x128xf32, #tpu.memory_space<vmem>> -> memref<200x128xf32, #tpu.memory_space<vmem>>
    %dma_wait3A_989 = arith.constant 3000 : i32
    %dma_wait3A_990 = tpu.memref_slice %arg5[%dma_wait3A_989] : memref<6400xi32, #tpu.memory_space<vmem>> -> memref<200xi32, #tpu.memory_space<vmem>>
    %dma_wait3A_991 = arith.constant 0 : i32
    %dma_wait3A_992 = arith.constant 0 : i32
    %dma_wait3A_993 = tpu.memref_slice %arg3[%dma_wait3A_991, %dma_wait3A_992] : memref<1000000x128xf32, #tpu.memory_space<hbm>> -> memref<1000000x128xf32, #tpu.memory_space<hbm>>
    %dma_wait3A_994 = tpu.memref_slice %arg7[%dma_wait3A_984] : memref<4x!tpu.dma_semaphore, #tpu.memory_space<semaphore_mem>> -> memref<1x!tpu.dma_semaphore, #tpu.memory_space<semaphore_mem>>
    %dma_wait3A_995 = tpu.memref_squeeze %dma_wait3A_994 : memref<1x!tpu.dma_semaphore, #tpu.memory_space<semaphore_mem>> -> memref<!tpu.dma_semaphore, #tpu.memory_space<semaphore_mem>>
    tpu.wait_indirect_dma semaphore(%dma_wait3A_995 : memref<!tpu.dma_semaphore, #tpu.memory_space<semaphore_mem>>) src(%dma_wait3A_993 : memref<1000000x128xf32, #tpu.memory_space<hbm>>) dst(%dma_wait3A_988 : memref<200x128xf32, #tpu.memory_space<vmem>>)
    %add3A_996 = arith.constant 3000 : i32
    %add3A_997 = arith.addi %mul3A_2, %add3A_996 : i32
    %dma_start3A_998 = arith.constant 3 : i32
    %dma_start3A_999 = arith.constant 3 : i32
    %dma_start3A_1000 = arith.constant 0 : i32
    %dma_start3A_1001 = arith.constant 0 : i32
    %dma_start3A_1002 = tpu.memref_slice %arg6[%dma_start3A_998, %dma_start3A_1000, %dma_start3A_1001] : memref<4x200x128xf32, #tpu.memory_space<vmem>> -> memref<1x200x128xf32, #tpu.memory_space<vmem>>
    %dma_start3A_1003 = tpu.memref_squeeze %dma_start3A_1002 : memref<1x200x128xf32, #tpu.memory_space<vmem>> -> memref<200x128xf32, #tpu.memory_space<vmem>>
    %dma_start3A_1004 = arith.constant 0 : i32
    %dma_start3A_1005 = tpu.memref_slice %arg4[%add3A_997, %dma_start3A_1004] : memref<204800x128xf32, #tpu.memory_space<hbm>> -> memref<200x128xf32, #tpu.memory_space<hbm>>
    %dma_start3A_1006 = tpu.memref_slice %arg8[%dma_start3A_999] : memref<4x!tpu.dma_semaphore, #tpu.memory_space<semaphore_mem>> -> memref<1x!tpu.dma_semaphore, #tpu.memory_space<semaphore_mem>>
    %dma_start3A_1007 = tpu.memref_squeeze %dma_start3A_1006 : memref<1x!tpu.dma_semaphore, #tpu.memory_space<semaphore_mem>> -> memref<!tpu.dma_semaphore, #tpu.memory_space<semaphore_mem>>
    %dma_start3A_1008 = arith.constant 0 : i32
    %dma_start3A_1009 = tpu.memref_slice %arg4[%add3A_997, %dma_start3A_1008] : memref<204800x128xf32, #tpu.memory_space<hbm>> -> memref<200x128xf32, #tpu.memory_space<hbm>>
    %dma_start3A_1010 = arith.constant 0 : i32
    %dma_start3A_1011 = arith.constant 0 : i32
    %dma_start3A_1012 = tpu.memref_slice %arg6[%dma_start3A_998, %dma_start3A_1010, %dma_start3A_1011] : memref<4x200x128xf32, #tpu.memory_space<vmem>> -> memref<1x200x128xf32, #tpu.memory_space<vmem>>
    %dma_start3A_1013 = tpu.memref_squeeze %dma_start3A_1012 : memref<1x200x128xf32, #tpu.memory_space<vmem>> -> memref<200x128xf32, #tpu.memory_space<vmem>>
    tpu.enqueue_dma source(%dma_start3A_1013 : memref<200x128xf32, #tpu.memory_space<vmem>>) target(%dma_start3A_1009 : memref<200x128xf32, #tpu.memory_space<hbm>>) target_semaphore(%dma_start3A_1007 : memref<!tpu.dma_semaphore, #tpu.memory_space<semaphore_mem>>)
    %add3A_1014 = arith.constant 3000 : i32
    %add3A_1015 = arith.addi %mul3A_2, %add3A_1014 : i32
    %dma_wait3A_1016 = arith.constant 3 : i32
    %dma_wait3A_1017 = arith.constant 3 : i32
    %dma_wait3A_1018 = arith.constant 0 : i32
    %dma_wait3A_1019 = arith.constant 0 : i32
    %dma_wait3A_1020 = tpu.memref_slice %arg6[%dma_wait3A_1016, %dma_wait3A_1018, %dma_wait3A_1019] : memref<4x200x128xf32, #tpu.memory_space<vmem>> -> memref<1x200x128xf32, #tpu.memory_space<vmem>>
    %dma_wait3A_1021 = tpu.memref_squeeze %dma_wait3A_1020 : memref<1x200x128xf32, #tpu.memory_space<vmem>> -> memref<200x128xf32, #tpu.memory_space<vmem>>
    %dma_wait3A_1022 = arith.constant 0 : i32
    %dma_wait3A_1023 = tpu.memref_slice %arg4[%add3A_1015, %dma_wait3A_1022] : memref<204800x128xf32, #tpu.memory_space<hbm>> -> memref<200x128xf32, #tpu.memory_space<hbm>>
    %dma_wait3A_1024 = tpu.memref_slice %arg8[%dma_wait3A_1017] : memref<4x!tpu.dma_semaphore, #tpu.memory_space<semaphore_mem>> -> memref<1x!tpu.dma_semaphore, #tpu.memory_space<semaphore_mem>>
    %dma_wait3A_1025 = tpu.memref_squeeze %dma_wait3A_1024 : memref<1x!tpu.dma_semaphore, #tpu.memory_space<semaphore_mem>> -> memref<!tpu.dma_semaphore, #tpu.memory_space<semaphore_mem>>
    %dma_wait3A_1026 = arith.constant 0 : i32
    %dma_wait3A_1027 = tpu.memref_slice %arg4[%add3A_1015, %dma_wait3A_1026] : memref<204800x128xf32, #tpu.memory_space<hbm>> -> memref<200x128xf32, #tpu.memory_space<hbm>>
    %dma_wait3A_1028 = arith.constant 0 : i32
    %dma_wait3A_1029 = arith.constant 0 : i32
    %dma_wait3A_1030 = tpu.memref_slice %arg6[%dma_wait3A_1016, %dma_wait3A_1028, %dma_wait3A_1029] : memref<4x200x128xf32, #tpu.memory_space<vmem>> -> memref<1x200x128xf32, #tpu.memory_space<vmem>>
    %dma_wait3A_1031 = tpu.memref_squeeze %dma_wait3A_1030 : memref<1x200x128xf32, #tpu.memory_space<vmem>> -> memref<200x128xf32, #tpu.memory_space<vmem>>
    tpu.wait_dma2 semaphore(%dma_wait3A_1025 : memref<!tpu.dma_semaphore, #tpu.memory_space<semaphore_mem>>) src(%dma_wait3A_1031 : memref<200x128xf32, #tpu.memory_space<vmem>>) dst(%dma_wait3A_1027 : memref<200x128xf32, #tpu.memory_space<hbm>>)
    %dma_start3A_1032 = arith.constant 3 : i32
    %dma_start3A_1033 = arith.constant 3 : i32
    %dma_start3A_1034 = arith.constant 0 : i32
    %dma_start3A_1035 = arith.constant 0 : i32
    %dma_start3A_1036 = tpu.memref_slice %arg6[%dma_start3A_1032, %dma_start3A_1034, %dma_start3A_1035] : memref<4x200x128xf32, #tpu.memory_space<vmem>> -> memref<1x200x128xf32, #tpu.memory_space<vmem>>
    %dma_start3A_1037 = tpu.memref_squeeze %dma_start3A_1036 : memref<1x200x128xf32, #tpu.memory_space<vmem>> -> memref<200x128xf32, #tpu.memory_space<vmem>>
    %dma_start3A_1038 = arith.constant 3800 : i32
    %dma_start3A_1039 = tpu.memref_slice %arg5[%dma_start3A_1038] : memref<6400xi32, #tpu.memory_space<vmem>> -> memref<200xi32, #tpu.memory_space<vmem>>
    %dma_start3A_1040 = arith.constant 0 : i32
    %dma_start3A_1041 = arith.constant 0 : i32
    %dma_start3A_1042 = tpu.memref_slice %arg3[%dma_start3A_1040, %dma_start3A_1041] : memref<1000000x128xf32, #tpu.memory_space<hbm>> -> memref<1000000x128xf32, #tpu.memory_space<hbm>>
    %dma_start3A_1043 = tpu.memref_slice %arg7[%dma_start3A_1033] : memref<4x!tpu.dma_semaphore, #tpu.memory_space<semaphore_mem>> -> memref<1x!tpu.dma_semaphore, #tpu.memory_space<semaphore_mem>>
    %dma_start3A_1044 = tpu.memref_squeeze %dma_start3A_1043 : memref<1x!tpu.dma_semaphore, #tpu.memory_space<semaphore_mem>> -> memref<!tpu.dma_semaphore, #tpu.memory_space<semaphore_mem>>
    tpu.enqueue_indirect_dma source(%dma_start3A_1042 : memref<1000000x128xf32, #tpu.memory_space<hbm>>) target(%dma_start3A_1037 : memref<200x128xf32, #tpu.memory_space<vmem>>) offsets(%dma_start3A_1039 : memref<200xi32, #tpu.memory_space<vmem>>) semaphore(%dma_start3A_1044 : memref<!tpu.dma_semaphore, #tpu.memory_space<semaphore_mem>>)
    %dma_wait3A_1045 = arith.constant 0 : i32
    %dma_wait3A_1046 = arith.constant 0 : i32
    %dma_wait3A_1047 = arith.constant 0 : i32
    %dma_wait3A_1048 = arith.constant 0 : i32
    %dma_wait3A_1049 = tpu.memref_slice %arg6[%dma_wait3A_1045, %dma_wait3A_1047, %dma_wait3A_1048] : memref<4x200x128xf32, #tpu.memory_space<vmem>> -> memref<1x200x128xf32, #tpu.memory_space<vmem>>
    %dma_wait3A_1050 = tpu.memref_squeeze %dma_wait3A_1049 : memref<1x200x128xf32, #tpu.memory_space<vmem>> -> memref<200x128xf32, #tpu.memory_space<vmem>>
    %dma_wait3A_1051 = arith.constant 3200 : i32
    %dma_wait3A_1052 = tpu.memref_slice %arg5[%dma_wait3A_1051] : memref<6400xi32, #tpu.memory_space<vmem>> -> memref<200xi32, #tpu.memory_space<vmem>>
    %dma_wait3A_1053 = arith.constant 0 : i32
    %dma_wait3A_1054 = arith.constant 0 : i32
    %dma_wait3A_1055 = tpu.memref_slice %arg3[%dma_wait3A_1053, %dma_wait3A_1054] : memref<1000000x128xf32, #tpu.memory_space<hbm>> -> memref<1000000x128xf32, #tpu.memory_space<hbm>>
    %dma_wait3A_1056 = tpu.memref_slice %arg7[%dma_wait3A_1046] : memref<4x!tpu.dma_semaphore, #tpu.memory_space<semaphore_mem>> -> memref<1x!tpu.dma_semaphore, #tpu.memory_space<semaphore_mem>>
    %dma_wait3A_1057 = tpu.memref_squeeze %dma_wait3A_1056 : memref<1x!tpu.dma_semaphore, #tpu.memory_space<semaphore_mem>> -> memref<!tpu.dma_semaphore, #tpu.memory_space<semaphore_mem>>
    tpu.wait_indirect_dma semaphore(%dma_wait3A_1057 : memref<!tpu.dma_semaphore, #tpu.memory_space<semaphore_mem>>) src(%dma_wait3A_1055 : memref<1000000x128xf32, #tpu.memory_space<hbm>>) dst(%dma_wait3A_1050 : memref<200x128xf32, #tpu.memory_space<vmem>>)
    %add3A_1058 = arith.constant 3200 : i32
    %add3A_1059 = arith.addi %mul3A_2, %add3A_1058 : i32
    %dma_start3A_1060 = arith.constant 0 : i32
    %dma_start3A_1061 = arith.constant 0 : i32
    %dma_start3A_1062 = arith.constant 0 : i32
    %dma_start3A_1063 = arith.constant 0 : i32
    %dma_start3A_1064 = tpu.memref_slice %arg6[%dma_start3A_1060, %dma_start3A_1062, %dma_start3A_1063] : memref<4x200x128xf32, #tpu.memory_space<vmem>> -> memref<1x200x128xf32, #tpu.memory_space<vmem>>
    %dma_start3A_1065 = tpu.memref_squeeze %dma_start3A_1064 : memref<1x200x128xf32, #tpu.memory_space<vmem>> -> memref<200x128xf32, #tpu.memory_space<vmem>>
    %dma_start3A_1066 = arith.constant 0 : i32
    %dma_start3A_1067 = tpu.memref_slice %arg4[%add3A_1059, %dma_start3A_1066] : memref<204800x128xf32, #tpu.memory_space<hbm>> -> memref<200x128xf32, #tpu.memory_space<hbm>>
    %dma_start3A_1068 = tpu.memref_slice %arg8[%dma_start3A_1061] : memref<4x!tpu.dma_semaphore, #tpu.memory_space<semaphore_mem>> -> memref<1x!tpu.dma_semaphore, #tpu.memory_space<semaphore_mem>>
    %dma_start3A_1069 = tpu.memref_squeeze %dma_start3A_1068 : memref<1x!tpu.dma_semaphore, #tpu.memory_space<semaphore_mem>> -> memref<!tpu.dma_semaphore, #tpu.memory_space<semaphore_mem>>
    %dma_start3A_1070 = arith.constant 0 : i32
    %dma_start3A_1071 = tpu.memref_slice %arg4[%add3A_1059, %dma_start3A_1070] : memref<204800x128xf32, #tpu.memory_space<hbm>> -> memref<200x128xf32, #tpu.memory_space<hbm>>
    %dma_start3A_1072 = arith.constant 0 : i32
    %dma_start3A_1073 = arith.constant 0 : i32
    %dma_start3A_1074 = tpu.memref_slice %arg6[%dma_start3A_1060, %dma_start3A_1072, %dma_start3A_1073] : memref<4x200x128xf32, #tpu.memory_space<vmem>> -> memref<1x200x128xf32, #tpu.memory_space<vmem>>
    %dma_start3A_1075 = tpu.memref_squeeze %dma_start3A_1074 : memref<1x200x128xf32, #tpu.memory_space<vmem>> -> memref<200x128xf32, #tpu.memory_space<vmem>>
    tpu.enqueue_dma source(%dma_start3A_1075 : memref<200x128xf32, #tpu.memory_space<vmem>>) target(%dma_start3A_1071 : memref<200x128xf32, #tpu.memory_space<hbm>>) target_semaphore(%dma_start3A_1069 : memref<!tpu.dma_semaphore, #tpu.memory_space<semaphore_mem>>)
    %add3A_1076 = arith.constant 3200 : i32
    %add3A_1077 = arith.addi %mul3A_2, %add3A_1076 : i32
    %dma_wait3A_1078 = arith.constant 0 : i32
    %dma_wait3A_1079 = arith.constant 0 : i32
    %dma_wait3A_1080 = arith.constant 0 : i32
    %dma_wait3A_1081 = arith.constant 0 : i32
    %dma_wait3A_1082 = tpu.memref_slice %arg6[%dma_wait3A_1078, %dma_wait3A_1080, %dma_wait3A_1081] : memref<4x200x128xf32, #tpu.memory_space<vmem>> -> memref<1x200x128xf32, #tpu.memory_space<vmem>>
    %dma_wait3A_1083 = tpu.memref_squeeze %dma_wait3A_1082 : memref<1x200x128xf32, #tpu.memory_space<vmem>> -> memref<200x128xf32, #tpu.memory_space<vmem>>
    %dma_wait3A_1084 = arith.constant 0 : i32
    %dma_wait3A_1085 = tpu.memref_slice %arg4[%add3A_1077, %dma_wait3A_1084] : memref<204800x128xf32, #tpu.memory_space<hbm>> -> memref<200x128xf32, #tpu.memory_space<hbm>>
    %dma_wait3A_1086 = tpu.memref_slice %arg8[%dma_wait3A_1079] : memref<4x!tpu.dma_semaphore, #tpu.memory_space<semaphore_mem>> -> memref<1x!tpu.dma_semaphore, #tpu.memory_space<semaphore_mem>>
    %dma_wait3A_1087 = tpu.memref_squeeze %dma_wait3A_1086 : memref<1x!tpu.dma_semaphore, #tpu.memory_space<semaphore_mem>> -> memref<!tpu.dma_semaphore, #tpu.memory_space<semaphore_mem>>
    %dma_wait3A_1088 = arith.constant 0 : i32
    %dma_wait3A_1089 = tpu.memref_slice %arg4[%add3A_1077, %dma_wait3A_1088] : memref<204800x128xf32, #tpu.memory_space<hbm>> -> memref<200x128xf32, #tpu.memory_space<hbm>>
    %dma_wait3A_1090 = arith.constant 0 : i32
    %dma_wait3A_1091 = arith.constant 0 : i32
    %dma_wait3A_1092 = tpu.memref_slice %arg6[%dma_wait3A_1078, %dma_wait3A_1090, %dma_wait3A_1091] : memref<4x200x128xf32, #tpu.memory_space<vmem>> -> memref<1x200x128xf32, #tpu.memory_space<vmem>>
    %dma_wait3A_1093 = tpu.memref_squeeze %dma_wait3A_1092 : memref<1x200x128xf32, #tpu.memory_space<vmem>> -> memref<200x128xf32, #tpu.memory_space<vmem>>
    tpu.wait_dma2 semaphore(%dma_wait3A_1087 : memref<!tpu.dma_semaphore, #tpu.memory_space<semaphore_mem>>) src(%dma_wait3A_1093 : memref<200x128xf32, #tpu.memory_space<vmem>>) dst(%dma_wait3A_1089 : memref<200x128xf32, #tpu.memory_space<hbm>>)
    %dma_start3A_1094 = arith.constant 0 : i32
    %dma_start3A_1095 = arith.constant 0 : i32
    %dma_start3A_1096 = arith.constant 0 : i32
    %dma_start3A_1097 = arith.constant 0 : i32
    %dma_start3A_1098 = tpu.memref_slice %arg6[%dma_start3A_1094, %dma_start3A_1096, %dma_start3A_1097] : memref<4x200x128xf32, #tpu.memory_space<vmem>> -> memref<1x200x128xf32, #tpu.memory_space<vmem>>
    %dma_start3A_1099 = tpu.memref_squeeze %dma_start3A_1098 : memref<1x200x128xf32, #tpu.memory_space<vmem>> -> memref<200x128xf32, #tpu.memory_space<vmem>>
    %dma_start3A_1100 = arith.constant 4000 : i32
    %dma_start3A_1101 = tpu.memref_slice %arg5[%dma_start3A_1100] : memref<6400xi32, #tpu.memory_space<vmem>> -> memref<200xi32, #tpu.memory_space<vmem>>
    %dma_start3A_1102 = arith.constant 0 : i32
    %dma_start3A_1103 = arith.constant 0 : i32
    %dma_start3A_1104 = tpu.memref_slice %arg3[%dma_start3A_1102, %dma_start3A_1103] : memref<1000000x128xf32, #tpu.memory_space<hbm>> -> memref<1000000x128xf32, #tpu.memory_space<hbm>>
    %dma_start3A_1105 = tpu.memref_slice %arg7[%dma_start3A_1095] : memref<4x!tpu.dma_semaphore, #tpu.memory_space<semaphore_mem>> -> memref<1x!tpu.dma_semaphore, #tpu.memory_space<semaphore_mem>>
    %dma_start3A_1106 = tpu.memref_squeeze %dma_start3A_1105 : memref<1x!tpu.dma_semaphore, #tpu.memory_space<semaphore_mem>> -> memref<!tpu.dma_semaphore, #tpu.memory_space<semaphore_mem>>
    tpu.enqueue_indirect_dma source(%dma_start3A_1104 : memref<1000000x128xf32, #tpu.memory_space<hbm>>) target(%dma_start3A_1099 : memref<200x128xf32, #tpu.memory_space<vmem>>) offsets(%dma_start3A_1101 : memref<200xi32, #tpu.memory_space<vmem>>) semaphore(%dma_start3A_1106 : memref<!tpu.dma_semaphore, #tpu.memory_space<semaphore_mem>>)
    %dma_wait3A_1107 = arith.constant 1 : i32
    %dma_wait3A_1108 = arith.constant 1 : i32
    %dma_wait3A_1109 = arith.constant 0 : i32
    %dma_wait3A_1110 = arith.constant 0 : i32
    %dma_wait3A_1111 = tpu.memref_slice %arg6[%dma_wait3A_1107, %dma_wait3A_1109, %dma_wait3A_1110] : memref<4x200x128xf32, #tpu.memory_space<vmem>> -> memref<1x200x128xf32, #tpu.memory_space<vmem>>
    %dma_wait3A_1112 = tpu.memref_squeeze %dma_wait3A_1111 : memref<1x200x128xf32, #tpu.memory_space<vmem>> -> memref<200x128xf32, #tpu.memory_space<vmem>>
    %dma_wait3A_1113 = arith.constant 3400 : i32
    %dma_wait3A_1114 = tpu.memref_slice %arg5[%dma_wait3A_1113] : memref<6400xi32, #tpu.memory_space<vmem>> -> memref<200xi32, #tpu.memory_space<vmem>>
    %dma_wait3A_1115 = arith.constant 0 : i32
    %dma_wait3A_1116 = arith.constant 0 : i32
    %dma_wait3A_1117 = tpu.memref_slice %arg3[%dma_wait3A_1115, %dma_wait3A_1116] : memref<1000000x128xf32, #tpu.memory_space<hbm>> -> memref<1000000x128xf32, #tpu.memory_space<hbm>>
    %dma_wait3A_1118 = tpu.memref_slice %arg7[%dma_wait3A_1108] : memref<4x!tpu.dma_semaphore, #tpu.memory_space<semaphore_mem>> -> memref<1x!tpu.dma_semaphore, #tpu.memory_space<semaphore_mem>>
    %dma_wait3A_1119 = tpu.memref_squeeze %dma_wait3A_1118 : memref<1x!tpu.dma_semaphore, #tpu.memory_space<semaphore_mem>> -> memref<!tpu.dma_semaphore, #tpu.memory_space<semaphore_mem>>
    tpu.wait_indirect_dma semaphore(%dma_wait3A_1119 : memref<!tpu.dma_semaphore, #tpu.memory_space<semaphore_mem>>) src(%dma_wait3A_1117 : memref<1000000x128xf32, #tpu.memory_space<hbm>>) dst(%dma_wait3A_1112 : memref<200x128xf32, #tpu.memory_space<vmem>>)
    %add3A_1120 = arith.constant 3400 : i32
    %add3A_1121 = arith.addi %mul3A_2, %add3A_1120 : i32
    %dma_start3A_1122 = arith.constant 1 : i32
    %dma_start3A_1123 = arith.constant 1 : i32
    %dma_start3A_1124 = arith.constant 0 : i32
    %dma_start3A_1125 = arith.constant 0 : i32
    %dma_start3A_1126 = tpu.memref_slice %arg6[%dma_start3A_1122, %dma_start3A_1124, %dma_start3A_1125] : memref<4x200x128xf32, #tpu.memory_space<vmem>> -> memref<1x200x128xf32, #tpu.memory_space<vmem>>
    %dma_start3A_1127 = tpu.memref_squeeze %dma_start3A_1126 : memref<1x200x128xf32, #tpu.memory_space<vmem>> -> memref<200x128xf32, #tpu.memory_space<vmem>>
    %dma_start3A_1128 = arith.constant 0 : i32
    %dma_start3A_1129 = tpu.memref_slice %arg4[%add3A_1121, %dma_start3A_1128] : memref<204800x128xf32, #tpu.memory_space<hbm>> -> memref<200x128xf32, #tpu.memory_space<hbm>>
    %dma_start3A_1130 = tpu.memref_slice %arg8[%dma_start3A_1123] : memref<4x!tpu.dma_semaphore, #tpu.memory_space<semaphore_mem>> -> memref<1x!tpu.dma_semaphore, #tpu.memory_space<semaphore_mem>>
    %dma_start3A_1131 = tpu.memref_squeeze %dma_start3A_1130 : memref<1x!tpu.dma_semaphore, #tpu.memory_space<semaphore_mem>> -> memref<!tpu.dma_semaphore, #tpu.memory_space<semaphore_mem>>
    %dma_start3A_1132 = arith.constant 0 : i32
    %dma_start3A_1133 = tpu.memref_slice %arg4[%add3A_1121, %dma_start3A_1132] : memref<204800x128xf32, #tpu.memory_space<hbm>> -> memref<200x128xf32, #tpu.memory_space<hbm>>
    %dma_start3A_1134 = arith.constant 0 : i32
    %dma_start3A_1135 = arith.constant 0 : i32
    %dma_start3A_1136 = tpu.memref_slice %arg6[%dma_start3A_1122, %dma_start3A_1134, %dma_start3A_1135] : memref<4x200x128xf32, #tpu.memory_space<vmem>> -> memref<1x200x128xf32, #tpu.memory_space<vmem>>
    %dma_start3A_1137 = tpu.memref_squeeze %dma_start3A_1136 : memref<1x200x128xf32, #tpu.memory_space<vmem>> -> memref<200x128xf32, #tpu.memory_space<vmem>>
    tpu.enqueue_dma source(%dma_start3A_1137 : memref<200x128xf32, #tpu.memory_space<vmem>>) target(%dma_start3A_1133 : memref<200x128xf32, #tpu.memory_space<hbm>>) target_semaphore(%dma_start3A_1131 : memref<!tpu.dma_semaphore, #tpu.memory_space<semaphore_mem>>)
    %add3A_1138 = arith.constant 3400 : i32
    %add3A_1139 = arith.addi %mul3A_2, %add3A_1138 : i32
    %dma_wait3A_1140 = arith.constant 1 : i32
    %dma_wait3A_1141 = arith.constant 1 : i32
    %dma_wait3A_1142 = arith.constant 0 : i32
    %dma_wait3A_1143 = arith.constant 0 : i32
    %dma_wait3A_1144 = tpu.memref_slice %arg6[%dma_wait3A_1140, %dma_wait3A_1142, %dma_wait3A_1143] : memref<4x200x128xf32, #tpu.memory_space<vmem>> -> memref<1x200x128xf32, #tpu.memory_space<vmem>>
    %dma_wait3A_1145 = tpu.memref_squeeze %dma_wait3A_1144 : memref<1x200x128xf32, #tpu.memory_space<vmem>> -> memref<200x128xf32, #tpu.memory_space<vmem>>
    %dma_wait3A_1146 = arith.constant 0 : i32
    %dma_wait3A_1147 = tpu.memref_slice %arg4[%add3A_1139, %dma_wait3A_1146] : memref<204800x128xf32, #tpu.memory_space<hbm>> -> memref<200x128xf32, #tpu.memory_space<hbm>>
    %dma_wait3A_1148 = tpu.memref_slice %arg8[%dma_wait3A_1141] : memref<4x!tpu.dma_semaphore, #tpu.memory_space<semaphore_mem>> -> memref<1x!tpu.dma_semaphore, #tpu.memory_space<semaphore_mem>>
    %dma_wait3A_1149 = tpu.memref_squeeze %dma_wait3A_1148 : memref<1x!tpu.dma_semaphore, #tpu.memory_space<semaphore_mem>> -> memref<!tpu.dma_semaphore, #tpu.memory_space<semaphore_mem>>
    %dma_wait3A_1150 = arith.constant 0 : i32
    %dma_wait3A_1151 = tpu.memref_slice %arg4[%add3A_1139, %dma_wait3A_1150] : memref<204800x128xf32, #tpu.memory_space<hbm>> -> memref<200x128xf32, #tpu.memory_space<hbm>>
    %dma_wait3A_1152 = arith.constant 0 : i32
    %dma_wait3A_1153 = arith.constant 0 : i32
    %dma_wait3A_1154 = tpu.memref_slice %arg6[%dma_wait3A_1140, %dma_wait3A_1152, %dma_wait3A_1153] : memref<4x200x128xf32, #tpu.memory_space<vmem>> -> memref<1x200x128xf32, #tpu.memory_space<vmem>>
    %dma_wait3A_1155 = tpu.memref_squeeze %dma_wait3A_1154 : memref<1x200x128xf32, #tpu.memory_space<vmem>> -> memref<200x128xf32, #tpu.memory_space<vmem>>
    tpu.wait_dma2 semaphore(%dma_wait3A_1149 : memref<!tpu.dma_semaphore, #tpu.memory_space<semaphore_mem>>) src(%dma_wait3A_1155 : memref<200x128xf32, #tpu.memory_space<vmem>>) dst(%dma_wait3A_1151 : memref<200x128xf32, #tpu.memory_space<hbm>>)
    %dma_start3A_1156 = arith.constant 1 : i32
    %dma_start3A_1157 = arith.constant 1 : i32
    %dma_start3A_1158 = arith.constant 0 : i32
    %dma_start3A_1159 = arith.constant 0 : i32
    %dma_start3A_1160 = tpu.memref_slice %arg6[%dma_start3A_1156, %dma_start3A_1158, %dma_start3A_1159] : memref<4x200x128xf32, #tpu.memory_space<vmem>> -> memref<1x200x128xf32, #tpu.memory_space<vmem>>
    %dma_start3A_1161 = tpu.memref_squeeze %dma_start3A_1160 : memref<1x200x128xf32, #tpu.memory_space<vmem>> -> memref<200x128xf32, #tpu.memory_space<vmem>>
    %dma_start3A_1162 = arith.constant 4200 : i32
    %dma_start3A_1163 = tpu.memref_slice %arg5[%dma_start3A_1162] : memref<6400xi32, #tpu.memory_space<vmem>> -> memref<200xi32, #tpu.memory_space<vmem>>
    %dma_start3A_1164 = arith.constant 0 : i32
    %dma_start3A_1165 = arith.constant 0 : i32
    %dma_start3A_1166 = tpu.memref_slice %arg3[%dma_start3A_1164, %dma_start3A_1165] : memref<1000000x128xf32, #tpu.memory_space<hbm>> -> memref<1000000x128xf32, #tpu.memory_space<hbm>>
    %dma_start3A_1167 = tpu.memref_slice %arg7[%dma_start3A_1157] : memref<4x!tpu.dma_semaphore, #tpu.memory_space<semaphore_mem>> -> memref<1x!tpu.dma_semaphore, #tpu.memory_space<semaphore_mem>>
    %dma_start3A_1168 = tpu.memref_squeeze %dma_start3A_1167 : memref<1x!tpu.dma_semaphore, #tpu.memory_space<semaphore_mem>> -> memref<!tpu.dma_semaphore, #tpu.memory_space<semaphore_mem>>
    tpu.enqueue_indirect_dma source(%dma_start3A_1166 : memref<1000000x128xf32, #tpu.memory_space<hbm>>) target(%dma_start3A_1161 : memref<200x128xf32, #tpu.memory_space<vmem>>) offsets(%dma_start3A_1163 : memref<200xi32, #tpu.memory_space<vmem>>) semaphore(%dma_start3A_1168 : memref<!tpu.dma_semaphore, #tpu.memory_space<semaphore_mem>>)
    %dma_wait3A_1169 = arith.constant 2 : i32
    %dma_wait3A_1170 = arith.constant 2 : i32
    %dma_wait3A_1171 = arith.constant 0 : i32
    %dma_wait3A_1172 = arith.constant 0 : i32
    %dma_wait3A_1173 = tpu.memref_slice %arg6[%dma_wait3A_1169, %dma_wait3A_1171, %dma_wait3A_1172] : memref<4x200x128xf32, #tpu.memory_space<vmem>> -> memref<1x200x128xf32, #tpu.memory_space<vmem>>
    %dma_wait3A_1174 = tpu.memref_squeeze %dma_wait3A_1173 : memref<1x200x128xf32, #tpu.memory_space<vmem>> -> memref<200x128xf32, #tpu.memory_space<vmem>>
    %dma_wait3A_1175 = arith.constant 3600 : i32
    %dma_wait3A_1176 = tpu.memref_slice %arg5[%dma_wait3A_1175] : memref<6400xi32, #tpu.memory_space<vmem>> -> memref<200xi32, #tpu.memory_space<vmem>>
    %dma_wait3A_1177 = arith.constant 0 : i32
    %dma_wait3A_1178 = arith.constant 0 : i32
    %dma_wait3A_1179 = tpu.memref_slice %arg3[%dma_wait3A_1177, %dma_wait3A_1178] : memref<1000000x128xf32, #tpu.memory_space<hbm>> -> memref<1000000x128xf32, #tpu.memory_space<hbm>>
    %dma_wait3A_1180 = tpu.memref_slice %arg7[%dma_wait3A_1170] : memref<4x!tpu.dma_semaphore, #tpu.memory_space<semaphore_mem>> -> memref<1x!tpu.dma_semaphore, #tpu.memory_space<semaphore_mem>>
    %dma_wait3A_1181 = tpu.memref_squeeze %dma_wait3A_1180 : memref<1x!tpu.dma_semaphore, #tpu.memory_space<semaphore_mem>> -> memref<!tpu.dma_semaphore, #tpu.memory_space<semaphore_mem>>
    tpu.wait_indirect_dma semaphore(%dma_wait3A_1181 : memref<!tpu.dma_semaphore, #tpu.memory_space<semaphore_mem>>) src(%dma_wait3A_1179 : memref<1000000x128xf32, #tpu.memory_space<hbm>>) dst(%dma_wait3A_1174 : memref<200x128xf32, #tpu.memory_space<vmem>>)
    %add3A_1182 = arith.constant 3600 : i32
    %add3A_1183 = arith.addi %mul3A_2, %add3A_1182 : i32
    %dma_start3A_1184 = arith.constant 2 : i32
    %dma_start3A_1185 = arith.constant 2 : i32
    %dma_start3A_1186 = arith.constant 0 : i32
    %dma_start3A_1187 = arith.constant 0 : i32
    %dma_start3A_1188 = tpu.memref_slice %arg6[%dma_start3A_1184, %dma_start3A_1186, %dma_start3A_1187] : memref<4x200x128xf32, #tpu.memory_space<vmem>> -> memref<1x200x128xf32, #tpu.memory_space<vmem>>
    %dma_start3A_1189 = tpu.memref_squeeze %dma_start3A_1188 : memref<1x200x128xf32, #tpu.memory_space<vmem>> -> memref<200x128xf32, #tpu.memory_space<vmem>>
    %dma_start3A_1190 = arith.constant 0 : i32
    %dma_start3A_1191 = tpu.memref_slice %arg4[%add3A_1183, %dma_start3A_1190] : memref<204800x128xf32, #tpu.memory_space<hbm>> -> memref<200x128xf32, #tpu.memory_space<hbm>>
    %dma_start3A_1192 = tpu.memref_slice %arg8[%dma_start3A_1185] : memref<4x!tpu.dma_semaphore, #tpu.memory_space<semaphore_mem>> -> memref<1x!tpu.dma_semaphore, #tpu.memory_space<semaphore_mem>>
    %dma_start3A_1193 = tpu.memref_squeeze %dma_start3A_1192 : memref<1x!tpu.dma_semaphore, #tpu.memory_space<semaphore_mem>> -> memref<!tpu.dma_semaphore, #tpu.memory_space<semaphore_mem>>
    %dma_start3A_1194 = arith.constant 0 : i32
    %dma_start3A_1195 = tpu.memref_slice %arg4[%add3A_1183, %dma_start3A_1194] : memref<204800x128xf32, #tpu.memory_space<hbm>> -> memref<200x128xf32, #tpu.memory_space<hbm>>
    %dma_start3A_1196 = arith.constant 0 : i32
    %dma_start3A_1197 = arith.constant 0 : i32
    %dma_start3A_1198 = tpu.memref_slice %arg6[%dma_start3A_1184, %dma_start3A_1196, %dma_start3A_1197] : memref<4x200x128xf32, #tpu.memory_space<vmem>> -> memref<1x200x128xf32, #tpu.memory_space<vmem>>
    %dma_start3A_1199 = tpu.memref_squeeze %dma_start3A_1198 : memref<1x200x128xf32, #tpu.memory_space<vmem>> -> memref<200x128xf32, #tpu.memory_space<vmem>>
    tpu.enqueue_dma source(%dma_start3A_1199 : memref<200x128xf32, #tpu.memory_space<vmem>>) target(%dma_start3A_1195 : memref<200x128xf32, #tpu.memory_space<hbm>>) target_semaphore(%dma_start3A_1193 : memref<!tpu.dma_semaphore, #tpu.memory_space<semaphore_mem>>)
    %add3A_1200 = arith.constant 3600 : i32
    %add3A_1201 = arith.addi %mul3A_2, %add3A_1200 : i32
    %dma_wait3A_1202 = arith.constant 2 : i32
    %dma_wait3A_1203 = arith.constant 2 : i32
    %dma_wait3A_1204 = arith.constant 0 : i32
    %dma_wait3A_1205 = arith.constant 0 : i32
    %dma_wait3A_1206 = tpu.memref_slice %arg6[%dma_wait3A_1202, %dma_wait3A_1204, %dma_wait3A_1205] : memref<4x200x128xf32, #tpu.memory_space<vmem>> -> memref<1x200x128xf32, #tpu.memory_space<vmem>>
    %dma_wait3A_1207 = tpu.memref_squeeze %dma_wait3A_1206 : memref<1x200x128xf32, #tpu.memory_space<vmem>> -> memref<200x128xf32, #tpu.memory_space<vmem>>
    %dma_wait3A_1208 = arith.constant 0 : i32
    %dma_wait3A_1209 = tpu.memref_slice %arg4[%add3A_1201, %dma_wait3A_1208] : memref<204800x128xf32, #tpu.memory_space<hbm>> -> memref<200x128xf32, #tpu.memory_space<hbm>>
    %dma_wait3A_1210 = tpu.memref_slice %arg8[%dma_wait3A_1203] : memref<4x!tpu.dma_semaphore, #tpu.memory_space<semaphore_mem>> -> memref<1x!tpu.dma_semaphore, #tpu.memory_space<semaphore_mem>>
    %dma_wait3A_1211 = tpu.memref_squeeze %dma_wait3A_1210 : memref<1x!tpu.dma_semaphore, #tpu.memory_space<semaphore_mem>> -> memref<!tpu.dma_semaphore, #tpu.memory_space<semaphore_mem>>
    %dma_wait3A_1212 = arith.constant 0 : i32
    %dma_wait3A_1213 = tpu.memref_slice %arg4[%add3A_1201, %dma_wait3A_1212] : memref<204800x128xf32, #tpu.memory_space<hbm>> -> memref<200x128xf32, #tpu.memory_space<hbm>>
    %dma_wait3A_1214 = arith.constant 0 : i32
    %dma_wait3A_1215 = arith.constant 0 : i32
    %dma_wait3A_1216 = tpu.memref_slice %arg6[%dma_wait3A_1202, %dma_wait3A_1214, %dma_wait3A_1215] : memref<4x200x128xf32, #tpu.memory_space<vmem>> -> memref<1x200x128xf32, #tpu.memory_space<vmem>>
    %dma_wait3A_1217 = tpu.memref_squeeze %dma_wait3A_1216 : memref<1x200x128xf32, #tpu.memory_space<vmem>> -> memref<200x128xf32, #tpu.memory_space<vmem>>
    tpu.wait_dma2 semaphore(%dma_wait3A_1211 : memref<!tpu.dma_semaphore, #tpu.memory_space<semaphore_mem>>) src(%dma_wait3A_1217 : memref<200x128xf32, #tpu.memory_space<vmem>>) dst(%dma_wait3A_1213 : memref<200x128xf32, #tpu.memory_space<hbm>>)
    %dma_start3A_1218 = arith.constant 2 : i32
    %dma_start3A_1219 = arith.constant 2 : i32
    %dma_start3A_1220 = arith.constant 0 : i32
    %dma_start3A_1221 = arith.constant 0 : i32
    %dma_start3A_1222 = tpu.memref_slice %arg6[%dma_start3A_1218, %dma_start3A_1220, %dma_start3A_1221] : memref<4x200x128xf32, #tpu.memory_space<vmem>> -> memref<1x200x128xf32, #tpu.memory_space<vmem>>
    %dma_start3A_1223 = tpu.memref_squeeze %dma_start3A_1222 : memref<1x200x128xf32, #tpu.memory_space<vmem>> -> memref<200x128xf32, #tpu.memory_space<vmem>>
    %dma_start3A_1224 = arith.constant 4400 : i32
    %dma_start3A_1225 = tpu.memref_slice %arg5[%dma_start3A_1224] : memref<6400xi32, #tpu.memory_space<vmem>> -> memref<200xi32, #tpu.memory_space<vmem>>
    %dma_start3A_1226 = arith.constant 0 : i32
    %dma_start3A_1227 = arith.constant 0 : i32
    %dma_start3A_1228 = tpu.memref_slice %arg3[%dma_start3A_1226, %dma_start3A_1227] : memref<1000000x128xf32, #tpu.memory_space<hbm>> -> memref<1000000x128xf32, #tpu.memory_space<hbm>>
    %dma_start3A_1229 = tpu.memref_slice %arg7[%dma_start3A_1219] : memref<4x!tpu.dma_semaphore, #tpu.memory_space<semaphore_mem>> -> memref<1x!tpu.dma_semaphore, #tpu.memory_space<semaphore_mem>>
    %dma_start3A_1230 = tpu.memref_squeeze %dma_start3A_1229 : memref<1x!tpu.dma_semaphore, #tpu.memory_space<semaphore_mem>> -> memref<!tpu.dma_semaphore, #tpu.memory_space<semaphore_mem>>
    tpu.enqueue_indirect_dma source(%dma_start3A_1228 : memref<1000000x128xf32, #tpu.memory_space<hbm>>) target(%dma_start3A_1223 : memref<200x128xf32, #tpu.memory_space<vmem>>) offsets(%dma_start3A_1225 : memref<200xi32, #tpu.memory_space<vmem>>) semaphore(%dma_start3A_1230 : memref<!tpu.dma_semaphore, #tpu.memory_space<semaphore_mem>>)
    %dma_wait3A_1231 = arith.constant 3 : i32
    %dma_wait3A_1232 = arith.constant 3 : i32
    %dma_wait3A_1233 = arith.constant 0 : i32
    %dma_wait3A_1234 = arith.constant 0 : i32
    %dma_wait3A_1235 = tpu.memref_slice %arg6[%dma_wait3A_1231, %dma_wait3A_1233, %dma_wait3A_1234] : memref<4x200x128xf32, #tpu.memory_space<vmem>> -> memref<1x200x128xf32, #tpu.memory_space<vmem>>
    %dma_wait3A_1236 = tpu.memref_squeeze %dma_wait3A_1235 : memref<1x200x128xf32, #tpu.memory_space<vmem>> -> memref<200x128xf32, #tpu.memory_space<vmem>>
    %dma_wait3A_1237 = arith.constant 3800 : i32
    %dma_wait3A_1238 = tpu.memref_slice %arg5[%dma_wait3A_1237] : memref<6400xi32, #tpu.memory_space<vmem>> -> memref<200xi32, #tpu.memory_space<vmem>>
    %dma_wait3A_1239 = arith.constant 0 : i32
    %dma_wait3A_1240 = arith.constant 0 : i32
    %dma_wait3A_1241 = tpu.memref_slice %arg3[%dma_wait3A_1239, %dma_wait3A_1240] : memref<1000000x128xf32, #tpu.memory_space<hbm>> -> memref<1000000x128xf32, #tpu.memory_space<hbm>>
    %dma_wait3A_1242 = tpu.memref_slice %arg7[%dma_wait3A_1232] : memref<4x!tpu.dma_semaphore, #tpu.memory_space<semaphore_mem>> -> memref<1x!tpu.dma_semaphore, #tpu.memory_space<semaphore_mem>>
    %dma_wait3A_1243 = tpu.memref_squeeze %dma_wait3A_1242 : memref<1x!tpu.dma_semaphore, #tpu.memory_space<semaphore_mem>> -> memref<!tpu.dma_semaphore, #tpu.memory_space<semaphore_mem>>
    tpu.wait_indirect_dma semaphore(%dma_wait3A_1243 : memref<!tpu.dma_semaphore, #tpu.memory_space<semaphore_mem>>) src(%dma_wait3A_1241 : memref<1000000x128xf32, #tpu.memory_space<hbm>>) dst(%dma_wait3A_1236 : memref<200x128xf32, #tpu.memory_space<vmem>>)
    %add3A_1244 = arith.constant 3800 : i32
    %add3A_1245 = arith.addi %mul3A_2, %add3A_1244 : i32
    %dma_start3A_1246 = arith.constant 3 : i32
    %dma_start3A_1247 = arith.constant 3 : i32
    %dma_start3A_1248 = arith.constant 0 : i32
    %dma_start3A_1249 = arith.constant 0 : i32
    %dma_start3A_1250 = tpu.memref_slice %arg6[%dma_start3A_1246, %dma_start3A_1248, %dma_start3A_1249] : memref<4x200x128xf32, #tpu.memory_space<vmem>> -> memref<1x200x128xf32, #tpu.memory_space<vmem>>
    %dma_start3A_1251 = tpu.memref_squeeze %dma_start3A_1250 : memref<1x200x128xf32, #tpu.memory_space<vmem>> -> memref<200x128xf32, #tpu.memory_space<vmem>>
    %dma_start3A_1252 = arith.constant 0 : i32
    %dma_start3A_1253 = tpu.memref_slice %arg4[%add3A_1245, %dma_start3A_1252] : memref<204800x128xf32, #tpu.memory_space<hbm>> -> memref<200x128xf32, #tpu.memory_space<hbm>>
    %dma_start3A_1254 = tpu.memref_slice %arg8[%dma_start3A_1247] : memref<4x!tpu.dma_semaphore, #tpu.memory_space<semaphore_mem>> -> memref<1x!tpu.dma_semaphore, #tpu.memory_space<semaphore_mem>>
    %dma_start3A_1255 = tpu.memref_squeeze %dma_start3A_1254 : memref<1x!tpu.dma_semaphore, #tpu.memory_space<semaphore_mem>> -> memref<!tpu.dma_semaphore, #tpu.memory_space<semaphore_mem>>
    %dma_start3A_1256 = arith.constant 0 : i32
    %dma_start3A_1257 = tpu.memref_slice %arg4[%add3A_1245, %dma_start3A_1256] : memref<204800x128xf32, #tpu.memory_space<hbm>> -> memref<200x128xf32, #tpu.memory_space<hbm>>
    %dma_start3A_1258 = arith.constant 0 : i32
    %dma_start3A_1259 = arith.constant 0 : i32
    %dma_start3A_1260 = tpu.memref_slice %arg6[%dma_start3A_1246, %dma_start3A_1258, %dma_start3A_1259] : memref<4x200x128xf32, #tpu.memory_space<vmem>> -> memref<1x200x128xf32, #tpu.memory_space<vmem>>
    %dma_start3A_1261 = tpu.memref_squeeze %dma_start3A_1260 : memref<1x200x128xf32, #tpu.memory_space<vmem>> -> memref<200x128xf32, #tpu.memory_space<vmem>>
    tpu.enqueue_dma source(%dma_start3A_1261 : memref<200x128xf32, #tpu.memory_space<vmem>>) target(%dma_start3A_1257 : memref<200x128xf32, #tpu.memory_space<hbm>>) target_semaphore(%dma_start3A_1255 : memref<!tpu.dma_semaphore, #tpu.memory_space<semaphore_mem>>)
    %add3A_1262 = arith.constant 3800 : i32
    %add3A_1263 = arith.addi %mul3A_2, %add3A_1262 : i32
    %dma_wait3A_1264 = arith.constant 3 : i32
    %dma_wait3A_1265 = arith.constant 3 : i32
    %dma_wait3A_1266 = arith.constant 0 : i32
    %dma_wait3A_1267 = arith.constant 0 : i32
    %dma_wait3A_1268 = tpu.memref_slice %arg6[%dma_wait3A_1264, %dma_wait3A_1266, %dma_wait3A_1267] : memref<4x200x128xf32, #tpu.memory_space<vmem>> -> memref<1x200x128xf32, #tpu.memory_space<vmem>>
    %dma_wait3A_1269 = tpu.memref_squeeze %dma_wait3A_1268 : memref<1x200x128xf32, #tpu.memory_space<vmem>> -> memref<200x128xf32, #tpu.memory_space<vmem>>
    %dma_wait3A_1270 = arith.constant 0 : i32
    %dma_wait3A_1271 = tpu.memref_slice %arg4[%add3A_1263, %dma_wait3A_1270] : memref<204800x128xf32, #tpu.memory_space<hbm>> -> memref<200x128xf32, #tpu.memory_space<hbm>>
    %dma_wait3A_1272 = tpu.memref_slice %arg8[%dma_wait3A_1265] : memref<4x!tpu.dma_semaphore, #tpu.memory_space<semaphore_mem>> -> memref<1x!tpu.dma_semaphore, #tpu.memory_space<semaphore_mem>>
    %dma_wait3A_1273 = tpu.memref_squeeze %dma_wait3A_1272 : memref<1x!tpu.dma_semaphore, #tpu.memory_space<semaphore_mem>> -> memref<!tpu.dma_semaphore, #tpu.memory_space<semaphore_mem>>
    %dma_wait3A_1274 = arith.constant 0 : i32
    %dma_wait3A_1275 = tpu.memref_slice %arg4[%add3A_1263, %dma_wait3A_1274] : memref<204800x128xf32, #tpu.memory_space<hbm>> -> memref<200x128xf32, #tpu.memory_space<hbm>>
    %dma_wait3A_1276 = arith.constant 0 : i32
    %dma_wait3A_1277 = arith.constant 0 : i32
    %dma_wait3A_1278 = tpu.memref_slice %arg6[%dma_wait3A_1264, %dma_wait3A_1276, %dma_wait3A_1277] : memref<4x200x128xf32, #tpu.memory_space<vmem>> -> memref<1x200x128xf32, #tpu.memory_space<vmem>>
    %dma_wait3A_1279 = tpu.memref_squeeze %dma_wait3A_1278 : memref<1x200x128xf32, #tpu.memory_space<vmem>> -> memref<200x128xf32, #tpu.memory_space<vmem>>
    tpu.wait_dma2 semaphore(%dma_wait3A_1273 : memref<!tpu.dma_semaphore, #tpu.memory_space<semaphore_mem>>) src(%dma_wait3A_1279 : memref<200x128xf32, #tpu.memory_space<vmem>>) dst(%dma_wait3A_1275 : memref<200x128xf32, #tpu.memory_space<hbm>>)
    %dma_start3A_1280 = arith.constant 3 : i32
    %dma_start3A_1281 = arith.constant 3 : i32
    %dma_start3A_1282 = arith.constant 0 : i32
    %dma_start3A_1283 = arith.constant 0 : i32
    %dma_start3A_1284 = tpu.memref_slice %arg6[%dma_start3A_1280, %dma_start3A_1282, %dma_start3A_1283] : memref<4x200x128xf32, #tpu.memory_space<vmem>> -> memref<1x200x128xf32, #tpu.memory_space<vmem>>
    %dma_start3A_1285 = tpu.memref_squeeze %dma_start3A_1284 : memref<1x200x128xf32, #tpu.memory_space<vmem>> -> memref<200x128xf32, #tpu.memory_space<vmem>>
    %dma_start3A_1286 = arith.constant 4600 : i32
    %dma_start3A_1287 = tpu.memref_slice %arg5[%dma_start3A_1286] : memref<6400xi32, #tpu.memory_space<vmem>> -> memref<200xi32, #tpu.memory_space<vmem>>
    %dma_start3A_1288 = arith.constant 0 : i32
    %dma_start3A_1289 = arith.constant 0 : i32
    %dma_start3A_1290 = tpu.memref_slice %arg3[%dma_start3A_1288, %dma_start3A_1289] : memref<1000000x128xf32, #tpu.memory_space<hbm>> -> memref<1000000x128xf32, #tpu.memory_space<hbm>>
    %dma_start3A_1291 = tpu.memref_slice %arg7[%dma_start3A_1281] : memref<4x!tpu.dma_semaphore, #tpu.memory_space<semaphore_mem>> -> memref<1x!tpu.dma_semaphore, #tpu.memory_space<semaphore_mem>>
    %dma_start3A_1292 = tpu.memref_squeeze %dma_start3A_1291 : memref<1x!tpu.dma_semaphore, #tpu.memory_space<semaphore_mem>> -> memref<!tpu.dma_semaphore, #tpu.memory_space<semaphore_mem>>
    tpu.enqueue_indirect_dma source(%dma_start3A_1290 : memref<1000000x128xf32, #tpu.memory_space<hbm>>) target(%dma_start3A_1285 : memref<200x128xf32, #tpu.memory_space<vmem>>) offsets(%dma_start3A_1287 : memref<200xi32, #tpu.memory_space<vmem>>) semaphore(%dma_start3A_1292 : memref<!tpu.dma_semaphore, #tpu.memory_space<semaphore_mem>>)
    %dma_wait3A_1293 = arith.constant 0 : i32
    %dma_wait3A_1294 = arith.constant 0 : i32
    %dma_wait3A_1295 = arith.constant 0 : i32
    %dma_wait3A_1296 = arith.constant 0 : i32
    %dma_wait3A_1297 = tpu.memref_slice %arg6[%dma_wait3A_1293, %dma_wait3A_1295, %dma_wait3A_1296] : memref<4x200x128xf32, #tpu.memory_space<vmem>> -> memref<1x200x128xf32, #tpu.memory_space<vmem>>
    %dma_wait3A_1298 = tpu.memref_squeeze %dma_wait3A_1297 : memref<1x200x128xf32, #tpu.memory_space<vmem>> -> memref<200x128xf32, #tpu.memory_space<vmem>>
    %dma_wait3A_1299 = arith.constant 4000 : i32
    %dma_wait3A_1300 = tpu.memref_slice %arg5[%dma_wait3A_1299] : memref<6400xi32, #tpu.memory_space<vmem>> -> memref<200xi32, #tpu.memory_space<vmem>>
    %dma_wait3A_1301 = arith.constant 0 : i32
    %dma_wait3A_1302 = arith.constant 0 : i32
    %dma_wait3A_1303 = tpu.memref_slice %arg3[%dma_wait3A_1301, %dma_wait3A_1302] : memref<1000000x128xf32, #tpu.memory_space<hbm>> -> memref<1000000x128xf32, #tpu.memory_space<hbm>>
    %dma_wait3A_1304 = tpu.memref_slice %arg7[%dma_wait3A_1294] : memref<4x!tpu.dma_semaphore, #tpu.memory_space<semaphore_mem>> -> memref<1x!tpu.dma_semaphore, #tpu.memory_space<semaphore_mem>>
    %dma_wait3A_1305 = tpu.memref_squeeze %dma_wait3A_1304 : memref<1x!tpu.dma_semaphore, #tpu.memory_space<semaphore_mem>> -> memref<!tpu.dma_semaphore, #tpu.memory_space<semaphore_mem>>
    tpu.wait_indirect_dma semaphore(%dma_wait3A_1305 : memref<!tpu.dma_semaphore, #tpu.memory_space<semaphore_mem>>) src(%dma_wait3A_1303 : memref<1000000x128xf32, #tpu.memory_space<hbm>>) dst(%dma_wait3A_1298 : memref<200x128xf32, #tpu.memory_space<vmem>>)
    %add3A_1306 = arith.constant 4000 : i32
    %add3A_1307 = arith.addi %mul3A_2, %add3A_1306 : i32
    %dma_start3A_1308 = arith.constant 0 : i32
    %dma_start3A_1309 = arith.constant 0 : i32
    %dma_start3A_1310 = arith.constant 0 : i32
    %dma_start3A_1311 = arith.constant 0 : i32
    %dma_start3A_1312 = tpu.memref_slice %arg6[%dma_start3A_1308, %dma_start3A_1310, %dma_start3A_1311] : memref<4x200x128xf32, #tpu.memory_space<vmem>> -> memref<1x200x128xf32, #tpu.memory_space<vmem>>
    %dma_start3A_1313 = tpu.memref_squeeze %dma_start3A_1312 : memref<1x200x128xf32, #tpu.memory_space<vmem>> -> memref<200x128xf32, #tpu.memory_space<vmem>>
    %dma_start3A_1314 = arith.constant 0 : i32
    %dma_start3A_1315 = tpu.memref_slice %arg4[%add3A_1307, %dma_start3A_1314] : memref<204800x128xf32, #tpu.memory_space<hbm>> -> memref<200x128xf32, #tpu.memory_space<hbm>>
    %dma_start3A_1316 = tpu.memref_slice %arg8[%dma_start3A_1309] : memref<4x!tpu.dma_semaphore, #tpu.memory_space<semaphore_mem>> -> memref<1x!tpu.dma_semaphore, #tpu.memory_space<semaphore_mem>>
    %dma_start3A_1317 = tpu.memref_squeeze %dma_start3A_1316 : memref<1x!tpu.dma_semaphore, #tpu.memory_space<semaphore_mem>> -> memref<!tpu.dma_semaphore, #tpu.memory_space<semaphore_mem>>
    %dma_start3A_1318 = arith.constant 0 : i32
    %dma_start3A_1319 = tpu.memref_slice %arg4[%add3A_1307, %dma_start3A_1318] : memref<204800x128xf32, #tpu.memory_space<hbm>> -> memref<200x128xf32, #tpu.memory_space<hbm>>
    %dma_start3A_1320 = arith.constant 0 : i32
    %dma_start3A_1321 = arith.constant 0 : i32
    %dma_start3A_1322 = tpu.memref_slice %arg6[%dma_start3A_1308, %dma_start3A_1320, %dma_start3A_1321] : memref<4x200x128xf32, #tpu.memory_space<vmem>> -> memref<1x200x128xf32, #tpu.memory_space<vmem>>
    %dma_start3A_1323 = tpu.memref_squeeze %dma_start3A_1322 : memref<1x200x128xf32, #tpu.memory_space<vmem>> -> memref<200x128xf32, #tpu.memory_space<vmem>>
    tpu.enqueue_dma source(%dma_start3A_1323 : memref<200x128xf32, #tpu.memory_space<vmem>>) target(%dma_start3A_1319 : memref<200x128xf32, #tpu.memory_space<hbm>>) target_semaphore(%dma_start3A_1317 : memref<!tpu.dma_semaphore, #tpu.memory_space<semaphore_mem>>)
    %add3A_1324 = arith.constant 4000 : i32
    %add3A_1325 = arith.addi %mul3A_2, %add3A_1324 : i32
    %dma_wait3A_1326 = arith.constant 0 : i32
    %dma_wait3A_1327 = arith.constant 0 : i32
    %dma_wait3A_1328 = arith.constant 0 : i32
    %dma_wait3A_1329 = arith.constant 0 : i32
    %dma_wait3A_1330 = tpu.memref_slice %arg6[%dma_wait3A_1326, %dma_wait3A_1328, %dma_wait3A_1329] : memref<4x200x128xf32, #tpu.memory_space<vmem>> -> memref<1x200x128xf32, #tpu.memory_space<vmem>>
    %dma_wait3A_1331 = tpu.memref_squeeze %dma_wait3A_1330 : memref<1x200x128xf32, #tpu.memory_space<vmem>> -> memref<200x128xf32, #tpu.memory_space<vmem>>
    %dma_wait3A_1332 = arith.constant 0 : i32
    %dma_wait3A_1333 = tpu.memref_slice %arg4[%add3A_1325, %dma_wait3A_1332] : memref<204800x128xf32, #tpu.memory_space<hbm>> -> memref<200x128xf32, #tpu.memory_space<hbm>>
    %dma_wait3A_1334 = tpu.memref_slice %arg8[%dma_wait3A_1327] : memref<4x!tpu.dma_semaphore, #tpu.memory_space<semaphore_mem>> -> memref<1x!tpu.dma_semaphore, #tpu.memory_space<semaphore_mem>>
    %dma_wait3A_1335 = tpu.memref_squeeze %dma_wait3A_1334 : memref<1x!tpu.dma_semaphore, #tpu.memory_space<semaphore_mem>> -> memref<!tpu.dma_semaphore, #tpu.memory_space<semaphore_mem>>
    %dma_wait3A_1336 = arith.constant 0 : i32
    %dma_wait3A_1337 = tpu.memref_slice %arg4[%add3A_1325, %dma_wait3A_1336] : memref<204800x128xf32, #tpu.memory_space<hbm>> -> memref<200x128xf32, #tpu.memory_space<hbm>>
    %dma_wait3A_1338 = arith.constant 0 : i32
    %dma_wait3A_1339 = arith.constant 0 : i32
    %dma_wait3A_1340 = tpu.memref_slice %arg6[%dma_wait3A_1326, %dma_wait3A_1338, %dma_wait3A_1339] : memref<4x200x128xf32, #tpu.memory_space<vmem>> -> memref<1x200x128xf32, #tpu.memory_space<vmem>>
    %dma_wait3A_1341 = tpu.memref_squeeze %dma_wait3A_1340 : memref<1x200x128xf32, #tpu.memory_space<vmem>> -> memref<200x128xf32, #tpu.memory_space<vmem>>
    tpu.wait_dma2 semaphore(%dma_wait3A_1335 : memref<!tpu.dma_semaphore, #tpu.memory_space<semaphore_mem>>) src(%dma_wait3A_1341 : memref<200x128xf32, #tpu.memory_space<vmem>>) dst(%dma_wait3A_1337 : memref<200x128xf32, #tpu.memory_space<hbm>>)
    %dma_start3A_1342 = arith.constant 0 : i32
    %dma_start3A_1343 = arith.constant 0 : i32
    %dma_start3A_1344 = arith.constant 0 : i32
    %dma_start3A_1345 = arith.constant 0 : i32
    %dma_start3A_1346 = tpu.memref_slice %arg6[%dma_start3A_1342, %dma_start3A_1344, %dma_start3A_1345] : memref<4x200x128xf32, #tpu.memory_space<vmem>> -> memref<1x200x128xf32, #tpu.memory_space<vmem>>
    %dma_start3A_1347 = tpu.memref_squeeze %dma_start3A_1346 : memref<1x200x128xf32, #tpu.memory_space<vmem>> -> memref<200x128xf32, #tpu.memory_space<vmem>>
    %dma_start3A_1348 = arith.constant 4800 : i32
    %dma_start3A_1349 = tpu.memref_slice %arg5[%dma_start3A_1348] : memref<6400xi32, #tpu.memory_space<vmem>> -> memref<200xi32, #tpu.memory_space<vmem>>
    %dma_start3A_1350 = arith.constant 0 : i32
    %dma_start3A_1351 = arith.constant 0 : i32
    %dma_start3A_1352 = tpu.memref_slice %arg3[%dma_start3A_1350, %dma_start3A_1351] : memref<1000000x128xf32, #tpu.memory_space<hbm>> -> memref<1000000x128xf32, #tpu.memory_space<hbm>>
    %dma_start3A_1353 = tpu.memref_slice %arg7[%dma_start3A_1343] : memref<4x!tpu.dma_semaphore, #tpu.memory_space<semaphore_mem>> -> memref<1x!tpu.dma_semaphore, #tpu.memory_space<semaphore_mem>>
    %dma_start3A_1354 = tpu.memref_squeeze %dma_start3A_1353 : memref<1x!tpu.dma_semaphore, #tpu.memory_space<semaphore_mem>> -> memref<!tpu.dma_semaphore, #tpu.memory_space<semaphore_mem>>
    tpu.enqueue_indirect_dma source(%dma_start3A_1352 : memref<1000000x128xf32, #tpu.memory_space<hbm>>) target(%dma_start3A_1347 : memref<200x128xf32, #tpu.memory_space<vmem>>) offsets(%dma_start3A_1349 : memref<200xi32, #tpu.memory_space<vmem>>) semaphore(%dma_start3A_1354 : memref<!tpu.dma_semaphore, #tpu.memory_space<semaphore_mem>>)
    %dma_wait3A_1355 = arith.constant 1 : i32
    %dma_wait3A_1356 = arith.constant 1 : i32
    %dma_wait3A_1357 = arith.constant 0 : i32
    %dma_wait3A_1358 = arith.constant 0 : i32
    %dma_wait3A_1359 = tpu.memref_slice %arg6[%dma_wait3A_1355, %dma_wait3A_1357, %dma_wait3A_1358] : memref<4x200x128xf32, #tpu.memory_space<vmem>> -> memref<1x200x128xf32, #tpu.memory_space<vmem>>
    %dma_wait3A_1360 = tpu.memref_squeeze %dma_wait3A_1359 : memref<1x200x128xf32, #tpu.memory_space<vmem>> -> memref<200x128xf32, #tpu.memory_space<vmem>>
    %dma_wait3A_1361 = arith.constant 4200 : i32
    %dma_wait3A_1362 = tpu.memref_slice %arg5[%dma_wait3A_1361] : memref<6400xi32, #tpu.memory_space<vmem>> -> memref<200xi32, #tpu.memory_space<vmem>>
    %dma_wait3A_1363 = arith.constant 0 : i32
    %dma_wait3A_1364 = arith.constant 0 : i32
    %dma_wait3A_1365 = tpu.memref_slice %arg3[%dma_wait3A_1363, %dma_wait3A_1364] : memref<1000000x128xf32, #tpu.memory_space<hbm>> -> memref<1000000x128xf32, #tpu.memory_space<hbm>>
    %dma_wait3A_1366 = tpu.memref_slice %arg7[%dma_wait3A_1356] : memref<4x!tpu.dma_semaphore, #tpu.memory_space<semaphore_mem>> -> memref<1x!tpu.dma_semaphore, #tpu.memory_space<semaphore_mem>>
    %dma_wait3A_1367 = tpu.memref_squeeze %dma_wait3A_1366 : memref<1x!tpu.dma_semaphore, #tpu.memory_space<semaphore_mem>> -> memref<!tpu.dma_semaphore, #tpu.memory_space<semaphore_mem>>
    tpu.wait_indirect_dma semaphore(%dma_wait3A_1367 : memref<!tpu.dma_semaphore, #tpu.memory_space<semaphore_mem>>) src(%dma_wait3A_1365 : memref<1000000x128xf32, #tpu.memory_space<hbm>>) dst(%dma_wait3A_1360 : memref<200x128xf32, #tpu.memory_space<vmem>>)
    %add3A_1368 = arith.constant 4200 : i32
    %add3A_1369 = arith.addi %mul3A_2, %add3A_1368 : i32
    %dma_start3A_1370 = arith.constant 1 : i32
    %dma_start3A_1371 = arith.constant 1 : i32
    %dma_start3A_1372 = arith.constant 0 : i32
    %dma_start3A_1373 = arith.constant 0 : i32
    %dma_start3A_1374 = tpu.memref_slice %arg6[%dma_start3A_1370, %dma_start3A_1372, %dma_start3A_1373] : memref<4x200x128xf32, #tpu.memory_space<vmem>> -> memref<1x200x128xf32, #tpu.memory_space<vmem>>
    %dma_start3A_1375 = tpu.memref_squeeze %dma_start3A_1374 : memref<1x200x128xf32, #tpu.memory_space<vmem>> -> memref<200x128xf32, #tpu.memory_space<vmem>>
    %dma_start3A_1376 = arith.constant 0 : i32
    %dma_start3A_1377 = tpu.memref_slice %arg4[%add3A_1369, %dma_start3A_1376] : memref<204800x128xf32, #tpu.memory_space<hbm>> -> memref<200x128xf32, #tpu.memory_space<hbm>>
    %dma_start3A_1378 = tpu.memref_slice %arg8[%dma_start3A_1371] : memref<4x!tpu.dma_semaphore, #tpu.memory_space<semaphore_mem>> -> memref<1x!tpu.dma_semaphore, #tpu.memory_space<semaphore_mem>>
    %dma_start3A_1379 = tpu.memref_squeeze %dma_start3A_1378 : memref<1x!tpu.dma_semaphore, #tpu.memory_space<semaphore_mem>> -> memref<!tpu.dma_semaphore, #tpu.memory_space<semaphore_mem>>
    %dma_start3A_1380 = arith.constant 0 : i32
    %dma_start3A_1381 = tpu.memref_slice %arg4[%add3A_1369, %dma_start3A_1380] : memref<204800x128xf32, #tpu.memory_space<hbm>> -> memref<200x128xf32, #tpu.memory_space<hbm>>
    %dma_start3A_1382 = arith.constant 0 : i32
    %dma_start3A_1383 = arith.constant 0 : i32
    %dma_start3A_1384 = tpu.memref_slice %arg6[%dma_start3A_1370, %dma_start3A_1382, %dma_start3A_1383] : memref<4x200x128xf32, #tpu.memory_space<vmem>> -> memref<1x200x128xf32, #tpu.memory_space<vmem>>
    %dma_start3A_1385 = tpu.memref_squeeze %dma_start3A_1384 : memref<1x200x128xf32, #tpu.memory_space<vmem>> -> memref<200x128xf32, #tpu.memory_space<vmem>>
    tpu.enqueue_dma source(%dma_start3A_1385 : memref<200x128xf32, #tpu.memory_space<vmem>>) target(%dma_start3A_1381 : memref<200x128xf32, #tpu.memory_space<hbm>>) target_semaphore(%dma_start3A_1379 : memref<!tpu.dma_semaphore, #tpu.memory_space<semaphore_mem>>)
    %add3A_1386 = arith.constant 4200 : i32
    %add3A_1387 = arith.addi %mul3A_2, %add3A_1386 : i32
    %dma_wait3A_1388 = arith.constant 1 : i32
    %dma_wait3A_1389 = arith.constant 1 : i32
    %dma_wait3A_1390 = arith.constant 0 : i32
    %dma_wait3A_1391 = arith.constant 0 : i32
    %dma_wait3A_1392 = tpu.memref_slice %arg6[%dma_wait3A_1388, %dma_wait3A_1390, %dma_wait3A_1391] : memref<4x200x128xf32, #tpu.memory_space<vmem>> -> memref<1x200x128xf32, #tpu.memory_space<vmem>>
    %dma_wait3A_1393 = tpu.memref_squeeze %dma_wait3A_1392 : memref<1x200x128xf32, #tpu.memory_space<vmem>> -> memref<200x128xf32, #tpu.memory_space<vmem>>
    %dma_wait3A_1394 = arith.constant 0 : i32
    %dma_wait3A_1395 = tpu.memref_slice %arg4[%add3A_1387, %dma_wait3A_1394] : memref<204800x128xf32, #tpu.memory_space<hbm>> -> memref<200x128xf32, #tpu.memory_space<hbm>>
    %dma_wait3A_1396 = tpu.memref_slice %arg8[%dma_wait3A_1389] : memref<4x!tpu.dma_semaphore, #tpu.memory_space<semaphore_mem>> -> memref<1x!tpu.dma_semaphore, #tpu.memory_space<semaphore_mem>>
    %dma_wait3A_1397 = tpu.memref_squeeze %dma_wait3A_1396 : memref<1x!tpu.dma_semaphore, #tpu.memory_space<semaphore_mem>> -> memref<!tpu.dma_semaphore, #tpu.memory_space<semaphore_mem>>
    %dma_wait3A_1398 = arith.constant 0 : i32
    %dma_wait3A_1399 = tpu.memref_slice %arg4[%add3A_1387, %dma_wait3A_1398] : memref<204800x128xf32, #tpu.memory_space<hbm>> -> memref<200x128xf32, #tpu.memory_space<hbm>>
    %dma_wait3A_1400 = arith.constant 0 : i32
    %dma_wait3A_1401 = arith.constant 0 : i32
    %dma_wait3A_1402 = tpu.memref_slice %arg6[%dma_wait3A_1388, %dma_wait3A_1400, %dma_wait3A_1401] : memref<4x200x128xf32, #tpu.memory_space<vmem>> -> memref<1x200x128xf32, #tpu.memory_space<vmem>>
    %dma_wait3A_1403 = tpu.memref_squeeze %dma_wait3A_1402 : memref<1x200x128xf32, #tpu.memory_space<vmem>> -> memref<200x128xf32, #tpu.memory_space<vmem>>
    tpu.wait_dma2 semaphore(%dma_wait3A_1397 : memref<!tpu.dma_semaphore, #tpu.memory_space<semaphore_mem>>) src(%dma_wait3A_1403 : memref<200x128xf32, #tpu.memory_space<vmem>>) dst(%dma_wait3A_1399 : memref<200x128xf32, #tpu.memory_space<hbm>>)
    %dma_start3A_1404 = arith.constant 1 : i32
    %dma_start3A_1405 = arith.constant 1 : i32
    %dma_start3A_1406 = arith.constant 0 : i32
    %dma_start3A_1407 = arith.constant 0 : i32
    %dma_start3A_1408 = tpu.memref_slice %arg6[%dma_start3A_1404, %dma_start3A_1406, %dma_start3A_1407] : memref<4x200x128xf32, #tpu.memory_space<vmem>> -> memref<1x200x128xf32, #tpu.memory_space<vmem>>
    %dma_start3A_1409 = tpu.memref_squeeze %dma_start3A_1408 : memref<1x200x128xf32, #tpu.memory_space<vmem>> -> memref<200x128xf32, #tpu.memory_space<vmem>>
    %dma_start3A_1410 = arith.constant 5000 : i32
    %dma_start3A_1411 = tpu.memref_slice %arg5[%dma_start3A_1410] : memref<6400xi32, #tpu.memory_space<vmem>> -> memref<200xi32, #tpu.memory_space<vmem>>
    %dma_start3A_1412 = arith.constant 0 : i32
    %dma_start3A_1413 = arith.constant 0 : i32
    %dma_start3A_1414 = tpu.memref_slice %arg3[%dma_start3A_1412, %dma_start3A_1413] : memref<1000000x128xf32, #tpu.memory_space<hbm>> -> memref<1000000x128xf32, #tpu.memory_space<hbm>>
    %dma_start3A_1415 = tpu.memref_slice %arg7[%dma_start3A_1405] : memref<4x!tpu.dma_semaphore, #tpu.memory_space<semaphore_mem>> -> memref<1x!tpu.dma_semaphore, #tpu.memory_space<semaphore_mem>>
    %dma_start3A_1416 = tpu.memref_squeeze %dma_start3A_1415 : memref<1x!tpu.dma_semaphore, #tpu.memory_space<semaphore_mem>> -> memref<!tpu.dma_semaphore, #tpu.memory_space<semaphore_mem>>
    tpu.enqueue_indirect_dma source(%dma_start3A_1414 : memref<1000000x128xf32, #tpu.memory_space<hbm>>) target(%dma_start3A_1409 : memref<200x128xf32, #tpu.memory_space<vmem>>) offsets(%dma_start3A_1411 : memref<200xi32, #tpu.memory_space<vmem>>) semaphore(%dma_start3A_1416 : memref<!tpu.dma_semaphore, #tpu.memory_space<semaphore_mem>>)
    %dma_wait3A_1417 = arith.constant 2 : i32
    %dma_wait3A_1418 = arith.constant 2 : i32
    %dma_wait3A_1419 = arith.constant 0 : i32
    %dma_wait3A_1420 = arith.constant 0 : i32
    %dma_wait3A_1421 = tpu.memref_slice %arg6[%dma_wait3A_1417, %dma_wait3A_1419, %dma_wait3A_1420] : memref<4x200x128xf32, #tpu.memory_space<vmem>> -> memref<1x200x128xf32, #tpu.memory_space<vmem>>
    %dma_wait3A_1422 = tpu.memref_squeeze %dma_wait3A_1421 : memref<1x200x128xf32, #tpu.memory_space<vmem>> -> memref<200x128xf32, #tpu.memory_space<vmem>>
    %dma_wait3A_1423 = arith.constant 4400 : i32
    %dma_wait3A_1424 = tpu.memref_slice %arg5[%dma_wait3A_1423] : memref<6400xi32, #tpu.memory_space<vmem>> -> memref<200xi32, #tpu.memory_space<vmem>>
    %dma_wait3A_1425 = arith.constant 0 : i32
    %dma_wait3A_1426 = arith.constant 0 : i32
    %dma_wait3A_1427 = tpu.memref_slice %arg3[%dma_wait3A_1425, %dma_wait3A_1426] : memref<1000000x128xf32, #tpu.memory_space<hbm>> -> memref<1000000x128xf32, #tpu.memory_space<hbm>>
    %dma_wait3A_1428 = tpu.memref_slice %arg7[%dma_wait3A_1418] : memref<4x!tpu.dma_semaphore, #tpu.memory_space<semaphore_mem>> -> memref<1x!tpu.dma_semaphore, #tpu.memory_space<semaphore_mem>>
    %dma_wait3A_1429 = tpu.memref_squeeze %dma_wait3A_1428 : memref<1x!tpu.dma_semaphore, #tpu.memory_space<semaphore_mem>> -> memref<!tpu.dma_semaphore, #tpu.memory_space<semaphore_mem>>
    tpu.wait_indirect_dma semaphore(%dma_wait3A_1429 : memref<!tpu.dma_semaphore, #tpu.memory_space<semaphore_mem>>) src(%dma_wait3A_1427 : memref<1000000x128xf32, #tpu.memory_space<hbm>>) dst(%dma_wait3A_1422 : memref<200x128xf32, #tpu.memory_space<vmem>>)
    %add3A_1430 = arith.constant 4400 : i32
    %add3A_1431 = arith.addi %mul3A_2, %add3A_1430 : i32
    %dma_start3A_1432 = arith.constant 2 : i32
    %dma_start3A_1433 = arith.constant 2 : i32
    %dma_start3A_1434 = arith.constant 0 : i32
    %dma_start3A_1435 = arith.constant 0 : i32
    %dma_start3A_1436 = tpu.memref_slice %arg6[%dma_start3A_1432, %dma_start3A_1434, %dma_start3A_1435] : memref<4x200x128xf32, #tpu.memory_space<vmem>> -> memref<1x200x128xf32, #tpu.memory_space<vmem>>
    %dma_start3A_1437 = tpu.memref_squeeze %dma_start3A_1436 : memref<1x200x128xf32, #tpu.memory_space<vmem>> -> memref<200x128xf32, #tpu.memory_space<vmem>>
    %dma_start3A_1438 = arith.constant 0 : i32
    %dma_start3A_1439 = tpu.memref_slice %arg4[%add3A_1431, %dma_start3A_1438] : memref<204800x128xf32, #tpu.memory_space<hbm>> -> memref<200x128xf32, #tpu.memory_space<hbm>>
    %dma_start3A_1440 = tpu.memref_slice %arg8[%dma_start3A_1433] : memref<4x!tpu.dma_semaphore, #tpu.memory_space<semaphore_mem>> -> memref<1x!tpu.dma_semaphore, #tpu.memory_space<semaphore_mem>>
    %dma_start3A_1441 = tpu.memref_squeeze %dma_start3A_1440 : memref<1x!tpu.dma_semaphore, #tpu.memory_space<semaphore_mem>> -> memref<!tpu.dma_semaphore, #tpu.memory_space<semaphore_mem>>
    %dma_start3A_1442 = arith.constant 0 : i32
    %dma_start3A_1443 = tpu.memref_slice %arg4[%add3A_1431, %dma_start3A_1442] : memref<204800x128xf32, #tpu.memory_space<hbm>> -> memref<200x128xf32, #tpu.memory_space<hbm>>
    %dma_start3A_1444 = arith.constant 0 : i32
    %dma_start3A_1445 = arith.constant 0 : i32
    %dma_start3A_1446 = tpu.memref_slice %arg6[%dma_start3A_1432, %dma_start3A_1444, %dma_start3A_1445] : memref<4x200x128xf32, #tpu.memory_space<vmem>> -> memref<1x200x128xf32, #tpu.memory_space<vmem>>
    %dma_start3A_1447 = tpu.memref_squeeze %dma_start3A_1446 : memref<1x200x128xf32, #tpu.memory_space<vmem>> -> memref<200x128xf32, #tpu.memory_space<vmem>>
    tpu.enqueue_dma source(%dma_start3A_1447 : memref<200x128xf32, #tpu.memory_space<vmem>>) target(%dma_start3A_1443 : memref<200x128xf32, #tpu.memory_space<hbm>>) target_semaphore(%dma_start3A_1441 : memref<!tpu.dma_semaphore, #tpu.memory_space<semaphore_mem>>)
    %add3A_1448 = arith.constant 4400 : i32
    %add3A_1449 = arith.addi %mul3A_2, %add3A_1448 : i32
    %dma_wait3A_1450 = arith.constant 2 : i32
    %dma_wait3A_1451 = arith.constant 2 : i32
    %dma_wait3A_1452 = arith.constant 0 : i32
    %dma_wait3A_1453 = arith.constant 0 : i32
    %dma_wait3A_1454 = tpu.memref_slice %arg6[%dma_wait3A_1450, %dma_wait3A_1452, %dma_wait3A_1453] : memref<4x200x128xf32, #tpu.memory_space<vmem>> -> memref<1x200x128xf32, #tpu.memory_space<vmem>>
    %dma_wait3A_1455 = tpu.memref_squeeze %dma_wait3A_1454 : memref<1x200x128xf32, #tpu.memory_space<vmem>> -> memref<200x128xf32, #tpu.memory_space<vmem>>
    %dma_wait3A_1456 = arith.constant 0 : i32
    %dma_wait3A_1457 = tpu.memref_slice %arg4[%add3A_1449, %dma_wait3A_1456] : memref<204800x128xf32, #tpu.memory_space<hbm>> -> memref<200x128xf32, #tpu.memory_space<hbm>>
    %dma_wait3A_1458 = tpu.memref_slice %arg8[%dma_wait3A_1451] : memref<4x!tpu.dma_semaphore, #tpu.memory_space<semaphore_mem>> -> memref<1x!tpu.dma_semaphore, #tpu.memory_space<semaphore_mem>>
    %dma_wait3A_1459 = tpu.memref_squeeze %dma_wait3A_1458 : memref<1x!tpu.dma_semaphore, #tpu.memory_space<semaphore_mem>> -> memref<!tpu.dma_semaphore, #tpu.memory_space<semaphore_mem>>
    %dma_wait3A_1460 = arith.constant 0 : i32
    %dma_wait3A_1461 = tpu.memref_slice %arg4[%add3A_1449, %dma_wait3A_1460] : memref<204800x128xf32, #tpu.memory_space<hbm>> -> memref<200x128xf32, #tpu.memory_space<hbm>>
    %dma_wait3A_1462 = arith.constant 0 : i32
    %dma_wait3A_1463 = arith.constant 0 : i32
    %dma_wait3A_1464 = tpu.memref_slice %arg6[%dma_wait3A_1450, %dma_wait3A_1462, %dma_wait3A_1463] : memref<4x200x128xf32, #tpu.memory_space<vmem>> -> memref<1x200x128xf32, #tpu.memory_space<vmem>>
    %dma_wait3A_1465 = tpu.memref_squeeze %dma_wait3A_1464 : memref<1x200x128xf32, #tpu.memory_space<vmem>> -> memref<200x128xf32, #tpu.memory_space<vmem>>
    tpu.wait_dma2 semaphore(%dma_wait3A_1459 : memref<!tpu.dma_semaphore, #tpu.memory_space<semaphore_mem>>) src(%dma_wait3A_1465 : memref<200x128xf32, #tpu.memory_space<vmem>>) dst(%dma_wait3A_1461 : memref<200x128xf32, #tpu.memory_space<hbm>>)
    %dma_start3A_1466 = arith.constant 2 : i32
    %dma_start3A_1467 = arith.constant 2 : i32
    %dma_start3A_1468 = arith.constant 0 : i32
    %dma_start3A_1469 = arith.constant 0 : i32
    %dma_start3A_1470 = tpu.memref_slice %arg6[%dma_start3A_1466, %dma_start3A_1468, %dma_start3A_1469] : memref<4x200x128xf32, #tpu.memory_space<vmem>> -> memref<1x200x128xf32, #tpu.memory_space<vmem>>
    %dma_start3A_1471 = tpu.memref_squeeze %dma_start3A_1470 : memref<1x200x128xf32, #tpu.memory_space<vmem>> -> memref<200x128xf32, #tpu.memory_space<vmem>>
    %dma_start3A_1472 = arith.constant 5200 : i32
    %dma_start3A_1473 = tpu.memref_slice %arg5[%dma_start3A_1472] : memref<6400xi32, #tpu.memory_space<vmem>> -> memref<200xi32, #tpu.memory_space<vmem>>
    %dma_start3A_1474 = arith.constant 0 : i32
    %dma_start3A_1475 = arith.constant 0 : i32
    %dma_start3A_1476 = tpu.memref_slice %arg3[%dma_start3A_1474, %dma_start3A_1475] : memref<1000000x128xf32, #tpu.memory_space<hbm>> -> memref<1000000x128xf32, #tpu.memory_space<hbm>>
    %dma_start3A_1477 = tpu.memref_slice %arg7[%dma_start3A_1467] : memref<4x!tpu.dma_semaphore, #tpu.memory_space<semaphore_mem>> -> memref<1x!tpu.dma_semaphore, #tpu.memory_space<semaphore_mem>>
    %dma_start3A_1478 = tpu.memref_squeeze %dma_start3A_1477 : memref<1x!tpu.dma_semaphore, #tpu.memory_space<semaphore_mem>> -> memref<!tpu.dma_semaphore, #tpu.memory_space<semaphore_mem>>
    tpu.enqueue_indirect_dma source(%dma_start3A_1476 : memref<1000000x128xf32, #tpu.memory_space<hbm>>) target(%dma_start3A_1471 : memref<200x128xf32, #tpu.memory_space<vmem>>) offsets(%dma_start3A_1473 : memref<200xi32, #tpu.memory_space<vmem>>) semaphore(%dma_start3A_1478 : memref<!tpu.dma_semaphore, #tpu.memory_space<semaphore_mem>>)
    %dma_wait3A_1479 = arith.constant 3 : i32
    %dma_wait3A_1480 = arith.constant 3 : i32
    %dma_wait3A_1481 = arith.constant 0 : i32
    %dma_wait3A_1482 = arith.constant 0 : i32
    %dma_wait3A_1483 = tpu.memref_slice %arg6[%dma_wait3A_1479, %dma_wait3A_1481, %dma_wait3A_1482] : memref<4x200x128xf32, #tpu.memory_space<vmem>> -> memref<1x200x128xf32, #tpu.memory_space<vmem>>
    %dma_wait3A_1484 = tpu.memref_squeeze %dma_wait3A_1483 : memref<1x200x128xf32, #tpu.memory_space<vmem>> -> memref<200x128xf32, #tpu.memory_space<vmem>>
    %dma_wait3A_1485 = arith.constant 4600 : i32
    %dma_wait3A_1486 = tpu.memref_slice %arg5[%dma_wait3A_1485] : memref<6400xi32, #tpu.memory_space<vmem>> -> memref<200xi32, #tpu.memory_space<vmem>>
    %dma_wait3A_1487 = arith.constant 0 : i32
    %dma_wait3A_1488 = arith.constant 0 : i32
    %dma_wait3A_1489 = tpu.memref_slice %arg3[%dma_wait3A_1487, %dma_wait3A_1488] : memref<1000000x128xf32, #tpu.memory_space<hbm>> -> memref<1000000x128xf32, #tpu.memory_space<hbm>>
    %dma_wait3A_1490 = tpu.memref_slice %arg7[%dma_wait3A_1480] : memref<4x!tpu.dma_semaphore, #tpu.memory_space<semaphore_mem>> -> memref<1x!tpu.dma_semaphore, #tpu.memory_space<semaphore_mem>>
    %dma_wait3A_1491 = tpu.memref_squeeze %dma_wait3A_1490 : memref<1x!tpu.dma_semaphore, #tpu.memory_space<semaphore_mem>> -> memref<!tpu.dma_semaphore, #tpu.memory_space<semaphore_mem>>
    tpu.wait_indirect_dma semaphore(%dma_wait3A_1491 : memref<!tpu.dma_semaphore, #tpu.memory_space<semaphore_mem>>) src(%dma_wait3A_1489 : memref<1000000x128xf32, #tpu.memory_space<hbm>>) dst(%dma_wait3A_1484 : memref<200x128xf32, #tpu.memory_space<vmem>>)
    %add3A_1492 = arith.constant 4600 : i32
    %add3A_1493 = arith.addi %mul3A_2, %add3A_1492 : i32
    %dma_start3A_1494 = arith.constant 3 : i32
    %dma_start3A_1495 = arith.constant 3 : i32
    %dma_start3A_1496 = arith.constant 0 : i32
    %dma_start3A_1497 = arith.constant 0 : i32
    %dma_start3A_1498 = tpu.memref_slice %arg6[%dma_start3A_1494, %dma_start3A_1496, %dma_start3A_1497] : memref<4x200x128xf32, #tpu.memory_space<vmem>> -> memref<1x200x128xf32, #tpu.memory_space<vmem>>
    %dma_start3A_1499 = tpu.memref_squeeze %dma_start3A_1498 : memref<1x200x128xf32, #tpu.memory_space<vmem>> -> memref<200x128xf32, #tpu.memory_space<vmem>>
    %dma_start3A_1500 = arith.constant 0 : i32
    %dma_start3A_1501 = tpu.memref_slice %arg4[%add3A_1493, %dma_start3A_1500] : memref<204800x128xf32, #tpu.memory_space<hbm>> -> memref<200x128xf32, #tpu.memory_space<hbm>>
    %dma_start3A_1502 = tpu.memref_slice %arg8[%dma_start3A_1495] : memref<4x!tpu.dma_semaphore, #tpu.memory_space<semaphore_mem>> -> memref<1x!tpu.dma_semaphore, #tpu.memory_space<semaphore_mem>>
    %dma_start3A_1503 = tpu.memref_squeeze %dma_start3A_1502 : memref<1x!tpu.dma_semaphore, #tpu.memory_space<semaphore_mem>> -> memref<!tpu.dma_semaphore, #tpu.memory_space<semaphore_mem>>
    %dma_start3A_1504 = arith.constant 0 : i32
    %dma_start3A_1505 = tpu.memref_slice %arg4[%add3A_1493, %dma_start3A_1504] : memref<204800x128xf32, #tpu.memory_space<hbm>> -> memref<200x128xf32, #tpu.memory_space<hbm>>
    %dma_start3A_1506 = arith.constant 0 : i32
    %dma_start3A_1507 = arith.constant 0 : i32
    %dma_start3A_1508 = tpu.memref_slice %arg6[%dma_start3A_1494, %dma_start3A_1506, %dma_start3A_1507] : memref<4x200x128xf32, #tpu.memory_space<vmem>> -> memref<1x200x128xf32, #tpu.memory_space<vmem>>
    %dma_start3A_1509 = tpu.memref_squeeze %dma_start3A_1508 : memref<1x200x128xf32, #tpu.memory_space<vmem>> -> memref<200x128xf32, #tpu.memory_space<vmem>>
    tpu.enqueue_dma source(%dma_start3A_1509 : memref<200x128xf32, #tpu.memory_space<vmem>>) target(%dma_start3A_1505 : memref<200x128xf32, #tpu.memory_space<hbm>>) target_semaphore(%dma_start3A_1503 : memref<!tpu.dma_semaphore, #tpu.memory_space<semaphore_mem>>)
    %add3A_1510 = arith.constant 4600 : i32
    %add3A_1511 = arith.addi %mul3A_2, %add3A_1510 : i32
    %dma_wait3A_1512 = arith.constant 3 : i32
    %dma_wait3A_1513 = arith.constant 3 : i32
    %dma_wait3A_1514 = arith.constant 0 : i32
    %dma_wait3A_1515 = arith.constant 0 : i32
    %dma_wait3A_1516 = tpu.memref_slice %arg6[%dma_wait3A_1512, %dma_wait3A_1514, %dma_wait3A_1515] : memref<4x200x128xf32, #tpu.memory_space<vmem>> -> memref<1x200x128xf32, #tpu.memory_space<vmem>>
    %dma_wait3A_1517 = tpu.memref_squeeze %dma_wait3A_1516 : memref<1x200x128xf32, #tpu.memory_space<vmem>> -> memref<200x128xf32, #tpu.memory_space<vmem>>
    %dma_wait3A_1518 = arith.constant 0 : i32
    %dma_wait3A_1519 = tpu.memref_slice %arg4[%add3A_1511, %dma_wait3A_1518] : memref<204800x128xf32, #tpu.memory_space<hbm>> -> memref<200x128xf32, #tpu.memory_space<hbm>>
    %dma_wait3A_1520 = tpu.memref_slice %arg8[%dma_wait3A_1513] : memref<4x!tpu.dma_semaphore, #tpu.memory_space<semaphore_mem>> -> memref<1x!tpu.dma_semaphore, #tpu.memory_space<semaphore_mem>>
    %dma_wait3A_1521 = tpu.memref_squeeze %dma_wait3A_1520 : memref<1x!tpu.dma_semaphore, #tpu.memory_space<semaphore_mem>> -> memref<!tpu.dma_semaphore, #tpu.memory_space<semaphore_mem>>
    %dma_wait3A_1522 = arith.constant 0 : i32
    %dma_wait3A_1523 = tpu.memref_slice %arg4[%add3A_1511, %dma_wait3A_1522] : memref<204800x128xf32, #tpu.memory_space<hbm>> -> memref<200x128xf32, #tpu.memory_space<hbm>>
    %dma_wait3A_1524 = arith.constant 0 : i32
    %dma_wait3A_1525 = arith.constant 0 : i32
    %dma_wait3A_1526 = tpu.memref_slice %arg6[%dma_wait3A_1512, %dma_wait3A_1524, %dma_wait3A_1525] : memref<4x200x128xf32, #tpu.memory_space<vmem>> -> memref<1x200x128xf32, #tpu.memory_space<vmem>>
    %dma_wait3A_1527 = tpu.memref_squeeze %dma_wait3A_1526 : memref<1x200x128xf32, #tpu.memory_space<vmem>> -> memref<200x128xf32, #tpu.memory_space<vmem>>
    tpu.wait_dma2 semaphore(%dma_wait3A_1521 : memref<!tpu.dma_semaphore, #tpu.memory_space<semaphore_mem>>) src(%dma_wait3A_1527 : memref<200x128xf32, #tpu.memory_space<vmem>>) dst(%dma_wait3A_1523 : memref<200x128xf32, #tpu.memory_space<hbm>>)
    %dma_start3A_1528 = arith.constant 3 : i32
    %dma_start3A_1529 = arith.constant 3 : i32
    %dma_start3A_1530 = arith.constant 0 : i32
    %dma_start3A_1531 = arith.constant 0 : i32
    %dma_start3A_1532 = tpu.memref_slice %arg6[%dma_start3A_1528, %dma_start3A_1530, %dma_start3A_1531] : memref<4x200x128xf32, #tpu.memory_space<vmem>> -> memref<1x200x128xf32, #tpu.memory_space<vmem>>
    %dma_start3A_1533 = tpu.memref_squeeze %dma_start3A_1532 : memref<1x200x128xf32, #tpu.memory_space<vmem>> -> memref<200x128xf32, #tpu.memory_space<vmem>>
    %dma_start3A_1534 = arith.constant 5400 : i32
    %dma_start3A_1535 = tpu.memref_slice %arg5[%dma_start3A_1534] : memref<6400xi32, #tpu.memory_space<vmem>> -> memref<200xi32, #tpu.memory_space<vmem>>
    %dma_start3A_1536 = arith.constant 0 : i32
    %dma_start3A_1537 = arith.constant 0 : i32
    %dma_start3A_1538 = tpu.memref_slice %arg3[%dma_start3A_1536, %dma_start3A_1537] : memref<1000000x128xf32, #tpu.memory_space<hbm>> -> memref<1000000x128xf32, #tpu.memory_space<hbm>>
    %dma_start3A_1539 = tpu.memref_slice %arg7[%dma_start3A_1529] : memref<4x!tpu.dma_semaphore, #tpu.memory_space<semaphore_mem>> -> memref<1x!tpu.dma_semaphore, #tpu.memory_space<semaphore_mem>>
    %dma_start3A_1540 = tpu.memref_squeeze %dma_start3A_1539 : memref<1x!tpu.dma_semaphore, #tpu.memory_space<semaphore_mem>> -> memref<!tpu.dma_semaphore, #tpu.memory_space<semaphore_mem>>
    tpu.enqueue_indirect_dma source(%dma_start3A_1538 : memref<1000000x128xf32, #tpu.memory_space<hbm>>) target(%dma_start3A_1533 : memref<200x128xf32, #tpu.memory_space<vmem>>) offsets(%dma_start3A_1535 : memref<200xi32, #tpu.memory_space<vmem>>) semaphore(%dma_start3A_1540 : memref<!tpu.dma_semaphore, #tpu.memory_space<semaphore_mem>>)
    %dma_wait3A_1541 = arith.constant 0 : i32
    %dma_wait3A_1542 = arith.constant 0 : i32
    %dma_wait3A_1543 = arith.constant 0 : i32
    %dma_wait3A_1544 = arith.constant 0 : i32
    %dma_wait3A_1545 = tpu.memref_slice %arg6[%dma_wait3A_1541, %dma_wait3A_1543, %dma_wait3A_1544] : memref<4x200x128xf32, #tpu.memory_space<vmem>> -> memref<1x200x128xf32, #tpu.memory_space<vmem>>
    %dma_wait3A_1546 = tpu.memref_squeeze %dma_wait3A_1545 : memref<1x200x128xf32, #tpu.memory_space<vmem>> -> memref<200x128xf32, #tpu.memory_space<vmem>>
    %dma_wait3A_1547 = arith.constant 4800 : i32
    %dma_wait3A_1548 = tpu.memref_slice %arg5[%dma_wait3A_1547] : memref<6400xi32, #tpu.memory_space<vmem>> -> memref<200xi32, #tpu.memory_space<vmem>>
    %dma_wait3A_1549 = arith.constant 0 : i32
    %dma_wait3A_1550 = arith.constant 0 : i32
    %dma_wait3A_1551 = tpu.memref_slice %arg3[%dma_wait3A_1549, %dma_wait3A_1550] : memref<1000000x128xf32, #tpu.memory_space<hbm>> -> memref<1000000x128xf32, #tpu.memory_space<hbm>>
    %dma_wait3A_1552 = tpu.memref_slice %arg7[%dma_wait3A_1542] : memref<4x!tpu.dma_semaphore, #tpu.memory_space<semaphore_mem>> -> memref<1x!tpu.dma_semaphore, #tpu.memory_space<semaphore_mem>>
    %dma_wait3A_1553 = tpu.memref_squeeze %dma_wait3A_1552 : memref<1x!tpu.dma_semaphore, #tpu.memory_space<semaphore_mem>> -> memref<!tpu.dma_semaphore, #tpu.memory_space<semaphore_mem>>
    tpu.wait_indirect_dma semaphore(%dma_wait3A_1553 : memref<!tpu.dma_semaphore, #tpu.memory_space<semaphore_mem>>) src(%dma_wait3A_1551 : memref<1000000x128xf32, #tpu.memory_space<hbm>>) dst(%dma_wait3A_1546 : memref<200x128xf32, #tpu.memory_space<vmem>>)
    %add3A_1554 = arith.constant 4800 : i32
    %add3A_1555 = arith.addi %mul3A_2, %add3A_1554 : i32
    %dma_start3A_1556 = arith.constant 0 : i32
    %dma_start3A_1557 = arith.constant 0 : i32
    %dma_start3A_1558 = arith.constant 0 : i32
    %dma_start3A_1559 = arith.constant 0 : i32
    %dma_start3A_1560 = tpu.memref_slice %arg6[%dma_start3A_1556, %dma_start3A_1558, %dma_start3A_1559] : memref<4x200x128xf32, #tpu.memory_space<vmem>> -> memref<1x200x128xf32, #tpu.memory_space<vmem>>
    %dma_start3A_1561 = tpu.memref_squeeze %dma_start3A_1560 : memref<1x200x128xf32, #tpu.memory_space<vmem>> -> memref<200x128xf32, #tpu.memory_space<vmem>>
    %dma_start3A_1562 = arith.constant 0 : i32
    %dma_start3A_1563 = tpu.memref_slice %arg4[%add3A_1555, %dma_start3A_1562] : memref<204800x128xf32, #tpu.memory_space<hbm>> -> memref<200x128xf32, #tpu.memory_space<hbm>>
    %dma_start3A_1564 = tpu.memref_slice %arg8[%dma_start3A_1557] : memref<4x!tpu.dma_semaphore, #tpu.memory_space<semaphore_mem>> -> memref<1x!tpu.dma_semaphore, #tpu.memory_space<semaphore_mem>>
    %dma_start3A_1565 = tpu.memref_squeeze %dma_start3A_1564 : memref<1x!tpu.dma_semaphore, #tpu.memory_space<semaphore_mem>> -> memref<!tpu.dma_semaphore, #tpu.memory_space<semaphore_mem>>
    %dma_start3A_1566 = arith.constant 0 : i32
    %dma_start3A_1567 = tpu.memref_slice %arg4[%add3A_1555, %dma_start3A_1566] : memref<204800x128xf32, #tpu.memory_space<hbm>> -> memref<200x128xf32, #tpu.memory_space<hbm>>
    %dma_start3A_1568 = arith.constant 0 : i32
    %dma_start3A_1569 = arith.constant 0 : i32
    %dma_start3A_1570 = tpu.memref_slice %arg6[%dma_start3A_1556, %dma_start3A_1568, %dma_start3A_1569] : memref<4x200x128xf32, #tpu.memory_space<vmem>> -> memref<1x200x128xf32, #tpu.memory_space<vmem>>
    %dma_start3A_1571 = tpu.memref_squeeze %dma_start3A_1570 : memref<1x200x128xf32, #tpu.memory_space<vmem>> -> memref<200x128xf32, #tpu.memory_space<vmem>>
    tpu.enqueue_dma source(%dma_start3A_1571 : memref<200x128xf32, #tpu.memory_space<vmem>>) target(%dma_start3A_1567 : memref<200x128xf32, #tpu.memory_space<hbm>>) target_semaphore(%dma_start3A_1565 : memref<!tpu.dma_semaphore, #tpu.memory_space<semaphore_mem>>)
    %add3A_1572 = arith.constant 4800 : i32
    %add3A_1573 = arith.addi %mul3A_2, %add3A_1572 : i32
    %dma_wait3A_1574 = arith.constant 0 : i32
    %dma_wait3A_1575 = arith.constant 0 : i32
    %dma_wait3A_1576 = arith.constant 0 : i32
    %dma_wait3A_1577 = arith.constant 0 : i32
    %dma_wait3A_1578 = tpu.memref_slice %arg6[%dma_wait3A_1574, %dma_wait3A_1576, %dma_wait3A_1577] : memref<4x200x128xf32, #tpu.memory_space<vmem>> -> memref<1x200x128xf32, #tpu.memory_space<vmem>>
    %dma_wait3A_1579 = tpu.memref_squeeze %dma_wait3A_1578 : memref<1x200x128xf32, #tpu.memory_space<vmem>> -> memref<200x128xf32, #tpu.memory_space<vmem>>
    %dma_wait3A_1580 = arith.constant 0 : i32
    %dma_wait3A_1581 = tpu.memref_slice %arg4[%add3A_1573, %dma_wait3A_1580] : memref<204800x128xf32, #tpu.memory_space<hbm>> -> memref<200x128xf32, #tpu.memory_space<hbm>>
    %dma_wait3A_1582 = tpu.memref_slice %arg8[%dma_wait3A_1575] : memref<4x!tpu.dma_semaphore, #tpu.memory_space<semaphore_mem>> -> memref<1x!tpu.dma_semaphore, #tpu.memory_space<semaphore_mem>>
    %dma_wait3A_1583 = tpu.memref_squeeze %dma_wait3A_1582 : memref<1x!tpu.dma_semaphore, #tpu.memory_space<semaphore_mem>> -> memref<!tpu.dma_semaphore, #tpu.memory_space<semaphore_mem>>
    %dma_wait3A_1584 = arith.constant 0 : i32
    %dma_wait3A_1585 = tpu.memref_slice %arg4[%add3A_1573, %dma_wait3A_1584] : memref<204800x128xf32, #tpu.memory_space<hbm>> -> memref<200x128xf32, #tpu.memory_space<hbm>>
    %dma_wait3A_1586 = arith.constant 0 : i32
    %dma_wait3A_1587 = arith.constant 0 : i32
    %dma_wait3A_1588 = tpu.memref_slice %arg6[%dma_wait3A_1574, %dma_wait3A_1586, %dma_wait3A_1587] : memref<4x200x128xf32, #tpu.memory_space<vmem>> -> memref<1x200x128xf32, #tpu.memory_space<vmem>>
    %dma_wait3A_1589 = tpu.memref_squeeze %dma_wait3A_1588 : memref<1x200x128xf32, #tpu.memory_space<vmem>> -> memref<200x128xf32, #tpu.memory_space<vmem>>
    tpu.wait_dma2 semaphore(%dma_wait3A_1583 : memref<!tpu.dma_semaphore, #tpu.memory_space<semaphore_mem>>) src(%dma_wait3A_1589 : memref<200x128xf32, #tpu.memory_space<vmem>>) dst(%dma_wait3A_1585 : memref<200x128xf32, #tpu.memory_space<hbm>>)
    %dma_start3A_1590 = arith.constant 0 : i32
    %dma_start3A_1591 = arith.constant 0 : i32
    %dma_start3A_1592 = arith.constant 0 : i32
    %dma_start3A_1593 = arith.constant 0 : i32
    %dma_start3A_1594 = tpu.memref_slice %arg6[%dma_start3A_1590, %dma_start3A_1592, %dma_start3A_1593] : memref<4x200x128xf32, #tpu.memory_space<vmem>> -> memref<1x200x128xf32, #tpu.memory_space<vmem>>
    %dma_start3A_1595 = tpu.memref_squeeze %dma_start3A_1594 : memref<1x200x128xf32, #tpu.memory_space<vmem>> -> memref<200x128xf32, #tpu.memory_space<vmem>>
    %dma_start3A_1596 = arith.constant 5600 : i32
    %dma_start3A_1597 = tpu.memref_slice %arg5[%dma_start3A_1596] : memref<6400xi32, #tpu.memory_space<vmem>> -> memref<200xi32, #tpu.memory_space<vmem>>
    %dma_start3A_1598 = arith.constant 0 : i32
    %dma_start3A_1599 = arith.constant 0 : i32
    %dma_start3A_1600 = tpu.memref_slice %arg3[%dma_start3A_1598, %dma_start3A_1599] : memref<1000000x128xf32, #tpu.memory_space<hbm>> -> memref<1000000x128xf32, #tpu.memory_space<hbm>>
    %dma_start3A_1601 = tpu.memref_slice %arg7[%dma_start3A_1591] : memref<4x!tpu.dma_semaphore, #tpu.memory_space<semaphore_mem>> -> memref<1x!tpu.dma_semaphore, #tpu.memory_space<semaphore_mem>>
    %dma_start3A_1602 = tpu.memref_squeeze %dma_start3A_1601 : memref<1x!tpu.dma_semaphore, #tpu.memory_space<semaphore_mem>> -> memref<!tpu.dma_semaphore, #tpu.memory_space<semaphore_mem>>
    tpu.enqueue_indirect_dma source(%dma_start3A_1600 : memref<1000000x128xf32, #tpu.memory_space<hbm>>) target(%dma_start3A_1595 : memref<200x128xf32, #tpu.memory_space<vmem>>) offsets(%dma_start3A_1597 : memref<200xi32, #tpu.memory_space<vmem>>) semaphore(%dma_start3A_1602 : memref<!tpu.dma_semaphore, #tpu.memory_space<semaphore_mem>>)
    %dma_wait3A_1603 = arith.constant 1 : i32
    %dma_wait3A_1604 = arith.constant 1 : i32
    %dma_wait3A_1605 = arith.constant 0 : i32
    %dma_wait3A_1606 = arith.constant 0 : i32
    %dma_wait3A_1607 = tpu.memref_slice %arg6[%dma_wait3A_1603, %dma_wait3A_1605, %dma_wait3A_1606] : memref<4x200x128xf32, #tpu.memory_space<vmem>> -> memref<1x200x128xf32, #tpu.memory_space<vmem>>
    %dma_wait3A_1608 = tpu.memref_squeeze %dma_wait3A_1607 : memref<1x200x128xf32, #tpu.memory_space<vmem>> -> memref<200x128xf32, #tpu.memory_space<vmem>>
    %dma_wait3A_1609 = arith.constant 5000 : i32
    %dma_wait3A_1610 = tpu.memref_slice %arg5[%dma_wait3A_1609] : memref<6400xi32, #tpu.memory_space<vmem>> -> memref<200xi32, #tpu.memory_space<vmem>>
    %dma_wait3A_1611 = arith.constant 0 : i32
    %dma_wait3A_1612 = arith.constant 0 : i32
    %dma_wait3A_1613 = tpu.memref_slice %arg3[%dma_wait3A_1611, %dma_wait3A_1612] : memref<1000000x128xf32, #tpu.memory_space<hbm>> -> memref<1000000x128xf32, #tpu.memory_space<hbm>>
    %dma_wait3A_1614 = tpu.memref_slice %arg7[%dma_wait3A_1604] : memref<4x!tpu.dma_semaphore, #tpu.memory_space<semaphore_mem>> -> memref<1x!tpu.dma_semaphore, #tpu.memory_space<semaphore_mem>>
    %dma_wait3A_1615 = tpu.memref_squeeze %dma_wait3A_1614 : memref<1x!tpu.dma_semaphore, #tpu.memory_space<semaphore_mem>> -> memref<!tpu.dma_semaphore, #tpu.memory_space<semaphore_mem>>
    tpu.wait_indirect_dma semaphore(%dma_wait3A_1615 : memref<!tpu.dma_semaphore, #tpu.memory_space<semaphore_mem>>) src(%dma_wait3A_1613 : memref<1000000x128xf32, #tpu.memory_space<hbm>>) dst(%dma_wait3A_1608 : memref<200x128xf32, #tpu.memory_space<vmem>>)
    %add3A_1616 = arith.constant 5000 : i32
    %add3A_1617 = arith.addi %mul3A_2, %add3A_1616 : i32
    %dma_start3A_1618 = arith.constant 1 : i32
    %dma_start3A_1619 = arith.constant 1 : i32
    %dma_start3A_1620 = arith.constant 0 : i32
    %dma_start3A_1621 = arith.constant 0 : i32
    %dma_start3A_1622 = tpu.memref_slice %arg6[%dma_start3A_1618, %dma_start3A_1620, %dma_start3A_1621] : memref<4x200x128xf32, #tpu.memory_space<vmem>> -> memref<1x200x128xf32, #tpu.memory_space<vmem>>
    %dma_start3A_1623 = tpu.memref_squeeze %dma_start3A_1622 : memref<1x200x128xf32, #tpu.memory_space<vmem>> -> memref<200x128xf32, #tpu.memory_space<vmem>>
    %dma_start3A_1624 = arith.constant 0 : i32
    %dma_start3A_1625 = tpu.memref_slice %arg4[%add3A_1617, %dma_start3A_1624] : memref<204800x128xf32, #tpu.memory_space<hbm>> -> memref<200x128xf32, #tpu.memory_space<hbm>>
    %dma_start3A_1626 = tpu.memref_slice %arg8[%dma_start3A_1619] : memref<4x!tpu.dma_semaphore, #tpu.memory_space<semaphore_mem>> -> memref<1x!tpu.dma_semaphore, #tpu.memory_space<semaphore_mem>>
    %dma_start3A_1627 = tpu.memref_squeeze %dma_start3A_1626 : memref<1x!tpu.dma_semaphore, #tpu.memory_space<semaphore_mem>> -> memref<!tpu.dma_semaphore, #tpu.memory_space<semaphore_mem>>
    %dma_start3A_1628 = arith.constant 0 : i32
    %dma_start3A_1629 = tpu.memref_slice %arg4[%add3A_1617, %dma_start3A_1628] : memref<204800x128xf32, #tpu.memory_space<hbm>> -> memref<200x128xf32, #tpu.memory_space<hbm>>
    %dma_start3A_1630 = arith.constant 0 : i32
    %dma_start3A_1631 = arith.constant 0 : i32
    %dma_start3A_1632 = tpu.memref_slice %arg6[%dma_start3A_1618, %dma_start3A_1630, %dma_start3A_1631] : memref<4x200x128xf32, #tpu.memory_space<vmem>> -> memref<1x200x128xf32, #tpu.memory_space<vmem>>
    %dma_start3A_1633 = tpu.memref_squeeze %dma_start3A_1632 : memref<1x200x128xf32, #tpu.memory_space<vmem>> -> memref<200x128xf32, #tpu.memory_space<vmem>>
    tpu.enqueue_dma source(%dma_start3A_1633 : memref<200x128xf32, #tpu.memory_space<vmem>>) target(%dma_start3A_1629 : memref<200x128xf32, #tpu.memory_space<hbm>>) target_semaphore(%dma_start3A_1627 : memref<!tpu.dma_semaphore, #tpu.memory_space<semaphore_mem>>)
    %add3A_1634 = arith.constant 5000 : i32
    %add3A_1635 = arith.addi %mul3A_2, %add3A_1634 : i32
    %dma_wait3A_1636 = arith.constant 1 : i32
    %dma_wait3A_1637 = arith.constant 1 : i32
    %dma_wait3A_1638 = arith.constant 0 : i32
    %dma_wait3A_1639 = arith.constant 0 : i32
    %dma_wait3A_1640 = tpu.memref_slice %arg6[%dma_wait3A_1636, %dma_wait3A_1638, %dma_wait3A_1639] : memref<4x200x128xf32, #tpu.memory_space<vmem>> -> memref<1x200x128xf32, #tpu.memory_space<vmem>>
    %dma_wait3A_1641 = tpu.memref_squeeze %dma_wait3A_1640 : memref<1x200x128xf32, #tpu.memory_space<vmem>> -> memref<200x128xf32, #tpu.memory_space<vmem>>
    %dma_wait3A_1642 = arith.constant 0 : i32
    %dma_wait3A_1643 = tpu.memref_slice %arg4[%add3A_1635, %dma_wait3A_1642] : memref<204800x128xf32, #tpu.memory_space<hbm>> -> memref<200x128xf32, #tpu.memory_space<hbm>>
    %dma_wait3A_1644 = tpu.memref_slice %arg8[%dma_wait3A_1637] : memref<4x!tpu.dma_semaphore, #tpu.memory_space<semaphore_mem>> -> memref<1x!tpu.dma_semaphore, #tpu.memory_space<semaphore_mem>>
    %dma_wait3A_1645 = tpu.memref_squeeze %dma_wait3A_1644 : memref<1x!tpu.dma_semaphore, #tpu.memory_space<semaphore_mem>> -> memref<!tpu.dma_semaphore, #tpu.memory_space<semaphore_mem>>
    %dma_wait3A_1646 = arith.constant 0 : i32
    %dma_wait3A_1647 = tpu.memref_slice %arg4[%add3A_1635, %dma_wait3A_1646] : memref<204800x128xf32, #tpu.memory_space<hbm>> -> memref<200x128xf32, #tpu.memory_space<hbm>>
    %dma_wait3A_1648 = arith.constant 0 : i32
    %dma_wait3A_1649 = arith.constant 0 : i32
    %dma_wait3A_1650 = tpu.memref_slice %arg6[%dma_wait3A_1636, %dma_wait3A_1648, %dma_wait3A_1649] : memref<4x200x128xf32, #tpu.memory_space<vmem>> -> memref<1x200x128xf32, #tpu.memory_space<vmem>>
    %dma_wait3A_1651 = tpu.memref_squeeze %dma_wait3A_1650 : memref<1x200x128xf32, #tpu.memory_space<vmem>> -> memref<200x128xf32, #tpu.memory_space<vmem>>
    tpu.wait_dma2 semaphore(%dma_wait3A_1645 : memref<!tpu.dma_semaphore, #tpu.memory_space<semaphore_mem>>) src(%dma_wait3A_1651 : memref<200x128xf32, #tpu.memory_space<vmem>>) dst(%dma_wait3A_1647 : memref<200x128xf32, #tpu.memory_space<hbm>>)
    %dma_start3A_1652 = arith.constant 1 : i32
    %dma_start3A_1653 = arith.constant 1 : i32
    %dma_start3A_1654 = arith.constant 0 : i32
    %dma_start3A_1655 = arith.constant 0 : i32
    %dma_start3A_1656 = tpu.memref_slice %arg6[%dma_start3A_1652, %dma_start3A_1654, %dma_start3A_1655] : memref<4x200x128xf32, #tpu.memory_space<vmem>> -> memref<1x200x128xf32, #tpu.memory_space<vmem>>
    %dma_start3A_1657 = tpu.memref_squeeze %dma_start3A_1656 : memref<1x200x128xf32, #tpu.memory_space<vmem>> -> memref<200x128xf32, #tpu.memory_space<vmem>>
    %dma_start3A_1658 = arith.constant 5800 : i32
    %dma_start3A_1659 = tpu.memref_slice %arg5[%dma_start3A_1658] : memref<6400xi32, #tpu.memory_space<vmem>> -> memref<200xi32, #tpu.memory_space<vmem>>
    %dma_start3A_1660 = arith.constant 0 : i32
    %dma_start3A_1661 = arith.constant 0 : i32
    %dma_start3A_1662 = tpu.memref_slice %arg3[%dma_start3A_1660, %dma_start3A_1661] : memref<1000000x128xf32, #tpu.memory_space<hbm>> -> memref<1000000x128xf32, #tpu.memory_space<hbm>>
    %dma_start3A_1663 = tpu.memref_slice %arg7[%dma_start3A_1653] : memref<4x!tpu.dma_semaphore, #tpu.memory_space<semaphore_mem>> -> memref<1x!tpu.dma_semaphore, #tpu.memory_space<semaphore_mem>>
    %dma_start3A_1664 = tpu.memref_squeeze %dma_start3A_1663 : memref<1x!tpu.dma_semaphore, #tpu.memory_space<semaphore_mem>> -> memref<!tpu.dma_semaphore, #tpu.memory_space<semaphore_mem>>
    tpu.enqueue_indirect_dma source(%dma_start3A_1662 : memref<1000000x128xf32, #tpu.memory_space<hbm>>) target(%dma_start3A_1657 : memref<200x128xf32, #tpu.memory_space<vmem>>) offsets(%dma_start3A_1659 : memref<200xi32, #tpu.memory_space<vmem>>) semaphore(%dma_start3A_1664 : memref<!tpu.dma_semaphore, #tpu.memory_space<semaphore_mem>>)
    %dma_wait3A_1665 = arith.constant 2 : i32
    %dma_wait3A_1666 = arith.constant 2 : i32
    %dma_wait3A_1667 = arith.constant 0 : i32
    %dma_wait3A_1668 = arith.constant 0 : i32
    %dma_wait3A_1669 = tpu.memref_slice %arg6[%dma_wait3A_1665, %dma_wait3A_1667, %dma_wait3A_1668] : memref<4x200x128xf32, #tpu.memory_space<vmem>> -> memref<1x200x128xf32, #tpu.memory_space<vmem>>
    %dma_wait3A_1670 = tpu.memref_squeeze %dma_wait3A_1669 : memref<1x200x128xf32, #tpu.memory_space<vmem>> -> memref<200x128xf32, #tpu.memory_space<vmem>>
    %dma_wait3A_1671 = arith.constant 5200 : i32
    %dma_wait3A_1672 = tpu.memref_slice %arg5[%dma_wait3A_1671] : memref<6400xi32, #tpu.memory_space<vmem>> -> memref<200xi32, #tpu.memory_space<vmem>>
    %dma_wait3A_1673 = arith.constant 0 : i32
    %dma_wait3A_1674 = arith.constant 0 : i32
    %dma_wait3A_1675 = tpu.memref_slice %arg3[%dma_wait3A_1673, %dma_wait3A_1674] : memref<1000000x128xf32, #tpu.memory_space<hbm>> -> memref<1000000x128xf32, #tpu.memory_space<hbm>>
    %dma_wait3A_1676 = tpu.memref_slice %arg7[%dma_wait3A_1666] : memref<4x!tpu.dma_semaphore, #tpu.memory_space<semaphore_mem>> -> memref<1x!tpu.dma_semaphore, #tpu.memory_space<semaphore_mem>>
    %dma_wait3A_1677 = tpu.memref_squeeze %dma_wait3A_1676 : memref<1x!tpu.dma_semaphore, #tpu.memory_space<semaphore_mem>> -> memref<!tpu.dma_semaphore, #tpu.memory_space<semaphore_mem>>
    tpu.wait_indirect_dma semaphore(%dma_wait3A_1677 : memref<!tpu.dma_semaphore, #tpu.memory_space<semaphore_mem>>) src(%dma_wait3A_1675 : memref<1000000x128xf32, #tpu.memory_space<hbm>>) dst(%dma_wait3A_1670 : memref<200x128xf32, #tpu.memory_space<vmem>>)
    %add3A_1678 = arith.constant 5200 : i32
    %add3A_1679 = arith.addi %mul3A_2, %add3A_1678 : i32
    %dma_start3A_1680 = arith.constant 2 : i32
    %dma_start3A_1681 = arith.constant 2 : i32
    %dma_start3A_1682 = arith.constant 0 : i32
    %dma_start3A_1683 = arith.constant 0 : i32
    %dma_start3A_1684 = tpu.memref_slice %arg6[%dma_start3A_1680, %dma_start3A_1682, %dma_start3A_1683] : memref<4x200x128xf32, #tpu.memory_space<vmem>> -> memref<1x200x128xf32, #tpu.memory_space<vmem>>
    %dma_start3A_1685 = tpu.memref_squeeze %dma_start3A_1684 : memref<1x200x128xf32, #tpu.memory_space<vmem>> -> memref<200x128xf32, #tpu.memory_space<vmem>>
    %dma_start3A_1686 = arith.constant 0 : i32
    %dma_start3A_1687 = tpu.memref_slice %arg4[%add3A_1679, %dma_start3A_1686] : memref<204800x128xf32, #tpu.memory_space<hbm>> -> memref<200x128xf32, #tpu.memory_space<hbm>>
    %dma_start3A_1688 = tpu.memref_slice %arg8[%dma_start3A_1681] : memref<4x!tpu.dma_semaphore, #tpu.memory_space<semaphore_mem>> -> memref<1x!tpu.dma_semaphore, #tpu.memory_space<semaphore_mem>>
    %dma_start3A_1689 = tpu.memref_squeeze %dma_start3A_1688 : memref<1x!tpu.dma_semaphore, #tpu.memory_space<semaphore_mem>> -> memref<!tpu.dma_semaphore, #tpu.memory_space<semaphore_mem>>
    %dma_start3A_1690 = arith.constant 0 : i32
    %dma_start3A_1691 = tpu.memref_slice %arg4[%add3A_1679, %dma_start3A_1690] : memref<204800x128xf32, #tpu.memory_space<hbm>> -> memref<200x128xf32, #tpu.memory_space<hbm>>
    %dma_start3A_1692 = arith.constant 0 : i32
    %dma_start3A_1693 = arith.constant 0 : i32
    %dma_start3A_1694 = tpu.memref_slice %arg6[%dma_start3A_1680, %dma_start3A_1692, %dma_start3A_1693] : memref<4x200x128xf32, #tpu.memory_space<vmem>> -> memref<1x200x128xf32, #tpu.memory_space<vmem>>
    %dma_start3A_1695 = tpu.memref_squeeze %dma_start3A_1694 : memref<1x200x128xf32, #tpu.memory_space<vmem>> -> memref<200x128xf32, #tpu.memory_space<vmem>>
    tpu.enqueue_dma source(%dma_start3A_1695 : memref<200x128xf32, #tpu.memory_space<vmem>>) target(%dma_start3A_1691 : memref<200x128xf32, #tpu.memory_space<hbm>>) target_semaphore(%dma_start3A_1689 : memref<!tpu.dma_semaphore, #tpu.memory_space<semaphore_mem>>)
    %add3A_1696 = arith.constant 5200 : i32
    %add3A_1697 = arith.addi %mul3A_2, %add3A_1696 : i32
    %dma_wait3A_1698 = arith.constant 2 : i32
    %dma_wait3A_1699 = arith.constant 2 : i32
    %dma_wait3A_1700 = arith.constant 0 : i32
    %dma_wait3A_1701 = arith.constant 0 : i32
    %dma_wait3A_1702 = tpu.memref_slice %arg6[%dma_wait3A_1698, %dma_wait3A_1700, %dma_wait3A_1701] : memref<4x200x128xf32, #tpu.memory_space<vmem>> -> memref<1x200x128xf32, #tpu.memory_space<vmem>>
    %dma_wait3A_1703 = tpu.memref_squeeze %dma_wait3A_1702 : memref<1x200x128xf32, #tpu.memory_space<vmem>> -> memref<200x128xf32, #tpu.memory_space<vmem>>
    %dma_wait3A_1704 = arith.constant 0 : i32
    %dma_wait3A_1705 = tpu.memref_slice %arg4[%add3A_1697, %dma_wait3A_1704] : memref<204800x128xf32, #tpu.memory_space<hbm>> -> memref<200x128xf32, #tpu.memory_space<hbm>>
    %dma_wait3A_1706 = tpu.memref_slice %arg8[%dma_wait3A_1699] : memref<4x!tpu.dma_semaphore, #tpu.memory_space<semaphore_mem>> -> memref<1x!tpu.dma_semaphore, #tpu.memory_space<semaphore_mem>>
    %dma_wait3A_1707 = tpu.memref_squeeze %dma_wait3A_1706 : memref<1x!tpu.dma_semaphore, #tpu.memory_space<semaphore_mem>> -> memref<!tpu.dma_semaphore, #tpu.memory_space<semaphore_mem>>
    %dma_wait3A_1708 = arith.constant 0 : i32
    %dma_wait3A_1709 = tpu.memref_slice %arg4[%add3A_1697, %dma_wait3A_1708] : memref<204800x128xf32, #tpu.memory_space<hbm>> -> memref<200x128xf32, #tpu.memory_space<hbm>>
    %dma_wait3A_1710 = arith.constant 0 : i32
    %dma_wait3A_1711 = arith.constant 0 : i32
    %dma_wait3A_1712 = tpu.memref_slice %arg6[%dma_wait3A_1698, %dma_wait3A_1710, %dma_wait3A_1711] : memref<4x200x128xf32, #tpu.memory_space<vmem>> -> memref<1x200x128xf32, #tpu.memory_space<vmem>>
    %dma_wait3A_1713 = tpu.memref_squeeze %dma_wait3A_1712 : memref<1x200x128xf32, #tpu.memory_space<vmem>> -> memref<200x128xf32, #tpu.memory_space<vmem>>
    tpu.wait_dma2 semaphore(%dma_wait3A_1707 : memref<!tpu.dma_semaphore, #tpu.memory_space<semaphore_mem>>) src(%dma_wait3A_1713 : memref<200x128xf32, #tpu.memory_space<vmem>>) dst(%dma_wait3A_1709 : memref<200x128xf32, #tpu.memory_space<hbm>>)
    %dma_start3A_1714 = arith.constant 2 : i32
    %dma_start3A_1715 = arith.constant 2 : i32
    %dma_start3A_1716 = arith.constant 0 : i32
    %dma_start3A_1717 = arith.constant 0 : i32
    %dma_start3A_1718 = tpu.memref_slice %arg6[%dma_start3A_1714, %dma_start3A_1716, %dma_start3A_1717] : memref<4x200x128xf32, #tpu.memory_space<vmem>> -> memref<1x200x128xf32, #tpu.memory_space<vmem>>
    %dma_start3A_1719 = tpu.memref_squeeze %dma_start3A_1718 : memref<1x200x128xf32, #tpu.memory_space<vmem>> -> memref<200x128xf32, #tpu.memory_space<vmem>>
    %dma_start3A_1720 = arith.constant 6000 : i32
    %dma_start3A_1721 = tpu.memref_slice %arg5[%dma_start3A_1720] : memref<6400xi32, #tpu.memory_space<vmem>> -> memref<200xi32, #tpu.memory_space<vmem>>
    %dma_start3A_1722 = arith.constant 0 : i32
    %dma_start3A_1723 = arith.constant 0 : i32
    %dma_start3A_1724 = tpu.memref_slice %arg3[%dma_start3A_1722, %dma_start3A_1723] : memref<1000000x128xf32, #tpu.memory_space<hbm>> -> memref<1000000x128xf32, #tpu.memory_space<hbm>>
    %dma_start3A_1725 = tpu.memref_slice %arg7[%dma_start3A_1715] : memref<4x!tpu.dma_semaphore, #tpu.memory_space<semaphore_mem>> -> memref<1x!tpu.dma_semaphore, #tpu.memory_space<semaphore_mem>>
    %dma_start3A_1726 = tpu.memref_squeeze %dma_start3A_1725 : memref<1x!tpu.dma_semaphore, #tpu.memory_space<semaphore_mem>> -> memref<!tpu.dma_semaphore, #tpu.memory_space<semaphore_mem>>
    tpu.enqueue_indirect_dma source(%dma_start3A_1724 : memref<1000000x128xf32, #tpu.memory_space<hbm>>) target(%dma_start3A_1719 : memref<200x128xf32, #tpu.memory_space<vmem>>) offsets(%dma_start3A_1721 : memref<200xi32, #tpu.memory_space<vmem>>) semaphore(%dma_start3A_1726 : memref<!tpu.dma_semaphore, #tpu.memory_space<semaphore_mem>>)
    %dma_wait3A_1727 = arith.constant 3 : i32
    %dma_wait3A_1728 = arith.constant 3 : i32
    %dma_wait3A_1729 = arith.constant 0 : i32
    %dma_wait3A_1730 = arith.constant 0 : i32
    %dma_wait3A_1731 = tpu.memref_slice %arg6[%dma_wait3A_1727, %dma_wait3A_1729, %dma_wait3A_1730] : memref<4x200x128xf32, #tpu.memory_space<vmem>> -> memref<1x200x128xf32, #tpu.memory_space<vmem>>
    %dma_wait3A_1732 = tpu.memref_squeeze %dma_wait3A_1731 : memref<1x200x128xf32, #tpu.memory_space<vmem>> -> memref<200x128xf32, #tpu.memory_space<vmem>>
    %dma_wait3A_1733 = arith.constant 5400 : i32
    %dma_wait3A_1734 = tpu.memref_slice %arg5[%dma_wait3A_1733] : memref<6400xi32, #tpu.memory_space<vmem>> -> memref<200xi32, #tpu.memory_space<vmem>>
    %dma_wait3A_1735 = arith.constant 0 : i32
    %dma_wait3A_1736 = arith.constant 0 : i32
    %dma_wait3A_1737 = tpu.memref_slice %arg3[%dma_wait3A_1735, %dma_wait3A_1736] : memref<1000000x128xf32, #tpu.memory_space<hbm>> -> memref<1000000x128xf32, #tpu.memory_space<hbm>>
    %dma_wait3A_1738 = tpu.memref_slice %arg7[%dma_wait3A_1728] : memref<4x!tpu.dma_semaphore, #tpu.memory_space<semaphore_mem>> -> memref<1x!tpu.dma_semaphore, #tpu.memory_space<semaphore_mem>>
    %dma_wait3A_1739 = tpu.memref_squeeze %dma_wait3A_1738 : memref<1x!tpu.dma_semaphore, #tpu.memory_space<semaphore_mem>> -> memref<!tpu.dma_semaphore, #tpu.memory_space<semaphore_mem>>
    tpu.wait_indirect_dma semaphore(%dma_wait3A_1739 : memref<!tpu.dma_semaphore, #tpu.memory_space<semaphore_mem>>) src(%dma_wait3A_1737 : memref<1000000x128xf32, #tpu.memory_space<hbm>>) dst(%dma_wait3A_1732 : memref<200x128xf32, #tpu.memory_space<vmem>>)
    %add3A_1740 = arith.constant 5400 : i32
    %add3A_1741 = arith.addi %mul3A_2, %add3A_1740 : i32
    %dma_start3A_1742 = arith.constant 3 : i32
    %dma_start3A_1743 = arith.constant 3 : i32
    %dma_start3A_1744 = arith.constant 0 : i32
    %dma_start3A_1745 = arith.constant 0 : i32
    %dma_start3A_1746 = tpu.memref_slice %arg6[%dma_start3A_1742, %dma_start3A_1744, %dma_start3A_1745] : memref<4x200x128xf32, #tpu.memory_space<vmem>> -> memref<1x200x128xf32, #tpu.memory_space<vmem>>
    %dma_start3A_1747 = tpu.memref_squeeze %dma_start3A_1746 : memref<1x200x128xf32, #tpu.memory_space<vmem>> -> memref<200x128xf32, #tpu.memory_space<vmem>>
    %dma_start3A_1748 = arith.constant 0 : i32
    %dma_start3A_1749 = tpu.memref_slice %arg4[%add3A_1741, %dma_start3A_1748] : memref<204800x128xf32, #tpu.memory_space<hbm>> -> memref<200x128xf32, #tpu.memory_space<hbm>>
    %dma_start3A_1750 = tpu.memref_slice %arg8[%dma_start3A_1743] : memref<4x!tpu.dma_semaphore, #tpu.memory_space<semaphore_mem>> -> memref<1x!tpu.dma_semaphore, #tpu.memory_space<semaphore_mem>>
    %dma_start3A_1751 = tpu.memref_squeeze %dma_start3A_1750 : memref<1x!tpu.dma_semaphore, #tpu.memory_space<semaphore_mem>> -> memref<!tpu.dma_semaphore, #tpu.memory_space<semaphore_mem>>
    %dma_start3A_1752 = arith.constant 0 : i32
    %dma_start3A_1753 = tpu.memref_slice %arg4[%add3A_1741, %dma_start3A_1752] : memref<204800x128xf32, #tpu.memory_space<hbm>> -> memref<200x128xf32, #tpu.memory_space<hbm>>
    %dma_start3A_1754 = arith.constant 0 : i32
    %dma_start3A_1755 = arith.constant 0 : i32
    %dma_start3A_1756 = tpu.memref_slice %arg6[%dma_start3A_1742, %dma_start3A_1754, %dma_start3A_1755] : memref<4x200x128xf32, #tpu.memory_space<vmem>> -> memref<1x200x128xf32, #tpu.memory_space<vmem>>
    %dma_start3A_1757 = tpu.memref_squeeze %dma_start3A_1756 : memref<1x200x128xf32, #tpu.memory_space<vmem>> -> memref<200x128xf32, #tpu.memory_space<vmem>>
    tpu.enqueue_dma source(%dma_start3A_1757 : memref<200x128xf32, #tpu.memory_space<vmem>>) target(%dma_start3A_1753 : memref<200x128xf32, #tpu.memory_space<hbm>>) target_semaphore(%dma_start3A_1751 : memref<!tpu.dma_semaphore, #tpu.memory_space<semaphore_mem>>)
    %add3A_1758 = arith.constant 5400 : i32
    %add3A_1759 = arith.addi %mul3A_2, %add3A_1758 : i32
    %dma_wait3A_1760 = arith.constant 3 : i32
    %dma_wait3A_1761 = arith.constant 3 : i32
    %dma_wait3A_1762 = arith.constant 0 : i32
    %dma_wait3A_1763 = arith.constant 0 : i32
    %dma_wait3A_1764 = tpu.memref_slice %arg6[%dma_wait3A_1760, %dma_wait3A_1762, %dma_wait3A_1763] : memref<4x200x128xf32, #tpu.memory_space<vmem>> -> memref<1x200x128xf32, #tpu.memory_space<vmem>>
    %dma_wait3A_1765 = tpu.memref_squeeze %dma_wait3A_1764 : memref<1x200x128xf32, #tpu.memory_space<vmem>> -> memref<200x128xf32, #tpu.memory_space<vmem>>
    %dma_wait3A_1766 = arith.constant 0 : i32
    %dma_wait3A_1767 = tpu.memref_slice %arg4[%add3A_1759, %dma_wait3A_1766] : memref<204800x128xf32, #tpu.memory_space<hbm>> -> memref<200x128xf32, #tpu.memory_space<hbm>>
    %dma_wait3A_1768 = tpu.memref_slice %arg8[%dma_wait3A_1761] : memref<4x!tpu.dma_semaphore, #tpu.memory_space<semaphore_mem>> -> memref<1x!tpu.dma_semaphore, #tpu.memory_space<semaphore_mem>>
    %dma_wait3A_1769 = tpu.memref_squeeze %dma_wait3A_1768 : memref<1x!tpu.dma_semaphore, #tpu.memory_space<semaphore_mem>> -> memref<!tpu.dma_semaphore, #tpu.memory_space<semaphore_mem>>
    %dma_wait3A_1770 = arith.constant 0 : i32
    %dma_wait3A_1771 = tpu.memref_slice %arg4[%add3A_1759, %dma_wait3A_1770] : memref<204800x128xf32, #tpu.memory_space<hbm>> -> memref<200x128xf32, #tpu.memory_space<hbm>>
    %dma_wait3A_1772 = arith.constant 0 : i32
    %dma_wait3A_1773 = arith.constant 0 : i32
    %dma_wait3A_1774 = tpu.memref_slice %arg6[%dma_wait3A_1760, %dma_wait3A_1772, %dma_wait3A_1773] : memref<4x200x128xf32, #tpu.memory_space<vmem>> -> memref<1x200x128xf32, #tpu.memory_space<vmem>>
    %dma_wait3A_1775 = tpu.memref_squeeze %dma_wait3A_1774 : memref<1x200x128xf32, #tpu.memory_space<vmem>> -> memref<200x128xf32, #tpu.memory_space<vmem>>
    tpu.wait_dma2 semaphore(%dma_wait3A_1769 : memref<!tpu.dma_semaphore, #tpu.memory_space<semaphore_mem>>) src(%dma_wait3A_1775 : memref<200x128xf32, #tpu.memory_space<vmem>>) dst(%dma_wait3A_1771 : memref<200x128xf32, #tpu.memory_space<hbm>>)
    %dma_start3A_1776 = arith.constant 3 : i32
    %dma_start3A_1777 = arith.constant 3 : i32
    %dma_start3A_1778 = arith.constant 0 : i32
    %dma_start3A_1779 = arith.constant 0 : i32
    %dma_start3A_1780 = tpu.memref_slice %arg6[%dma_start3A_1776, %dma_start3A_1778, %dma_start3A_1779] : memref<4x200x128xf32, #tpu.memory_space<vmem>> -> memref<1x200x128xf32, #tpu.memory_space<vmem>>
    %dma_start3A_1781 = tpu.memref_squeeze %dma_start3A_1780 : memref<1x200x128xf32, #tpu.memory_space<vmem>> -> memref<200x128xf32, #tpu.memory_space<vmem>>
    %dma_start3A_1782 = arith.constant 6200 : i32
    %dma_start3A_1783 = tpu.memref_slice %arg5[%dma_start3A_1782] : memref<6400xi32, #tpu.memory_space<vmem>> -> memref<200xi32, #tpu.memory_space<vmem>>
    %dma_start3A_1784 = arith.constant 0 : i32
    %dma_start3A_1785 = arith.constant 0 : i32
    %dma_start3A_1786 = tpu.memref_slice %arg3[%dma_start3A_1784, %dma_start3A_1785] : memref<1000000x128xf32, #tpu.memory_space<hbm>> -> memref<1000000x128xf32, #tpu.memory_space<hbm>>
    %dma_start3A_1787 = tpu.memref_slice %arg7[%dma_start3A_1777] : memref<4x!tpu.dma_semaphore, #tpu.memory_space<semaphore_mem>> -> memref<1x!tpu.dma_semaphore, #tpu.memory_space<semaphore_mem>>
    %dma_start3A_1788 = tpu.memref_squeeze %dma_start3A_1787 : memref<1x!tpu.dma_semaphore, #tpu.memory_space<semaphore_mem>> -> memref<!tpu.dma_semaphore, #tpu.memory_space<semaphore_mem>>
    tpu.enqueue_indirect_dma source(%dma_start3A_1786 : memref<1000000x128xf32, #tpu.memory_space<hbm>>) target(%dma_start3A_1781 : memref<200x128xf32, #tpu.memory_space<vmem>>) offsets(%dma_start3A_1783 : memref<200xi32, #tpu.memory_space<vmem>>) semaphore(%dma_start3A_1788 : memref<!tpu.dma_semaphore, #tpu.memory_space<semaphore_mem>>)
    %dma_wait3A_1789 = arith.constant 0 : i32
    %dma_wait3A_1790 = arith.constant 0 : i32
    %dma_wait3A_1791 = arith.constant 0 : i32
    %dma_wait3A_1792 = arith.constant 0 : i32
    %dma_wait3A_1793 = tpu.memref_slice %arg6[%dma_wait3A_1789, %dma_wait3A_1791, %dma_wait3A_1792] : memref<4x200x128xf32, #tpu.memory_space<vmem>> -> memref<1x200x128xf32, #tpu.memory_space<vmem>>
    %dma_wait3A_1794 = tpu.memref_squeeze %dma_wait3A_1793 : memref<1x200x128xf32, #tpu.memory_space<vmem>> -> memref<200x128xf32, #tpu.memory_space<vmem>>
    %dma_wait3A_1795 = arith.constant 5600 : i32
    %dma_wait3A_1796 = tpu.memref_slice %arg5[%dma_wait3A_1795] : memref<6400xi32, #tpu.memory_space<vmem>> -> memref<200xi32, #tpu.memory_space<vmem>>
    %dma_wait3A_1797 = arith.constant 0 : i32
    %dma_wait3A_1798 = arith.constant 0 : i32
    %dma_wait3A_1799 = tpu.memref_slice %arg3[%dma_wait3A_1797, %dma_wait3A_1798] : memref<1000000x128xf32, #tpu.memory_space<hbm>> -> memref<1000000x128xf32, #tpu.memory_space<hbm>>
    %dma_wait3A_1800 = tpu.memref_slice %arg7[%dma_wait3A_1790] : memref<4x!tpu.dma_semaphore, #tpu.memory_space<semaphore_mem>> -> memref<1x!tpu.dma_semaphore, #tpu.memory_space<semaphore_mem>>
    %dma_wait3A_1801 = tpu.memref_squeeze %dma_wait3A_1800 : memref<1x!tpu.dma_semaphore, #tpu.memory_space<semaphore_mem>> -> memref<!tpu.dma_semaphore, #tpu.memory_space<semaphore_mem>>
    tpu.wait_indirect_dma semaphore(%dma_wait3A_1801 : memref<!tpu.dma_semaphore, #tpu.memory_space<semaphore_mem>>) src(%dma_wait3A_1799 : memref<1000000x128xf32, #tpu.memory_space<hbm>>) dst(%dma_wait3A_1794 : memref<200x128xf32, #tpu.memory_space<vmem>>)
    %add3A_1802 = arith.constant 5600 : i32
    %add3A_1803 = arith.addi %mul3A_2, %add3A_1802 : i32
    %dma_start3A_1804 = arith.constant 0 : i32
    %dma_start3A_1805 = arith.constant 0 : i32
    %dma_start3A_1806 = arith.constant 0 : i32
    %dma_start3A_1807 = arith.constant 0 : i32
    %dma_start3A_1808 = tpu.memref_slice %arg6[%dma_start3A_1804, %dma_start3A_1806, %dma_start3A_1807] : memref<4x200x128xf32, #tpu.memory_space<vmem>> -> memref<1x200x128xf32, #tpu.memory_space<vmem>>
    %dma_start3A_1809 = tpu.memref_squeeze %dma_start3A_1808 : memref<1x200x128xf32, #tpu.memory_space<vmem>> -> memref<200x128xf32, #tpu.memory_space<vmem>>
    %dma_start3A_1810 = arith.constant 0 : i32
    %dma_start3A_1811 = tpu.memref_slice %arg4[%add3A_1803, %dma_start3A_1810] : memref<204800x128xf32, #tpu.memory_space<hbm>> -> memref<200x128xf32, #tpu.memory_space<hbm>>
    %dma_start3A_1812 = tpu.memref_slice %arg8[%dma_start3A_1805] : memref<4x!tpu.dma_semaphore, #tpu.memory_space<semaphore_mem>> -> memref<1x!tpu.dma_semaphore, #tpu.memory_space<semaphore_mem>>
    %dma_start3A_1813 = tpu.memref_squeeze %dma_start3A_1812 : memref<1x!tpu.dma_semaphore, #tpu.memory_space<semaphore_mem>> -> memref<!tpu.dma_semaphore, #tpu.memory_space<semaphore_mem>>
    %dma_start3A_1814 = arith.constant 0 : i32
    %dma_start3A_1815 = tpu.memref_slice %arg4[%add3A_1803, %dma_start3A_1814] : memref<204800x128xf32, #tpu.memory_space<hbm>> -> memref<200x128xf32, #tpu.memory_space<hbm>>
    %dma_start3A_1816 = arith.constant 0 : i32
    %dma_start3A_1817 = arith.constant 0 : i32
    %dma_start3A_1818 = tpu.memref_slice %arg6[%dma_start3A_1804, %dma_start3A_1816, %dma_start3A_1817] : memref<4x200x128xf32, #tpu.memory_space<vmem>> -> memref<1x200x128xf32, #tpu.memory_space<vmem>>
    %dma_start3A_1819 = tpu.memref_squeeze %dma_start3A_1818 : memref<1x200x128xf32, #tpu.memory_space<vmem>> -> memref<200x128xf32, #tpu.memory_space<vmem>>
    tpu.enqueue_dma source(%dma_start3A_1819 : memref<200x128xf32, #tpu.memory_space<vmem>>) target(%dma_start3A_1815 : memref<200x128xf32, #tpu.memory_space<hbm>>) target_semaphore(%dma_start3A_1813 : memref<!tpu.dma_semaphore, #tpu.memory_space<semaphore_mem>>)
    %dma_wait3A_1820 = arith.constant 1 : i32
    %dma_wait3A_1821 = arith.constant 1 : i32
    %dma_wait3A_1822 = arith.constant 0 : i32
    %dma_wait3A_1823 = arith.constant 0 : i32
    %dma_wait3A_1824 = tpu.memref_slice %arg6[%dma_wait3A_1820, %dma_wait3A_1822, %dma_wait3A_1823] : memref<4x200x128xf32, #tpu.memory_space<vmem>> -> memref<1x200x128xf32, #tpu.memory_space<vmem>>
    %dma_wait3A_1825 = tpu.memref_squeeze %dma_wait3A_1824 : memref<1x200x128xf32, #tpu.memory_space<vmem>> -> memref<200x128xf32, #tpu.memory_space<vmem>>
    %dma_wait3A_1826 = arith.constant 5800 : i32
    %dma_wait3A_1827 = tpu.memref_slice %arg5[%dma_wait3A_1826] : memref<6400xi32, #tpu.memory_space<vmem>> -> memref<200xi32, #tpu.memory_space<vmem>>
    %dma_wait3A_1828 = arith.constant 0 : i32
    %dma_wait3A_1829 = arith.constant 0 : i32
    %dma_wait3A_1830 = tpu.memref_slice %arg3[%dma_wait3A_1828, %dma_wait3A_1829] : memref<1000000x128xf32, #tpu.memory_space<hbm>> -> memref<1000000x128xf32, #tpu.memory_space<hbm>>
    %dma_wait3A_1831 = tpu.memref_slice %arg7[%dma_wait3A_1821] : memref<4x!tpu.dma_semaphore, #tpu.memory_space<semaphore_mem>> -> memref<1x!tpu.dma_semaphore, #tpu.memory_space<semaphore_mem>>
    %dma_wait3A_1832 = tpu.memref_squeeze %dma_wait3A_1831 : memref<1x!tpu.dma_semaphore, #tpu.memory_space<semaphore_mem>> -> memref<!tpu.dma_semaphore, #tpu.memory_space<semaphore_mem>>
    tpu.wait_indirect_dma semaphore(%dma_wait3A_1832 : memref<!tpu.dma_semaphore, #tpu.memory_space<semaphore_mem>>) src(%dma_wait3A_1830 : memref<1000000x128xf32, #tpu.memory_space<hbm>>) dst(%dma_wait3A_1825 : memref<200x128xf32, #tpu.memory_space<vmem>>)
    %add3A_1833 = arith.constant 5800 : i32
    %add3A_1834 = arith.addi %mul3A_2, %add3A_1833 : i32
    %dma_start3A_1835 = arith.constant 1 : i32
    %dma_start3A_1836 = arith.constant 1 : i32
    %dma_start3A_1837 = arith.constant 0 : i32
    %dma_start3A_1838 = arith.constant 0 : i32
    %dma_start3A_1839 = tpu.memref_slice %arg6[%dma_start3A_1835, %dma_start3A_1837, %dma_start3A_1838] : memref<4x200x128xf32, #tpu.memory_space<vmem>> -> memref<1x200x128xf32, #tpu.memory_space<vmem>>
    %dma_start3A_1840 = tpu.memref_squeeze %dma_start3A_1839 : memref<1x200x128xf32, #tpu.memory_space<vmem>> -> memref<200x128xf32, #tpu.memory_space<vmem>>
    %dma_start3A_1841 = arith.constant 0 : i32
    %dma_start3A_1842 = tpu.memref_slice %arg4[%add3A_1834, %dma_start3A_1841] : memref<204800x128xf32, #tpu.memory_space<hbm>> -> memref<200x128xf32, #tpu.memory_space<hbm>>
    %dma_start3A_1843 = tpu.memref_slice %arg8[%dma_start3A_1836] : memref<4x!tpu.dma_semaphore, #tpu.memory_space<semaphore_mem>> -> memref<1x!tpu.dma_semaphore, #tpu.memory_space<semaphore_mem>>
    %dma_start3A_1844 = tpu.memref_squeeze %dma_start3A_1843 : memref<1x!tpu.dma_semaphore, #tpu.memory_space<semaphore_mem>> -> memref<!tpu.dma_semaphore, #tpu.memory_space<semaphore_mem>>
    %dma_start3A_1845 = arith.constant 0 : i32
    %dma_start3A_1846 = tpu.memref_slice %arg4[%add3A_1834, %dma_start3A_1845] : memref<204800x128xf32, #tpu.memory_space<hbm>> -> memref<200x128xf32, #tpu.memory_space<hbm>>
    %dma_start3A_1847 = arith.constant 0 : i32
    %dma_start3A_1848 = arith.constant 0 : i32
    %dma_start3A_1849 = tpu.memref_slice %arg6[%dma_start3A_1835, %dma_start3A_1847, %dma_start3A_1848] : memref<4x200x128xf32, #tpu.memory_space<vmem>> -> memref<1x200x128xf32, #tpu.memory_space<vmem>>
    %dma_start3A_1850 = tpu.memref_squeeze %dma_start3A_1849 : memref<1x200x128xf32, #tpu.memory_space<vmem>> -> memref<200x128xf32, #tpu.memory_space<vmem>>
    tpu.enqueue_dma source(%dma_start3A_1850 : memref<200x128xf32, #tpu.memory_space<vmem>>) target(%dma_start3A_1846 : memref<200x128xf32, #tpu.memory_space<hbm>>) target_semaphore(%dma_start3A_1844 : memref<!tpu.dma_semaphore, #tpu.memory_space<semaphore_mem>>)
    %dma_wait3A_1851 = arith.constant 2 : i32
    %dma_wait3A_1852 = arith.constant 2 : i32
    %dma_wait3A_1853 = arith.constant 0 : i32
    %dma_wait3A_1854 = arith.constant 0 : i32
    %dma_wait3A_1855 = tpu.memref_slice %arg6[%dma_wait3A_1851, %dma_wait3A_1853, %dma_wait3A_1854] : memref<4x200x128xf32, #tpu.memory_space<vmem>> -> memref<1x200x128xf32, #tpu.memory_space<vmem>>
    %dma_wait3A_1856 = tpu.memref_squeeze %dma_wait3A_1855 : memref<1x200x128xf32, #tpu.memory_space<vmem>> -> memref<200x128xf32, #tpu.memory_space<vmem>>
    %dma_wait3A_1857 = arith.constant 6000 : i32
    %dma_wait3A_1858 = tpu.memref_slice %arg5[%dma_wait3A_1857] : memref<6400xi32, #tpu.memory_space<vmem>> -> memref<200xi32, #tpu.memory_space<vmem>>
    %dma_wait3A_1859 = arith.constant 0 : i32
    %dma_wait3A_1860 = arith.constant 0 : i32
    %dma_wait3A_1861 = tpu.memref_slice %arg3[%dma_wait3A_1859, %dma_wait3A_1860] : memref<1000000x128xf32, #tpu.memory_space<hbm>> -> memref<1000000x128xf32, #tpu.memory_space<hbm>>
    %dma_wait3A_1862 = tpu.memref_slice %arg7[%dma_wait3A_1852] : memref<4x!tpu.dma_semaphore, #tpu.memory_space<semaphore_mem>> -> memref<1x!tpu.dma_semaphore, #tpu.memory_space<semaphore_mem>>
    %dma_wait3A_1863 = tpu.memref_squeeze %dma_wait3A_1862 : memref<1x!tpu.dma_semaphore, #tpu.memory_space<semaphore_mem>> -> memref<!tpu.dma_semaphore, #tpu.memory_space<semaphore_mem>>
    tpu.wait_indirect_dma semaphore(%dma_wait3A_1863 : memref<!tpu.dma_semaphore, #tpu.memory_space<semaphore_mem>>) src(%dma_wait3A_1861 : memref<1000000x128xf32, #tpu.memory_space<hbm>>) dst(%dma_wait3A_1856 : memref<200x128xf32, #tpu.memory_space<vmem>>)
    %add3A_1864 = arith.constant 6000 : i32
    %add3A_1865 = arith.addi %mul3A_2, %add3A_1864 : i32
    %dma_start3A_1866 = arith.constant 2 : i32
    %dma_start3A_1867 = arith.constant 2 : i32
    %dma_start3A_1868 = arith.constant 0 : i32
    %dma_start3A_1869 = arith.constant 0 : i32
    %dma_start3A_1870 = tpu.memref_slice %arg6[%dma_start3A_1866, %dma_start3A_1868, %dma_start3A_1869] : memref<4x200x128xf32, #tpu.memory_space<vmem>> -> memref<1x200x128xf32, #tpu.memory_space<vmem>>
    %dma_start3A_1871 = tpu.memref_squeeze %dma_start3A_1870 : memref<1x200x128xf32, #tpu.memory_space<vmem>> -> memref<200x128xf32, #tpu.memory_space<vmem>>
    %dma_start3A_1872 = arith.constant 0 : i32
    %dma_start3A_1873 = tpu.memref_slice %arg4[%add3A_1865, %dma_start3A_1872] : memref<204800x128xf32, #tpu.memory_space<hbm>> -> memref<200x128xf32, #tpu.memory_space<hbm>>
    %dma_start3A_1874 = tpu.memref_slice %arg8[%dma_start3A_1867] : memref<4x!tpu.dma_semaphore, #tpu.memory_space<semaphore_mem>> -> memref<1x!tpu.dma_semaphore, #tpu.memory_space<semaphore_mem>>
    %dma_start3A_1875 = tpu.memref_squeeze %dma_start3A_1874 : memref<1x!tpu.dma_semaphore, #tpu.memory_space<semaphore_mem>> -> memref<!tpu.dma_semaphore, #tpu.memory_space<semaphore_mem>>
    %dma_start3A_1876 = arith.constant 0 : i32
    %dma_start3A_1877 = tpu.memref_slice %arg4[%add3A_1865, %dma_start3A_1876] : memref<204800x128xf32, #tpu.memory_space<hbm>> -> memref<200x128xf32, #tpu.memory_space<hbm>>
    %dma_start3A_1878 = arith.constant 0 : i32
    %dma_start3A_1879 = arith.constant 0 : i32
    %dma_start3A_1880 = tpu.memref_slice %arg6[%dma_start3A_1866, %dma_start3A_1878, %dma_start3A_1879] : memref<4x200x128xf32, #tpu.memory_space<vmem>> -> memref<1x200x128xf32, #tpu.memory_space<vmem>>
    %dma_start3A_1881 = tpu.memref_squeeze %dma_start3A_1880 : memref<1x200x128xf32, #tpu.memory_space<vmem>> -> memref<200x128xf32, #tpu.memory_space<vmem>>
    tpu.enqueue_dma source(%dma_start3A_1881 : memref<200x128xf32, #tpu.memory_space<vmem>>) target(%dma_start3A_1877 : memref<200x128xf32, #tpu.memory_space<hbm>>) target_semaphore(%dma_start3A_1875 : memref<!tpu.dma_semaphore, #tpu.memory_space<semaphore_mem>>)
    %dma_wait3A_1882 = arith.constant 3 : i32
    %dma_wait3A_1883 = arith.constant 3 : i32
    %dma_wait3A_1884 = arith.constant 0 : i32
    %dma_wait3A_1885 = arith.constant 0 : i32
    %dma_wait3A_1886 = tpu.memref_slice %arg6[%dma_wait3A_1882, %dma_wait3A_1884, %dma_wait3A_1885] : memref<4x200x128xf32, #tpu.memory_space<vmem>> -> memref<1x200x128xf32, #tpu.memory_space<vmem>>
    %dma_wait3A_1887 = tpu.memref_squeeze %dma_wait3A_1886 : memref<1x200x128xf32, #tpu.memory_space<vmem>> -> memref<200x128xf32, #tpu.memory_space<vmem>>
    %dma_wait3A_1888 = arith.constant 6200 : i32
    %dma_wait3A_1889 = tpu.memref_slice %arg5[%dma_wait3A_1888] : memref<6400xi32, #tpu.memory_space<vmem>> -> memref<200xi32, #tpu.memory_space<vmem>>
    %dma_wait3A_1890 = arith.constant 0 : i32
    %dma_wait3A_1891 = arith.constant 0 : i32
    %dma_wait3A_1892 = tpu.memref_slice %arg3[%dma_wait3A_1890, %dma_wait3A_1891] : memref<1000000x128xf32, #tpu.memory_space<hbm>> -> memref<1000000x128xf32, #tpu.memory_space<hbm>>
    %dma_wait3A_1893 = tpu.memref_slice %arg7[%dma_wait3A_1883] : memref<4x!tpu.dma_semaphore, #tpu.memory_space<semaphore_mem>> -> memref<1x!tpu.dma_semaphore, #tpu.memory_space<semaphore_mem>>
    %dma_wait3A_1894 = tpu.memref_squeeze %dma_wait3A_1893 : memref<1x!tpu.dma_semaphore, #tpu.memory_space<semaphore_mem>> -> memref<!tpu.dma_semaphore, #tpu.memory_space<semaphore_mem>>
    tpu.wait_indirect_dma semaphore(%dma_wait3A_1894 : memref<!tpu.dma_semaphore, #tpu.memory_space<semaphore_mem>>) src(%dma_wait3A_1892 : memref<1000000x128xf32, #tpu.memory_space<hbm>>) dst(%dma_wait3A_1887 : memref<200x128xf32, #tpu.memory_space<vmem>>)
    %add3A_1895 = arith.constant 6200 : i32
    %add3A_1896 = arith.addi %mul3A_2, %add3A_1895 : i32
    %dma_start3A_1897 = arith.constant 3 : i32
    %dma_start3A_1898 = arith.constant 3 : i32
    %dma_start3A_1899 = arith.constant 0 : i32
    %dma_start3A_1900 = arith.constant 0 : i32
    %dma_start3A_1901 = tpu.memref_slice %arg6[%dma_start3A_1897, %dma_start3A_1899, %dma_start3A_1900] : memref<4x200x128xf32, #tpu.memory_space<vmem>> -> memref<1x200x128xf32, #tpu.memory_space<vmem>>
    %dma_start3A_1902 = tpu.memref_squeeze %dma_start3A_1901 : memref<1x200x128xf32, #tpu.memory_space<vmem>> -> memref<200x128xf32, #tpu.memory_space<vmem>>
    %dma_start3A_1903 = arith.constant 0 : i32
    %dma_start3A_1904 = tpu.memref_slice %arg4[%add3A_1896, %dma_start3A_1903] : memref<204800x128xf32, #tpu.memory_space<hbm>> -> memref<200x128xf32, #tpu.memory_space<hbm>>
    %dma_start3A_1905 = tpu.memref_slice %arg8[%dma_start3A_1898] : memref<4x!tpu.dma_semaphore, #tpu.memory_space<semaphore_mem>> -> memref<1x!tpu.dma_semaphore, #tpu.memory_space<semaphore_mem>>
    %dma_start3A_1906 = tpu.memref_squeeze %dma_start3A_1905 : memref<1x!tpu.dma_semaphore, #tpu.memory_space<semaphore_mem>> -> memref<!tpu.dma_semaphore, #tpu.memory_space<semaphore_mem>>
    %dma_start3A_1907 = arith.constant 0 : i32
    %dma_start3A_1908 = tpu.memref_slice %arg4[%add3A_1896, %dma_start3A_1907] : memref<204800x128xf32, #tpu.memory_space<hbm>> -> memref<200x128xf32, #tpu.memory_space<hbm>>
    %dma_start3A_1909 = arith.constant 0 : i32
    %dma_start3A_1910 = arith.constant 0 : i32
    %dma_start3A_1911 = tpu.memref_slice %arg6[%dma_start3A_1897, %dma_start3A_1909, %dma_start3A_1910] : memref<4x200x128xf32, #tpu.memory_space<vmem>> -> memref<1x200x128xf32, #tpu.memory_space<vmem>>
    %dma_start3A_1912 = tpu.memref_squeeze %dma_start3A_1911 : memref<1x200x128xf32, #tpu.memory_space<vmem>> -> memref<200x128xf32, #tpu.memory_space<vmem>>
    tpu.enqueue_dma source(%dma_start3A_1912 : memref<200x128xf32, #tpu.memory_space<vmem>>) target(%dma_start3A_1908 : memref<200x128xf32, #tpu.memory_space<hbm>>) target_semaphore(%dma_start3A_1906 : memref<!tpu.dma_semaphore, #tpu.memory_space<semaphore_mem>>)
    %add3A_1913 = arith.constant 5600 : i32
    %add3A_1914 = arith.addi %mul3A_2, %add3A_1913 : i32
    %dma_wait3A_1915 = arith.constant 0 : i32
    %dma_wait3A_1916 = arith.constant 0 : i32
    %dma_wait3A_1917 = arith.constant 0 : i32
    %dma_wait3A_1918 = arith.constant 0 : i32
    %dma_wait3A_1919 = tpu.memref_slice %arg6[%dma_wait3A_1915, %dma_wait3A_1917, %dma_wait3A_1918] : memref<4x200x128xf32, #tpu.memory_space<vmem>> -> memref<1x200x128xf32, #tpu.memory_space<vmem>>
    %dma_wait3A_1920 = tpu.memref_squeeze %dma_wait3A_1919 : memref<1x200x128xf32, #tpu.memory_space<vmem>> -> memref<200x128xf32, #tpu.memory_space<vmem>>
    %dma_wait3A_1921 = arith.constant 0 : i32
    %dma_wait3A_1922 = tpu.memref_slice %arg4[%add3A_1914, %dma_wait3A_1921] : memref<204800x128xf32, #tpu.memory_space<hbm>> -> memref<200x128xf32, #tpu.memory_space<hbm>>
    %dma_wait3A_1923 = tpu.memref_slice %arg8[%dma_wait3A_1916] : memref<4x!tpu.dma_semaphore, #tpu.memory_space<semaphore_mem>> -> memref<1x!tpu.dma_semaphore, #tpu.memory_space<semaphore_mem>>
    %dma_wait3A_1924 = tpu.memref_squeeze %dma_wait3A_1923 : memref<1x!tpu.dma_semaphore, #tpu.memory_space<semaphore_mem>> -> memref<!tpu.dma_semaphore, #tpu.memory_space<semaphore_mem>>
    %dma_wait3A_1925 = arith.constant 0 : i32
    %dma_wait3A_1926 = tpu.memref_slice %arg4[%add3A_1914, %dma_wait3A_1925] : memref<204800x128xf32, #tpu.memory_space<hbm>> -> memref<200x128xf32, #tpu.memory_space<hbm>>
    %dma_wait3A_1927 = arith.constant 0 : i32
    %dma_wait3A_1928 = arith.constant 0 : i32
    %dma_wait3A_1929 = tpu.memref_slice %arg6[%dma_wait3A_1915, %dma_wait3A_1927, %dma_wait3A_1928] : memref<4x200x128xf32, #tpu.memory_space<vmem>> -> memref<1x200x128xf32, #tpu.memory_space<vmem>>
    %dma_wait3A_1930 = tpu.memref_squeeze %dma_wait3A_1929 : memref<1x200x128xf32, #tpu.memory_space<vmem>> -> memref<200x128xf32, #tpu.memory_space<vmem>>
    tpu.wait_dma2 semaphore(%dma_wait3A_1924 : memref<!tpu.dma_semaphore, #tpu.memory_space<semaphore_mem>>) src(%dma_wait3A_1930 : memref<200x128xf32, #tpu.memory_space<vmem>>) dst(%dma_wait3A_1926 : memref<200x128xf32, #tpu.memory_space<hbm>>)
    %add3A_1931 = arith.constant 5800 : i32
    %add3A_1932 = arith.addi %mul3A_2, %add3A_1931 : i32
    %dma_wait3A_1933 = arith.constant 1 : i32
    %dma_wait3A_1934 = arith.constant 1 : i32
    %dma_wait3A_1935 = arith.constant 0 : i32
    %dma_wait3A_1936 = arith.constant 0 : i32
    %dma_wait3A_1937 = tpu.memref_slice %arg6[%dma_wait3A_1933, %dma_wait3A_1935, %dma_wait3A_1936] : memref<4x200x128xf32, #tpu.memory_space<vmem>> -> memref<1x200x128xf32, #tpu.memory_space<vmem>>
    %dma_wait3A_1938 = tpu.memref_squeeze %dma_wait3A_1937 : memref<1x200x128xf32, #tpu.memory_space<vmem>> -> memref<200x128xf32, #tpu.memory_space<vmem>>
    %dma_wait3A_1939 = arith.constant 0 : i32
    %dma_wait3A_1940 = tpu.memref_slice %arg4[%add3A_1932, %dma_wait3A_1939] : memref<204800x128xf32, #tpu.memory_space<hbm>> -> memref<200x128xf32, #tpu.memory_space<hbm>>
    %dma_wait3A_1941 = tpu.memref_slice %arg8[%dma_wait3A_1934] : memref<4x!tpu.dma_semaphore, #tpu.memory_space<semaphore_mem>> -> memref<1x!tpu.dma_semaphore, #tpu.memory_space<semaphore_mem>>
    %dma_wait3A_1942 = tpu.memref_squeeze %dma_wait3A_1941 : memref<1x!tpu.dma_semaphore, #tpu.memory_space<semaphore_mem>> -> memref<!tpu.dma_semaphore, #tpu.memory_space<semaphore_mem>>
    %dma_wait3A_1943 = arith.constant 0 : i32
    %dma_wait3A_1944 = tpu.memref_slice %arg4[%add3A_1932, %dma_wait3A_1943] : memref<204800x128xf32, #tpu.memory_space<hbm>> -> memref<200x128xf32, #tpu.memory_space<hbm>>
    %dma_wait3A_1945 = arith.constant 0 : i32
    %dma_wait3A_1946 = arith.constant 0 : i32
    %dma_wait3A_1947 = tpu.memref_slice %arg6[%dma_wait3A_1933, %dma_wait3A_1945, %dma_wait3A_1946] : memref<4x200x128xf32, #tpu.memory_space<vmem>> -> memref<1x200x128xf32, #tpu.memory_space<vmem>>
    %dma_wait3A_1948 = tpu.memref_squeeze %dma_wait3A_1947 : memref<1x200x128xf32, #tpu.memory_space<vmem>> -> memref<200x128xf32, #tpu.memory_space<vmem>>
    tpu.wait_dma2 semaphore(%dma_wait3A_1942 : memref<!tpu.dma_semaphore, #tpu.memory_space<semaphore_mem>>) src(%dma_wait3A_1948 : memref<200x128xf32, #tpu.memory_space<vmem>>) dst(%dma_wait3A_1944 : memref<200x128xf32, #tpu.memory_space<hbm>>)
    %add3A_1949 = arith.constant 6000 : i32
    %add3A_1950 = arith.addi %mul3A_2, %add3A_1949 : i32
    %dma_wait3A_1951 = arith.constant 2 : i32
    %dma_wait3A_1952 = arith.constant 2 : i32
    %dma_wait3A_1953 = arith.constant 0 : i32
    %dma_wait3A_1954 = arith.constant 0 : i32
    %dma_wait3A_1955 = tpu.memref_slice %arg6[%dma_wait3A_1951, %dma_wait3A_1953, %dma_wait3A_1954] : memref<4x200x128xf32, #tpu.memory_space<vmem>> -> memref<1x200x128xf32, #tpu.memory_space<vmem>>
    %dma_wait3A_1956 = tpu.memref_squeeze %dma_wait3A_1955 : memref<1x200x128xf32, #tpu.memory_space<vmem>> -> memref<200x128xf32, #tpu.memory_space<vmem>>
    %dma_wait3A_1957 = arith.constant 0 : i32
    %dma_wait3A_1958 = tpu.memref_slice %arg4[%add3A_1950, %dma_wait3A_1957] : memref<204800x128xf32, #tpu.memory_space<hbm>> -> memref<200x128xf32, #tpu.memory_space<hbm>>
    %dma_wait3A_1959 = tpu.memref_slice %arg8[%dma_wait3A_1952] : memref<4x!tpu.dma_semaphore, #tpu.memory_space<semaphore_mem>> -> memref<1x!tpu.dma_semaphore, #tpu.memory_space<semaphore_mem>>
    %dma_wait3A_1960 = tpu.memref_squeeze %dma_wait3A_1959 : memref<1x!tpu.dma_semaphore, #tpu.memory_space<semaphore_mem>> -> memref<!tpu.dma_semaphore, #tpu.memory_space<semaphore_mem>>
    %dma_wait3A_1961 = arith.constant 0 : i32
    %dma_wait3A_1962 = tpu.memref_slice %arg4[%add3A_1950, %dma_wait3A_1961] : memref<204800x128xf32, #tpu.memory_space<hbm>> -> memref<200x128xf32, #tpu.memory_space<hbm>>
    %dma_wait3A_1963 = arith.constant 0 : i32
    %dma_wait3A_1964 = arith.constant 0 : i32
    %dma_wait3A_1965 = tpu.memref_slice %arg6[%dma_wait3A_1951, %dma_wait3A_1963, %dma_wait3A_1964] : memref<4x200x128xf32, #tpu.memory_space<vmem>> -> memref<1x200x128xf32, #tpu.memory_space<vmem>>
    %dma_wait3A_1966 = tpu.memref_squeeze %dma_wait3A_1965 : memref<1x200x128xf32, #tpu.memory_space<vmem>> -> memref<200x128xf32, #tpu.memory_space<vmem>>
    tpu.wait_dma2 semaphore(%dma_wait3A_1960 : memref<!tpu.dma_semaphore, #tpu.memory_space<semaphore_mem>>) src(%dma_wait3A_1966 : memref<200x128xf32, #tpu.memory_space<vmem>>) dst(%dma_wait3A_1962 : memref<200x128xf32, #tpu.memory_space<hbm>>)
    %add3A_1967 = arith.constant 6200 : i32
    %add3A_1968 = arith.addi %mul3A_2, %add3A_1967 : i32
    %dma_wait3A_1969 = arith.constant 3 : i32
    %dma_wait3A_1970 = arith.constant 3 : i32
    %dma_wait3A_1971 = arith.constant 0 : i32
    %dma_wait3A_1972 = arith.constant 0 : i32
    %dma_wait3A_1973 = tpu.memref_slice %arg6[%dma_wait3A_1969, %dma_wait3A_1971, %dma_wait3A_1972] : memref<4x200x128xf32, #tpu.memory_space<vmem>> -> memref<1x200x128xf32, #tpu.memory_space<vmem>>
    %dma_wait3A_1974 = tpu.memref_squeeze %dma_wait3A_1973 : memref<1x200x128xf32, #tpu.memory_space<vmem>> -> memref<200x128xf32, #tpu.memory_space<vmem>>
    %dma_wait3A_1975 = arith.constant 0 : i32
    %dma_wait3A_1976 = tpu.memref_slice %arg4[%add3A_1968, %dma_wait3A_1975] : memref<204800x128xf32, #tpu.memory_space<hbm>> -> memref<200x128xf32, #tpu.memory_space<hbm>>
    %dma_wait3A_1977 = tpu.memref_slice %arg8[%dma_wait3A_1970] : memref<4x!tpu.dma_semaphore, #tpu.memory_space<semaphore_mem>> -> memref<1x!tpu.dma_semaphore, #tpu.memory_space<semaphore_mem>>
    %dma_wait3A_1978 = tpu.memref_squeeze %dma_wait3A_1977 : memref<1x!tpu.dma_semaphore, #tpu.memory_space<semaphore_mem>> -> memref<!tpu.dma_semaphore, #tpu.memory_space<semaphore_mem>>
    %dma_wait3A_1979 = arith.constant 0 : i32
    %dma_wait3A_1980 = tpu.memref_slice %arg4[%add3A_1968, %dma_wait3A_1979] : memref<204800x128xf32, #tpu.memory_space<hbm>> -> memref<200x128xf32, #tpu.memory_space<hbm>>
    %dma_wait3A_1981 = arith.constant 0 : i32
    %dma_wait3A_1982 = arith.constant 0 : i32
    %dma_wait3A_1983 = tpu.memref_slice %arg6[%dma_wait3A_1969, %dma_wait3A_1981, %dma_wait3A_1982] : memref<4x200x128xf32, #tpu.memory_space<vmem>> -> memref<1x200x128xf32, #tpu.memory_space<vmem>>
    %dma_wait3A_1984 = tpu.memref_squeeze %dma_wait3A_1983 : memref<1x200x128xf32, #tpu.memory_space<vmem>> -> memref<200x128xf32, #tpu.memory_space<vmem>>
    tpu.wait_dma2 semaphore(%dma_wait3A_1978 : memref<!tpu.dma_semaphore, #tpu.memory_space<semaphore_mem>>) src(%dma_wait3A_1984 : memref<200x128xf32, #tpu.memory_space<vmem>>) dst(%dma_wait3A_1980 : memref<200x128xf32, #tpu.memory_space<hbm>>)
    return
  }
}

module attributes {stable_mosaic.version = 14 : i64} {
  func.func @body(%arg0: i32, %arg1: memref<64x1024xf32, #tpu.memory_space<vmem>>, %arg2: memref<64x64xf32, #tpu.memory_space<vmem>>, %arg3: memref<1024x128xf32, #tpu.memory_space<vmem>>) attributes {dimension_semantics = [#tpu.dimension_semantics<arbitrary>], iteration_bounds = array<i64: 977>, scalar_prefetch = 0 : i64, scratch_operands = 0 : i64, tpu.core_type = #tpu.core_type<tc>, window_params = [{transform_indices = @transform_0, window_bounds = array<i64: 64, 1024>}, {pipeline_mode = #tpu.pipeline_mode<synchronous>, transform_indices = @transform_1, window_bounds = array<i64: 64, 64>}, {transform_indices = @transform_2, window_bounds = array<i64: 1024, 128>}]} {
    %get3A = arith.constant 0 : index
    %get3A_0 = arith.constant 0 : index
    %get3A_1 = vector.load %arg1[%get3A, %get3A_0] : memref<64x1024xf32, #tpu.memory_space<vmem>>, vector<64x1024xf32>
    %get3A_2 = arith.constant 0 : index
    %get3A_3 = arith.constant 0 : index
    %get3A_4 = vector.load %arg2[%get3A_2, %get3A_3] : memref<64x64xf32, #tpu.memory_space<vmem>>, vector<64x64xf32>
    %dot_general3A = arith.constant dense<0.000000e+00> : vector<1024x64xf32>
    %dot_general3A_5 = tpu.matmul %get3A_1, %get3A_4, %dot_general3A {dimension_numbers = #tpu.dot_dimension_numbers<[0], [0], [1], [1], [0, 1, 1, 1], [], []>, transpose_lhs_hint = false} : vector<64x1024xf32>, vector<64x64xf32>, vector<1024x64xf32> -> vector<1024x64xf32>
    %swap3A = arith.constant 0 : index
    %swap3A_6 = arith.constant 0 : index
    %swap3A_7 = vector.load %arg3[%swap3A, %swap3A_6] : memref<1024x128xf32, #tpu.memory_space<vmem>>, vector<1024x64xf32>
    tpu.vector_store %arg3[%swap3A, %swap3A_6], %dot_general3A_5 {strides = array<i32>} : memref<1024x128xf32, #tpu.memory_space<vmem>>, vector<1024x64xf32>,
    return
  }
  func.func @transform_0(%arg0: i32) -> (i32, i32) {
    %c0_i32 = arith.constant 0 : i32
    %c0_i32_0 = arith.constant 0 : i32
    return %c0_i32, %arg0 : i32, i32
  }
  func.func @transform_1(%arg0: i32) -> (i32, i32) {
    %c0_i32 = arith.constant 0 : i32
    %c0_i32_0 = arith.constant 0 : i32
    %c0_i32_1 = arith.constant 0 : i32
    return %c0_i32, %c0_i32_0 : i32, i32
  }
  func.func @transform_2(%arg0: i32) -> (i32, i32) {
    %c0_i32 = arith.constant 0 : i32
    %c0_i32_0 = arith.constant 0 : i32
    return %arg0, %c0_i32 : i32, i32
  }
}

</mosaic_0001>

<sc_bundles>
// kernel: kernel.4.cloned.1.call-start
scs
__scs_entry_jumppad:
0x0: {  	(pc) =	sbr.rel $0x88, $3  }
0x1: {  	(tag) =	ssettag $0x0;
	lr =	simm.s32 $0x1  }
0x2: {  	[smem:$0x3F9F] =	sst lr;
	_ =	strace $0xD0000000  }
0x3: {  	_ = 	snop  }
0x4: {  	_ = 	snop  }
0x5: {  	_ = 	snop  }
0x6: {  	_ = 	snop  }
0x7: {  	_ = 	snop  }
__scs_overlays_trampoline_lowered:
0x8: {  	[smem:$0x3FAE] =	sst s0  }
0x9: {  	[smem:$0x3FAF] =	sst s1  }
0xa: {  	[smem:$0x3FB0] =	sst s2  }
0xb: {  	[smem:$0x3FB1] =	sst s3  }
0xc: {  	[smem:$0x3FB2] =	sst s4  }
0xd: {  	[smem:$0x3FB3] =	sst s5  }
0xe: {  	[smem:$0x3FB4] =	sst s6  }
0xf: {  	[smem:$0x3FB5] =	sst s7  }
0x10: {  	[smem:$0x3FB6] =	sst s8  }
0x11: {  	[smem:$0x3FB7] =	sst s9;
	s0 =	simm.s32 @!p0 $0x0  }
0x12: {  	s1 =	sld [smem:$0x3F9D];
	s0 =	simm.s32 @p0 $0x1  }
0x13: {  	[smem:$0x3FB8] =	sst s0;
	s0 =	simm.s32 @!p1 $0x0  }
0x14: {  	s2 =	sld [smem:$0x3F9C];
	s0 =	simm.s32 @p1 $0x1  }
0x15: {  	[smem:$0x3FB9] =	sst s0;
	s0 =	simm.s32 @!p2 $0x0  }
0x16: {  	s3 =	sld [smem:$0x3FDB];
	s0 =	simm.s32 @p2 $0x1  }
0x17: {  	s4 =	simm.s32 $0x1BF5;
	[smem:$0x3FBB] =	sst s0  }
0x18: {  	s0 =	sld [smem:$0x3F9E];
	_ =	swait.ge [sflag:s4], $0x0  }
0x19: {  	s7 =	sld [smem:$0x3F9F]  }
0x1a: {  	s8 =	sadd.s32 $0xFFFFE003, lr  }
0x1b: {  	s9 =	sadd.s32 $0xFFFFFEF7, lr;
	s5 =	simm.s32 $0xFFFFFFFF;
	p2 =	slt.u32 s8, $0xFFFFF086  }
0x1c: {  	p1 =	slt.u32 s9, $0xF7A;
	s5 =	simm.s32 @!p2 $0x0  }
0x1d: {  	s5 =	simm.s32 @p1 $0x1;
	p0 =	seq.s32 s7, s2  }
0x1e: {  	s7 =	smul.u32 @!p0 $0xF7A, s2;
	p2 =	seq.s32 @!p0 s5, $0x0  }
0x1f: {  	s9 =	smul.u32 $0xF7A, s1;
	s8 =	simm.s32 @!p0 $0x1BF5;
	p2 =	por !p2, p0  }
0x20: {  	[sflag:s8] =	ssyncset.s32 @!p0 $0xFFFFF086;
	s6 =	sadd.s32 @!p0 s3, s7;
	s7 =	simm.s32 @!p0 $0x108  }
0x21: {  	s3 =	sadd.s32 s3, s9;
	s6 =	sadd.s32 @!p0 $0x88, s6;
	s7 =	simm.s32 @p2 $0x1082  }
0x22: {  	[simem:s7], [sflag:s8] =	dma.local @!p0 [hbm:s6], $0xF7A  }
0x23: {  	s9 =	sor.u32 $0xD0000000, s2;
	s6 =	simm.s32 $0x108;
	_ =	swait.ge @!p0 [sflag:s8], $0x0  }
0x24: {  	s3 =	sadd.s32 $0x88, s3;
	s6 =	simm.s32 @!p1 $0x1082;
	[sflag:s4] =	ssyncset.s32 $0xFFFFF086  }
0x25: {  	[simem:s6], [sflag:s4] =	dma.local [hbm:s3], $0xF7A  }
0x26: {  	[smem:$0x3F9F] =	sst s1;
	(tag) =	ssettag s2;
	_ =	strace s9  }
0x27: {  	s1 =	sld [smem:$0x3FAF]  }
0x28: {  	s2 =	sld [smem:$0x3FB0]  }
0x29: {  	s4 =	sld [smem:$0x3FB2]  }
0x2a: {  	p0 =	seq.s32 s5, $0x0;
	s5 =	sld [smem:$0x3FB3]  }
0x2b: {  	s6 =	sld [smem:$0x3FB4]  }
0x2c: {  	s7 =	sld [smem:$0x3FB5]  }
0x2d: {  	s3 =	simm.s32 $0x108;
	s8 =	sld [smem:$0x3FB6]  }
0x2e: {  	s3 =	simm.s32 @!p0 $0x1082;
	s9 =	sld [smem:$0x3FB7]  }
0x2f: {  	lr =	sadd.s32 s0, s3;
	s0 =	sld [smem:$0x3FAE]  }
0x30: {  	s3 =	sld [smem:$0x3FB1]  }
0x31: {  	[smem:$0x3FBA] =	sst s10  }
0x32: {  	s10 =	sld [smem:$0x3FB8];
	_ =	sdelay $0x3  }
0x33: {  	p0 =	seq.s32 s10, $0x1;
	s10 =	sld [smem:$0x3FBA];
	_ =	sdelay $0x3  }
0x34: {  	[smem:$0x3FBA] =	sst s10  }
0x35: {  	s10 =	sld [smem:$0x3FB9];
	_ =	sdelay $0x3  }
0x36: {  	p1 =	seq.s32 s10, $0x1;
	s10 =	sld [smem:$0x3FBA];
	_ =	sdelay $0x3  }
0x37: {  	[smem:$0x3FBA] =	sst s10  }
0x38: {  	s10 =	sld [smem:$0x3FBB]  }
0x39: {  	_ = 	snop;
	(pc) =	sbr.ind lr, $3  }
0x3a: {  	_ = 	snop  }
0x3b: {  	_ = 	snop  }
0x3c: {  	p2 =	seq.s32 s10, $0x1;
	s10 =	sld [smem:$0x3FBA]  }
0x3d: {  	_ =	shalt  }
0x3e: {  	_ =	shalt  }
0x3f: {  	_ =	shalt  }
0x40: {  	_ =	shalt  }
0x41: {  	_ =	shalt  }
0x42: {  	_ =	shalt  }
0x43: {  	_ =	shalt  }
0x44: {  	_ =	shalt  }
0x45: {  	_ =	shalt  }
0x46: {  	_ =	shalt  }
0x47: {  	_ =	shalt  }
0x48: {  	_ =	shalt  }
0x49: {  	_ =	shalt  }
0x4a: {  	_ =	shalt  }
0x4b: {  	_ =	shalt  }
0x4c: {  	_ =	shalt  }
0x4d: {  	_ =	shalt  }
0x4e: {  	_ =	shalt  }
0x4f: {  	_ =	shalt  }
0x50: {  	_ =	shalt  }
0x51: {  	_ =	shalt  }
0x52: {  	_ =	shalt  }
0x53: {  	_ =	shalt  }
0x54: {  	_ =	shalt  }
0x55: {  	_ =	shalt  }
0x56: {  	_ =	shalt  }
0x57: {  	_ =	shalt  }
0x58: {  	_ =	shalt  }
0x59: {  	_ =	shalt  }
0x5a: {  	_ =	shalt  }
0x5b: {  	_ =	shalt  }
0x5c: {  	_ =	shalt  }
0x5d: {  	_ =	shalt  }
0x5e: {  	_ =	shalt  }
0x5f: {  	_ =	shalt  }
0x60: {  	_ =	shalt  }
0x61: {  	_ =	shalt  }
0x62: {  	_ =	shalt  }
0x63: {  	_ =	shalt  }
0x64: {  	_ =	shalt  }
0x65: {  	_ =	shalt  }
0x66: {  	_ =	shalt  }
0x67: {  	_ =	shalt  }
0x68: {  	_ =	shalt  }
0x69: {  	_ =	shalt  }
0x6a: {  	_ =	shalt  }
0x6b: {  	_ =	shalt  }
0x6c: {  	_ =	shalt  }
0x6d: {  	_ =	shalt  }
0x6e: {  	_ =	shalt  }
0x6f: {  	_ =	shalt  }
0x70: {  	_ =	shalt  }
0x71: {  	_ =	shalt  }
0x72: {  	_ =	shalt  }
0x73: {  	_ =	shalt  }
0x74: {  	_ =	shalt  }
0x75: {  	_ =	shalt  }
0x76: {  	_ =	shalt  }
0x77: {  	_ =	shalt  }
0x78: {  	_ =	shalt  }
0x79: {  	_ =	shalt  }
0x7a: {  	_ =	shalt  }
0x7b: {  	_ =	shalt  }
0x7c: {  	_ =	shalt  }
0x7d: {  	_ =	shalt  }
0x7e: {  	_ =	shalt  }
0x7f: {  	_ =	shalt  }
0x80: {  	_ =	shalt  }
0x81: {  	_ =	shalt  }
0x82: {  	_ =	shalt  }
0x83: {  	_ =	shalt  }
0x84: {  	_ =	shalt  }
0x85: {  	_ =	shalt  }
0x86: {  	_ =	shalt  }
0x87: {  	_ =	shalt  }
.Lfunc_end0:
.L_simem_size_0:
called_computation.1_lowered:
.L_overlay_start_0:
0x88: {  	s2 =	sld [smem:$0x3FD9]  }
0x89: {  	s3 =	sld [smem:$0x3FFE];
	_ =	sdelay $0x1  }
0x8a: {  	s1 =	srdreg.scid  }
0x8b: {  	s0 =	sand.u32 $0x1, s1  }
0x8c: {  	s17 =	sshll.u32 s0, $0xA;
	s2 =	sadd.s32 s3, s2  }
0x8d: {  	s2 =	sadd.s32 s2, s17  }
0x8e: {  	[smem:$0x3FC6] =	sst s2  }
0x8f: {  	_ = 	snop  }
0x90: {  	s2 =	sld [smem:$0x3FD0];
	(tm) =	ssettm $0x1  }
0x91: {  	s18 =	sld [smem:$0x3FFB];
	_ =	sdelay $0x3  }
0x92: {  	_ =	strace s18  }
0x93: {  	s3 =	sld [smem:$0x3FFC];
	_ =	sdelay $0x3  }
0x94: {  	_ =	strace s3  }
0x95: {  	s3 =	sld [smem:$0x3FFD];
	_ =	sdelay $0x3  }
0x96: {  	_ =	strace s3  }
0x97: {  	_ =	strace $0x8FFFFFFF  }
0x98: {  	s19 =	sld [smem:$0x3FDB];
	_ =	sdelay $0x1  }
0x99: {  	s4 =	simm.s32 $_scs_section_size  }
0x9a: {  	s5 =	simm.s32 $_size__tile_overlayer_lowered;
	s6 =	simm.s32 $_tile_overlayer_lowered  }
0x9b: {  	s22 =	simm.s32 $0x1BFF;
	s21 =	sshll.u32 s6, $0x1;
	s3 =	sadd.s32 s4, s19  }
0x9c: {  	s7 =	simm.s32 $0x0;
	s20 =	sshll.u32 s5, $0x1;
	s5 =	sadd.s32 s21, s3  }
0x9d: {  	[timem:s7], [sflag:s22] =	dma.local [hbm:s5], s20  }
0x9e: {  	_ =	swait.ge [sflag:s22], s20  }
0x9f: {  	s4 =	ssub.s32 $0x0, s20;
	[sflag:s22] =	ssyncset.done $0x0  }
0xa0: {  	[sflag:s22] =	ssyncadd.s32 s4;
	_ =	sdelay $0x1  }
0xa1: {  	s23 =	simm.s32 $0x1B8B  }
0xa2: {  	_ =	swait.ge [sflag:s23], $0x1  }
0xa3: {  	[sflag:s23] =	ssyncset.done $0x0  }
0xa4: {  	s25 =	simm.s32 $0x1B8E;
	s24 =	sld [smem:$0x3FFE];
	[sflag:s23] =	ssyncadd.s32 $0xFFFFFFFF  }
0xa5: {  	s26 =	simm.s32 $execute0_lowered;
	[smem:$0x3FD2] =	sst s25  }
0xa6: {  	s5 =	sshll.u32 s26, $0x1;
	_ =	strace $0x80000046;
	[dreg:$0x1] =	wrdreg $0xFFFFFFFF  }
0xa7: {  	s28 =	simm.s32 $_size_execute0_lowered;
	s3 =	sadd.s32 s3, s5;
	[dreg:$0x0] =	wrdreg $0x0  }
0xa8: {  	s5 =	sshll.u32 s28, $0x1;
	[dreg:$0x2] =	wrdreg s3  }
0xa9: {  	[dreg:$0x3] =	wrdreg s5  }
0xaa: {  	[dreg:$0x4] =	wrdreg $0xC0  }
0xab: {  	_ =	task [dreg:s7], $0x5FFFF  }
0xac: {  	[dreg:$0x1] =	wrdreg $0xFFFFFFFF  }
0xad: {  	[dreg:$0x0] =	wrdreg $0x60  }
0xae: {  	[dreg:$0x2] =	wrdreg s2  }
0xaf: {  	[dreg:$0x3] =	wrdreg s24  }
0xb0: {  	[dreg:$0x4] =	wrdreg $0x9  }
0xb1: {  	_ =	task.clear_ibuf [dreg:s7], $0x5FFFF;
	_ =	strace $0x90000046  }
0xb2: {  	s29 =	simm.s32 $0x9;
	_ =	strace $0x80000048  }
0xb3: {  	_ =	swait.ge [sflag:s29], $0x1  }
0xb4: {  	[sflag:s29] =	ssyncadd.s32 $0xFFFFFFFF  }
0xb5: {  	_ =	strace $0x90000048  }
0xb6: {  	_ =	sfence  }
0xb7: {  	s30 =	sld [smem:$0x0];
	_ =	sdelay $0x2  }
0xb8: {  	s31 =	sshll.u32 s1, $0xD;
	s1 =	sshrl.u32 s1, $0x2  }
0xb9: {  	s3 =	sand.u32 $0x4000, s31;
	s1 =	sadd.s32 s1, s30  }
0xba: {  	s0 =	sor.u32 s3, s0;
	s1 =	sshll.u32 s1, $0x11  }
0xbb: {  	s0 =	sor.u32 s1, s0  }
0xbc: {  	s0 =	sadd.s32 $0x8F2B, s0  }
0xbd: {  	[sflag:s0] =	ssyncadd.remote.s32 $0x1  }
0xbe: {  	_ =	sfence.sel $0xFFFF  }
0xbf: {  	[dreg:$0x0] =	wrdreg $0xFFFFFFFF;
	(pc) =	sbr.abs _section_cstart, $3  }
0xc0: {  	[dreg:$0x1] =	wrdreg $0xFFFFFFFF  }
0xc1: {  	_ =	task.clear_ibuf [dreg:s7], $0x2FFFF;
	_ =	strace $0x9FFFFFFF  }
0xc2: {  	(tm) =	ssettm $0x7FFFFFFF  }
0xc3: {  	_ =	shalt  }
tec
execute0_lowered:
.L_overlay_start_1:
0x0: {  	(tag) =	ssettag $0x1  }
0x1: {  	s0 =	srdreg.scid;
	s17 =	stileid.u32  }
0x2: {  	s1 =	sand.u32 $0x1, s0;
	s19 =	sshll.u32 s17, $0x1  }
0x3: {  	s0 =	sor.u32 s1, s19  }
0x4: {  	s5 =	smul.u32 $0x320, s0  }
0x5: {  	s3 =	rddreg [dreg:$0x1];
	s2 =	simm.s32 $0x0;
	s6 =	smul.u32 $0x19000, s0  }
0x6: {  	[smem:$0x7FF] =	sst s2;
	s0 =	smul.u32 $0xC8000, s0  }
0x7: {  	s4 =	rddreg [dreg:$0x0];
	s7 =	sadd.s32 $0xF42C00, s3;
	_ =	strace $0x80000047  }
0x8: {  	s4 =	sadd.s32 s4, s5;
	s30 =	sadd.s32 s7, s6;
	s0 =	sshrl.u32 s0, $0x3  }
0x9: {  	[dreg:$0x3] =	wrdreg s4;
	s20 =	sadd.s32 $0xC80, s30;
	s0 =	sadd.s32 s7, s0  }
0xa: {  	[dreg:$0x4] =	wrdreg s20;
	s21 =	sadd.s32 $0x1900, s0  }
0xb: {  	s22 =	sadd.s32 $0x2580, s0;
	[dreg:$0x5] =	wrdreg s21  }
0xc: {  	s23 =	sadd.s32 $0x3200, s0;
	[dreg:$0x6] =	wrdreg s22  }
0xd: {  	s24 =	sadd.s32 $0x3E80, s0;
	[dreg:$0x7] =	wrdreg s23  }
0xe: {  	s25 =	sadd.s32 $0x4B00, s0;
	[dreg:$0x8] =	wrdreg s24  }
0xf: {  	s26 =	sadd.s32 $0x5780, s0;
	[dreg:$0x9] =	wrdreg s25  }
0x10: {  	s5 =	sadd.s32 $0x6400, s0;
	[dreg:$0xa] =	wrdreg s26  }
0x11: {  	s6 =	sadd.s32 $0x7080, s0;
	[dreg:$0xb] =	wrdreg s5  }
0x12: {  	s7 =	sadd.s32 $0x7D00, s0;
	[dreg:$0xc] =	wrdreg s6  }
0x13: {  	s8 =	sadd.s32 $0x8980, s0;
	[dreg:$0xd] =	wrdreg s7  }
0x14: {  	s9 =	sadd.s32 $0x9600, s0;
	[dreg:$0xe] =	wrdreg s8  }
0x15: {  	s10 =	sadd.s32 $0xA280, s0;
	[dreg:$0xf] =	wrdreg s9  }
0x16: {  	s11 =	sadd.s32 $0xAF00, s0;
	[dreg:$0x10] =	wrdreg s10  }
0x17: {  	s12 =	sadd.s32 $0xBB80, s0;
	[dreg:$0x11] =	wrdreg s11  }
0x18: {  	s13 =	sadd.s32 $0xC800, s0;
	[dreg:$0x12] =	wrdreg s12  }
0x19: {  	s14 =	sadd.s32 $0xD480, s0;
	[dreg:$0x13] =	wrdreg s13  }
0x1a: {  	s15 =	sadd.s32 $0xE100, s0;
	[dreg:$0x14] =	wrdreg s14  }
0x1b: {  	s16 =	sadd.s32 $0xED80, s0;
	[dreg:$0x15] =	wrdreg s15  }
0x1c: {  	s18 =	sadd.s32 $0xFA00, s0;
	[dreg:$0x16] =	wrdreg s16  }
0x1d: {  	s19 =	sadd.s32 $0x10680, s0;
	[dreg:$0x17] =	wrdreg s18  }
0x1e: {  	s20 =	sadd.s32 $0x11300, s0;
	[dreg:$0x18] =	wrdreg s19  }
0x1f: {  	[dreg:$0x19] =	wrdreg s20;
	s21 =	sadd.s32 $0x11F80, s0  }
0x20: {  	s22 =	sadd.s32 $0x12C00, s0;
	[dreg:$0x1a] =	wrdreg s21  }
0x21: {  	s23 =	sadd.s32 $0x13880, s0;
	[dreg:$0x1b] =	wrdreg s22  }
0x22: {  	s24 =	sadd.s32 $0x14500, s0;
	[dreg:$0x1c] =	wrdreg s23  }
0x23: {  	s25 =	sadd.s32 $0x15180, s0;
	[dreg:$0x1d] =	wrdreg s24  }
0x24: {  	s26 =	sadd.s32 $0x15E00, s0;
	[dreg:$0x1e] =	wrdreg s25  }
0x25: {  	s31 =	simm.s32 $0x9;
	s5 =	sadd.s32 $0x16A80, s0;
	[dreg:$0x1f] =	wrdreg s26  }
0x26: {  	s29 =	simm.s32 $0x1068;
	s6 =	sadd.s32 $0x17700, s0;
	[smem:$0x7E9] =	sst s5  }
0x27: {  	s28 =	simm.s32 $0x1130;
	s0 =	sadd.s32 $0x18380, s0;
	[smem:$0x7EA] =	sst s6  }
0x28: {  	p0 =	por $0x0, $0x0;
	s7 =	simm.s32 $0x190;
	[smem:$0x7EB] =	sst s0  }
0x29: {  	s3 =	sadd.s32 $0x800, s3;
	s8 =	simm.s32 $0x258;
	[smem:$0x7EC] =	sst s7  }
0x2a: {  	s1 =	ssub.s32 $0x2, s1;
	s10 =	simm.s32 $0x320;
	[smem:$0x7ED] =	sst s8  }
0x2b: {  	s4 =	simm.s32 $0x14500;
	s11 =	simm.s32 $0x3E8;
	[smem:$0x7EE] =	sst s10  }
0x2c: {  	s9 =	sshrl.u32 s1, $0x1;
	s12 =	simm.s32 $0x4B0;
	[smem:$0x7EF] =	sst s11  }
0x2d: {  	s13 =	simm.s32 $0x578;
	s14 =	simm.s32 $0x640;
	[smem:$0x7F0] =	sst s12  }
0x2e: {  	s15 =	simm.s32 $0x708;
	s16 =	simm.s32 $0x7D0;
	[smem:$0x7F1] =	sst s13  }
0x2f: {  	s18 =	simm.s32 $0x898;
	s19 =	simm.s32 $0x960;
	[smem:$0x7F2] =	sst s14  }
0x30: {  	s20 =	simm.s32 $0xA28;
	s1 =	ssub.s32 s1, s9;
	[smem:$0x7F3] =	sst s15  }
0x31: {  	s10 =	simm.s32 $0xC8;
	s8 =	simm.s32 $0x1900;
	[smem:$0x7F4] =	sst s16  }
0x32: {  	s7 =	simm.s32 $0x7D00;
	s5 =	simm.s32 $0xE100;
	[smem:$0x7F5] =	sst s18  }
0x33: {  	s13 =	simm.s32 $0x1;
	[smem:$0x7F6] =	sst s19;
	s6 =	simm.s32 $0x5  }
0x34: {  	[smem:$0x7F7] =	sst s20;
	s21 =	simm.s32 $0xAF0;
	s14 =	simm.s32 $0x2  }
0x35: {  	s22 =	simm.s32 $0xBB8;
	s9 =	simm.s32 $0x6;
	s23 =	simm.s32 $0xC80  }
0x36: {  	s15 =	simm.s32 $0x3;
	s24 =	simm.s32 $0xD48;
	s0 =	rddreg [dreg:$0x3]  }
0x37: {  	s11 =	simm.s32 $0x7;
	s25 =	simm.s32 $0xE10;
	[smem:$0x7F8] =	sst s21  }
0x38: {  	s16 =	simm.s32 $0x4;
	s1 =	smax.u32 s1, $0x1;
	[smem:$0x7F9] =	sst s22  }
0x39: {  	s26 =	simm.s32 $0xED8;
	[smem:$0x7FA] =	sst s23;
	p1 =	sne.s32 s1, $0x1  }
.Ltmp0:
0x3a: {  	s12 =	simm.s32 $0x8;
	[smem:$0x7FB] =	sst s24;
	(pc) =	sbr.rel @!p1 .LBB2_1-.Ltmp0, $4  }
0x3b: {  	s20 =	simm.s32 $0x16A8;
	s19 =	simm.s32 $0x1770;
	[smem:$0x7FC] =	sst s25  }
0x3c: {  	s18 =	simm.s32 $0x1838;
	[smem:$0x7FD] =	sst s26;
	s26 =	simm.s32 $0x11F8  }
0x3d: {  	s25 =	simm.s32 $0x12C0;
	s24 =	simm.s32 $0x1388;
	s23 =	simm.s32 $0x1450  }
0x3e: {  	s22 =	simm.s32 $0x1518;
	s21 =	simm.s32 $0x15E0;
	s1 =	sadd.s32 $0xFFFFFFFF, s1  }
0x3f: {  	[tilespmem:s2], [sflag:$0x9] =	stream.linear.gather [hbm4b:s0+s2], $0x1900, $0x38;
	[tilespmem:$0x1A900] =	vst v63  }
0x40: {  	_ =	swait.ge [sflag:s31], $0x1900  }
0x41: {  	[sflag:s31] =	ssyncset.done $0x0  }
0x42: {  	[sflag:s31] =	ssyncadd.s32 $0xFFFFE700  }
0x43: {  	[tilespmem:s8], [sflag:$0x1] =	stream.indirect.gather [hbm4b:s3+s10], $0x80, s2, s10, $0xb8;
	[tilespmem:$0x1A900] =	vst v63  }
0x44: {  	s0 =	sld [smem:$0x7EC]  }
0x45: {  	[tilespmem:s7], [sflag:$0x2] =	stream.indirect.gather [hbm4b:s3+s10], $0x80, s10, s10, $0xb8;
	[tilespmem:$0x1A900] =	vst v63  }
0x46: {  	s17 =	smov.u32 s1;
	s1 =	sld [smem:$0x7ED]  }
0x47: {  	[tilespmem:s5], [sflag:$0x3] =	stream.indirect.gather [hbm4b:s3+s10], $0x80, s0, s10, $0xb8;
	[tilespmem:$0x1A900] =	vst v63  }
0x48: {  	_ = 	snop  }
0x49: {  	[tilespmem:s4], [sflag:$0x4] =	stream.indirect.gather [hbm4b:s3+s10], $0x80, s1, s10, $0xb8;
	[tilespmem:$0x1A900] =	vst v63  }
0x4a: {  	_ =	swait.ge [sflag:s13], $0x6400  }
0x4b: {  	[sflag:s13] =	ssyncset.done $0x0  }
0x4c: {  	[sflag:s13] =	ssyncadd.s32 $0xFFFF9C00  }
0x4d: {  	[hbm4b:s30+s2] =	stream.linear.scatter [tilespmem:s8], [sflag:$0x5], $0x6400, $0x38;
	[tilespmem:$0x1A900] =	vst v63  }
0x4e: {  	_ =	swait.ge [sflag:s6], $0x6400  }
0x4f: {  	s1 =	sld [smem:$0x7EE]  }
0x50: {  	[sflag:s6] =	ssyncset.done $0x0  }
0x51: {  	[sflag:s6] =	ssyncadd.s32 $0xFFFF9C00  }
0x52: {  	[tilespmem:s8], [sflag:$0x1] =	stream.indirect.gather [hbm4b:s3+s10], $0x80, s1, s10, $0xb8;
	[tilespmem:$0x1A900] =	vst v63  }
0x53: {  	_ =	swait.ge [sflag:s14], $0x6400  }
0x54: {  	[sflag:s14] =	ssyncset.done $0x0  }
0x55: {  	s1 =	rddreg [dreg:$0x4];
	[sflag:s14] =	ssyncadd.s32 $0xFFFF9C00  }
0x56: {  	[hbm4b:s1+s2] =	stream.linear.scatter [tilespmem:s7], [sflag:$0x6], $0x6400, $0x38;
	[tilespmem:$0x1A900] =	vst v63  }
0x57: {  	_ =	swait.ge [sflag:s9], $0x6400  }
0x58: {  	s1 =	sld [smem:$0x7EF]  }
0x59: {  	[sflag:s9] =	ssyncset.done $0x0  }
0x5a: {  	[sflag:s9] =	ssyncadd.s32 $0xFFFF9C00  }
0x5b: {  	[tilespmem:s7], [sflag:$0x2] =	stream.indirect.gather [hbm4b:s3+s10], $0x80, s1, s10, $0xb8;
	[tilespmem:$0x1A900] =	vst v63  }
0x5c: {  	_ =	swait.ge [sflag:s15], $0x6400  }
0x5d: {  	[sflag:s15] =	ssyncset.done $0x0  }
0x5e: {  	s1 =	rddreg [dreg:$0x5];
	[sflag:s15] =	ssyncadd.s32 $0xFFFF9C00  }
0x5f: {  	[hbm4b:s1+s2] =	stream.linear.scatter [tilespmem:s5], [sflag:$0x7], $0x6400, $0x38;
	[tilespmem:$0x1A900] =	vst v63  }
0x60: {  	_ =	swait.ge [sflag:s11], $0x6400  }
0x61: {  	s1 =	sld [smem:$0x7F0]  }
0x62: {  	[sflag:s11] =	ssyncset.done $0x0  }
0x63: {  	[sflag:s11] =	ssyncadd.s32 $0xFFFF9C00  }
0x64: {  	[tilespmem:s5], [sflag:$0x3] =	stream.indirect.gather [hbm4b:s3+s10], $0x80, s1, s10, $0xb8;
	[tilespmem:$0x1A900] =	vst v63  }
0x65: {  	_ =	swait.ge [sflag:s16], $0x6400  }
0x66: {  	[sflag:s16] =	ssyncset.done $0x0  }
0x67: {  	s1 =	rddreg [dreg:$0x6];
	[sflag:s16] =	ssyncadd.s32 $0xFFFF9C00  }
0x68: {  	[hbm4b:s1+s2] =	stream.linear.scatter [tilespmem:s4], [sflag:$0x8], $0x6400, $0x38;
	[tilespmem:$0x1A900] =	vst v63  }
0x69: {  	_ =	swait.ge [sflag:s12], $0x6400  }
0x6a: {  	s1 =	sld [smem:$0x7F1]  }
0x6b: {  	[sflag:s12] =	ssyncset.done $0x0  }
0x6c: {  	[sflag:s12] =	ssyncadd.s32 $0xFFFF9C00  }
0x6d: {  	[tilespmem:s4], [sflag:$0x4] =	stream.indirect.gather [hbm4b:s3+s10], $0x80, s1, s10, $0xb8;
	[tilespmem:$0x1A900] =	vst v63  }
0x6e: {  	_ =	swait.ge [sflag:s13], $0x6400  }
0x6f: {  	[sflag:s13] =	ssyncset.done $0x0  }
0x70: {  	s1 =	rddreg [dreg:$0x7];
	[sflag:s13] =	ssyncadd.s32 $0xFFFF9C00  }
0x71: {  	[hbm4b:s1+s2] =	stream.linear.scatter [tilespmem:s8], [sflag:$0x5], $0x6400, $0x38;
	[tilespmem:$0x1A900] =	vst v63  }
0x72: {  	_ =	swait.ge [sflag:s6], $0x6400  }
0x73: {  	s1 =	sld [smem:$0x7F2]  }
0x74: {  	[sflag:s6] =	ssyncset.done $0x0  }
0x75: {  	[sflag:s6] =	ssyncadd.s32 $0xFFFF9C00  }
0x76: {  	[tilespmem:s8], [sflag:$0x1] =	stream.indirect.gather [hbm4b:s3+s10], $0x80, s1, s10, $0xb8;
	[tilespmem:$0x1A900] =	vst v63  }
0x77: {  	_ =	swait.ge [sflag:s14], $0x6400  }
0x78: {  	[sflag:s14] =	ssyncset.done $0x0  }
0x79: {  	s1 =	rddreg [dreg:$0x8];
	[sflag:s14] =	ssyncadd.s32 $0xFFFF9C00  }
0x7a: {  	[hbm4b:s1+s2] =	stream.linear.scatter [tilespmem:s7], [sflag:$0x6], $0x6400, $0x38;
	[tilespmem:$0x1A900] =	vst v63  }
0x7b: {  	_ =	swait.ge [sflag:s9], $0x6400  }
0x7c: {  	s1 =	sld [smem:$0x7F3]  }
0x7d: {  	[sflag:s9] =	ssyncset.done $0x0  }
0x7e: {  	[sflag:s9] =	ssyncadd.s32 $0xFFFF9C00  }
0x7f: {  	[tilespmem:s7], [sflag:$0x2] =	stream.indirect.gather [hbm4b:s3+s10], $0x80, s1, s10, $0xb8;
	[tilespmem:$0x1A900] =	vst v63  }
0x80: {  	_ =	swait.ge [sflag:s15], $0x6400  }
0x81: {  	[sflag:s15] =	ssyncset.done $0x0  }
0x82: {  	s1 =	rddreg [dreg:$0x9];
	[sflag:s15] =	ssyncadd.s32 $0xFFFF9C00  }
0x83: {  	[hbm4b:s1+s2] =	stream.linear.scatter [tilespmem:s5], [sflag:$0x7], $0x6400, $0x38;
	[tilespmem:$0x1A900] =	vst v63  }
0x84: {  	_ =	swait.ge [sflag:s11], $0x6400  }
0x85: {  	s1 =	sld [smem:$0x7F4]  }
0x86: {  	[sflag:s11] =	ssyncset.done $0x0  }
0x87: {  	[sflag:s11] =	ssyncadd.s32 $0xFFFF9C00  }
0x88: {  	[tilespmem:s5], [sflag:$0x3] =	stream.indirect.gather [hbm4b:s3+s10], $0x80, s1, s10, $0xb8;
	[tilespmem:$0x1A900] =	vst v63  }
0x89: {  	_ =	swait.ge [sflag:s16], $0x6400  }
0x8a: {  	[sflag:s16] =	ssyncset.done $0x0  }
0x8b: {  	s1 =	rddreg [dreg:$0xa];
	[sflag:s16] =	ssyncadd.s32 $0xFFFF9C00  }
0x8c: {  	[hbm4b:s1+s2] =	stream.linear.scatter [tilespmem:s4], [sflag:$0x8], $0x6400, $0x38;
	[tilespmem:$0x1A900] =	vst v63  }
0x8d: {  	_ =	swait.ge [sflag:s12], $0x6400  }
0x8e: {  	s1 =	sld [smem:$0x7F5]  }
0x8f: {  	[sflag:s12] =	ssyncset.done $0x0  }
0x90: {  	[sflag:s12] =	ssyncadd.s32 $0xFFFF9C00  }
0x91: {  	[tilespmem:s4], [sflag:$0x4] =	stream.indirect.gather [hbm4b:s3+s10], $0x80, s1, s10, $0xb8;
	[tilespmem:$0x1A900] =	vst v63  }
0x92: {  	_ =	swait.ge [sflag:s13], $0x6400  }
0x93: {  	[sflag:s13] =	ssyncset.done $0x0  }
0x94: {  	s1 =	rddreg [dreg:$0xb];
	[sflag:s13] =	ssyncadd.s32 $0xFFFF9C00  }
0x95: {  	[hbm4b:s1+s2] =	stream.linear.scatter [tilespmem:s8], [sflag:$0x5], $0x6400, $0x38;
	[tilespmem:$0x1A900] =	vst v63  }
0x96: {  	_ =	swait.ge [sflag:s6], $0x6400  }
0x97: {  	s1 =	sld [smem:$0x7F6]  }
0x98: {  	[sflag:s6] =	ssyncset.done $0x0  }
0x99: {  	[sflag:s6] =	ssyncadd.s32 $0xFFFF9C00  }
0x9a: {  	[tilespmem:s8], [sflag:$0x1] =	stream.indirect.gather [hbm4b:s3+s10], $0x80, s1, s10, $0xb8;
	[tilespmem:$0x1A900] =	vst v63  }
0x9b: {  	_ =	swait.ge [sflag:s14], $0x6400  }
0x9c: {  	[sflag:s14] =	ssyncset.done $0x0  }
0x9d: {  	s1 =	rddreg [dreg:$0xc];
	[sflag:s14] =	ssyncadd.s32 $0xFFFF9C00  }
0x9e: {  	[hbm4b:s1+s2] =	stream.linear.scatter [tilespmem:s7], [sflag:$0x6], $0x6400, $0x38;
	[tilespmem:$0x1A900] =	vst v63  }
0x9f: {  	_ =	swait.ge [sflag:s9], $0x6400  }
0xa0: {  	s1 =	sld [smem:$0x7F7]  }
0xa1: {  	[sflag:s9] =	ssyncset.done $0x0  }
0xa2: {  	[sflag:s9] =	ssyncadd.s32 $0xFFFF9C00  }
0xa3: {  	[tilespmem:s7], [sflag:$0x2] =	stream.indirect.gather [hbm4b:s3+s10], $0x80, s1, s10, $0xb8;
	[tilespmem:$0x1A900] =	vst v63  }
0xa4: {  	_ =	swait.ge [sflag:s15], $0x6400  }
0xa5: {  	[sflag:s15] =	ssyncset.done $0x0  }
0xa6: {  	s1 =	rddreg [dreg:$0xd];
	[sflag:s15] =	ssyncadd.s32 $0xFFFF9C00  }
0xa7: {  	[hbm4b:s1+s2] =	stream.linear.scatter [tilespmem:s5], [sflag:$0x7], $0x6400, $0x38;
	[tilespmem:$0x1A900] =	vst v63  }
0xa8: {  	_ =	swait.ge [sflag:s11], $0x6400  }
0xa9: {  	s1 =	sld [smem:$0x7F8]  }
0xaa: {  	[sflag:s11] =	ssyncset.done $0x0  }
0xab: {  	[sflag:s11] =	ssyncadd.s32 $0xFFFF9C00  }
0xac: {  	[tilespmem:s5], [sflag:$0x3] =	stream.indirect.gather [hbm4b:s3+s10], $0x80, s1, s10, $0xb8;
	[tilespmem:$0x1A900] =	vst v63  }
0xad: {  	_ =	swait.ge [sflag:s16], $0x6400  }
0xae: {  	[sflag:s16] =	ssyncset.done $0x0  }
0xaf: {  	s1 =	rddreg [dreg:$0xe];
	[sflag:s16] =	ssyncadd.s32 $0xFFFF9C00  }
0xb0: {  	[hbm4b:s1+s2] =	stream.linear.scatter [tilespmem:s4], [sflag:$0x8], $0x6400, $0x38;
	[tilespmem:$0x1A900] =	vst v63  }
0xb1: {  	_ =	swait.ge [sflag:s12], $0x6400  }
0xb2: {  	s1 =	sld [smem:$0x7F9]  }
0xb3: {  	[sflag:s12] =	ssyncset.done $0x0  }
0xb4: {  	[sflag:s12] =	ssyncadd.s32 $0xFFFF9C00  }
0xb5: {  	[tilespmem:s4], [sflag:$0x4] =	stream.indirect.gather [hbm4b:s3+s10], $0x80, s1, s10, $0xb8;
	[tilespmem:$0x1A900] =	vst v63  }
0xb6: {  	_ =	swait.ge [sflag:s13], $0x6400  }
0xb7: {  	[sflag:s13] =	ssyncset.done $0x0  }
0xb8: {  	s1 =	rddreg [dreg:$0xf];
	[sflag:s13] =	ssyncadd.s32 $0xFFFF9C00  }
0xb9: {  	[hbm4b:s1+s2] =	stream.linear.scatter [tilespmem:s8], [sflag:$0x5], $0x6400, $0x38;
	[tilespmem:$0x1A900] =	vst v63  }
0xba: {  	_ =	swait.ge [sflag:s6], $0x6400  }
0xbb: {  	s1 =	sld [smem:$0x7FA]  }
0xbc: {  	[sflag:s6] =	ssyncset.done $0x0  }
0xbd: {  	[sflag:s6] =	ssyncadd.s32 $0xFFFF9C00  }
0xbe: {  	[tilespmem:s8], [sflag:$0x1] =	stream.indirect.gather [hbm4b:s3+s10], $0x80, s1, s10, $0xb8;
	[tilespmem:$0x1A900] =	vst v63  }
0xbf: {  	_ =	swait.ge [sflag:s14], $0x6400  }
0xc0: {  	[sflag:s14] =	ssyncset.done $0x0  }
0xc1: {  	s1 =	rddreg [dreg:$0x10];
	[sflag:s14] =	ssyncadd.s32 $0xFFFF9C00  }
0xc2: {  	[hbm4b:s1+s2] =	stream.linear.scatter [tilespmem:s7], [sflag:$0x6], $0x6400, $0x38;
	[tilespmem:$0x1A900] =	vst v63  }
0xc3: {  	_ =	swait.ge [sflag:s9], $0x6400  }
0xc4: {  	s1 =	sld [smem:$0x7FB]  }
0xc5: {  	[sflag:s9] =	ssyncset.done $0x0  }
0xc6: {  	[sflag:s9] =	ssyncadd.s32 $0xFFFF9C00  }
0xc7: {  	[tilespmem:s7], [sflag:$0x2] =	stream.indirect.gather [hbm4b:s3+s10], $0x80, s1, s10, $0xb8;
	[tilespmem:$0x1A900] =	vst v63  }
0xc8: {  	_ =	swait.ge [sflag:s15], $0x6400  }
0xc9: {  	[sflag:s15] =	ssyncset.done $0x0  }
0xca: {  	s1 =	rddreg [dreg:$0x11];
	[sflag:s15] =	ssyncadd.s32 $0xFFFF9C00  }
0xcb: {  	[hbm4b:s1+s2] =	stream.linear.scatter [tilespmem:s5], [sflag:$0x7], $0x6400, $0x38;
	[tilespmem:$0x1A900] =	vst v63  }
0xcc: {  	_ =	swait.ge [sflag:s11], $0x6400  }
0xcd: {  	s1 =	sld [smem:$0x7FC]  }
0xce: {  	[sflag:s11] =	ssyncset.done $0x0  }
0xcf: {  	[sflag:s11] =	ssyncadd.s32 $0xFFFF9C00  }
0xd0: {  	[tilespmem:s5], [sflag:$0x3] =	stream.indirect.gather [hbm4b:s3+s10], $0x80, s1, s10, $0xb8;
	[tilespmem:$0x1A900] =	vst v63  }
0xd1: {  	_ =	swait.ge [sflag:s16], $0x6400  }
0xd2: {  	[sflag:s16] =	ssyncset.done $0x0  }
0xd3: {  	s1 =	rddreg [dreg:$0x12];
	[sflag:s16] =	ssyncadd.s32 $0xFFFF9C00  }
0xd4: {  	[hbm4b:s1+s2] =	stream.linear.scatter [tilespmem:s4], [sflag:$0x8], $0x6400, $0x38;
	[tilespmem:$0x1A900] =	vst v63  }
0xd5: {  	_ =	swait.ge [sflag:s12], $0x6400  }
0xd6: {  	s1 =	sld [smem:$0x7FD]  }
0xd7: {  	[sflag:s12] =	ssyncset.done $0x0  }
0xd8: {  	[sflag:s12] =	ssyncadd.s32 $0xFFFF9C00  }
0xd9: {  	[tilespmem:s4], [sflag:$0x4] =	stream.indirect.gather [hbm4b:s3+s10], $0x80, s1, s10, $0xb8;
	[tilespmem:$0x1A900] =	vst v63  }
0xda: {  	_ =	swait.ge [sflag:s13], $0x6400  }
0xdb: {  	[sflag:s13] =	ssyncset.done $0x0  }
0xdc: {  	s1 =	rddreg [dreg:$0x13];
	[sflag:s13] =	ssyncadd.s32 $0xFFFF9C00  }
0xdd: {  	[hbm4b:s1+s2] =	stream.linear.scatter [tilespmem:s8], [sflag:$0x5], $0x6400, $0x38;
	[tilespmem:$0x1A900] =	vst v63  }
0xde: {  	_ =	swait.ge [sflag:s6], $0x6400  }
0xdf: {  	[sflag:s6] =	ssyncset.done $0x0  }
0xe0: {  	s1 =	simm.s32 $0xFA0;
	[sflag:s6] =	ssyncadd.s32 $0xFFFF9C00  }
0xe1: {  	[tilespmem:s8], [sflag:$0x1] =	stream.indirect.gather [hbm4b:s3+s10], $0x80, s1, s10, $0xb8;
	[tilespmem:$0x1A900] =	vst v63  }
0xe2: {  	_ =	swait.ge [sflag:s14], $0x6400  }
0xe3: {  	[sflag:s14] =	ssyncset.done $0x0  }
0xe4: {  	s1 =	rddreg [dreg:$0x14];
	[sflag:s14] =	ssyncadd.s32 $0xFFFF9C00  }
0xe5: {  	[hbm4b:s1+s2] =	stream.linear.scatter [tilespmem:s7], [sflag:$0x6], $0x6400, $0x38;
	[tilespmem:$0x1A900] =	vst v63  }
0xe6: {  	_ =	swait.ge [sflag:s9], $0x6400  }
0xe7: {  	[sflag:s9] =	ssyncset.done $0x0  }
0xe8: {  	[sflag:s9] =	ssyncadd.s32 $0xFFFF9C00  }
0xe9: {  	[tilespmem:s7], [sflag:$0x2] =	stream.indirect.gather [hbm4b:s3+s10], $0x80, s29, s10, $0xb8;
	[tilespmem:$0x1A900] =	vst v63  }
0xea: {  	_ =	swait.ge [sflag:s15], $0x6400  }
0xeb: {  	[sflag:s15] =	ssyncset.done $0x0  }
0xec: {  	s1 =	rddreg [dreg:$0x15];
	[sflag:s15] =	ssyncadd.s32 $0xFFFF9C00  }
0xed: {  	[hbm4b:s1+s2] =	stream.linear.scatter [tilespmem:s5], [sflag:$0x7], $0x6400, $0x38;
	[tilespmem:$0x1A900] =	vst v63  }
0xee: {  	_ =	swait.ge [sflag:s11], $0x6400  }
0xef: {  	[sflag:s11] =	ssyncset.done $0x0  }
0xf0: {  	[sflag:s11] =	ssyncadd.s32 $0xFFFF9C00  }
0xf1: {  	[tilespmem:s5], [sflag:$0x3] =	stream.indirect.gather [hbm4b:s3+s10], $0x80, s28, s10, $0xb8;
	[tilespmem:$0x1A900] =	vst v63  }
0xf2: {  	_ =	swait.ge [sflag:s16], $0x6400  }
0xf3: {  	[sflag:s16] =	ssyncset.done $0x0  }
0xf4: {  	s1 =	rddreg [dreg:$0x16];
	[sflag:s16] =	ssyncadd.s32 $0xFFFF9C00  }
0xf5: {  	[hbm4b:s1+s2] =	stream.linear.scatter [tilespmem:s4], [sflag:$0x8], $0x6400, $0x38;
	[tilespmem:$0x1A900] =	vst v63  }
0xf6: {  	_ =	swait.ge [sflag:s12], $0x6400  }
0xf7: {  	[sflag:s12] =	ssyncset.done $0x0  }
0xf8: {  	[sflag:s12] =	ssyncadd.s32 $0xFFFF9C00  }
0xf9: {  	[tilespmem:s4], [sflag:$0x4] =	stream.indirect.gather [hbm4b:s3+s10], $0x80, s26, s10, $0xb8;
	[tilespmem:$0x1A900] =	vst v63  }
0xfa: {  	_ =	swait.ge [sflag:s13], $0x6400  }
0xfb: {  	[sflag:s13] =	ssyncset.done $0x0  }
0xfc: {  	s1 =	rddreg [dreg:$0x17];
	[sflag:s13] =	ssyncadd.s32 $0xFFFF9C00  }
0xfd: {  	[hbm4b:s1+s2] =	stream.linear.scatter [tilespmem:s8], [sflag:$0x5], $0x6400, $0x38;
	[tilespmem:$0x1A900] =	vst v63  }
0xfe: {  	_ =	swait.ge [sflag:s6], $0x6400  }
0xff: {  	[sflag:s6] =	ssyncset.done $0x0  }
0x100: {  	[sflag:s6] =	ssyncadd.s32 $0xFFFF9C00  }
0x101: {  	[tilespmem:s8], [sflag:$0x1] =	stream.indirect.gather [hbm4b:s3+s10], $0x80, s25, s10, $0xb8;
	[tilespmem:$0x1A900] =	vst v63  }
0x102: {  	_ =	swait.ge [sflag:s14], $0x6400  }
0x103: {  	[sflag:s14] =	ssyncset.done $0x0  }
0x104: {  	s1 =	rddreg [dreg:$0x18];
	[sflag:s14] =	ssyncadd.s32 $0xFFFF9C00  }
0x105: {  	[hbm4b:s1+s2] =	stream.linear.scatter [tilespmem:s7], [sflag:$0x6], $0x6400, $0x38;
	[tilespmem:$0x1A900] =	vst v63  }
0x106: {  	_ =	swait.ge [sflag:s9], $0x6400  }
0x107: {  	[sflag:s9] =	ssyncset.done $0x0  }
0x108: {  	[sflag:s9] =	ssyncadd.s32 $0xFFFF9C00  }
0x109: {  	[tilespmem:s7], [sflag:$0x2] =	stream.indirect.gather [hbm4b:s3+s10], $0x80, s24, s10, $0xb8;
	[tilespmem:$0x1A900] =	vst v63  }
0x10a: {  	_ =	swait.ge [sflag:s15], $0x6400  }
0x10b: {  	[sflag:s15] =	ssyncset.done $0x0  }
0x10c: {  	s1 =	rddreg [dreg:$0x19];
	[sflag:s15] =	ssyncadd.s32 $0xFFFF9C00  }
0x10d: {  	[hbm4b:s1+s2] =	stream.linear.scatter [tilespmem:s5], [sflag:$0x7], $0x6400, $0x38;
	[tilespmem:$0x1A900] =	vst v63  }
0x10e: {  	_ =	swait.ge [sflag:s11], $0x6400  }
0x10f: {  	[sflag:s11] =	ssyncset.done $0x0  }
0x110: {  	[sflag:s11] =	ssyncadd.s32 $0xFFFF9C00  }
0x111: {  	[tilespmem:s5], [sflag:$0x3] =	stream.indirect.gather [hbm4b:s3+s10], $0x80, s23, s10, $0xb8;
	[tilespmem:$0x1A900] =	vst v63  }
0x112: {  	_ =	swait.ge [sflag:s16], $0x6400  }
0x113: {  	[sflag:s16] =	ssyncset.done $0x0  }
0x114: {  	s1 =	rddreg [dreg:$0x1a];
	[sflag:s16] =	ssyncadd.s32 $0xFFFF9C00  }
0x115: {  	[hbm4b:s1+s2] =	stream.linear.scatter [tilespmem:s4], [sflag:$0x8], $0x6400, $0x38;
	[tilespmem:$0x1A900] =	vst v63  }
0x116: {  	_ =	swait.ge [sflag:s12], $0x6400  }
0x117: {  	[sflag:s12] =	ssyncset.done $0x0  }
0x118: {  	[sflag:s12] =	ssyncadd.s32 $0xFFFF9C00  }
0x119: {  	[tilespmem:s4], [sflag:$0x4] =	stream.indirect.gather [hbm4b:s3+s10], $0x80, s22, s10, $0xb8;
	[tilespmem:$0x1A900] =	vst v63  }
0x11a: {  	_ =	swait.ge [sflag:s13], $0x6400  }
0x11b: {  	[sflag:s13] =	ssyncset.done $0x0  }
0x11c: {  	s1 =	rddreg [dreg:$0x1b];
	[sflag:s13] =	ssyncadd.s32 $0xFFFF9C00  }
0x11d: {  	[hbm4b:s1+s2] =	stream.linear.scatter [tilespmem:s8], [sflag:$0x5], $0x6400, $0x38;
	[tilespmem:$0x1A900] =	vst v63  }
0x11e: {  	_ =	swait.ge [sflag:s6], $0x6400  }
0x11f: {  	[sflag:s6] =	ssyncset.done $0x0  }
0x120: {  	[sflag:s6] =	ssyncadd.s32 $0xFFFF9C00  }
0x121: {  	[tilespmem:s8], [sflag:$0x1] =	stream.indirect.gather [hbm4b:s3+s10], $0x80, s21, s10, $0xb8;
	[tilespmem:$0x1A900] =	vst v63  }
0x122: {  	_ =	swait.ge [sflag:s14], $0x6400  }
0x123: {  	[sflag:s14] =	ssyncset.done $0x0  }
0x124: {  	s1 =	rddreg [dreg:$0x1c];
	[sflag:s14] =	ssyncadd.s32 $0xFFFF9C00  }
0x125: {  	[hbm4b:s1+s2] =	stream.linear.scatter [tilespmem:s7], [sflag:$0x6], $0x6400, $0x38;
	[tilespmem:$0x1A900] =	vst v63  }
0x126: {  	_ =	swait.ge [sflag:s9], $0x6400  }
0x127: {  	[sflag:s9] =	ssyncset.done $0x0  }
0x128: {  	[sflag:s9] =	ssyncadd.s32 $0xFFFF9C00  }
0x129: {  	[tilespmem:s7], [sflag:$0x2] =	stream.indirect.gather [hbm4b:s3+s10], $0x80, s20, s10, $0xb8;
	[tilespmem:$0x1A900] =	vst v63  }
0x12a: {  	_ =	swait.ge [sflag:s15], $0x6400  }
0x12b: {  	[sflag:s15] =	ssyncset.done $0x0  }
0x12c: {  	s1 =	rddreg [dreg:$0x1d];
	[sflag:s15] =	ssyncadd.s32 $0xFFFF9C00  }
0x12d: {  	[hbm4b:s1+s2] =	stream.linear.scatter [tilespmem:s5], [sflag:$0x7], $0x6400, $0x38;
	[tilespmem:$0x1A900] =	vst v63  }
0x12e: {  	_ =	swait.ge [sflag:s11], $0x6400  }
0x12f: {  	[sflag:s11] =	ssyncset.done $0x0  }
0x130: {  	[sflag:s11] =	ssyncadd.s32 $0xFFFF9C00  }
0x131: {  	[tilespmem:s5], [sflag:$0x3] =	stream.indirect.gather [hbm4b:s3+s10], $0x80, s19, s10, $0xb8;
	[tilespmem:$0x1A900] =	vst v63  }
0x132: {  	_ =	swait.ge [sflag:s16], $0x6400  }
0x133: {  	[sflag:s16] =	ssyncset.done $0x0  }
0x134: {  	s1 =	rddreg [dreg:$0x1e];
	[sflag:s16] =	ssyncadd.s32 $0xFFFF9C00  }
0x135: {  	[hbm4b:s1+s2] =	stream.linear.scatter [tilespmem:s4], [sflag:$0x8], $0x6400, $0x38;
	[tilespmem:$0x1A900] =	vst v63  }
0x136: {  	_ =	swait.ge [sflag:s12], $0x6400  }
0x137: {  	[sflag:s12] =	ssyncset.done $0x0  }
0x138: {  	[sflag:s12] =	ssyncadd.s32 $0xFFFF9C00  }
0x139: {  	[tilespmem:s4], [sflag:$0x4] =	stream.indirect.gather [hbm4b:s3+s10], $0x80, s18, s10, $0xb8;
	[tilespmem:$0x1A900] =	vst v63  }
0x13a: {  	_ =	swait.ge [sflag:s13], $0x6400  }
0x13b: {  	[sflag:s13] =	ssyncset.done $0x0  }
0x13c: {  	s1 =	rddreg [dreg:$0x1f];
	[sflag:s13] =	ssyncadd.s32 $0xFFFF9C00  }
0x13d: {  	[hbm4b:s1+s2] =	stream.linear.scatter [tilespmem:s8], [sflag:$0x5], $0x6400, $0x38;
	[tilespmem:$0x1A900] =	vst v63  }
0x13e: {  	_ =	swait.ge [sflag:s14], $0x6400  }
0x13f: {  	s1 =	sld [smem:$0x7E9]  }
0x140: {  	[sflag:s14] =	ssyncset.done $0x0  }
0x141: {  	[sflag:s14] =	ssyncadd.s32 $0xFFFF9C00  }
0x142: {  	[hbm4b:s1+s2] =	stream.linear.scatter [tilespmem:s7], [sflag:$0x6], $0x6400, $0x38;
	[tilespmem:$0x1A900] =	vst v63  }
0x143: {  	_ =	swait.ge [sflag:s15], $0x6400  }
0x144: {  	s1 =	sld [smem:$0x7EA]  }
0x145: {  	[sflag:s15] =	ssyncset.done $0x0  }
0x146: {  	[sflag:s15] =	ssyncadd.s32 $0xFFFF9C00  }
0x147: {  	[hbm4b:s1+s2] =	stream.linear.scatter [tilespmem:s5], [sflag:$0x7], $0x6400, $0x38;
	[tilespmem:$0x1A900] =	vst v63  }
0x148: {  	_ =	swait.ge [sflag:s16], $0x6400  }
0x149: {  	s1 =	sld [smem:$0x7EB]  }
0x14a: {  	[sflag:s16] =	ssyncset.done $0x0  }
0x14b: {  	[sflag:s16] =	ssyncadd.s32 $0xFFFF9C00  }
0x14c: {  	[hbm4b:s1+s2] =	stream.linear.scatter [tilespmem:s4], [sflag:$0x8], $0x6400, $0x38;
	[tilespmem:$0x1A900] =	vst v63  }
0x14d: {  	_ =	swait.ge [sflag:s6], $0x6400  }
0x14e: {  	[sflag:s6] =	ssyncset.done $0x0  }
0x14f: {  	[sflag:s6] =	ssyncadd.s32 $0xFFFF9C00  }
0x150: {  	_ =	swait.ge [sflag:s9], $0x6400  }
0x151: {  	[sflag:s9] =	ssyncset.done $0x0  }
0x152: {  	p1 =	sne.s32 s17, $0x1;
	[sflag:s9] =	ssyncadd.s32 $0xFFFF9C00  }
.Ltmp1:
0x153: {  	_ =	swait.ge [sflag:s11], $0x6400;
	(pc) =	sbr.rel @!p1 .LBB2_3-.Ltmp1, $4  }
0x154: {  	[sflag:s11] =	ssyncset.done $0x0  }
0x155: {  	[sflag:s11] =	ssyncadd.s32 $0xFFFF9C00  }
0x156: {  	p0 =	por $0x1, $0x1;
	_ =	swait.ge [sflag:s12], $0x6400  }
0x157: {  	s1 =	sadd.s32 $0xFFFFFFFF, s17;
	s0 =	rddreg [dreg:$0x3];
	[sflag:s12] =	ssyncset.done $0x0  }
.LBB2_4:
0x158: {  	[sflag:s12] =	ssyncadd.s32 $0xFFFF9C00  }
0x159: {  	[tilespmem:s2], [sflag:$0x9] =	stream.linear.gather [hbm4b:s0+s2], $0x1900, $0x38;
	[tilespmem:$0x1A900] =	vst v63  }
0x15a: {  	_ =	swait.ge [sflag:s31], $0x1900  }
0x15b: {  	[sflag:s31] =	ssyncset.done $0x0  }
0x15c: {  	[sflag:s31] =	ssyncadd.s32 $0xFFFFE700  }
0x15d: {  	[tilespmem:s8], [sflag:$0x1] =	stream.indirect.gather [hbm4b:s3+s10], $0x80, s2, s10, $0xb8;
	[tilespmem:$0x1A900] =	vst v63  }
0x15e: {  	s0 =	sld [smem:$0x7EC]  }
0x15f: {  	[tilespmem:s7], [sflag:$0x2] =	stream.indirect.gather [hbm4b:s3+s10], $0x80, s10, s10, $0xb8;
	[tilespmem:$0x1A900] =	vst v63  }
0x160: {  	s17 =	sld [smem:$0x7ED]  }
0x161: {  	[tilespmem:s5], [sflag:$0x3] =	stream.indirect.gather [hbm4b:s3+s10], $0x80, s0, s10, $0xb8;
	[tilespmem:$0x1A900] =	vst v63  }
0x162: {  	_ = 	snop  }
0x163: {  	[tilespmem:s4], [sflag:$0x4] =	stream.indirect.gather [hbm4b:s3+s10], $0x80, s17, s10, $0xb8;
	[tilespmem:$0x1A900] =	vst v63  }
0x164: {  	_ =	swait.ge [sflag:s13], $0x6400  }
0x165: {  	[sflag:s13] =	ssyncset.done $0x0  }
0x166: {  	[sflag:s13] =	ssyncadd.s32 $0xFFFF9C00  }
0x167: {  	[hbm4b:s30+s2] =	stream.linear.scatter [tilespmem:s8], [sflag:$0x5], $0x6400, $0x38;
	[tilespmem:$0x1A900] =	vst v63  }
0x168: {  	_ =	swait.ge [sflag:s6], $0x6400  }
0x169: {  	s17 =	sld [smem:$0x7EE]  }
0x16a: {  	[sflag:s6] =	ssyncset.done $0x0  }
0x16b: {  	[sflag:s6] =	ssyncadd.s32 $0xFFFF9C00  }
0x16c: {  	[tilespmem:s8], [sflag:$0x1] =	stream.indirect.gather [hbm4b:s3+s10], $0x80, s17, s10, $0xb8;
	[tilespmem:$0x1A900] =	vst v63  }
0x16d: {  	_ =	swait.ge [sflag:s14], $0x6400  }
0x16e: {  	[sflag:s14] =	ssyncset.done $0x0  }
0x16f: {  	s17 =	rddreg [dreg:$0x4];
	[sflag:s14] =	ssyncadd.s32 $0xFFFF9C00  }
0x170: {  	[hbm4b:s17+s2] =	stream.linear.scatter [tilespmem:s7], [sflag:$0x6], $0x6400, $0x38;
	[tilespmem:$0x1A900] =	vst v63  }
0x171: {  	_ =	swait.ge [sflag:s9], $0x6400  }
0x172: {  	s17 =	sld [smem:$0x7EF]  }
0x173: {  	[sflag:s9] =	ssyncset.done $0x0  }
0x174: {  	[sflag:s9] =	ssyncadd.s32 $0xFFFF9C00  }
0x175: {  	[tilespmem:s7], [sflag:$0x2] =	stream.indirect.gather [hbm4b:s3+s10], $0x80, s17, s10, $0xb8;
	[tilespmem:$0x1A900] =	vst v63  }
0x176: {  	_ =	swait.ge [sflag:s15], $0x6400  }
0x177: {  	[sflag:s15] =	ssyncset.done $0x0  }
0x178: {  	s17 =	rddreg [dreg:$0x5];
	[sflag:s15] =	ssyncadd.s32 $0xFFFF9C00  }
0x179: {  	[hbm4b:s17+s2] =	stream.linear.scatter [tilespmem:s5], [sflag:$0x7], $0x6400, $0x38;
	[tilespmem:$0x1A900] =	vst v63  }
0x17a: {  	_ =	swait.ge [sflag:s11], $0x6400  }
0x17b: {  	s17 =	sld [smem:$0x7F0]  }
0x17c: {  	[sflag:s11] =	ssyncset.done $0x0  }
0x17d: {  	[sflag:s11] =	ssyncadd.s32 $0xFFFF9C00  }
0x17e: {  	[tilespmem:s5], [sflag:$0x3] =	stream.indirect.gather [hbm4b:s3+s10], $0x80, s17, s10, $0xb8;
	[tilespmem:$0x1A900] =	vst v63  }
0x17f: {  	_ =	swait.ge [sflag:s16], $0x6400  }
0x180: {  	[sflag:s16] =	ssyncset.done $0x0  }
0x181: {  	s17 =	rddreg [dreg:$0x6];
	[sflag:s16] =	ssyncadd.s32 $0xFFFF9C00  }
0x182: {  	[hbm4b:s17+s2] =	stream.linear.scatter [tilespmem:s4], [sflag:$0x8], $0x6400, $0x38;
	[tilespmem:$0x1A900] =	vst v63  }
0x183: {  	_ =	swait.ge [sflag:s12], $0x6400  }
0x184: {  	s17 =	sld [smem:$0x7F1]  }
0x185: {  	[sflag:s12] =	ssyncset.done $0x0  }
0x186: {  	[sflag:s12] =	ssyncadd.s32 $0xFFFF9C00  }
0x187: {  	[tilespmem:s4], [sflag:$0x4] =	stream.indirect.gather [hbm4b:s3+s10], $0x80, s17, s10, $0xb8;
	[tilespmem:$0x1A900] =	vst v63  }
0x188: {  	_ =	swait.ge [sflag:s13], $0x6400  }
0x189: {  	[sflag:s13] =	ssyncset.done $0x0  }
0x18a: {  	s17 =	rddreg [dreg:$0x7];
	[sflag:s13] =	ssyncadd.s32 $0xFFFF9C00  }
0x18b: {  	[hbm4b:s17+s2] =	stream.linear.scatter [tilespmem:s8], [sflag:$0x5], $0x6400, $0x38;
	[tilespmem:$0x1A900] =	vst v63  }
0x18c: {  	_ =	swait.ge [sflag:s6], $0x6400  }
0x18d: {  	s17 =	sld [smem:$0x7F2]  }
0x18e: {  	[sflag:s6] =	ssyncset.done $0x0  }
0x18f: {  	[sflag:s6] =	ssyncadd.s32 $0xFFFF9C00  }
0x190: {  	[tilespmem:s8], [sflag:$0x1] =	stream.indirect.gather [hbm4b:s3+s10], $0x80, s17, s10, $0xb8;
	[tilespmem:$0x1A900] =	vst v63  }
0x191: {  	_ =	swait.ge [sflag:s14], $0x6400  }
0x192: {  	[sflag:s14] =	ssyncset.done $0x0  }
0x193: {  	s17 =	rddreg [dreg:$0x8];
	[sflag:s14] =	ssyncadd.s32 $0xFFFF9C00  }
0x194: {  	[hbm4b:s17+s2] =	stream.linear.scatter [tilespmem:s7], [sflag:$0x6], $0x6400, $0x38;
	[tilespmem:$0x1A900] =	vst v63  }
0x195: {  	_ =	swait.ge [sflag:s9], $0x6400  }
0x196: {  	s17 =	sld [smem:$0x7F3]  }
0x197: {  	[sflag:s9] =	ssyncset.done $0x0  }
0x198: {  	[sflag:s9] =	ssyncadd.s32 $0xFFFF9C00  }
0x199: {  	[tilespmem:s7], [sflag:$0x2] =	stream.indirect.gather [hbm4b:s3+s10], $0x80, s17, s10, $0xb8;
	[tilespmem:$0x1A900] =	vst v63  }
0x19a: {  	_ =	swait.ge [sflag:s15], $0x6400  }
0x19b: {  	[sflag:s15] =	ssyncset.done $0x0  }
0x19c: {  	s17 =	rddreg [dreg:$0x9];
	[sflag:s15] =	ssyncadd.s32 $0xFFFF9C00  }
0x19d: {  	[hbm4b:s17+s2] =	stream.linear.scatter [tilespmem:s5], [sflag:$0x7], $0x6400, $0x38;
	[tilespmem:$0x1A900] =	vst v63  }
0x19e: {  	_ =	swait.ge [sflag:s11], $0x6400  }
0x19f: {  	s17 =	sld [smem:$0x7F4]  }
0x1a0: {  	[sflag:s11] =	ssyncset.done $0x0  }
0x1a1: {  	[sflag:s11] =	ssyncadd.s32 $0xFFFF9C00  }
0x1a2: {  	[tilespmem:s5], [sflag:$0x3] =	stream.indirect.gather [hbm4b:s3+s10], $0x80, s17, s10, $0xb8;
	[tilespmem:$0x1A900] =	vst v63  }
0x1a3: {  	_ =	swait.ge [sflag:s16], $0x6400  }
0x1a4: {  	[sflag:s16] =	ssyncset.done $0x0  }
0x1a5: {  	s17 =	rddreg [dreg:$0xa];
	[sflag:s16] =	ssyncadd.s32 $0xFFFF9C00  }
0x1a6: {  	[hbm4b:s17+s2] =	stream.linear.scatter [tilespmem:s4], [sflag:$0x8], $0x6400, $0x38;
	[tilespmem:$0x1A900] =	vst v63  }
0x1a7: {  	_ =	swait.ge [sflag:s12], $0x6400  }
0x1a8: {  	s17 =	sld [smem:$0x7F5]  }
0x1a9: {  	[sflag:s12] =	ssyncset.done $0x0  }
0x1aa: {  	[sflag:s12] =	ssyncadd.s32 $0xFFFF9C00  }
0x1ab: {  	[tilespmem:s4], [sflag:$0x4] =	stream.indirect.gather [hbm4b:s3+s10], $0x80, s17, s10, $0xb8;
	[tilespmem:$0x1A900] =	vst v63  }
0x1ac: {  	_ =	swait.ge [sflag:s13], $0x6400  }
0x1ad: {  	[sflag:s13] =	ssyncset.done $0x0  }
0x1ae: {  	s17 =	rddreg [dreg:$0xb];
	[sflag:s13] =	ssyncadd.s32 $0xFFFF9C00  }
0x1af: {  	[hbm4b:s17+s2] =	stream.linear.scatter [tilespmem:s8], [sflag:$0x5], $0x6400, $0x38;
	[tilespmem:$0x1A900] =	vst v63  }
0x1b0: {  	_ =	swait.ge [sflag:s6], $0x6400  }
0x1b1: {  	s17 =	sld [smem:$0x7F6]  }
0x1b2: {  	[sflag:s6] =	ssyncset.done $0x0  }
0x1b3: {  	[sflag:s6] =	ssyncadd.s32 $0xFFFF9C00  }
0x1b4: {  	[tilespmem:s8], [sflag:$0x1] =	stream.indirect.gather [hbm4b:s3+s10], $0x80, s17, s10, $0xb8;
	[tilespmem:$0x1A900] =	vst v63  }
0x1b5: {  	_ =	swait.ge [sflag:s14], $0x6400  }
0x1b6: {  	[sflag:s14] =	ssyncset.done $0x0  }
0x1b7: {  	s17 =	rddreg [dreg:$0xc];
	[sflag:s14] =	ssyncadd.s32 $0xFFFF9C00  }
0x1b8: {  	[hbm4b:s17+s2] =	stream.linear.scatter [tilespmem:s7], [sflag:$0x6], $0x6400, $0x38;
	[tilespmem:$0x1A900] =	vst v63  }
0x1b9: {  	_ =	swait.ge [sflag:s9], $0x6400  }
0x1ba: {  	s17 =	sld [smem:$0x7F7]  }
0x1bb: {  	[sflag:s9] =	ssyncset.done $0x0  }
0x1bc: {  	[sflag:s9] =	ssyncadd.s32 $0xFFFF9C00  }
0x1bd: {  	[tilespmem:s7], [sflag:$0x2] =	stream.indirect.gather [hbm4b:s3+s10], $0x80, s17, s10, $0xb8;
	[tilespmem:$0x1A900] =	vst v63  }
0x1be: {  	_ =	swait.ge [sflag:s15], $0x6400  }
0x1bf: {  	[sflag:s15] =	ssyncset.done $0x0  }
0x1c0: {  	s17 =	rddreg [dreg:$0xd];
	[sflag:s15] =	ssyncadd.s32 $0xFFFF9C00  }
0x1c1: {  	[hbm4b:s17+s2] =	stream.linear.scatter [tilespmem:s5], [sflag:$0x7], $0x6400, $0x38;
	[tilespmem:$0x1A900] =	vst v63  }
0x1c2: {  	_ =	swait.ge [sflag:s11], $0x6400  }
0x1c3: {  	s17 =	sld [smem:$0x7F8]  }
0x1c4: {  	[sflag:s11] =	ssyncset.done $0x0  }
0x1c5: {  	[sflag:s11] =	ssyncadd.s32 $0xFFFF9C00  }
0x1c6: {  	[tilespmem:s5], [sflag:$0x3] =	stream.indirect.gather [hbm4b:s3+s10], $0x80, s17, s10, $0xb8;
	[tilespmem:$0x1A900] =	vst v63  }
0x1c7: {  	_ =	swait.ge [sflag:s16], $0x6400  }
0x1c8: {  	[sflag:s16] =	ssyncset.done $0x0  }
0x1c9: {  	s17 =	rddreg [dreg:$0xe];
	[sflag:s16] =	ssyncadd.s32 $0xFFFF9C00  }
0x1ca: {  	[hbm4b:s17+s2] =	stream.linear.scatter [tilespmem:s4], [sflag:$0x8], $0x6400, $0x38;
	[tilespmem:$0x1A900] =	vst v63  }
0x1cb: {  	_ =	swait.ge [sflag:s12], $0x6400  }
0x1cc: {  	s17 =	sld [smem:$0x7F9]  }
0x1cd: {  	[sflag:s12] =	ssyncset.done $0x0  }
0x1ce: {  	[sflag:s12] =	ssyncadd.s32 $0xFFFF9C00  }
0x1cf: {  	[tilespmem:s4], [sflag:$0x4] =	stream.indirect.gather [hbm4b:s3+s10], $0x80, s17, s10, $0xb8;
	[tilespmem:$0x1A900] =	vst v63  }
0x1d0: {  	_ =	swait.ge [sflag:s13], $0x6400  }
0x1d1: {  	[sflag:s13] =	ssyncset.done $0x0  }
0x1d2: {  	s17 =	rddreg [dreg:$0xf];
	[sflag:s13] =	ssyncadd.s32 $0xFFFF9C00  }
0x1d3: {  	[hbm4b:s17+s2] =	stream.linear.scatter [tilespmem:s8], [sflag:$0x5], $0x6400, $0x38;
	[tilespmem:$0x1A900] =	vst v63  }
0x1d4: {  	_ =	swait.ge [sflag:s6], $0x6400  }
0x1d5: {  	s17 =	sld [smem:$0x7FA]  }
0x1d6: {  	[sflag:s6] =	ssyncset.done $0x0  }
0x1d7: {  	[sflag:s6] =	ssyncadd.s32 $0xFFFF9C00  }
0x1d8: {  	[tilespmem:s8], [sflag:$0x1] =	stream.indirect.gather [hbm4b:s3+s10], $0x80, s17, s10, $0xb8;
	[tilespmem:$0x1A900] =	vst v63  }
0x1d9: {  	_ =	swait.ge [sflag:s14], $0x6400  }
0x1da: {  	[sflag:s14] =	ssyncset.done $0x0  }
0x1db: {  	s17 =	rddreg [dreg:$0x10];
	[sflag:s14] =	ssyncadd.s32 $0xFFFF9C00  }
0x1dc: {  	[hbm4b:s17+s2] =	stream.linear.scatter [tilespmem:s7], [sflag:$0x6], $0x6400, $0x38;
	[tilespmem:$0x1A900] =	vst v63  }
0x1dd: {  	_ =	swait.ge [sflag:s9], $0x6400  }
0x1de: {  	s17 =	sld [smem:$0x7FB]  }
0x1df: {  	[sflag:s9] =	ssyncset.done $0x0  }
0x1e0: {  	[sflag:s9] =	ssyncadd.s32 $0xFFFF9C00  }
0x1e1: {  	[tilespmem:s7], [sflag:$0x2] =	stream.indirect.gather [hbm4b:s3+s10], $0x80, s17, s10, $0xb8;
	[tilespmem:$0x1A900] =	vst v63  }
0x1e2: {  	_ =	swait.ge [sflag:s15], $0x6400  }
0x1e3: {  	[sflag:s15] =	ssyncset.done $0x0  }
0x1e4: {  	s17 =	rddreg [dreg:$0x11];
	[sflag:s15] =	ssyncadd.s32 $0xFFFF9C00  }
0x1e5: {  	[hbm4b:s17+s2] =	stream.linear.scatter [tilespmem:s5], [sflag:$0x7], $0x6400, $0x38;
	[tilespmem:$0x1A900] =	vst v63  }
0x1e6: {  	_ =	swait.ge [sflag:s11], $0x6400  }
0x1e7: {  	s17 =	sld [smem:$0x7FC]  }
0x1e8: {  	[sflag:s11] =	ssyncset.done $0x0  }
0x1e9: {  	[sflag:s11] =	ssyncadd.s32 $0xFFFF9C00  }
0x1ea: {  	[tilespmem:s5], [sflag:$0x3] =	stream.indirect.gather [hbm4b:s3+s10], $0x80, s17, s10, $0xb8;
	[tilespmem:$0x1A900] =	vst v63  }
0x1eb: {  	_ =	swait.ge [sflag:s16], $0x6400  }
0x1ec: {  	[sflag:s16] =	ssyncset.done $0x0  }
0x1ed: {  	s17 =	rddreg [dreg:$0x12];
	[sflag:s16] =	ssyncadd.s32 $0xFFFF9C00  }
0x1ee: {  	[hbm4b:s17+s2] =	stream.linear.scatter [tilespmem:s4], [sflag:$0x8], $0x6400, $0x38;
	[tilespmem:$0x1A900] =	vst v63  }
0x1ef: {  	_ =	swait.ge [sflag:s12], $0x6400  }
0x1f0: {  	s17 =	sld [smem:$0x7FD]  }
0x1f1: {  	[sflag:s12] =	ssyncset.done $0x0  }
0x1f2: {  	[sflag:s12] =	ssyncadd.s32 $0xFFFF9C00  }
0x1f3: {  	[tilespmem:s4], [sflag:$0x4] =	stream.indirect.gather [hbm4b:s3+s10], $0x80, s17, s10, $0xb8;
	[tilespmem:$0x1A900] =	vst v63  }
0x1f4: {  	_ =	swait.ge [sflag:s13], $0x6400  }
0x1f5: {  	[sflag:s13] =	ssyncset.done $0x0  }
0x1f6: {  	s17 =	rddreg [dreg:$0x13];
	[sflag:s13] =	ssyncadd.s32 $0xFFFF9C00  }
0x1f7: {  	[hbm4b:s17+s2] =	stream.linear.scatter [tilespmem:s8], [sflag:$0x5], $0x6400, $0x38;
	[tilespmem:$0x1A900] =	vst v63  }
0x1f8: {  	_ =	swait.ge [sflag:s6], $0x6400  }
0x1f9: {  	[sflag:s6] =	ssyncset.done $0x0  }
0x1fa: {  	s17 =	simm.s32 $0xFA0;
	[sflag:s6] =	ssyncadd.s32 $0xFFFF9C00  }
0x1fb: {  	[tilespmem:s8], [sflag:$0x1] =	stream.indirect.gather [hbm4b:s3+s10], $0x80, s17, s10, $0xb8;
	[tilespmem:$0x1A900] =	vst v63  }
0x1fc: {  	_ =	swait.ge [sflag:s14], $0x6400  }
0x1fd: {  	[sflag:s14] =	ssyncset.done $0x0  }
0x1fe: {  	s17 =	rddreg [dreg:$0x14];
	[sflag:s14] =	ssyncadd.s32 $0xFFFF9C00  }
0x1ff: {  	[hbm4b:s17+s2] =	stream.linear.scatter [tilespmem:s7], [sflag:$0x6], $0x6400, $0x38;
	[tilespmem:$0x1A900] =	vst v63  }
0x200: {  	_ =	swait.ge [sflag:s9], $0x6400  }
0x201: {  	[sflag:s9] =	ssyncset.done $0x0  }
0x202: {  	[sflag:s9] =	ssyncadd.s32 $0xFFFF9C00  }
0x203: {  	[tilespmem:s7], [sflag:$0x2] =	stream.indirect.gather [hbm4b:s3+s10], $0x80, s29, s10, $0xb8;
	[tilespmem:$0x1A900] =	vst v63  }
0x204: {  	_ =	swait.ge [sflag:s15], $0x6400  }
0x205: {  	[sflag:s15] =	ssyncset.done $0x0  }
0x206: {  	s17 =	rddreg [dreg:$0x15];
	[sflag:s15] =	ssyncadd.s32 $0xFFFF9C00  }
0x207: {  	[hbm4b:s17+s2] =	stream.linear.scatter [tilespmem:s5], [sflag:$0x7], $0x6400, $0x38;
	[tilespmem:$0x1A900] =	vst v63  }
0x208: {  	_ =	swait.ge [sflag:s11], $0x6400  }
0x209: {  	[sflag:s11] =	ssyncset.done $0x0  }
0x20a: {  	[sflag:s11] =	ssyncadd.s32 $0xFFFF9C00  }
0x20b: {  	[tilespmem:s5], [sflag:$0x3] =	stream.indirect.gather [hbm4b:s3+s10], $0x80, s28, s10, $0xb8;
	[tilespmem:$0x1A900] =	vst v63  }
0x20c: {  	_ =	swait.ge [sflag:s16], $0x6400  }
0x20d: {  	[sflag:s16] =	ssyncset.done $0x0  }
0x20e: {  	s17 =	rddreg [dreg:$0x16];
	[sflag:s16] =	ssyncadd.s32 $0xFFFF9C00  }
0x20f: {  	[hbm4b:s17+s2] =	stream.linear.scatter [tilespmem:s4], [sflag:$0x8], $0x6400, $0x38;
	[tilespmem:$0x1A900] =	vst v63  }
0x210: {  	_ =	swait.ge [sflag:s12], $0x6400  }
0x211: {  	[sflag:s12] =	ssyncset.done $0x0  }
0x212: {  	[sflag:s12] =	ssyncadd.s32 $0xFFFF9C00  }
0x213: {  	[tilespmem:s4], [sflag:$0x4] =	stream.indirect.gather [hbm4b:s3+s10], $0x80, s26, s10, $0xb8;
	[tilespmem:$0x1A900] =	vst v63  }
0x214: {  	_ =	swait.ge [sflag:s13], $0x6400  }
0x215: {  	[sflag:s13] =	ssyncset.done $0x0  }
0x216: {  	s17 =	rddreg [dreg:$0x17];
	[sflag:s13] =	ssyncadd.s32 $0xFFFF9C00  }
0x217: {  	[hbm4b:s17+s2] =	stream.linear.scatter [tilespmem:s8], [sflag:$0x5], $0x6400, $0x38;
	[tilespmem:$0x1A900] =	vst v63  }
0x218: {  	_ =	swait.ge [sflag:s6], $0x6400  }
0x219: {  	[sflag:s6] =	ssyncset.done $0x0  }
0x21a: {  	[sflag:s6] =	ssyncadd.s32 $0xFFFF9C00  }
0x21b: {  	[tilespmem:s8], [sflag:$0x1] =	stream.indirect.gather [hbm4b:s3+s10], $0x80, s25, s10, $0xb8;
	[tilespmem:$0x1A900] =	vst v63  }
0x21c: {  	_ =	swait.ge [sflag:s14], $0x6400  }
0x21d: {  	[sflag:s14] =	ssyncset.done $0x0  }
0x21e: {  	s17 =	rddreg [dreg:$0x18];
	[sflag:s14] =	ssyncadd.s32 $0xFFFF9C00  }
0x21f: {  	[hbm4b:s17+s2] =	stream.linear.scatter [tilespmem:s7], [sflag:$0x6], $0x6400, $0x38;
	[tilespmem:$0x1A900] =	vst v63  }
0x220: {  	_ =	swait.ge [sflag:s9], $0x6400  }
0x221: {  	[sflag:s9] =	ssyncset.done $0x0  }
0x222: {  	[sflag:s9] =	ssyncadd.s32 $0xFFFF9C00  }
0x223: {  	[tilespmem:s7], [sflag:$0x2] =	stream.indirect.gather [hbm4b:s3+s10], $0x80, s24, s10, $0xb8;
	[tilespmem:$0x1A900] =	vst v63  }
0x224: {  	_ =	swait.ge [sflag:s15], $0x6400  }
0x225: {  	[sflag:s15] =	ssyncset.done $0x0  }
0x226: {  	s17 =	rddreg [dreg:$0x19];
	[sflag:s15] =	ssyncadd.s32 $0xFFFF9C00  }
0x227: {  	[hbm4b:s17+s2] =	stream.linear.scatter [tilespmem:s5], [sflag:$0x7], $0x6400, $0x38;
	[tilespmem:$0x1A900] =	vst v63  }
0x228: {  	_ =	swait.ge [sflag:s11], $0x6400  }
0x229: {  	[sflag:s11] =	ssyncset.done $0x0  }
0x22a: {  	[sflag:s11] =	ssyncadd.s32 $0xFFFF9C00  }
0x22b: {  	[tilespmem:s5], [sflag:$0x3] =	stream.indirect.gather [hbm4b:s3+s10], $0x80, s23, s10, $0xb8;
	[tilespmem:$0x1A900] =	vst v63  }
0x22c: {  	_ =	swait.ge [sflag:s16], $0x6400  }
0x22d: {  	[sflag:s16] =	ssyncset.done $0x0  }
0x22e: {  	s17 =	rddreg [dreg:$0x1a];
	[sflag:s16] =	ssyncadd.s32 $0xFFFF9C00  }
0x22f: {  	[hbm4b:s17+s2] =	stream.linear.scatter [tilespmem:s4], [sflag:$0x8], $0x6400, $0x38;
	[tilespmem:$0x1A900] =	vst v63  }
0x230: {  	_ =	swait.ge [sflag:s12], $0x6400  }
0x231: {  	[sflag:s12] =	ssyncset.done $0x0  }
0x232: {  	[sflag:s12] =	ssyncadd.s32 $0xFFFF9C00  }
0x233: {  	[tilespmem:s4], [sflag:$0x4] =	stream.indirect.gather [hbm4b:s3+s10], $0x80, s22, s10, $0xb8;
	[tilespmem:$0x1A900] =	vst v63  }
0x234: {  	_ =	swait.ge [sflag:s13], $0x6400  }
0x235: {  	[sflag:s13] =	ssyncset.done $0x0  }
0x236: {  	s17 =	rddreg [dreg:$0x1b];
	[sflag:s13] =	ssyncadd.s32 $0xFFFF9C00  }
0x237: {  	[hbm4b:s17+s2] =	stream.linear.scatter [tilespmem:s8], [sflag:$0x5], $0x6400, $0x38;
	[tilespmem:$0x1A900] =	vst v63  }
0x238: {  	_ =	swait.ge [sflag:s6], $0x6400  }
0x239: {  	[sflag:s6] =	ssyncset.done $0x0  }
0x23a: {  	[sflag:s6] =	ssyncadd.s32 $0xFFFF9C00  }
0x23b: {  	[tilespmem:s8], [sflag:$0x1] =	stream.indirect.gather [hbm4b:s3+s10], $0x80, s21, s10, $0xb8;
	[tilespmem:$0x1A900] =	vst v63  }
0x23c: {  	_ =	swait.ge [sflag:s14], $0x6400  }
0x23d: {  	[sflag:s14] =	ssyncset.done $0x0  }
0x23e: {  	s17 =	rddreg [dreg:$0x1c];
	[sflag:s14] =	ssyncadd.s32 $0xFFFF9C00  }
0x23f: {  	[hbm4b:s17+s2] =	stream.linear.scatter [tilespmem:s7], [sflag:$0x6], $0x6400, $0x38;
	[tilespmem:$0x1A900] =	vst v63  }
0x240: {  	_ =	swait.ge [sflag:s9], $0x6400  }
0x241: {  	[sflag:s9] =	ssyncset.done $0x0  }
0x242: {  	[sflag:s9] =	ssyncadd.s32 $0xFFFF9C00  }
0x243: {  	[tilespmem:s7], [sflag:$0x2] =	stream.indirect.gather [hbm4b:s3+s10], $0x80, s20, s10, $0xb8;
	[tilespmem:$0x1A900] =	vst v63  }
0x244: {  	_ =	swait.ge [sflag:s15], $0x6400  }
0x245: {  	[sflag:s15] =	ssyncset.done $0x0  }
0x246: {  	s17 =	rddreg [dreg:$0x1d];
	[sflag:s15] =	ssyncadd.s32 $0xFFFF9C00  }
0x247: {  	[hbm4b:s17+s2] =	stream.linear.scatter [tilespmem:s5], [sflag:$0x7], $0x6400, $0x38;
	[tilespmem:$0x1A900] =	vst v63  }
0x248: {  	_ =	swait.ge [sflag:s11], $0x6400  }
0x249: {  	[sflag:s11] =	ssyncset.done $0x0  }
0x24a: {  	[sflag:s11] =	ssyncadd.s32 $0xFFFF9C00  }
0x24b: {  	[tilespmem:s5], [sflag:$0x3] =	stream.indirect.gather [hbm4b:s3+s10], $0x80, s19, s10, $0xb8;
	[tilespmem:$0x1A900] =	vst v63  }
0x24c: {  	_ =	swait.ge [sflag:s16], $0x6400  }
0x24d: {  	[sflag:s16] =	ssyncset.done $0x0  }
0x24e: {  	s17 =	rddreg [dreg:$0x1e];
	[sflag:s16] =	ssyncadd.s32 $0xFFFF9C00  }
0x24f: {  	[hbm4b:s17+s2] =	stream.linear.scatter [tilespmem:s4], [sflag:$0x8], $0x6400, $0x38;
	[tilespmem:$0x1A900] =	vst v63  }
0x250: {  	_ =	swait.ge [sflag:s12], $0x6400  }
0x251: {  	[sflag:s12] =	ssyncset.done $0x0  }
0x252: {  	[sflag:s12] =	ssyncadd.s32 $0xFFFF9C00  }
0x253: {  	[tilespmem:s4], [sflag:$0x4] =	stream.indirect.gather [hbm4b:s3+s10], $0x80, s18, s10, $0xb8;
	[tilespmem:$0x1A900] =	vst v63  }
0x254: {  	_ =	swait.ge [sflag:s13], $0x6400  }
0x255: {  	[sflag:s13] =	ssyncset.done $0x0  }
0x256: {  	s17 =	rddreg [dreg:$0x1f];
	[sflag:s13] =	ssyncadd.s32 $0xFFFF9C00  }
0x257: {  	[hbm4b:s17+s2] =	stream.linear.scatter [tilespmem:s8], [sflag:$0x5], $0x6400, $0x38;
	[tilespmem:$0x1A900] =	vst v63  }
0x258: {  	_ =	swait.ge [sflag:s14], $0x6400  }
0x259: {  	s17 =	sld [smem:$0x7E9]  }
0x25a: {  	[sflag:s14] =	ssyncset.done $0x0  }
0x25b: {  	[sflag:s14] =	ssyncadd.s32 $0xFFFF9C00  }
0x25c: {  	[hbm4b:s17+s2] =	stream.linear.scatter [tilespmem:s7], [sflag:$0x6], $0x6400, $0x38;
	[tilespmem:$0x1A900] =	vst v63  }
0x25d: {  	_ =	swait.ge [sflag:s15], $0x6400  }
0x25e: {  	s17 =	sld [smem:$0x7EA]  }
0x25f: {  	[sflag:s15] =	ssyncset.done $0x0  }
0x260: {  	[sflag:s15] =	ssyncadd.s32 $0xFFFF9C00  }
0x261: {  	[hbm4b:s17+s2] =	stream.linear.scatter [tilespmem:s5], [sflag:$0x7], $0x6400, $0x38;
	[tilespmem:$0x1A900] =	vst v63  }
0x262: {  	_ =	swait.ge [sflag:s16], $0x6400  }
0x263: {  	s17 =	sld [smem:$0x7EB]  }
0x264: {  	[sflag:s16] =	ssyncset.done $0x0  }
0x265: {  	[sflag:s16] =	ssyncadd.s32 $0xFFFF9C00  }
0x266: {  	[hbm4b:s17+s2] =	stream.linear.scatter [tilespmem:s4], [sflag:$0x8], $0x6400, $0x38;
	[tilespmem:$0x1A900] =	vst v63  }
0x267: {  	_ =	swait.ge [sflag:s6], $0x6400  }
0x268: {  	[sflag:s6] =	ssyncset.done $0x0  }
0x269: {  	[sflag:s6] =	ssyncadd.s32 $0xFFFF9C00  }
0x26a: {  	_ =	swait.ge [sflag:s9], $0x6400  }
0x26b: {  	[sflag:s9] =	ssyncset.done $0x0  }
0x26c: {  	p1 =	sne.s32 s1, $0x1;
	[sflag:s9] =	ssyncadd.s32 $0xFFFF9C00  }
.Ltmp2:
0x26d: {  	_ =	swait.ge [sflag:s11], $0x6400;
	(pc) =	sbr.rel @p1 .LBB2_4-.Ltmp2, $4  }
0x26e: {  	[sflag:s11] =	ssyncset.done $0x0  }
0x26f: {  	[sflag:s11] =	ssyncadd.s32 $0xFFFF9C00  }
0x270: {  	_ =	swait.ge [sflag:s12], $0x6400  }
0x271: {  	s1 =	sadd.s32 $0xFFFFFFFF, s1;
	s0 =	rddreg [dreg:$0x3];
	[sflag:s12] =	ssyncset.done $0x0  }
0x272: {  	s18 =	simm.s32 $0xFA0;
	s29 =	simm.s32 $0x1068;
	s28 =	simm.s32 $0x1130  }
0x273: {  	s26 =	simm.s32 $0x11F8;
	s25 =	simm.s32 $0x12C0;
	s24 =	simm.s32 $0x1388  }
0x274: {  	s23 =	simm.s32 $0x1450;
	s22 =	simm.s32 $0x1518;
	s21 =	simm.s32 $0x15E0  }
0x275: {  	s20 =	simm.s32 $0x16A8;
	s19 =	simm.s32 $0x1770;
	s17 =	stileid.u32  }
.LBB2_6:
0x276: {  	[sflag:s12] =	ssyncadd.s32 @p0 $0xFFFF9C00  }
0x277: {  	[tilespmem:s2], [sflag:$0x9] =	stream.linear.gather [hbm4b:s0+s2], $0x1900, $0x38;
	[tilespmem:$0x1A900] =	vst v63  }
0x278: {  	_ =	swait.ge [sflag:s31], $0x1900  }
0x279: {  	[sflag:s31] =	ssyncset.done $0x0  }
0x27a: {  	[sflag:s31] =	ssyncadd.s32 $0xFFFFE700  }
0x27b: {  	[tilespmem:s8], [sflag:$0x1] =	stream.indirect.gather [hbm4b:s3+s10], $0x80, s2, s10, $0xb8;
	[tilespmem:$0x1A900] =	vst v63  }
0x27c: {  	s31 =	sld [smem:$0x7EC]  }
0x27d: {  	[tilespmem:s7], [sflag:$0x2] =	stream.indirect.gather [hbm4b:s3+s10], $0x80, s10, s10, $0xb8;
	[tilespmem:$0x1A900] =	vst v63  }
0x27e: {  	s1 =	sld [smem:$0x7ED]  }
0x27f: {  	[tilespmem:s5], [sflag:$0x3] =	stream.indirect.gather [hbm4b:s3+s10], $0x80, s31, s10, $0xb8;
	[tilespmem:$0x1A900] =	vst v63  }
0x280: {  	_ = 	snop  }
0x281: {  	[tilespmem:s4], [sflag:$0x4] =	stream.indirect.gather [hbm4b:s3+s10], $0x80, s1, s10, $0xb8;
	[tilespmem:$0x1A900] =	vst v63  }
0x282: {  	_ =	swait.ge [sflag:s13], $0x6400  }
0x283: {  	[sflag:s13] =	ssyncset.done $0x0  }
0x284: {  	[sflag:s13] =	ssyncadd.s32 $0xFFFF9C00  }
0x285: {  	[hbm4b:s30+s2] =	stream.linear.scatter [tilespmem:s8], [sflag:$0x5], $0x6400, $0x38;
	[tilespmem:$0x1A900] =	vst v63  }
0x286: {  	_ =	swait.ge [sflag:s6], $0x6400  }
0x287: {  	s30 =	sld [smem:$0x7EE]  }
0x288: {  	[sflag:s6] =	ssyncset.done $0x0  }
0x289: {  	[sflag:s6] =	ssyncadd.s32 $0xFFFF9C00  }
0x28a: {  	[tilespmem:s8], [sflag:$0x1] =	stream.indirect.gather [hbm4b:s3+s10], $0x80, s30, s10, $0xb8;
	[tilespmem:$0x1A900] =	vst v63  }
0x28b: {  	_ =	swait.ge [sflag:s14], $0x6400  }
0x28c: {  	[sflag:s14] =	ssyncset.done $0x0  }
0x28d: {  	s31 =	rddreg [dreg:$0x4];
	[sflag:s14] =	ssyncadd.s32 $0xFFFF9C00  }
0x28e: {  	[hbm4b:s31+s2] =	stream.linear.scatter [tilespmem:s7], [sflag:$0x6], $0x6400, $0x38;
	[tilespmem:$0x1A900] =	vst v63  }
0x28f: {  	_ =	swait.ge [sflag:s9], $0x6400  }
0x290: {  	s1 =	sld [smem:$0x7EF]  }
0x291: {  	[sflag:s9] =	ssyncset.done $0x0  }
0x292: {  	[sflag:s9] =	ssyncadd.s32 $0xFFFF9C00  }
0x293: {  	[tilespmem:s7], [sflag:$0x2] =	stream.indirect.gather [hbm4b:s3+s10], $0x80, s1, s10, $0xb8;
	[tilespmem:$0x1A900] =	vst v63  }
0x294: {  	_ =	swait.ge [sflag:s15], $0x6400  }
0x295: {  	[sflag:s15] =	ssyncset.done $0x0  }
0x296: {  	s30 =	rddreg [dreg:$0x5];
	[sflag:s15] =	ssyncadd.s32 $0xFFFF9C00  }
0x297: {  	[hbm4b:s30+s2] =	stream.linear.scatter [tilespmem:s5], [sflag:$0x7], $0x6400, $0x38;
	[tilespmem:$0x1A900] =	vst v63  }
0x298: {  	_ =	swait.ge [sflag:s11], $0x6400  }
0x299: {  	s31 =	sld [smem:$0x7F0]  }
0x29a: {  	[sflag:s11] =	ssyncset.done $0x0  }
0x29b: {  	[sflag:s11] =	ssyncadd.s32 $0xFFFF9C00  }
0x29c: {  	[tilespmem:s5], [sflag:$0x3] =	stream.indirect.gather [hbm4b:s3+s10], $0x80, s31, s10, $0xb8;
	[tilespmem:$0x1A900] =	vst v63  }
0x29d: {  	_ =	swait.ge [sflag:s16], $0x6400  }
0x29e: {  	[sflag:s16] =	ssyncset.done $0x0  }
0x29f: {  	s1 =	rddreg [dreg:$0x6];
	[sflag:s16] =	ssyncadd.s32 $0xFFFF9C00  }
0x2a0: {  	[hbm4b:s1+s2] =	stream.linear.scatter [tilespmem:s4], [sflag:$0x8], $0x6400, $0x38;
	[tilespmem:$0x1A900] =	vst v63  }
0x2a1: {  	_ =	swait.ge [sflag:s12], $0x6400  }
0x2a2: {  	s30 =	sld [smem:$0x7F1]  }
0x2a3: {  	[sflag:s12] =	ssyncset.done $0x0  }
0x2a4: {  	[sflag:s12] =	ssyncadd.s32 $0xFFFF9C00  }
0x2a5: {  	[tilespmem:s4], [sflag:$0x4] =	stream.indirect.gather [hbm4b:s3+s10], $0x80, s30, s10, $0xb8;
	[tilespmem:$0x1A900] =	vst v63  }
0x2a6: {  	_ =	swait.ge [sflag:s13], $0x6400  }
0x2a7: {  	[sflag:s13] =	ssyncset.done $0x0  }
0x2a8: {  	s31 =	rddreg [dreg:$0x7];
	[sflag:s13] =	ssyncadd.s32 $0xFFFF9C00  }
0x2a9: {  	[hbm4b:s31+s2] =	stream.linear.scatter [tilespmem:s8], [sflag:$0x5], $0x6400, $0x38;
	[tilespmem:$0x1A900] =	vst v63  }
0x2aa: {  	_ =	swait.ge [sflag:s6], $0x6400  }
0x2ab: {  	s1 =	sld [smem:$0x7F2]  }
0x2ac: {  	[sflag:s6] =	ssyncset.done $0x0  }
0x2ad: {  	[sflag:s6] =	ssyncadd.s32 $0xFFFF9C00  }
0x2ae: {  	[tilespmem:s8], [sflag:$0x1] =	stream.indirect.gather [hbm4b:s3+s10], $0x80, s1, s10, $0xb8;
	[tilespmem:$0x1A900] =	vst v63  }
0x2af: {  	_ =	swait.ge [sflag:s14], $0x6400  }
0x2b0: {  	[sflag:s14] =	ssyncset.done $0x0  }
0x2b1: {  	s30 =	rddreg [dreg:$0x8];
	[sflag:s14] =	ssyncadd.s32 $0xFFFF9C00  }
0x2b2: {  	[hbm4b:s30+s2] =	stream.linear.scatter [tilespmem:s7], [sflag:$0x6], $0x6400, $0x38;
	[tilespmem:$0x1A900] =	vst v63  }
0x2b3: {  	_ =	swait.ge [sflag:s9], $0x6400  }
0x2b4: {  	s31 =	sld [smem:$0x7F3]  }
0x2b5: {  	[sflag:s9] =	ssyncset.done $0x0  }
0x2b6: {  	[sflag:s9] =	ssyncadd.s32 $0xFFFF9C00  }
0x2b7: {  	[tilespmem:s7], [sflag:$0x2] =	stream.indirect.gather [hbm4b:s3+s10], $0x80, s31, s10, $0xb8;
	[tilespmem:$0x1A900] =	vst v63  }
0x2b8: {  	_ =	swait.ge [sflag:s15], $0x6400  }
0x2b9: {  	[sflag:s15] =	ssyncset.done $0x0  }
0x2ba: {  	s1 =	rddreg [dreg:$0x9];
	[sflag:s15] =	ssyncadd.s32 $0xFFFF9C00  }
0x2bb: {  	[hbm4b:s1+s2] =	stream.linear.scatter [tilespmem:s5], [sflag:$0x7], $0x6400, $0x38;
	[tilespmem:$0x1A900] =	vst v63  }
0x2bc: {  	_ =	swait.ge [sflag:s11], $0x6400  }
0x2bd: {  	s30 =	sld [smem:$0x7F4]  }
0x2be: {  	[sflag:s11] =	ssyncset.done $0x0  }
0x2bf: {  	[sflag:s11] =	ssyncadd.s32 $0xFFFF9C00  }
0x2c0: {  	[tilespmem:s5], [sflag:$0x3] =	stream.indirect.gather [hbm4b:s3+s10], $0x80, s30, s10, $0xb8;
	[tilespmem:$0x1A900] =	vst v63  }
0x2c1: {  	_ =	swait.ge [sflag:s16], $0x6400  }
0x2c2: {  	[sflag:s16] =	ssyncset.done $0x0  }
0x2c3: {  	s31 =	rddreg [dreg:$0xa];
	[sflag:s16] =	ssyncadd.s32 $0xFFFF9C00  }
0x2c4: {  	[hbm4b:s31+s2] =	stream.linear.scatter [tilespmem:s4], [sflag:$0x8], $0x6400, $0x38;
	[tilespmem:$0x1A900] =	vst v63  }
0x2c5: {  	_ =	swait.ge [sflag:s12], $0x6400  }
0x2c6: {  	s1 =	sld [smem:$0x7F5]  }
0x2c7: {  	[sflag:s12] =	ssyncset.done $0x0  }
0x2c8: {  	[sflag:s12] =	ssyncadd.s32 $0xFFFF9C00  }
0x2c9: {  	[tilespmem:s4], [sflag:$0x4] =	stream.indirect.gather [hbm4b:s3+s10], $0x80, s1, s10, $0xb8;
	[tilespmem:$0x1A900] =	vst v63  }
0x2ca: {  	_ =	swait.ge [sflag:s13], $0x6400  }
0x2cb: {  	[sflag:s13] =	ssyncset.done $0x0  }
0x2cc: {  	s30 =	rddreg [dreg:$0xb];
	[sflag:s13] =	ssyncadd.s32 $0xFFFF9C00  }
0x2cd: {  	[hbm4b:s30+s2] =	stream.linear.scatter [tilespmem:s8], [sflag:$0x5], $0x6400, $0x38;
	[tilespmem:$0x1A900] =	vst v63  }
0x2ce: {  	_ =	swait.ge [sflag:s6], $0x6400  }
0x2cf: {  	s31 =	sld [smem:$0x7F6]  }
0x2d0: {  	[sflag:s6] =	ssyncset.done $0x0  }
0x2d1: {  	[sflag:s6] =	ssyncadd.s32 $0xFFFF9C00  }
0x2d2: {  	[tilespmem:s8], [sflag:$0x1] =	stream.indirect.gather [hbm4b:s3+s10], $0x80, s31, s10, $0xb8;
	[tilespmem:$0x1A900] =	vst v63  }
0x2d3: {  	_ =	swait.ge [sflag:s14], $0x6400  }
0x2d4: {  	[sflag:s14] =	ssyncset.done $0x0  }
0x2d5: {  	s1 =	rddreg [dreg:$0xc];
	[sflag:s14] =	ssyncadd.s32 $0xFFFF9C00  }
0x2d6: {  	[hbm4b:s1+s2] =	stream.linear.scatter [tilespmem:s7], [sflag:$0x6], $0x6400, $0x38;
	[tilespmem:$0x1A900] =	vst v63  }
0x2d7: {  	_ =	swait.ge [sflag:s9], $0x6400  }
0x2d8: {  	s30 =	sld [smem:$0x7F7]  }
0x2d9: {  	[sflag:s9] =	ssyncset.done $0x0  }
0x2da: {  	[sflag:s9] =	ssyncadd.s32 $0xFFFF9C00  }
0x2db: {  	[tilespmem:s7], [sflag:$0x2] =	stream.indirect.gather [hbm4b:s3+s10], $0x80, s30, s10, $0xb8;
	[tilespmem:$0x1A900] =	vst v63  }
0x2dc: {  	_ =	swait.ge [sflag:s15], $0x6400  }
0x2dd: {  	[sflag:s15] =	ssyncset.done $0x0  }
0x2de: {  	s31 =	rddreg [dreg:$0xd];
	[sflag:s15] =	ssyncadd.s32 $0xFFFF9C00  }
0x2df: {  	[hbm4b:s31+s2] =	stream.linear.scatter [tilespmem:s5], [sflag:$0x7], $0x6400, $0x38;
	[tilespmem:$0x1A900] =	vst v63  }
0x2e0: {  	_ =	swait.ge [sflag:s11], $0x6400  }
0x2e1: {  	s1 =	sld [smem:$0x7F8]  }
0x2e2: {  	[sflag:s11] =	ssyncset.done $0x0  }
0x2e3: {  	[sflag:s11] =	ssyncadd.s32 $0xFFFF9C00  }
0x2e4: {  	[tilespmem:s5], [sflag:$0x3] =	stream.indirect.gather [hbm4b:s3+s10], $0x80, s1, s10, $0xb8;
	[tilespmem:$0x1A900] =	vst v63  }
0x2e5: {  	_ =	swait.ge [sflag:s16], $0x6400  }
0x2e6: {  	[sflag:s16] =	ssyncset.done $0x0  }
0x2e7: {  	s30 =	rddreg [dreg:$0xe];
	[sflag:s16] =	ssyncadd.s32 $0xFFFF9C00  }
0x2e8: {  	[hbm4b:s30+s2] =	stream.linear.scatter [tilespmem:s4], [sflag:$0x8], $0x6400, $0x38;
	[tilespmem:$0x1A900] =	vst v63  }
0x2e9: {  	_ =	swait.ge [sflag:s12], $0x6400  }
0x2ea: {  	s31 =	sld [smem:$0x7F9]  }
0x2eb: {  	[sflag:s12] =	ssyncset.done $0x0  }
0x2ec: {  	[sflag:s12] =	ssyncadd.s32 $0xFFFF9C00  }
0x2ed: {  	[tilespmem:s4], [sflag:$0x4] =	stream.indirect.gather [hbm4b:s3+s10], $0x80, s31, s10, $0xb8;
	[tilespmem:$0x1A900] =	vst v63  }
0x2ee: {  	_ =	swait.ge [sflag:s13], $0x6400  }
0x2ef: {  	[sflag:s13] =	ssyncset.done $0x0  }
0x2f0: {  	s1 =	rddreg [dreg:$0xf];
	[sflag:s13] =	ssyncadd.s32 $0xFFFF9C00  }
0x2f1: {  	[hbm4b:s1+s2] =	stream.linear.scatter [tilespmem:s8], [sflag:$0x5], $0x6400, $0x38;
	[tilespmem:$0x1A900] =	vst v63  }
0x2f2: {  	_ =	swait.ge [sflag:s6], $0x6400  }
0x2f3: {  	s30 =	sld [smem:$0x7FA]  }
0x2f4: {  	[sflag:s6] =	ssyncset.done $0x0  }
0x2f5: {  	[sflag:s6] =	ssyncadd.s32 $0xFFFF9C00  }
0x2f6: {  	[tilespmem:s8], [sflag:$0x1] =	stream.indirect.gather [hbm4b:s3+s10], $0x80, s30, s10, $0xb8;
	[tilespmem:$0x1A900] =	vst v63  }
0x2f7: {  	_ =	swait.ge [sflag:s14], $0x6400  }
0x2f8: {  	[sflag:s14] =	ssyncset.done $0x0  }
0x2f9: {  	s31 =	rddreg [dreg:$0x10];
	[sflag:s14] =	ssyncadd.s32 $0xFFFF9C00  }
0x2fa: {  	[hbm4b:s31+s2] =	stream.linear.scatter [tilespmem:s7], [sflag:$0x6], $0x6400, $0x38;
	[tilespmem:$0x1A900] =	vst v63  }
0x2fb: {  	_ =	swait.ge [sflag:s9], $0x6400  }
0x2fc: {  	s1 =	sld [smem:$0x7FB]  }
0x2fd: {  	[sflag:s9] =	ssyncset.done $0x0  }
0x2fe: {  	[sflag:s9] =	ssyncadd.s32 $0xFFFF9C00  }
0x2ff: {  	[tilespmem:s7], [sflag:$0x2] =	stream.indirect.gather [hbm4b:s3+s10], $0x80, s1, s10, $0xb8;
	[tilespmem:$0x1A900] =	vst v63  }
0x300: {  	_ =	swait.ge [sflag:s15], $0x6400  }
0x301: {  	[sflag:s15] =	ssyncset.done $0x0  }
0x302: {  	s30 =	rddreg [dreg:$0x11];
	[sflag:s15] =	ssyncadd.s32 $0xFFFF9C00  }
0x303: {  	[hbm4b:s30+s2] =	stream.linear.scatter [tilespmem:s5], [sflag:$0x7], $0x6400, $0x38;
	[tilespmem:$0x1A900] =	vst v63  }
0x304: {  	_ =	swait.ge [sflag:s11], $0x6400  }
0x305: {  	s31 =	sld [smem:$0x7FC]  }
0x306: {  	[sflag:s11] =	ssyncset.done $0x0  }
0x307: {  	[sflag:s11] =	ssyncadd.s32 $0xFFFF9C00  }
0x308: {  	[tilespmem:s5], [sflag:$0x3] =	stream.indirect.gather [hbm4b:s3+s10], $0x80, s31, s10, $0xb8;
	[tilespmem:$0x1A900] =	vst v63  }
0x309: {  	_ =	swait.ge [sflag:s16], $0x6400  }
0x30a: {  	[sflag:s16] =	ssyncset.done $0x0  }
0x30b: {  	s1 =	rddreg [dreg:$0x12];
	[sflag:s16] =	ssyncadd.s32 $0xFFFF9C00  }
0x30c: {  	[hbm4b:s1+s2] =	stream.linear.scatter [tilespmem:s4], [sflag:$0x8], $0x6400, $0x38;
	[tilespmem:$0x1A900] =	vst v63  }
0x30d: {  	_ =	swait.ge [sflag:s12], $0x6400  }
0x30e: {  	s30 =	sld [smem:$0x7FD]  }
0x30f: {  	[sflag:s12] =	ssyncset.done $0x0  }
0x310: {  	[sflag:s12] =	ssyncadd.s32 $0xFFFF9C00  }
0x311: {  	[tilespmem:s4], [sflag:$0x4] =	stream.indirect.gather [hbm4b:s3+s10], $0x80, s30, s10, $0xb8;
	[tilespmem:$0x1A900] =	vst v63  }
0x312: {  	_ =	swait.ge [sflag:s13], $0x6400  }
0x313: {  	[sflag:s13] =	ssyncset.done $0x0  }
0x314: {  	s31 =	rddreg [dreg:$0x13];
	[sflag:s13] =	ssyncadd.s32 $0xFFFF9C00  }
0x315: {  	[hbm4b:s31+s2] =	stream.linear.scatter [tilespmem:s8], [sflag:$0x5], $0x6400, $0x38;
	[tilespmem:$0x1A900] =	vst v63  }
0x316: {  	_ =	swait.ge [sflag:s6], $0x6400  }
0x317: {  	[sflag:s6] =	ssyncset.done $0x0  }
0x318: {  	[sflag:s6] =	ssyncadd.s32 $0xFFFF9C00  }
0x319: {  	[tilespmem:s8], [sflag:$0x1] =	stream.indirect.gather [hbm4b:s3+s10], $0x80, s18, s10, $0xb8;
	[tilespmem:$0x1A900] =	vst v63  }
0x31a: {  	_ =	swait.ge [sflag:s14], $0x6400  }
0x31b: {  	[sflag:s14] =	ssyncset.done $0x0  }
0x31c: {  	s1 =	rddreg [dreg:$0x14];
	[sflag:s14] =	ssyncadd.s32 $0xFFFF9C00  }
0x31d: {  	[hbm4b:s1+s2] =	stream.linear.scatter [tilespmem:s7], [sflag:$0x6], $0x6400, $0x38;
	[tilespmem:$0x1A900] =	vst v63  }
0x31e: {  	_ =	swait.ge [sflag:s9], $0x6400  }
0x31f: {  	[sflag:s9] =	ssyncset.done $0x0  }
0x320: {  	[sflag:s9] =	ssyncadd.s32 $0xFFFF9C00  }
0x321: {  	[tilespmem:s7], [sflag:$0x2] =	stream.indirect.gather [hbm4b:s3+s10], $0x80, s29, s10, $0xb8;
	[tilespmem:$0x1A900] =	vst v63  }
0x322: {  	_ =	swait.ge [sflag:s15], $0x6400  }
0x323: {  	[sflag:s15] =	ssyncset.done $0x0  }
0x324: {  	s18 =	rddreg [dreg:$0x15];
	[sflag:s15] =	ssyncadd.s32 $0xFFFF9C00  }
0x325: {  	[hbm4b:s18+s2] =	stream.linear.scatter [tilespmem:s5], [sflag:$0x7], $0x6400, $0x38;
	[tilespmem:$0x1A900] =	vst v63  }
0x326: {  	_ =	swait.ge [sflag:s11], $0x6400  }
0x327: {  	[sflag:s11] =	ssyncset.done $0x0  }
0x328: {  	[sflag:s11] =	ssyncadd.s32 $0xFFFF9C00  }
0x329: {  	[tilespmem:s5], [sflag:$0x3] =	stream.indirect.gather [hbm4b:s3+s10], $0x80, s28, s10, $0xb8;
	[tilespmem:$0x1A900] =	vst v63  }
0x32a: {  	_ =	swait.ge [sflag:s16], $0x6400  }
0x32b: {  	[sflag:s16] =	ssyncset.done $0x0  }
0x32c: {  	s29 =	rddreg [dreg:$0x16];
	[sflag:s16] =	ssyncadd.s32 $0xFFFF9C00  }
0x32d: {  	[hbm4b:s29+s2] =	stream.linear.scatter [tilespmem:s4], [sflag:$0x8], $0x6400, $0x38;
	[tilespmem:$0x1A900] =	vst v63  }
0x32e: {  	_ =	swait.ge [sflag:s12], $0x6400  }
0x32f: {  	[sflag:s12] =	ssyncset.done $0x0  }
0x330: {  	[sflag:s12] =	ssyncadd.s32 $0xFFFF9C00  }
0x331: {  	[tilespmem:s4], [sflag:$0x4] =	stream.indirect.gather [hbm4b:s3+s10], $0x80, s26, s10, $0xb8;
	[tilespmem:$0x1A900] =	vst v63  }
0x332: {  	_ =	swait.ge [sflag:s13], $0x6400  }
0x333: {  	[sflag:s13] =	ssyncset.done $0x0  }
0x334: {  	s30 =	rddreg [dreg:$0x17];
	[sflag:s13] =	ssyncadd.s32 $0xFFFF9C00  }
0x335: {  	[hbm4b:s30+s2] =	stream.linear.scatter [tilespmem:s8], [sflag:$0x5], $0x6400, $0x38;
	[tilespmem:$0x1A900] =	vst v63  }
0x336: {  	_ =	swait.ge [sflag:s6], $0x6400  }
0x337: {  	[sflag:s6] =	ssyncset.done $0x0  }
0x338: {  	[sflag:s6] =	ssyncadd.s32 $0xFFFF9C00  }
0x339: {  	[tilespmem:s8], [sflag:$0x1] =	stream.indirect.gather [hbm4b:s3+s10], $0x80, s25, s10, $0xb8;
	[tilespmem:$0x1A900] =	vst v63  }
0x33a: {  	_ =	swait.ge [sflag:s14], $0x6400  }
0x33b: {  	[sflag:s14] =	ssyncset.done $0x0  }
0x33c: {  	s31 =	rddreg [dreg:$0x18];
	[sflag:s14] =	ssyncadd.s32 $0xFFFF9C00  }
0x33d: {  	[hbm4b:s31+s2] =	stream.linear.scatter [tilespmem:s7], [sflag:$0x6], $0x6400, $0x38;
	[tilespmem:$0x1A900] =	vst v63  }
0x33e: {  	_ =	swait.ge [sflag:s9], $0x6400  }
0x33f: {  	[sflag:s9] =	ssyncset.done $0x0  }
0x340: {  	[sflag:s9] =	ssyncadd.s32 $0xFFFF9C00  }
0x341: {  	[tilespmem:s7], [sflag:$0x2] =	stream.indirect.gather [hbm4b:s3+s10], $0x80, s24, s10, $0xb8;
	[tilespmem:$0x1A900] =	vst v63  }
0x342: {  	_ =	swait.ge [sflag:s15], $0x6400  }
0x343: {  	[sflag:s15] =	ssyncset.done $0x0  }
0x344: {  	s1 =	rddreg [dreg:$0x19];
	[sflag:s15] =	ssyncadd.s32 $0xFFFF9C00  }
0x345: {  	[hbm4b:s1+s2] =	stream.linear.scatter [tilespmem:s5], [sflag:$0x7], $0x6400, $0x38;
	[tilespmem:$0x1A900] =	vst v63  }
0x346: {  	_ =	swait.ge [sflag:s11], $0x6400  }
0x347: {  	[sflag:s11] =	ssyncset.done $0x0  }
0x348: {  	[sflag:s11] =	ssyncadd.s32 $0xFFFF9C00  }
0x349: {  	[tilespmem:s5], [sflag:$0x3] =	stream.indirect.gather [hbm4b:s3+s10], $0x80, s23, s10, $0xb8;
	[tilespmem:$0x1A900] =	vst v63  }
0x34a: {  	_ =	swait.ge [sflag:s16], $0x6400  }
0x34b: {  	[sflag:s16] =	ssyncset.done $0x0  }
0x34c: {  	s18 =	rddreg [dreg:$0x1a];
	[sflag:s16] =	ssyncadd.s32 $0xFFFF9C00  }
0x34d: {  	[hbm4b:s18+s2] =	stream.linear.scatter [tilespmem:s4], [sflag:$0x8], $0x6400, $0x38;
	[tilespmem:$0x1A900] =	vst v63  }
0x34e: {  	_ =	swait.ge [sflag:s12], $0x6400  }
0x34f: {  	[sflag:s12] =	ssyncset.done $0x0  }
0x350: {  	[sflag:s12] =	ssyncadd.s32 $0xFFFF9C00  }
0x351: {  	[tilespmem:s4], [sflag:$0x4] =	stream.indirect.gather [hbm4b:s3+s10], $0x80, s22, s10, $0xb8;
	[tilespmem:$0x1A900] =	vst v63  }
0x352: {  	_ =	swait.ge [sflag:s13], $0x6400  }
0x353: {  	[sflag:s13] =	ssyncset.done $0x0  }
0x354: {  	s22 =	rddreg [dreg:$0x1b];
	[sflag:s13] =	ssyncadd.s32 $0xFFFF9C00  }
0x355: {  	[hbm4b:s22+s2] =	stream.linear.scatter [tilespmem:s8], [sflag:$0x5], $0x6400, $0x38;
	[tilespmem:$0x1A900] =	vst v63  }
0x356: {  	_ =	swait.ge [sflag:s6], $0x6400  }
0x357: {  	[sflag:s6] =	ssyncset.done $0x0  }
0x358: {  	[sflag:s6] =	ssyncadd.s32 $0xFFFF9C00  }
0x359: {  	[tilespmem:s8], [sflag:$0x1] =	stream.indirect.gather [hbm4b:s3+s10], $0x80, s21, s10, $0xb8;
	[tilespmem:$0x1A900] =	vst v63  }
0x35a: {  	_ =	swait.ge [sflag:s14], $0x6400  }
0x35b: {  	[sflag:s14] =	ssyncset.done $0x0  }
0x35c: {  	s23 =	rddreg [dreg:$0x1c];
	[sflag:s14] =	ssyncadd.s32 $0xFFFF9C00  }
0x35d: {  	[hbm4b:s23+s2] =	stream.linear.scatter [tilespmem:s7], [sflag:$0x6], $0x6400, $0x38;
	[tilespmem:$0x1A900] =	vst v63  }
0x35e: {  	_ =	swait.ge [sflag:s9], $0x6400  }
0x35f: {  	[sflag:s9] =	ssyncset.done $0x0  }
0x360: {  	[sflag:s9] =	ssyncadd.s32 $0xFFFF9C00  }
0x361: {  	[tilespmem:s7], [sflag:$0x2] =	stream.indirect.gather [hbm4b:s3+s10], $0x80, s20, s10, $0xb8;
	[tilespmem:$0x1A900] =	vst v63  }
0x362: {  	_ =	swait.ge [sflag:s15], $0x6400  }
0x363: {  	[sflag:s15] =	ssyncset.done $0x0  }
0x364: {  	s24 =	rddreg [dreg:$0x1d];
	[sflag:s15] =	ssyncadd.s32 $0xFFFF9C00  }
0x365: {  	[hbm4b:s24+s2] =	stream.linear.scatter [tilespmem:s5], [sflag:$0x7], $0x6400, $0x38;
	[tilespmem:$0x1A900] =	vst v63  }
0x366: {  	_ =	swait.ge [sflag:s11], $0x6400  }
0x367: {  	[sflag:s11] =	ssyncset.done $0x0  }
0x368: {  	[sflag:s11] =	ssyncadd.s32 $0xFFFF9C00  }
0x369: {  	[tilespmem:s5], [sflag:$0x3] =	stream.indirect.gather [hbm4b:s3+s10], $0x80, s19, s10, $0xb8;
	[tilespmem:$0x1A900] =	vst v63  }
0x36a: {  	_ =	swait.ge [sflag:s16], $0x6400  }
0x36b: {  	[sflag:s16] =	ssyncset.done $0x0  }
0x36c: {  	s25 =	rddreg [dreg:$0x1e];
	[sflag:s16] =	ssyncadd.s32 $0xFFFF9C00  }
0x36d: {  	[hbm4b:s25+s2] =	stream.linear.scatter [tilespmem:s4], [sflag:$0x8], $0x6400, $0x38;
	[tilespmem:$0x1A900] =	vst v63  }
0x36e: {  	_ =	swait.ge [sflag:s12], $0x6400  }
0x36f: {  	[sflag:s12] =	ssyncset.done $0x0  }
0x370: {  	s26 =	simm.s32 $0x1838;
	[sflag:s12] =	ssyncadd.s32 $0xFFFF9C00  }
0x371: {  	[tilespmem:s4], [sflag:$0x4] =	stream.indirect.gather [hbm4b:s3+s10], $0x80, s26, s10, $0xb8;
	[tilespmem:$0x1A900] =	vst v63  }
0x372: {  	_ =	swait.ge [sflag:s13], $0x6400  }
0x373: {  	[sflag:s13] =	ssyncset.done $0x0  }
0x374: {  	s28 =	rddreg [dreg:$0x1f];
	[sflag:s13] =	ssyncadd.s32 $0xFFFF9C00  }
0x375: {  	[hbm4b:s28+s2] =	stream.linear.scatter [tilespmem:s8], [sflag:$0x5], $0x6400, $0x38;
	[tilespmem:$0x1A900] =	vst v63  }
0x376: {  	_ =	swait.ge [sflag:s14], $0x6400  }
0x377: {  	s29 =	sld [smem:$0x7E9]  }
0x378: {  	[sflag:s14] =	ssyncset.done $0x0  }
0x379: {  	[sflag:s14] =	ssyncadd.s32 $0xFFFF9C00  }
0x37a: {  	[hbm4b:s29+s2] =	stream.linear.scatter [tilespmem:s7], [sflag:$0x6], $0x6400, $0x38;
	[tilespmem:$0x1A900] =	vst v63  }
0x37b: {  	_ =	swait.ge [sflag:s15], $0x6400  }
0x37c: {  	s30 =	sld [smem:$0x7EA]  }
0x37d: {  	[sflag:s15] =	ssyncset.done $0x0  }
0x37e: {  	[sflag:s15] =	ssyncadd.s32 $0xFFFF9C00  }
0x37f: {  	[hbm4b:s30+s2] =	stream.linear.scatter [tilespmem:s5], [sflag:$0x7], $0x6400, $0x38;
	[tilespmem:$0x1A900] =	vst v63  }
0x380: {  	_ =	swait.ge [sflag:s16], $0x6400  }
0x381: {  	s31 =	sld [smem:$0x7EB]  }
0x382: {  	[sflag:s16] =	ssyncset.done $0x0  }
0x383: {  	[sflag:s16] =	ssyncadd.s32 $0xFFFF9C00  }
0x384: {  	[hbm4b:s31+s2] =	stream.linear.scatter [tilespmem:s4], [sflag:$0x8], $0x6400, $0x38;
	[tilespmem:$0x1A900] =	vst v63  }
0x385: {  	_ =	swait.ge [sflag:s6], $0x6400  }
0x386: {  	[sflag:s6] =	ssyncset.done $0x0  }
0x387: {  	[sflag:s6] =	ssyncadd.s32 $0xFFFF9C00  }
0x388: {  	_ =	swait.ge [sflag:s9], $0x6400  }
0x389: {  	[sflag:s9] =	ssyncset.done $0x0  }
0x38a: {  	[sflag:s9] =	ssyncadd.s32 $0xFFFF9C00  }
0x38b: {  	_ =	swait.ge [sflag:s11], $0x6400  }
0x38c: {  	[sflag:s11] =	ssyncset.done $0x0  }
0x38d: {  	[sflag:s11] =	ssyncadd.s32 $0xFFFF9C00  }
0x38e: {  	_ =	swait.ge [sflag:s12], $0x6400  }
0x38f: {  	[sflag:s12] =	ssyncset.done $0x0  }
0x390: {  	[sflag:s12] =	ssyncadd.s32 $0xFFFF9C00  }
0x391: {  	_ =	sfence.sel $0x180000  }
0x392: {  	[bflag:$0x0] =	sbarrier.arrive $0xFFFF  }
0x393: {  	_ =	strace $0x90000047  }
0x394: {  	[bflag:$0x2] =	sbarrier.arrive $0xFFFF  }
0x395: {  	p0 =	sne.s32 s17, $0x0;
	s0 =	rddreg [dreg:$0x2]  }
0x396: {  	s0 =	sadd.s32 @!p0 $0x100000, s0  }
0x397: {  	[sflag:s0] =	ssyncadd.tile.s32 @!p0 $0x1;
	_ =	shalt  }
.LBB2_1:
.Ltmp3:
0x398: {  	(pc) =	sbr.rel .LBB2_6-.Ltmp3, $4  }
0x399: {  	s18 =	simm.s32 $0xFA0;
	s29 =	simm.s32 $0x1068  }
0x39a: {  	s28 =	simm.s32 $0x1130;
	s26 =	simm.s32 $0x11F8;
	s25 =	simm.s32 $0x12C0  }
0x39b: {  	s24 =	simm.s32 $0x1388;
	s23 =	simm.s32 $0x1450;
	s22 =	simm.s32 $0x1518  }
0x39c: {  	s21 =	simm.s32 $0x15E0;
	s20 =	simm.s32 $0x16A8;
	s19 =	simm.s32 $0x1770  }
.LBB2_3:
.Ltmp4:
0x39d: {  	(pc) =	sbr.rel .LBB2_6-.Ltmp4, $4  }
0x39e: {  	s18 =	simm.s32 $0xFA0;
	s29 =	simm.s32 $0x1068;
	s28 =	simm.s32 $0x1130  }
0x39f: {  	s26 =	simm.s32 $0x11F8;
	s25 =	simm.s32 $0x12C0;
	s24 =	simm.s32 $0x1388  }
0x3a0: {  	s23 =	simm.s32 $0x1450;
	s22 =	simm.s32 $0x1518;
	s21 =	simm.s32 $0x15E0  }
0x3a1: {  	s20 =	simm.s32 $0x16A8;
	s19 =	simm.s32 $0x1770;
	s17 =	stileid.u32  }
.Lfunc_end2:
_tile_overlayer_lowered:
.L_overlay_start_2:
0x3a2: {  	(tag) =	ssettag $0x2  }
0x3a3: {  	s0 =	rddreg [dreg:$0x0];
	s2 =	stileid.u32  }
0x3a4: {  	s1 =	rddreg [dreg:$0x1];
	p0 =	sne.s32 s2, $0x0  }
0x3a5: {  	s3 =	rddreg [dreg:$0x2];
	[bflag:$0x3] =	sbarrier.arrive $0xFFFF;
	s2 =	simm.s32 @!p0 $0x1C09  }
0x3a6: {  	[timem:s3], [sflag:s2] =	dma.local @!p0 [hbm:s0], s1  }
0x3a7: {  	s0 =	simm.s32 @!p0 $0x9  }
0x3a8: {  	_ =	swait.ge @!p0 [sflag:s0], s1  }
0x3a9: {  	s1 =	ssub.s32 @!p0 $0x0, s1;
	[sflag:s0] =	ssyncset.done @!p0 $0x0  }
0x3aa: {  	[sflag:s0] =	ssyncadd.s32 @!p0 s1  }
0x3ab: {  	[bflag:$0x3] =	sbarrier.arrive $0xFFFF  }
0x3ac: {  	_ =	shalt  }

// kernel: sparse-core-data-format-call.cloned.1.call-start
scs
called_computation_lowered:
.L_overlay_start_0:
0x0: {  	s2 =	sld [smem:$0x3FD9]  }
0x1: {  	s3 =	sld [smem:$0x3FFE];
	_ =	sdelay $0x1  }
0x2: {  	s1 =	srdreg.scid  }
0x3: {  	s0 =	sand.u32 $0x1, s1  }
0x4: {  	s18 =	sshll.u32 s0, $0xA;
	s2 =	sadd.s32 s3, s2  }
0x5: {  	s2 =	sadd.s32 s2, s18  }
0x6: {  	[smem:$0x3FC6] =	sst s2  }
0x7: {  	_ = 	snop  }
0x8: {  	s2 =	sld [smem:$0x3FD0];
	(tm) =	ssettm $0x1  }
0x9: {  	s19 =	sld [smem:$0x3FFB];
	_ =	sdelay $0x3  }
0xa: {  	_ =	strace s19  }
0xb: {  	s3 =	sld [smem:$0x3FFC];
	_ =	sdelay $0x3  }
0xc: {  	_ =	strace s3  }
0xd: {  	s3 =	sld [smem:$0x3FFD];
	_ =	sdelay $0x3  }
0xe: {  	_ =	strace s3  }
0xf: {  	_ =	strace $0x8FFFFFFF  }
0x10: {  	s20 =	sld [smem:$0x3FDB];
	_ =	sdelay $0x1  }
0x11: {  	s4 =	simm.s32 $_scs_section_size  }
0x12: {  	s5 =	simm.s32 $_size__tile_overlayer_lowered;
	s6 =	simm.s32 $_tile_overlayer_lowered  }
0x13: {  	s23 =	simm.s32 $0x1BFF;
	s22 =	sshll.u32 s6, $0x1;
	s3 =	sadd.s32 s4, s20  }
0x14: {  	s7 =	simm.s32 $0x0;
	s21 =	sshll.u32 s5, $0x1;
	s5 =	sadd.s32 s22, s3  }
0x15: {  	[timem:s7], [sflag:s23] =	dma.local [hbm:s5], s21  }
0x16: {  	_ =	swait.ge [sflag:s23], s21  }
0x17: {  	s4 =	ssub.s32 $0x0, s21;
	[sflag:s23] =	ssyncset.done $0x0  }
0x18: {  	[sflag:s23] =	ssyncadd.s32 s4;
	_ =	sdelay $0x1  }
0x19: {  	s24 =	simm.s32 $0x1B8B  }
0x1a: {  	_ =	swait.ge [sflag:s24], $0x1  }
0x1b: {  	[sflag:s24] =	ssyncset.done $0x0  }
0x1c: {  	s26 =	simm.s32 $0x1B8E;
	s25 =	sld [smem:$0x3FFE];
	[sflag:s24] =	ssyncadd.s32 $0xFFFFFFFF  }
0x1d: {  	s27 =	simm.s32 $execute0_lowered;
	[smem:$0x3FD2] =	sst s26  }
0x1e: {  	s5 =	sshll.u32 s27, $0x1;
	_ =	strace $0x80000049;
	[dreg:$0x1] =	wrdreg $0xFFFFFFFF  }
0x1f: {  	s28 =	simm.s32 $_size_execute0_lowered;
	s3 =	sadd.s32 s3, s5;
	[dreg:$0x0] =	wrdreg $0x0  }
0x20: {  	s5 =	sshll.u32 s28, $0x1;
	[dreg:$0x2] =	wrdreg s3  }
0x21: {  	[dreg:$0x3] =	wrdreg s5  }
0x22: {  	[dreg:$0x4] =	wrdreg $0xC0  }
0x23: {  	_ =	task [dreg:s7], $0x5FFFF  }
0x24: {  	[dreg:$0x1] =	wrdreg $0xFFFFFFFF  }
0x25: {  	[dreg:$0x0] =	wrdreg $0x60  }
0x26: {  	[dreg:$0x2] =	wrdreg s25  }
0x27: {  	[dreg:$0x3] =	wrdreg s2  }
0x28: {  	[dreg:$0x4] =	wrdreg $0x9  }
0x29: {  	_ =	task.clear_ibuf [dreg:s7], $0x5FFFF;
	_ =	strace $0x90000049  }
0x2a: {  	s29 =	simm.s32 $0x9;
	_ =	strace $0x8000004B  }
0x2b: {  	_ =	swait.ge [sflag:s29], $0x1  }
0x2c: {  	[sflag:s29] =	ssyncadd.s32 $0xFFFFFFFF  }
0x2d: {  	_ =	strace $0x9000004B  }
0x2e: {  	_ =	sfence  }
0x2f: {  	s30 =	sld [smem:$0x0];
	_ =	sdelay $0x2  }
0x30: {  	s31 =	sshll.u32 s1, $0xD;
	s1 =	sshrl.u32 s1, $0x2  }
0x31: {  	s3 =	sand.u32 $0x4000, s31;
	s1 =	sadd.s32 s1, s30  }
0x32: {  	s0 =	sor.u32 s3, s0;
	s1 =	sshll.u32 s1, $0x11  }
0x33: {  	s0 =	sor.u32 s1, s0  }
0x34: {  	s0 =	sadd.s32 $0x8F2B, s0  }
0x35: {  	[sflag:s0] =	ssyncadd.remote.s32 $0x1  }
0x36: {  	_ =	sfence.sel $0xFFFF  }
0x37: {  	[dreg:$0x0] =	wrdreg $0xFFFFFFFF;
	(pc) =	sbr.abs _section_cstart, $3  }
0x38: {  	[dreg:$0x1] =	wrdreg $0xFFFFFFFF  }
0x39: {  	_ =	task.clear_ibuf [dreg:s7], $0x2FFFF;
	_ =	strace $0x9FFFFFFF  }
0x3a: {  	(tm) =	ssettm $0x7FFFFFFF  }
0x3b: {  	_ =	shalt  }
tec
execute0_lowered:
.L_overlay_start_1:
0x0: {  	(tag) =	ssettag $0x1  }
0x1: {  	s0 =	srdreg.scid  }
0x2: {  	s1 =	sshll.u32 s0, $0x4  }
0x3: {  	s5 =	rddreg [dreg:$0x0];
	s0 =	stileid.u32;
	s1 =	sand.u32 $0x10, s1  }
0x4: {  	s3 =	rddreg [dreg:$0x1];
	s31 =	simm.s32 $0x2;
	s4 =	sor.u32 s0, s1  }
0x5: {  	s13 =	simm.s32 $0x0;
	s9 =	simm.s32 $0x400;
	s2 =	sshll.u32 s4, $0x7  }
0x6: {  	s10 =	simm.s32 $0x8000;
	s14 =	simm.s32 $0x0;
	s6 =	ssub.s32 $0x1000, s2  }
0x7: {  	s1 =	rddreg [dreg:$0x2];
	_ =	strace $0x8000004A;
	s7 =	sand.u32 $0xF80, s6  }
0x8: {  	s4 =	sshll.u32 s4, $0xB;
	p0 =	sne.s32 s7, $0x0;
	s7 =	simm.s32 $0x1  }
.Ltmp0:
0x9: {  	s6 =	sshrl.u32 s6, $0xC;
	s7 =	simm.s32 @!p0 $0x0;
	(pc) =	sbr.rel .LBB1_1-.Ltmp0, $4  }
0xa: {  	s8 =	sadd.s32 s4, s5;
	s4 =	simm.s32 $0x1;
	s30 =	sadd.s32 s7, s6  }
0xb: {  	s11 =	simm.s32 $0x0;
	[sflag:s4] =	ssyncpa.u1 $0x0;
	s5 =	smul.u32 $0x19, s30  }
0xc: {  	s12 =	simm.s32 $0x0;
	[sflag:s31] =	ssyncpa.u1 $0x0;
	p0 =	por $0x0, $0x0  }
0xd: {  	s6 =	sadd.s32 $0xF42C00, s8;
	s7 =	sadd.s32 $0xF52C00, s8;
	s8 =	sadd.s32 $0x1, s5  }
.LBB1_7:
0xe: {  	s15 =	sadd.s32 $0x2, s11  }
0xf: {  	p2 =	sgt.s32 s15, $0x31  }
0x10: {  	s15 =	simm.s32 @p2 $0x0;
	p2 =	sne.s32 s12, s8  }
.Ltmp1:
0x11: {  	p1 =	slt.u32 s12, $0x2;
	(pc) =	sbr.rel @!p2 .LBB1_8-.Ltmp1, $4  }
0x12: {  	s13 =	simm.s32 @!p1 $0x2  }
0x13: {  	s16 =	sadd.s32 $0x1, s12;
	s14 =	smov.u32 s11;
	_ =	swait.ge @!p1 [sflag:s13], $0x4000  }
0x14: {  	p0 =	por !p0, !p0;
	s12 =	smov.u32 s16;
	[sflag:s13] =	ssyncset.done @!p1 $0x0  }
0x15: {  	s11 =	smov.u32 s15;
	[sflag:s13] =	ssyncadd.s32 @!p1 $0xFFFFC000;
	s13 =	smov.u32 s2  }
.LBB1_1:
0x16: {  	p1 =	sge.u32 s12, s5  }
0x17: {  	s15 =	sxor.u32 @!p1 $0xFFFFFFFF, s12  }
0x18: {  	s16 =	sshll.u32 @!p1 s11, $0x10;
	s18 =	simm.s32 @!p1 $0x40;
	s15 =	sshll.u32 @!p1 s15, $0xE  }
0x19: {  	s19 =	simm.s32 @!p1 $0x80;
	s17 =	sadd.s32 @!p1 s16, s6;
	s15 =	sand.u32 @!p1 $0x4000, s15  }
0x1a: {  	[tilespmem:s15], [sflag:$0x1] =	stream.strided.gather @!p1 [hbm4b:s17+s18], $0x2000, s19, s18, $0x38;
	[tilespmem:$0x10100] =	vst v63  }
0x1b: {  	s31 =	sadd.s32 $0xFFFFFFFF, s12;
	s16 =	sadd.s32 @!p1 s16, s7;
	s15 =	sor.u32 @!p1 $0x2000, s15  }
0x1c: {  	[tilespmem:s15], [sflag:$0x1] =	stream.strided.gather @!p1 [hbm4b:s16+s18], $0x2000, s19, s18, $0x38;
	[tilespmem:$0x10100] =	vst v63  }
0x1d: {  	p1 =	sge.u32 s31, s5  }
.Ltmp2:
0x1e: {  	_ = 	snop;
	(pc) =	sbr.rel @p1 .LBB1_7-.Ltmp2, $1  }
0x1f: {  	_ =	sdelay $0x3  }
0x20: {  	s15 =	simm.s32 $0x1;
	s17 =	sand.u32 $0x1, s12  }
0x21: {  	_ =	swait.ge [sflag:s4], $0x4000;
	s15 =	simm.s32 @!p0 $0x0;
	s17 =	smul.u32 $0x10200, s17  }
0x22: {  	p2 =	por $0x1, $0x1;
	[sflag:s4] =	ssyncset.done $0x0;
	s16 =	smul.u32 $0x10200, s15  }
0x23: {  	s18 =	sshll.u32 s15, $0x10;
	[sflag:s4] =	ssyncadd.s32 $0xFFFFC000;
	s30 =	sshrl.u32 s17, $0x2  }
0x24: {  	s31 =	sshrl.u32 s18, $0x2;
	s18 =	simm.s32 $0x0;
	s16 =	sshrl.u32 s16, $0x2  }
0x25: {  	s15 =	sor.u32 $0x8000, s30;
	s17 =	sadd.s32 $0x20, s31;
	s16 =	sor.u32 $0x8000, s16  }
.LBB1_3:
0x26: {  	s19 =	sshll.u32 s18, $0xD  }
0x27: {  	s19 =	sand.u32 $0x3FFFE000, s19  }
0x28: {  	s21 =	sadd.s32 s19, s17  }
0x29: {  	s31 =	smul.u32 $0x8100, s18;
	v3 =	vld [tilespmem:s21+$0x10]  }
0x2a: {  	v1 =	vld [tilespmem:s21+$0xFFFFFFF0]  }
0x2b: {  	s18 =	sshra.s32 s31, $0x2;
	v0 =	vld [tilespmem:s21+$0x0]  }
0x2c: {  	s18 =	sadd.s32 s18, s16;
	v2 =	vld [tilespmem:s21+$0xFFFFFFE0]  }
0x2d: {  	s19 =	sadd.s32 $0x0, s18  }
0x2e: {  	p1 =	por p2, p2;
	s20 =	simm.s32 $0x4;
	s21 =	sadd.s32 $0x40, s21;
	[tilespmem:s19+$0x1830 ss:$0x81] =	vst.msk $0xffff, v3  }
.LBB1_4:
0x2f: {  	v3 =	vld [tilespmem:s21+$0x10];
	p2 =	sne.s32 s20, $0x1FC;
	[tilespmem:s19+$0x810 ss:$0x81] =	vst.msk $0xffff, v1;
	s22 =	smov.u32 s20;
	s20 =	sadd.s32 $0x4, s20  }
.Ltmp3:
0x30: {  	v1 =	vld [tilespmem:s21+$0xFFFFFFF0];
	[tilespmem:s19+$0x1020 ss:$0x81] =	vst.msk $0xffff, v0;
	(pc) =	sbr.rel @p2 .LBB1_4-.Ltmp3, $4  }
0x31: {  	v0 =	vld [tilespmem:s21+$0x0];
	[tilespmem:s19+$0x0 ss:$0x81] =	vst.msk $0xffff, v2  }
0x32: {  	s19 =	sshra.s32 s22, $0x2;
	v2 =	vld [tilespmem:s21+$0xFFFFFFE0]  }
0x33: {  	s19 =	sadd.s32 s19, s18  }
0x34: {  	s21 =	sadd.s32 $0x40, s21;
	[tilespmem:s19+$0x1830 ss:$0x81] =	vst.msk $0xffff, v3  }
.Ltmp4:
0x35: {  	(pc) =	sbr.rel @p1 .LBB1_3-.Ltmp4, $4  }
0x36: {  	_ = 	snop  }
0x37: {  	[tilespmem:s19+$0x810 ss:$0x81] =	vst.msk $0xffff, v1  }
0x38: {  	[tilespmem:s19+$0x1020 ss:$0x81] =	vst.msk $0xffff, v0  }
0x39: {  	s18 =	simm.s32 $0x1;
	p2 =	por $0x0, $0x0;
	[tilespmem:s19+$0x0 ss:$0x81] =	vst.msk $0xffff, v2  }
.Ltmp5:
0x3a: {  	(pc) =	sbr.rel .LBB1_7-.Ltmp5, $4  }
0x3b: {  	s14 =	sshll.u32 s14, $0xF  }
0x3c: {  	s14 =	sadd.s32 s3, s14  }
0x3d: {  	s13 =	sadd.s32 s13, s14  }
0x3e: {  	[hbm4b:s13+s9] =	stream.strided.scatter [tilespmem:s15], [sflag:$0x2], $0x4000, s10, s9, $0x20;
	[tilespmem:$0x10100] =	vst v63  }
.LBB1_8:
0x3f: {  	_ =	sfence.sel $0x180000  }
0x40: {  	s2 =	simm.s32 $0x1;
	[bflag:$0x0] =	sbarrier.arrive $0xFFFF  }
0x41: {  	s31 =	simm.s32 $0x2;
	[sflag:s2] =	ssyncpa.u1 $0x1  }
0x42: {  	[sflag:s31] =	ssyncpa.u1 $0x1  }
0x43: {  	p0 =	sne.s32 s0, $0x0;
	_ =	strace $0x9000004A  }
0x44: {  	s0 =	sadd.s32 @!p0 $0x100000, s1;
	[bflag:$0x2] =	sbarrier.arrive $0xFFFF  }
0x45: {  	[sflag:s0] =	ssyncadd.tile.s32 @!p0 $0x1;
	_ =	shalt  }
.Lfunc_end1:
_tile_overlayer_lowered:
.L_overlay_start_2:
0x46: {  	(tag) =	ssettag $0x2  }
0x47: {  	s0 =	rddreg [dreg:$0x0];
	s2 =	stileid.u32  }
0x48: {  	s1 =	rddreg [dreg:$0x1];
	p0 =	sne.s32 s2, $0x0  }
0x49: {  	s3 =	rddreg [dreg:$0x2];
	[bflag:$0x3] =	sbarrier.arrive $0xFFFF;
	s2 =	simm.s32 @!p0 $0x1C01  }
0x4a: {  	[timem:s3], [sflag:s2] =	dma.local @!p0 [hbm:s0], s1  }
0x4b: {  	s0 =	simm.s32 @!p0 $0x1  }
0x4c: {  	_ =	swait.ge @!p0 [sflag:s0], s1  }
0x4d: {  	s1 =	ssub.s32 @!p0 $0x0, s1;
	[sflag:s0] =	ssyncset.done @!p0 $0x0  }
0x4e: {  	[sflag:s0] =	ssyncadd.s32 @!p0 s1  }
0x4f: {  	[bflag:$0x3] =	sbarrier.arrive $0xFFFF  }
0x50: {  	_ =	shalt  }

</sc_bundles>
